<compile_context>
chip_gen: v7x
topology: tpu7x:2x2x1
jax: 0.10.2.dev20260603
libtpu: 0.0.44.dev20260713+nightly
codegen_flags: <defaults>
</compile_context>

<pallas_src>
import functools

import jax
import jax.numpy as jnp
from jax import lax
from jax.experimental import pallas as pl
from jax.experimental.pallas import tpu as pltpu
from jax.experimental.pallas import tpu_sc as plsc

PAD = 1
B, S, D = 4, 8192, 1024
N = B * S
NC, NS = 2, 16
NW = NC * NS
CHUNK = N // NW
CPR = S // CHUNK
GROWS = 32
NG = CHUNK // GROWS
LANES = 16
TABLE_ROWS = 8194


def _mask(v):
    return jnp.minimum(jnp.abs(v - PAD), 1)


def _sc_body(inp_hbm, table_hbm, out_hbm, row_v, idx_v,
             buf0, buf1, buf2, gsem0, gsem1, gsem2, osem0, osem1, osem2):
    cid = lax.axis_index("c")
    sid = lax.axis_index("s")
    wid = cid * NS + sid
    row = wid // CPR
    off = (wid % CPR) * CHUNK
    base = wid * CHUNK

    pltpu.sync_copy(inp_hbm.at[pl.ds(row * S, S)], row_v)

    def count_body(k, acc):
        a = acc
        for j in range(4):
            a = a + _mask(row_v[pl.ds(k * (4 * LANES) + j * LANES, LANES)])
        return a

    accv = lax.fori_loop(0, off // (4 * LANES), count_body,
                         jnp.zeros((LANES,), jnp.int32))
    prefix = jnp.sum(accv)

    def pos_body(r, carry):
        c = carry
        for k in range(GROWS // LANES):
            v = row_v[pl.ds(off + r * GROWS + k * LANES, LANES)]
            m = _mask(v)
            cs = plsc.cumsum(m)
            pos = (cs + c) * m + PAD
            pos = jnp.minimum(jnp.maximum(pos, 0), TABLE_ROWS - 1)
            idx_v[r, pl.ds(k * LANES, LANES)] = pos
            c = c + jnp.sum(m)
        return c

    lax.fori_loop(0, NG, pos_body, prefix)

    bufs = (buf0, buf1, buf2)
    gsems = (gsem0, gsem1, gsem2)
    osems = (osem0, osem1, osem2)
    gh = [None, None, None]
    oh = [None, None, None]
    gh[0] = pltpu.async_copy(table_hbm.at[idx_v.at[0]], bufs[0], gsems[0])
    gh[1] = pltpu.async_copy(table_hbm.at[idx_v.at[1]], bufs[1], gsems[1])
    for t in range(NG):
        b = t % 3
        gh[b].wait()
        if t + 2 < NG:
            nb = (t + 2) % 3
            if oh[nb] is not None:
                oh[nb].wait()
            gh[nb] = pltpu.async_copy(
                table_hbm.at[idx_v.at[t + 2]], bufs[nb], gsems[nb])
        oh[b] = pltpu.async_copy(
            bufs[b], out_hbm.at[pl.ds(base + t * GROWS, GROWS)], osems[b])
    oh[(NG - 3) % 3].wait()
    oh[(NG - 2) % 3].wait()
    oh[(NG - 1) % 3].wait()


_sc_call = functools.partial(
    pl.kernel,
    out_type=jax.ShapeDtypeStruct((N, D), jnp.float32),
    mesh=plsc.VectorSubcoreMesh(core_axis_name="c", subcore_axis_name="s"),
    scratch_types=[
        pltpu.VMEM((S,), jnp.int32),
        pltpu.VMEM((NG, GROWS), jnp.int32),
        pltpu.VMEM((GROWS, D), jnp.float32),
        pltpu.VMEM((GROWS, D), jnp.float32),
        pltpu.VMEM((GROWS, D), jnp.float32),
        pltpu.SemaphoreType.DMA,
        pltpu.SemaphoreType.DMA,
        pltpu.SemaphoreType.DMA,
        pltpu.SemaphoreType.DMA,
        pltpu.SemaphoreType.DMA,
        pltpu.SemaphoreType.DMA,
    ],
    compiler_params=pltpu.CompilerParams(needs_layout_passes=False),
)(_sc_body)


def kernel(input, table):
    inp = input.reshape(N).astype(jnp.int32)
    out = _sc_call(inp, table)
    return out.reshape(B, S, D)

# --- scband reference (transcript-rebuilt; emitter-appended) ---
"""Pipeline reference for scband-text-learned-positional-embedding-46248207843642 (READ-ONLY COPY).

The authoritative reference and input builder live on the scoring server;
editing this copy changes nothing except your own understanding.
"""

import jax, jax.numpy as jnp
import numpy as np

PADDING_IDX = 1
CFG_NUM_EMBEDDINGS = 8196
EMBEDDING_DIM = 1024
TABLE_ROWS = CFG_NUM_EMBEDDINGS - PADDING_IDX - 1  # 8194, matches _get_num_embeddings


def setup_inputs(seed: int = 0) -> dict:
    key = jax.random.key(seed)
    k_inp, k_tab = jax.random.split(key)
    inp = jax.random.randint(k_inp, (4, 8192), 0, 50000, dtype=jnp.int64)
    table = jax.random.normal(k_tab, (TABLE_ROWS, EMBEDDING_DIM), dtype=jnp.float32) * (EMBEDDING_DIM ** -0.5)
    table = table.at[PADDING_IDX].set(0.0)  # padding row zeroed, as in __init__
    return {"input": inp, "table": table}


def reference(input, table):
    # __make_positions: cumsum of non-padding mask, zeroed at padding, offset by padding_idx
    non_padding_mask = (input != PADDING_IDX).astype(jnp.int32)
    cumulative_positions = jnp.cumsum(non_padding_mask, axis=1).astype(jnp.int32)
    cumulative_positions = cumulative_positions * non_padding_mask
    positions = cumulative_positions.astype(jnp.int32) + PADDING_IDX
    # embedding lookup
    return jnp.take(table, positions, axis=0)

if __name__ == "__main__":
    import jax
    _d = setup_inputs()
    print(jax.jit(kernel)(*tuple(_d.values())))

</pallas_src>

<mosaic_0001>
#map = affine_map<(d0, d1) -> (0)>
#map1 = affine_map<(d0, d1) -> (0, 0)>
module attributes {stable_mosaic.version = 14 : i64} {
  func.func @_sc_body(%arg0: i32, %arg1: i32, %arg2: memref<32768xi32, #tpu.memory_space<hbm>>, %arg3: memref<8194x1024xf32, #tpu.memory_space<hbm>>, %arg4: memref<32768x1024xf32, #tpu.memory_space<hbm>>, %arg5: memref<8192xi32, #tpu.memory_space<vmem>>, %arg6: memref<32x32xi32, #tpu.memory_space<vmem>>, %arg7: memref<32x1024xf32, #tpu.memory_space<vmem>>, %arg8: memref<32x1024xf32, #tpu.memory_space<vmem>>, %arg9: memref<32x1024xf32, #tpu.memory_space<vmem>>, %arg10: memref<!tpu.dma_semaphore, #tpu.memory_space<semaphore_mem>>, %arg11: memref<!tpu.dma_semaphore, #tpu.memory_space<semaphore_mem>>, %arg12: memref<!tpu.dma_semaphore, #tpu.memory_space<semaphore_mem>>, %arg13: memref<!tpu.dma_semaphore, #tpu.memory_space<semaphore_mem>>, %arg14: memref<!tpu.dma_semaphore, #tpu.memory_space<semaphore_mem>>, %arg15: memref<!tpu.dma_semaphore, #tpu.memory_space<semaphore_mem>>) attributes {dimension_semantics = [#tpu.dimension_semantics<core_parallel>, #tpu.dimension_semantics<subcore_parallel>], iteration_bounds = array<i64: 2, 16>, scalar_prefetch = 0 : i64, scratch_operands = 11 : i64, tpu.core_type = #tpu.core_type<sc_vector_subcore>, window_params = [{transform_indices = #map}, {transform_indices = #map1}, {transform_indices = #map1}]} {
    %mul3A = arith.constant 16 : i32
    %mul3A_0 = arith.muli %arg0, %mul3A : i32
    %add3A = arith.addi %mul3A_0, %arg1 : i32
    %jit3A = arith.constant 8 : i32
    %div3A = arith.divsi %add3A, %jit3A : i32
    %sign3A = arith.constant 0 : i32
    %sign3A_1 = arith.cmpi sgt, %add3A, %sign3A : i32
    %sign3A_2 = arith.extui %sign3A_1 : i1 to i32
    %sign3A_3 = arith.constant 0 : i32
    %sign3A_4 = arith.cmpi slt, %add3A, %sign3A_3 : i32
    %sign3A_5 = arith.extui %sign3A_4 : i1 to i32
    %sign3A_6 = arith.subi %sign3A_2, %sign3A_5 : i32
    %sign3A_7 = arith.constant 0 : i32
    %sign3A_8 = arith.cmpi sgt, %jit3A, %sign3A_7 : i32
    %sign3A_9 = arith.extui %sign3A_8 : i1 to i32
    %sign3A_10 = arith.constant 0 : i32
    %sign3A_11 = arith.cmpi slt, %jit3A, %sign3A_10 : i32
    %sign3A_12 = arith.extui %sign3A_11 : i1 to i32
    %sign3A_13 = arith.subi %sign3A_9, %sign3A_12 : i32
    %ne3A = arith.cmpi ne, %sign3A_6, %sign3A_13 : i32
    %rem3A = arith.remsi %add3A, %jit3A : i32
    %ne3A_14 = arith.constant 0 : i32
    %ne3A_15 = arith.cmpi ne, %rem3A, %ne3A_14 : i32
    %and3A = arith.andi %ne3A, %ne3A_15 : i1
    %sub3A = arith.constant 1 : i32
    %sub3A_16 = arith.subi %div3A, %sub3A : i32
    %select_n3A = arith.select %and3A, %sub3A_16, %div3A : i32
    %jit3A_17 = arith.constant 8 : i32
    %eq3A = arith.constant 0 : i32
    %eq3A_18 = arith.cmpi eq, %jit3A_17, %eq3A : i32
    %jit3A_19 = arith.constant 1 : i32
    %select_n3A_20 = arith.select %eq3A_18, %jit3A_19, %jit3A_17 : i32
    %rem3A_21 = arith.remsi %add3A, %select_n3A_20 : i32
    %ne3A_22 = arith.constant 0 : i32
    %ne3A_23 = arith.cmpi ne, %rem3A_21, %ne3A_22 : i32
    %lt3A = arith.constant 0 : i32
    %lt3A_24 = arith.cmpi slt, %rem3A_21, %lt3A : i32
    %lt3A_25 = arith.constant 0 : i32
    %lt3A_26 = arith.cmpi slt, %select_n3A_20, %lt3A_25 : i32
    %ne3A_27 = arith.xori %lt3A_24, %lt3A_26 : i1
    %and3A_28 = arith.andi %ne3A_27, %ne3A_23 : i1
    %add3A_29 = arith.addi %rem3A_21, %select_n3A_20 : i32
    %select_n3A_30 = arith.select %and3A_28, %add3A_29, %rem3A_21 : i32
    %mul3A_31 = arith.constant 1024 : i32
    %mul3A_32 = arith.muli %select_n3A_30, %mul3A_31 : i32
    %mul3A_33 = arith.constant 1024 : i32
    %mul3A_34 = arith.muli %add3A, %mul3A_33 : i32
    %mul3A_35 = arith.constant 8192 : i32
    %mul3A_36 = arith.muli %select_n3A, %mul3A_35 : i32
    "tpu.region"() ({
      %run_scoped3A = tpu.sem_alloc : memref<!tpu.dma_semaphore, #tpu.memory_space<semaphore_mem>>
      %dma_start3A_846 = tpu.memref_slice %arg2[%mul3A_36] : memref<32768xi32, #tpu.memory_space<hbm>> -> memref<8192xi32, #tpu.memory_space<hbm>>
      %dma_start3A_847 = tpu.memref_slice %arg2[%mul3A_36] : memref<32768xi32, #tpu.memory_space<hbm>> -> memref<8192xi32, #tpu.memory_space<hbm>>
      tpu.enqueue_dma source(%dma_start3A_847 : memref<8192xi32, #tpu.memory_space<hbm>>) target(%arg5 : memref<8192xi32, #tpu.memory_space<vmem>>) target_semaphore(%run_scoped3A : memref<!tpu.dma_semaphore, #tpu.memory_space<semaphore_mem>>)
      %dma_wait3A_848 = tpu.memref_slice %arg2[%mul3A_36] : memref<32768xi32, #tpu.memory_space<hbm>> -> memref<8192xi32, #tpu.memory_space<hbm>>
      %dma_wait3A_849 = tpu.memref_slice %arg2[%mul3A_36] : memref<32768xi32, #tpu.memory_space<hbm>> -> memref<8192xi32, #tpu.memory_space<hbm>>
      tpu.wait_dma2 semaphore(%run_scoped3A : memref<!tpu.dma_semaphore, #tpu.memory_space<semaphore_mem>>) src(%dma_wait3A_849 : memref<8192xi32, #tpu.memory_space<hbm>>) dst(%arg5 : memref<8192xi32, #tpu.memory_space<vmem>>)
      tpu.yield
    }) : () -> ()
    %jit3A_37 = arith.constant 64 : i32
    %div3A_38 = arith.divsi %mul3A_32, %jit3A_37 : i32
    %sign3A_39 = arith.constant 0 : i32
    %sign3A_40 = arith.cmpi sgt, %mul3A_32, %sign3A_39 : i32
    %sign3A_41 = arith.extui %sign3A_40 : i1 to i32
    %sign3A_42 = arith.constant 0 : i32
    %sign3A_43 = arith.cmpi slt, %mul3A_32, %sign3A_42 : i32
    %sign3A_44 = arith.extui %sign3A_43 : i1 to i32
    %sign3A_45 = arith.subi %sign3A_41, %sign3A_44 : i32
    %sign3A_46 = arith.constant 0 : i32
    %sign3A_47 = arith.cmpi sgt, %jit3A_37, %sign3A_46 : i32
    %sign3A_48 = arith.extui %sign3A_47 : i1 to i32
    %sign3A_49 = arith.constant 0 : i32
    %sign3A_50 = arith.cmpi slt, %jit3A_37, %sign3A_49 : i32
    %sign3A_51 = arith.extui %sign3A_50 : i1 to i32
    %sign3A_52 = arith.subi %sign3A_48, %sign3A_51 : i32
    %ne3A_53 = arith.cmpi ne, %sign3A_45, %sign3A_52 : i32
    %rem3A_54 = arith.remsi %mul3A_32, %jit3A_37 : i32
    %ne3A_55 = arith.constant 0 : i32
    %ne3A_56 = arith.cmpi ne, %rem3A_54, %ne3A_55 : i32
    %and3A_57 = arith.andi %ne3A_53, %ne3A_56 : i1
    %sub3A_58 = arith.constant 1 : i32
    %sub3A_59 = arith.subi %div3A_38, %sub3A_58 : i32
    %select_n3A_60 = arith.select %and3A_57, %sub3A_59, %div3A_38 : i32
    %broadcast_in_dim3A = arith.constant 0 : i32
    %broadcast_in_dim3A_61 = vector.broadcast %broadcast_in_dim3A : i32 to vector<16xi32>
    %while3A = arith.constant 0 : i32
    %while3A_62 = arith.subi %select_n3A_60, %while3A : i32
    %while3A_63 = arith.addi %while3A, %while3A_62 : i32
    %while3A_64 = arith.constant 1 : i32
    %while3A_65 = arith.divsi %while3A_62, %while3A_64 : i32
    %while3A_66 = arith.muli %while3A_65, %while3A_64 : i32
    %while3A_67 = arith.addi %while3A, %while3A_66 : i32
    %while3A_68 = arith.constant 1 : i32
    %while3A_69 = scf.for %while3A_846 = %while3A to %while3A_67 step %while3A_68 iter_args(%while3A_847 = %broadcast_in_dim3A_61) -> (vector<16xi32>)  : i32 {
      %mul3A_848 = arith.constant 64 : i32
      %mul3A_849 = arith.muli %while3A_846, %mul3A_848 : i32
      %add3A_850 = arith.constant 0 : i32
      %add3A_851 = arith.addi %mul3A_849, %add3A_850 : i32
      %get3A = arith.index_cast %add3A_851 : i32 to index
      %get3A_852 = tpu.vector_load %arg5[%get3A] {strides = array<i32>} : memref<8192xi32, #tpu.memory_space<vmem>>, vector<16xi32>,
      %sub3A_853 = arith.constant 1 : i32
      %sub3A_854 = vector.broadcast %sub3A_853 : i32 to vector<16xi32>
      %sub3A_855 = arith.subi %get3A_852, %sub3A_854 : vector<16xi32>
      %abs3A = math.absi %sub3A_855 : vector<16xi32>
      %min3A = arith.constant 1 : i32
      %min3A_856 = vector.broadcast %min3A : i32 to vector<16xi32>
      %min3A_857 = arith.minsi %abs3A, %min3A_856 : vector<16xi32>
      %add3A_858 = arith.addi %while3A_847, %min3A_857 : vector<16xi32>
      %mul3A_859 = arith.constant 64 : i32
      %mul3A_860 = arith.muli %while3A_846, %mul3A_859 : i32
      %add3A_861 = arith.constant 16 : i32
      %add3A_862 = arith.addi %mul3A_860, %add3A_861 : i32
      %get3A_863 = arith.index_cast %add3A_862 : i32 to index
      %get3A_864 = tpu.vector_load %arg5[%get3A_863] {strides = array<i32>} : memref<8192xi32, #tpu.memory_space<vmem>>, vector<16xi32>,
      %sub3A_865 = arith.constant 1 : i32
      %sub3A_866 = vector.broadcast %sub3A_865 : i32 to vector<16xi32>
      %sub3A_867 = arith.subi %get3A_864, %sub3A_866 : vector<16xi32>
      %abs3A_868 = math.absi %sub3A_867 : vector<16xi32>
      %min3A_869 = arith.constant 1 : i32
      %min3A_870 = vector.broadcast %min3A_869 : i32 to vector<16xi32>
      %min3A_871 = arith.minsi %abs3A_868, %min3A_870 : vector<16xi32>
      %add3A_872 = arith.addi %add3A_858, %min3A_871 : vector<16xi32>
      %mul3A_873 = arith.constant 64 : i32
      %mul3A_874 = arith.muli %while3A_846, %mul3A_873 : i32
      %add3A_875 = arith.constant 32 : i32
      %add3A_876 = arith.addi %mul3A_874, %add3A_875 : i32
      %get3A_877 = arith.index_cast %add3A_876 : i32 to index
      %get3A_878 = tpu.vector_load %arg5[%get3A_877] {strides = array<i32>} : memref<8192xi32, #tpu.memory_space<vmem>>, vector<16xi32>,
      %sub3A_879 = arith.constant 1 : i32
      %sub3A_880 = vector.broadcast %sub3A_879 : i32 to vector<16xi32>
      %sub3A_881 = arith.subi %get3A_878, %sub3A_880 : vector<16xi32>
      %abs3A_882 = math.absi %sub3A_881 : vector<16xi32>
      %min3A_883 = arith.constant 1 : i32
      %min3A_884 = vector.broadcast %min3A_883 : i32 to vector<16xi32>
      %min3A_885 = arith.minsi %abs3A_882, %min3A_884 : vector<16xi32>
      %add3A_886 = arith.addi %add3A_872, %min3A_885 : vector<16xi32>
      %mul3A_887 = arith.constant 64 : i32
      %mul3A_888 = arith.muli %while3A_846, %mul3A_887 : i32
      %add3A_889 = arith.constant 48 : i32
      %add3A_890 = arith.addi %mul3A_888, %add3A_889 : i32
      %get3A_891 = arith.index_cast %add3A_890 : i32 to index
      %get3A_892 = tpu.vector_load %arg5[%get3A_891] {strides = array<i32>} : memref<8192xi32, #tpu.memory_space<vmem>>, vector<16xi32>,
      %sub3A_893 = arith.constant 1 : i32
      %sub3A_894 = vector.broadcast %sub3A_893 : i32 to vector<16xi32>
      %sub3A_895 = arith.subi %get3A_892, %sub3A_894 : vector<16xi32>
      %abs3A_896 = math.absi %sub3A_895 : vector<16xi32>
      %min3A_897 = arith.constant 1 : i32
      %min3A_898 = vector.broadcast %min3A_897 : i32 to vector<16xi32>
      %min3A_899 = arith.minsi %abs3A_896, %min3A_898 : vector<16xi32>
      %add3A_900 = arith.addi %add3A_886, %min3A_899 : vector<16xi32>
      scf.yield %add3A_900 : vector<16xi32>
    }
    %while3A_70 = arith.constant 1 : i32
    %while3A_71 = scf.for %while3A_846 = %while3A_67 to %while3A_63 step %while3A_70 iter_args(%while3A_847 = %while3A_69) -> (vector<16xi32>)  : i32 {
      %mul3A_848 = arith.constant 64 : i32
      %mul3A_849 = arith.muli %while3A_846, %mul3A_848 : i32
      %add3A_850 = arith.constant 0 : i32
      %add3A_851 = arith.addi %mul3A_849, %add3A_850 : i32
      %get3A = arith.index_cast %add3A_851 : i32 to index
      %get3A_852 = tpu.vector_load %arg5[%get3A] {strides = array<i32>} : memref<8192xi32, #tpu.memory_space<vmem>>, vector<16xi32>,
      %sub3A_853 = arith.constant 1 : i32
      %sub3A_854 = vector.broadcast %sub3A_853 : i32 to vector<16xi32>
      %sub3A_855 = arith.subi %get3A_852, %sub3A_854 : vector<16xi32>
      %abs3A = math.absi %sub3A_855 : vector<16xi32>
      %min3A = arith.constant 1 : i32
      %min3A_856 = vector.broadcast %min3A : i32 to vector<16xi32>
      %min3A_857 = arith.minsi %abs3A, %min3A_856 : vector<16xi32>
      %add3A_858 = arith.addi %while3A_847, %min3A_857 : vector<16xi32>
      %mul3A_859 = arith.constant 64 : i32
      %mul3A_860 = arith.muli %while3A_846, %mul3A_859 : i32
      %add3A_861 = arith.constant 16 : i32
      %add3A_862 = arith.addi %mul3A_860, %add3A_861 : i32
      %get3A_863 = arith.index_cast %add3A_862 : i32 to index
      %get3A_864 = tpu.vector_load %arg5[%get3A_863] {strides = array<i32>} : memref<8192xi32, #tpu.memory_space<vmem>>, vector<16xi32>,
      %sub3A_865 = arith.constant 1 : i32
      %sub3A_866 = vector.broadcast %sub3A_865 : i32 to vector<16xi32>
      %sub3A_867 = arith.subi %get3A_864, %sub3A_866 : vector<16xi32>
      %abs3A_868 = math.absi %sub3A_867 : vector<16xi32>
      %min3A_869 = arith.constant 1 : i32
      %min3A_870 = vector.broadcast %min3A_869 : i32 to vector<16xi32>
      %min3A_871 = arith.minsi %abs3A_868, %min3A_870 : vector<16xi32>
      %add3A_872 = arith.addi %add3A_858, %min3A_871 : vector<16xi32>
      %mul3A_873 = arith.constant 64 : i32
      %mul3A_874 = arith.muli %while3A_846, %mul3A_873 : i32
      %add3A_875 = arith.constant 32 : i32
      %add3A_876 = arith.addi %mul3A_874, %add3A_875 : i32
      %get3A_877 = arith.index_cast %add3A_876 : i32 to index
      %get3A_878 = tpu.vector_load %arg5[%get3A_877] {strides = array<i32>} : memref<8192xi32, #tpu.memory_space<vmem>>, vector<16xi32>,
      %sub3A_879 = arith.constant 1 : i32
      %sub3A_880 = vector.broadcast %sub3A_879 : i32 to vector<16xi32>
      %sub3A_881 = arith.subi %get3A_878, %sub3A_880 : vector<16xi32>
      %abs3A_882 = math.absi %sub3A_881 : vector<16xi32>
      %min3A_883 = arith.constant 1 : i32
      %min3A_884 = vector.broadcast %min3A_883 : i32 to vector<16xi32>
      %min3A_885 = arith.minsi %abs3A_882, %min3A_884 : vector<16xi32>
      %add3A_886 = arith.addi %add3A_872, %min3A_885 : vector<16xi32>
      %mul3A_887 = arith.constant 64 : i32
      %mul3A_888 = arith.muli %while3A_846, %mul3A_887 : i32
      %add3A_889 = arith.constant 48 : i32
      %add3A_890 = arith.addi %mul3A_888, %add3A_889 : i32
      %get3A_891 = arith.index_cast %add3A_890 : i32 to index
      %get3A_892 = tpu.vector_load %arg5[%get3A_891] {strides = array<i32>} : memref<8192xi32, #tpu.memory_space<vmem>>, vector<16xi32>,
      %sub3A_893 = arith.constant 1 : i32
      %sub3A_894 = vector.broadcast %sub3A_893 : i32 to vector<16xi32>
      %sub3A_895 = arith.subi %get3A_892, %sub3A_894 : vector<16xi32>
      %abs3A_896 = math.absi %sub3A_895 : vector<16xi32>
      %min3A_897 = arith.constant 1 : i32
      %min3A_898 = vector.broadcast %min3A_897 : i32 to vector<16xi32>
      %min3A_899 = arith.minsi %abs3A_896, %min3A_898 : vector<16xi32>
      %add3A_900 = arith.addi %add3A_886, %min3A_899 : vector<16xi32>
      scf.yield %add3A_900 : vector<16xi32>
    }
    %reduce_sum3A = arith.constant true
    %reduce_sum3A_72 = vector.broadcast %reduce_sum3A : i1 to vector<16xi1>
    %reduce_sum3A_73 = tpu.scan <sum>, %while3A_71 masked %reduce_sum3A_72 : vector<16xi32>, vector<16xi1> -> vector<16xi32>
    %reduce_sum3A_74 = vector.extract %reduce_sum3A_73[15] : i32 from vector<16xi32>
    %scan3A = arith.constant 0 : i32
    %scan3A_75 = arith.constant 32 : i32
    %scan3A_76 = arith.addi %scan3A, %scan3A_75 : i32
    %scan3A_77 = arith.constant 1 : i32
    %scan3A_78 = scf.for %scan3A_846 = %scan3A to %scan3A_76 step %scan3A_77 iter_args(%scan3A_847 = %reduce_sum3A_74) -> (i32)  : i32 {
      %mul3A_848 = arith.constant 32 : i32
      %mul3A_849 = arith.muli %scan3A_846, %mul3A_848 : i32
      %add3A_850 = arith.addi %mul3A_32, %mul3A_849 : i32
      %add3A_851 = arith.constant 0 : i32
      %add3A_852 = arith.addi %add3A_850, %add3A_851 : i32
      %get3A = arith.index_cast %add3A_852 : i32 to index
      %get3A_853 = tpu.vector_load %arg5[%get3A] {strides = array<i32>} : memref<8192xi32, #tpu.memory_space<vmem>>, vector<16xi32>,
      %sub3A_854 = arith.constant 1 : i32
      %sub3A_855 = vector.broadcast %sub3A_854 : i32 to vector<16xi32>
      %sub3A_856 = arith.subi %get3A_853, %sub3A_855 : vector<16xi32>
      %abs3A = math.absi %sub3A_856 : vector<16xi32>
      %min3A = arith.constant 1 : i32
      %min3A_857 = vector.broadcast %min3A : i32 to vector<16xi32>
      %min3A_858 = arith.minsi %abs3A, %min3A_857 : vector<16xi32>
      %broadcast_in_dim3A_859 = arith.constant true
      %broadcast_in_dim3A_860 = vector.broadcast %broadcast_in_dim3A_859 : i1 to vector<16xi1>
      %masked_cumsum3A = tpu.scan <sum>, %min3A_858 masked %broadcast_in_dim3A_860 : vector<16xi32>, vector<16xi1> -> vector<16xi32>
      %add3A_861 = vector.broadcast %scan3A_847 : i32 to vector<16xi32>
      %add3A_862 = arith.addi %masked_cumsum3A, %add3A_861 : vector<16xi32>
      %mul3A_863 = arith.muli %add3A_862, %min3A_858 : vector<16xi32>
      %add3A_864 = arith.constant 1 : i32
      %add3A_865 = vector.broadcast %add3A_864 : i32 to vector<16xi32>
      %add3A_866 = arith.addi %mul3A_863, %add3A_865 : vector<16xi32>
      %max3A = arith.constant 0 : i32
      %max3A_867 = vector.broadcast %max3A : i32 to vector<16xi32>
      %max3A_868 = arith.maxsi %add3A_866, %max3A_867 : vector<16xi32>
      %min3A_869 = arith.constant 8193 : i32
      %min3A_870 = vector.broadcast %min3A_869 : i32 to vector<16xi32>
      %min3A_871 = arith.minsi %max3A_868, %min3A_870 : vector<16xi32>
      %swap3A = arith.index_cast %scan3A_846 : i32 to index
      %swap3A_872 = arith.constant 0 : index
      %swap3A_873 = tpu.vector_load %arg6[%swap3A, %swap3A_872] {strides = array<i32>} : memref<32x32xi32, #tpu.memory_space<vmem>>, vector<16xi32>,
      tpu.vector_store %arg6[%swap3A, %swap3A_872], %min3A_871 {strides = array<i32>} : memref<32x32xi32, #tpu.memory_space<vmem>>, vector<16xi32>,
      %reduce_sum3A_874 = arith.constant true
      %reduce_sum3A_875 = vector.broadcast %reduce_sum3A_874 : i1 to vector<16xi1>
      %reduce_sum3A_876 = tpu.scan <sum>, %min3A_858 masked %reduce_sum3A_875 : vector<16xi32>, vector<16xi1> -> vector<16xi32>
      %reduce_sum3A_877 = vector.extract %reduce_sum3A_876[15] : i32 from vector<16xi32>
      %add3A_878 = arith.addi %scan3A_847, %reduce_sum3A_877 : i32
      %mul3A_879 = arith.constant 32 : i32
      %mul3A_880 = arith.muli %scan3A_846, %mul3A_879 : i32
      %add3A_881 = arith.addi %mul3A_32, %mul3A_880 : i32
      %add3A_882 = arith.constant 16 : i32
      %add3A_883 = arith.addi %add3A_881, %add3A_882 : i32
      %get3A_884 = arith.index_cast %add3A_883 : i32 to index
      %get3A_885 = tpu.vector_load %arg5[%get3A_884] {strides = array<i32>} : memref<8192xi32, #tpu.memory_space<vmem>>, vector<16xi32>,
      %sub3A_886 = arith.constant 1 : i32
      %sub3A_887 = vector.broadcast %sub3A_886 : i32 to vector<16xi32>
      %sub3A_888 = arith.subi %get3A_885, %sub3A_887 : vector<16xi32>
      %abs3A_889 = math.absi %sub3A_888 : vector<16xi32>
      %min3A_890 = arith.constant 1 : i32
      %min3A_891 = vector.broadcast %min3A_890 : i32 to vector<16xi32>
      %min3A_892 = arith.minsi %abs3A_889, %min3A_891 : vector<16xi32>
      %broadcast_in_dim3A_893 = arith.constant true
      %broadcast_in_dim3A_894 = vector.broadcast %broadcast_in_dim3A_893 : i1 to vector<16xi1>
      %masked_cumsum3A_895 = tpu.scan <sum>, %min3A_892 masked %broadcast_in_dim3A_894 : vector<16xi32>, vector<16xi1> -> vector<16xi32>
      %add3A_896 = vector.broadcast %add3A_878 : i32 to vector<16xi32>
      %add3A_897 = arith.addi %masked_cumsum3A_895, %add3A_896 : vector<16xi32>
      %mul3A_898 = arith.muli %add3A_897, %min3A_892 : vector<16xi32>
      %add3A_899 = arith.constant 1 : i32
      %add3A_900 = vector.broadcast %add3A_899 : i32 to vector<16xi32>
      %add3A_901 = arith.addi %mul3A_898, %add3A_900 : vector<16xi32>
      %max3A_902 = arith.constant 0 : i32
      %max3A_903 = vector.broadcast %max3A_902 : i32 to vector<16xi32>
      %max3A_904 = arith.maxsi %add3A_901, %max3A_903 : vector<16xi32>
      %min3A_905 = arith.constant 8193 : i32
      %min3A_906 = vector.broadcast %min3A_905 : i32 to vector<16xi32>
      %min3A_907 = arith.minsi %max3A_904, %min3A_906 : vector<16xi32>
      %swap3A_908 = arith.index_cast %scan3A_846 : i32 to index
      %swap3A_909 = arith.constant 16 : index
      %swap3A_910 = tpu.vector_load %arg6[%swap3A_908, %swap3A_909] {strides = array<i32>} : memref<32x32xi32, #tpu.memory_space<vmem>>, vector<16xi32>,
      tpu.vector_store %arg6[%swap3A_908, %swap3A_909], %min3A_907 {strides = array<i32>} : memref<32x32xi32, #tpu.memory_space<vmem>>, vector<16xi32>,
      %reduce_sum3A_911 = arith.constant true
      %reduce_sum3A_912 = vector.broadcast %reduce_sum3A_911 : i1 to vector<16xi1>
      %reduce_sum3A_913 = tpu.scan <sum>, %min3A_892 masked %reduce_sum3A_912 : vector<16xi32>, vector<16xi1> -> vector<16xi32>
      %reduce_sum3A_914 = vector.extract %reduce_sum3A_913[15] : i32 from vector<16xi32>
      %add3A_915 = arith.addi %add3A_878, %reduce_sum3A_914 : i32
      scf.yield %add3A_915 : i32
    }
    %scan3A_79 = arith.constant 32 : i32
    %dma_start3A = arith.constant 0 : i32
    %dma_start3A_80 = arith.constant 0 : i32
    %dma_start3A_81 = tpu.memref_slice %arg6[%dma_start3A, %dma_start3A_80] : memref<32x32xi32, #tpu.memory_space<vmem>> -> memref<1x32xi32, #tpu.memory_space<vmem>>
    %dma_start3A_82 = tpu.memref_squeeze %dma_start3A_81 : memref<1x32xi32, #tpu.memory_space<vmem>> -> memref<32xi32, #tpu.memory_space<vmem>>
    %dma_start3A_83 = arith.constant 0 : i32
    %dma_start3A_84 = arith.constant 0 : i32
    %dma_start3A_85 = tpu.memref_slice %arg3[%dma_start3A_83, %dma_start3A_84] : memref<8194x1024xf32, #tpu.memory_space<hbm>> -> memref<8194x1024xf32, #tpu.memory_space<hbm>>
    tpu.enqueue_indirect_dma source(%dma_start3A_85 : memref<8194x1024xf32, #tpu.memory_space<hbm>>) target(%arg7 : memref<32x1024xf32, #tpu.memory_space<vmem>>) offsets(%dma_start3A_82 : memref<32xi32, #tpu.memory_space<vmem>>) semaphore(%arg10 : memref<!tpu.dma_semaphore, #tpu.memory_space<semaphore_mem>>)
    %dma_start3A_86 = arith.constant 1 : i32
    %dma_start3A_87 = arith.constant 0 : i32
    %dma_start3A_88 = tpu.memref_slice %arg6[%dma_start3A_86, %dma_start3A_87] : memref<32x32xi32, #tpu.memory_space<vmem>> -> memref<1x32xi32, #tpu.memory_space<vmem>>
    %dma_start3A_89 = tpu.memref_squeeze %dma_start3A_88 : memref<1x32xi32, #tpu.memory_space<vmem>> -> memref<32xi32, #tpu.memory_space<vmem>>
    %dma_start3A_90 = arith.constant 0 : i32
    %dma_start3A_91 = arith.constant 0 : i32
    %dma_start3A_92 = tpu.memref_slice %arg3[%dma_start3A_90, %dma_start3A_91] : memref<8194x1024xf32, #tpu.memory_space<hbm>> -> memref<8194x1024xf32, #tpu.memory_space<hbm>>
    tpu.enqueue_indirect_dma source(%dma_start3A_92 : memref<8194x1024xf32, #tpu.memory_space<hbm>>) target(%arg8 : memref<32x1024xf32, #tpu.memory_space<vmem>>) offsets(%dma_start3A_89 : memref<32xi32, #tpu.memory_space<vmem>>) semaphore(%arg11 : memref<!tpu.dma_semaphore, #tpu.memory_space<semaphore_mem>>)
    %dma_wait3A = arith.constant 0 : i32
    %dma_wait3A_93 = arith.constant 0 : i32
    %dma_wait3A_94 = tpu.memref_slice %arg6[%dma_wait3A, %dma_wait3A_93] : memref<32x32xi32, #tpu.memory_space<vmem>> -> memref<1x32xi32, #tpu.memory_space<vmem>>
    %dma_wait3A_95 = tpu.memref_squeeze %dma_wait3A_94 : memref<1x32xi32, #tpu.memory_space<vmem>> -> memref<32xi32, #tpu.memory_space<vmem>>
    %dma_wait3A_96 = arith.constant 0 : i32
    %dma_wait3A_97 = arith.constant 0 : i32
    %dma_wait3A_98 = tpu.memref_slice %arg3[%dma_wait3A_96, %dma_wait3A_97] : memref<8194x1024xf32, #tpu.memory_space<hbm>> -> memref<8194x1024xf32, #tpu.memory_space<hbm>>
    tpu.wait_indirect_dma semaphore(%arg10 : memref<!tpu.dma_semaphore, #tpu.memory_space<semaphore_mem>>) src(%dma_wait3A_98 : memref<8194x1024xf32, #tpu.memory_space<hbm>>) dst(%arg7 : memref<32x1024xf32, #tpu.memory_space<vmem>>)
    %dma_start3A_99 = arith.constant 2 : i32
    %dma_start3A_100 = arith.constant 0 : i32
    %dma_start3A_101 = tpu.memref_slice %arg6[%dma_start3A_99, %dma_start3A_100] : memref<32x32xi32, #tpu.memory_space<vmem>> -> memref<1x32xi32, #tpu.memory_space<vmem>>
    %dma_start3A_102 = tpu.memref_squeeze %dma_start3A_101 : memref<1x32xi32, #tpu.memory_space<vmem>> -> memref<32xi32, #tpu.memory_space<vmem>>
    %dma_start3A_103 = arith.constant 0 : i32
    %dma_start3A_104 = arith.constant 0 : i32
    %dma_start3A_105 = tpu.memref_slice %arg3[%dma_start3A_103, %dma_start3A_104] : memref<8194x1024xf32, #tpu.memory_space<hbm>> -> memref<8194x1024xf32, #tpu.memory_space<hbm>>
    tpu.enqueue_indirect_dma source(%dma_start3A_105 : memref<8194x1024xf32, #tpu.memory_space<hbm>>) target(%arg9 : memref<32x1024xf32, #tpu.memory_space<vmem>>) offsets(%dma_start3A_102 : memref<32xi32, #tpu.memory_space<vmem>>) semaphore(%arg12 : memref<!tpu.dma_semaphore, #tpu.memory_space<semaphore_mem>>)
    %add3A_106 = arith.constant 0 : i32
    %add3A_107 = arith.addi %mul3A_34, %add3A_106 : i32
    %dma_start3A_108 = arith.constant 0 : i32
    %dma_start3A_109 = tpu.memref_slice %arg4[%add3A_107, %dma_start3A_108] : memref<32768x1024xf32, #tpu.memory_space<hbm>> -> memref<32x1024xf32, #tpu.memory_space<hbm>>
    %dma_start3A_110 = arith.constant 0 : i32
    %dma_start3A_111 = tpu.memref_slice %arg4[%add3A_107, %dma_start3A_110] : memref<32768x1024xf32, #tpu.memory_space<hbm>> -> memref<32x1024xf32, #tpu.memory_space<hbm>>
    tpu.enqueue_dma source(%arg7 : memref<32x1024xf32, #tpu.memory_space<vmem>>) target(%dma_start3A_111 : memref<32x1024xf32, #tpu.memory_space<hbm>>) target_semaphore(%arg13 : memref<!tpu.dma_semaphore, #tpu.memory_space<semaphore_mem>>)
    %dma_wait3A_112 = arith.constant 1 : i32
    %dma_wait3A_113 = arith.constant 0 : i32
    %dma_wait3A_114 = tpu.memref_slice %arg6[%dma_wait3A_112, %dma_wait3A_113] : memref<32x32xi32, #tpu.memory_space<vmem>> -> memref<1x32xi32, #tpu.memory_space<vmem>>
    %dma_wait3A_115 = tpu.memref_squeeze %dma_wait3A_114 : memref<1x32xi32, #tpu.memory_space<vmem>> -> memref<32xi32, #tpu.memory_space<vmem>>
    %dma_wait3A_116 = arith.constant 0 : i32
    %dma_wait3A_117 = arith.constant 0 : i32
    %dma_wait3A_118 = tpu.memref_slice %arg3[%dma_wait3A_116, %dma_wait3A_117] : memref<8194x1024xf32, #tpu.memory_space<hbm>> -> memref<8194x1024xf32, #tpu.memory_space<hbm>>
    tpu.wait_indirect_dma semaphore(%arg11 : memref<!tpu.dma_semaphore, #tpu.memory_space<semaphore_mem>>) src(%dma_wait3A_118 : memref<8194x1024xf32, #tpu.memory_space<hbm>>) dst(%arg8 : memref<32x1024xf32, #tpu.memory_space<vmem>>)
    %dma_wait3A_119 = arith.constant 0 : i32
    %dma_wait3A_120 = tpu.memref_slice %arg4[%add3A_107, %dma_wait3A_119] : memref<32768x1024xf32, #tpu.memory_space<hbm>> -> memref<32x1024xf32, #tpu.memory_space<hbm>>
    %dma_wait3A_121 = arith.constant 0 : i32
    %dma_wait3A_122 = tpu.memref_slice %arg4[%add3A_107, %dma_wait3A_121] : memref<32768x1024xf32, #tpu.memory_space<hbm>> -> memref<32x1024xf32, #tpu.memory_space<hbm>>
    tpu.wait_dma2 semaphore(%arg13 : memref<!tpu.dma_semaphore, #tpu.memory_space<semaphore_mem>>) src(%arg7 : memref<32x1024xf32, #tpu.memory_space<vmem>>) dst(%dma_wait3A_122 : memref<32x1024xf32, #tpu.memory_space<hbm>>)
    %dma_start3A_123 = arith.constant 3 : i32
    %dma_start3A_124 = arith.constant 0 : i32
    %dma_start3A_125 = tpu.memref_slice %arg6[%dma_start3A_123, %dma_start3A_124] : memref<32x32xi32, #tpu.memory_space<vmem>> -> memref<1x32xi32, #tpu.memory_space<vmem>>
    %dma_start3A_126 = tpu.memref_squeeze %dma_start3A_125 : memref<1x32xi32, #tpu.memory_space<vmem>> -> memref<32xi32, #tpu.memory_space<vmem>>
    %dma_start3A_127 = arith.constant 0 : i32
    %dma_start3A_128 = arith.constant 0 : i32
    %dma_start3A_129 = tpu.memref_slice %arg3[%dma_start3A_127, %dma_start3A_128] : memref<8194x1024xf32, #tpu.memory_space<hbm>> -> memref<8194x1024xf32, #tpu.memory_space<hbm>>
    tpu.enqueue_indirect_dma source(%dma_start3A_129 : memref<8194x1024xf32, #tpu.memory_space<hbm>>) target(%arg7 : memref<32x1024xf32, #tpu.memory_space<vmem>>) offsets(%dma_start3A_126 : memref<32xi32, #tpu.memory_space<vmem>>) semaphore(%arg10 : memref<!tpu.dma_semaphore, #tpu.memory_space<semaphore_mem>>)
    %add3A_130 = arith.constant 32 : i32
    %add3A_131 = arith.addi %mul3A_34, %add3A_130 : i32
    %dma_start3A_132 = arith.constant 0 : i32
    %dma_start3A_133 = tpu.memref_slice %arg4[%add3A_131, %dma_start3A_132] : memref<32768x1024xf32, #tpu.memory_space<hbm>> -> memref<32x1024xf32, #tpu.memory_space<hbm>>
    %dma_start3A_134 = arith.constant 0 : i32
    %dma_start3A_135 = tpu.memref_slice %arg4[%add3A_131, %dma_start3A_134] : memref<32768x1024xf32, #tpu.memory_space<hbm>> -> memref<32x1024xf32, #tpu.memory_space<hbm>>
    tpu.enqueue_dma source(%arg8 : memref<32x1024xf32, #tpu.memory_space<vmem>>) target(%dma_start3A_135 : memref<32x1024xf32, #tpu.memory_space<hbm>>) target_semaphore(%arg14 : memref<!tpu.dma_semaphore, #tpu.memory_space<semaphore_mem>>)
    %dma_wait3A_136 = arith.constant 2 : i32
    %dma_wait3A_137 = arith.constant 0 : i32
    %dma_wait3A_138 = tpu.memref_slice %arg6[%dma_wait3A_136, %dma_wait3A_137] : memref<32x32xi32, #tpu.memory_space<vmem>> -> memref<1x32xi32, #tpu.memory_space<vmem>>
    %dma_wait3A_139 = tpu.memref_squeeze %dma_wait3A_138 : memref<1x32xi32, #tpu.memory_space<vmem>> -> memref<32xi32, #tpu.memory_space<vmem>>
    %dma_wait3A_140 = arith.constant 0 : i32
    %dma_wait3A_141 = arith.constant 0 : i32
    %dma_wait3A_142 = tpu.memref_slice %arg3[%dma_wait3A_140, %dma_wait3A_141] : memref<8194x1024xf32, #tpu.memory_space<hbm>> -> memref<8194x1024xf32, #tpu.memory_space<hbm>>
    tpu.wait_indirect_dma semaphore(%arg12 : memref<!tpu.dma_semaphore, #tpu.memory_space<semaphore_mem>>) src(%dma_wait3A_142 : memref<8194x1024xf32, #tpu.memory_space<hbm>>) dst(%arg9 : memref<32x1024xf32, #tpu.memory_space<vmem>>)
    %dma_wait3A_143 = arith.constant 0 : i32
    %dma_wait3A_144 = tpu.memref_slice %arg4[%add3A_131, %dma_wait3A_143] : memref<32768x1024xf32, #tpu.memory_space<hbm>> -> memref<32x1024xf32, #tpu.memory_space<hbm>>
    %dma_wait3A_145 = arith.constant 0 : i32
    %dma_wait3A_146 = tpu.memref_slice %arg4[%add3A_131, %dma_wait3A_145] : memref<32768x1024xf32, #tpu.memory_space<hbm>> -> memref<32x1024xf32, #tpu.memory_space<hbm>>
    tpu.wait_dma2 semaphore(%arg14 : memref<!tpu.dma_semaphore, #tpu.memory_space<semaphore_mem>>) src(%arg8 : memref<32x1024xf32, #tpu.memory_space<vmem>>) dst(%dma_wait3A_146 : memref<32x1024xf32, #tpu.memory_space<hbm>>)
    %dma_start3A_147 = arith.constant 4 : i32
    %dma_start3A_148 = arith.constant 0 : i32
    %dma_start3A_149 = tpu.memref_slice %arg6[%dma_start3A_147, %dma_start3A_148] : memref<32x32xi32, #tpu.memory_space<vmem>> -> memref<1x32xi32, #tpu.memory_space<vmem>>
    %dma_start3A_150 = tpu.memref_squeeze %dma_start3A_149 : memref<1x32xi32, #tpu.memory_space<vmem>> -> memref<32xi32, #tpu.memory_space<vmem>>
    %dma_start3A_151 = arith.constant 0 : i32
    %dma_start3A_152 = arith.constant 0 : i32
    %dma_start3A_153 = tpu.memref_slice %arg3[%dma_start3A_151, %dma_start3A_152] : memref<8194x1024xf32, #tpu.memory_space<hbm>> -> memref<8194x1024xf32, #tpu.memory_space<hbm>>
    tpu.enqueue_indirect_dma source(%dma_start3A_153 : memref<8194x1024xf32, #tpu.memory_space<hbm>>) target(%arg8 : memref<32x1024xf32, #tpu.memory_space<vmem>>) offsets(%dma_start3A_150 : memref<32xi32, #tpu.memory_space<vmem>>) semaphore(%arg11 : memref<!tpu.dma_semaphore, #tpu.memory_space<semaphore_mem>>)
    %add3A_154 = arith.constant 64 : i32
    %add3A_155 = arith.addi %mul3A_34, %add3A_154 : i32
    %dma_start3A_156 = arith.constant 0 : i32
    %dma_start3A_157 = tpu.memref_slice %arg4[%add3A_155, %dma_start3A_156] : memref<32768x1024xf32, #tpu.memory_space<hbm>> -> memref<32x1024xf32, #tpu.memory_space<hbm>>
    %dma_start3A_158 = arith.constant 0 : i32
    %dma_start3A_159 = tpu.memref_slice %arg4[%add3A_155, %dma_start3A_158] : memref<32768x1024xf32, #tpu.memory_space<hbm>> -> memref<32x1024xf32, #tpu.memory_space<hbm>>
    tpu.enqueue_dma source(%arg9 : memref<32x1024xf32, #tpu.memory_space<vmem>>) target(%dma_start3A_159 : memref<32x1024xf32, #tpu.memory_space<hbm>>) target_semaphore(%arg15 : memref<!tpu.dma_semaphore, #tpu.memory_space<semaphore_mem>>)
    %dma_wait3A_160 = arith.constant 3 : i32
    %dma_wait3A_161 = arith.constant 0 : i32
    %dma_wait3A_162 = tpu.memref_slice %arg6[%dma_wait3A_160, %dma_wait3A_161] : memref<32x32xi32, #tpu.memory_space<vmem>> -> memref<1x32xi32, #tpu.memory_space<vmem>>
    %dma_wait3A_163 = tpu.memref_squeeze %dma_wait3A_162 : memref<1x32xi32, #tpu.memory_space<vmem>> -> memref<32xi32, #tpu.memory_space<vmem>>
    %dma_wait3A_164 = arith.constant 0 : i32
    %dma_wait3A_165 = arith.constant 0 : i32
    %dma_wait3A_166 = tpu.memref_slice %arg3[%dma_wait3A_164, %dma_wait3A_165] : memref<8194x1024xf32, #tpu.memory_space<hbm>> -> memref<8194x1024xf32, #tpu.memory_space<hbm>>
    tpu.wait_indirect_dma semaphore(%arg10 : memref<!tpu.dma_semaphore, #tpu.memory_space<semaphore_mem>>) src(%dma_wait3A_166 : memref<8194x1024xf32, #tpu.memory_space<hbm>>) dst(%arg7 : memref<32x1024xf32, #tpu.memory_space<vmem>>)
    %dma_wait3A_167 = arith.constant 0 : i32
    %dma_wait3A_168 = tpu.memref_slice %arg4[%add3A_155, %dma_wait3A_167] : memref<32768x1024xf32, #tpu.memory_space<hbm>> -> memref<32x1024xf32, #tpu.memory_space<hbm>>
    %dma_wait3A_169 = arith.constant 0 : i32
    %dma_wait3A_170 = tpu.memref_slice %arg4[%add3A_155, %dma_wait3A_169] : memref<32768x1024xf32, #tpu.memory_space<hbm>> -> memref<32x1024xf32, #tpu.memory_space<hbm>>
    tpu.wait_dma2 semaphore(%arg15 : memref<!tpu.dma_semaphore, #tpu.memory_space<semaphore_mem>>) src(%arg9 : memref<32x1024xf32, #tpu.memory_space<vmem>>) dst(%dma_wait3A_170 : memref<32x1024xf32, #tpu.memory_space<hbm>>)
    %dma_start3A_171 = arith.constant 5 : i32
    %dma_start3A_172 = arith.constant 0 : i32
    %dma_start3A_173 = tpu.memref_slice %arg6[%dma_start3A_171, %dma_start3A_172] : memref<32x32xi32, #tpu.memory_space<vmem>> -> memref<1x32xi32, #tpu.memory_space<vmem>>
    %dma_start3A_174 = tpu.memref_squeeze %dma_start3A_173 : memref<1x32xi32, #tpu.memory_space<vmem>> -> memref<32xi32, #tpu.memory_space<vmem>>
    %dma_start3A_175 = arith.constant 0 : i32
    %dma_start3A_176 = arith.constant 0 : i32
    %dma_start3A_177 = tpu.memref_slice %arg3[%dma_start3A_175, %dma_start3A_176] : memref<8194x1024xf32, #tpu.memory_space<hbm>> -> memref<8194x1024xf32, #tpu.memory_space<hbm>>
    tpu.enqueue_indirect_dma source(%dma_start3A_177 : memref<8194x1024xf32, #tpu.memory_space<hbm>>) target(%arg9 : memref<32x1024xf32, #tpu.memory_space<vmem>>) offsets(%dma_start3A_174 : memref<32xi32, #tpu.memory_space<vmem>>) semaphore(%arg12 : memref<!tpu.dma_semaphore, #tpu.memory_space<semaphore_mem>>)
    %add3A_178 = arith.constant 96 : i32
    %add3A_179 = arith.addi %mul3A_34, %add3A_178 : i32
    %dma_start3A_180 = arith.constant 0 : i32
    %dma_start3A_181 = tpu.memref_slice %arg4[%add3A_179, %dma_start3A_180] : memref<32768x1024xf32, #tpu.memory_space<hbm>> -> memref<32x1024xf32, #tpu.memory_space<hbm>>
    %dma_start3A_182 = arith.constant 0 : i32
    %dma_start3A_183 = tpu.memref_slice %arg4[%add3A_179, %dma_start3A_182] : memref<32768x1024xf32, #tpu.memory_space<hbm>> -> memref<32x1024xf32, #tpu.memory_space<hbm>>
    tpu.enqueue_dma source(%arg7 : memref<32x1024xf32, #tpu.memory_space<vmem>>) target(%dma_start3A_183 : memref<32x1024xf32, #tpu.memory_space<hbm>>) target_semaphore(%arg13 : memref<!tpu.dma_semaphore, #tpu.memory_space<semaphore_mem>>)
    %dma_wait3A_184 = arith.constant 4 : i32
    %dma_wait3A_185 = arith.constant 0 : i32
    %dma_wait3A_186 = tpu.memref_slice %arg6[%dma_wait3A_184, %dma_wait3A_185] : memref<32x32xi32, #tpu.memory_space<vmem>> -> memref<1x32xi32, #tpu.memory_space<vmem>>
    %dma_wait3A_187 = tpu.memref_squeeze %dma_wait3A_186 : memref<1x32xi32, #tpu.memory_space<vmem>> -> memref<32xi32, #tpu.memory_space<vmem>>
    %dma_wait3A_188 = arith.constant 0 : i32
    %dma_wait3A_189 = arith.constant 0 : i32
    %dma_wait3A_190 = tpu.memref_slice %arg3[%dma_wait3A_188, %dma_wait3A_189] : memref<8194x1024xf32, #tpu.memory_space<hbm>> -> memref<8194x1024xf32, #tpu.memory_space<hbm>>
    tpu.wait_indirect_dma semaphore(%arg11 : memref<!tpu.dma_semaphore, #tpu.memory_space<semaphore_mem>>) src(%dma_wait3A_190 : memref<8194x1024xf32, #tpu.memory_space<hbm>>) dst(%arg8 : memref<32x1024xf32, #tpu.memory_space<vmem>>)
    %dma_wait3A_191 = arith.constant 0 : i32
    %dma_wait3A_192 = tpu.memref_slice %arg4[%add3A_179, %dma_wait3A_191] : memref<32768x1024xf32, #tpu.memory_space<hbm>> -> memref<32x1024xf32, #tpu.memory_space<hbm>>
    %dma_wait3A_193 = arith.constant 0 : i32
    %dma_wait3A_194 = tpu.memref_slice %arg4[%add3A_179, %dma_wait3A_193] : memref<32768x1024xf32, #tpu.memory_space<hbm>> -> memref<32x1024xf32, #tpu.memory_space<hbm>>
    tpu.wait_dma2 semaphore(%arg13 : memref<!tpu.dma_semaphore, #tpu.memory_space<semaphore_mem>>) src(%arg7 : memref<32x1024xf32, #tpu.memory_space<vmem>>) dst(%dma_wait3A_194 : memref<32x1024xf32, #tpu.memory_space<hbm>>)
    %dma_start3A_195 = arith.constant 6 : i32
    %dma_start3A_196 = arith.constant 0 : i32
    %dma_start3A_197 = tpu.memref_slice %arg6[%dma_start3A_195, %dma_start3A_196] : memref<32x32xi32, #tpu.memory_space<vmem>> -> memref<1x32xi32, #tpu.memory_space<vmem>>
    %dma_start3A_198 = tpu.memref_squeeze %dma_start3A_197 : memref<1x32xi32, #tpu.memory_space<vmem>> -> memref<32xi32, #tpu.memory_space<vmem>>
    %dma_start3A_199 = arith.constant 0 : i32
    %dma_start3A_200 = arith.constant 0 : i32
    %dma_start3A_201 = tpu.memref_slice %arg3[%dma_start3A_199, %dma_start3A_200] : memref<8194x1024xf32, #tpu.memory_space<hbm>> -> memref<8194x1024xf32, #tpu.memory_space<hbm>>
    tpu.enqueue_indirect_dma source(%dma_start3A_201 : memref<8194x1024xf32, #tpu.memory_space<hbm>>) target(%arg7 : memref<32x1024xf32, #tpu.memory_space<vmem>>) offsets(%dma_start3A_198 : memref<32xi32, #tpu.memory_space<vmem>>) semaphore(%arg10 : memref<!tpu.dma_semaphore, #tpu.memory_space<semaphore_mem>>)
    %add3A_202 = arith.constant 128 : i32
    %add3A_203 = arith.addi %mul3A_34, %add3A_202 : i32
    %dma_start3A_204 = arith.constant 0 : i32
    %dma_start3A_205 = tpu.memref_slice %arg4[%add3A_203, %dma_start3A_204] : memref<32768x1024xf32, #tpu.memory_space<hbm>> -> memref<32x1024xf32, #tpu.memory_space<hbm>>
    %dma_start3A_206 = arith.constant 0 : i32
    %dma_start3A_207 = tpu.memref_slice %arg4[%add3A_203, %dma_start3A_206] : memref<32768x1024xf32, #tpu.memory_space<hbm>> -> memref<32x1024xf32, #tpu.memory_space<hbm>>
    tpu.enqueue_dma source(%arg8 : memref<32x1024xf32, #tpu.memory_space<vmem>>) target(%dma_start3A_207 : memref<32x1024xf32, #tpu.memory_space<hbm>>) target_semaphore(%arg14 : memref<!tpu.dma_semaphore, #tpu.memory_space<semaphore_mem>>)
    %dma_wait3A_208 = arith.constant 5 : i32
    %dma_wait3A_209 = arith.constant 0 : i32
    %dma_wait3A_210 = tpu.memref_slice %arg6[%dma_wait3A_208, %dma_wait3A_209] : memref<32x32xi32, #tpu.memory_space<vmem>> -> memref<1x32xi32, #tpu.memory_space<vmem>>
    %dma_wait3A_211 = tpu.memref_squeeze %dma_wait3A_210 : memref<1x32xi32, #tpu.memory_space<vmem>> -> memref<32xi32, #tpu.memory_space<vmem>>
    %dma_wait3A_212 = arith.constant 0 : i32
    %dma_wait3A_213 = arith.constant 0 : i32
    %dma_wait3A_214 = tpu.memref_slice %arg3[%dma_wait3A_212, %dma_wait3A_213] : memref<8194x1024xf32, #tpu.memory_space<hbm>> -> memref<8194x1024xf32, #tpu.memory_space<hbm>>
    tpu.wait_indirect_dma semaphore(%arg12 : memref<!tpu.dma_semaphore, #tpu.memory_space<semaphore_mem>>) src(%dma_wait3A_214 : memref<8194x1024xf32, #tpu.memory_space<hbm>>) dst(%arg9 : memref<32x1024xf32, #tpu.memory_space<vmem>>)
    %dma_wait3A_215 = arith.constant 0 : i32
    %dma_wait3A_216 = tpu.memref_slice %arg4[%add3A_203, %dma_wait3A_215] : memref<32768x1024xf32, #tpu.memory_space<hbm>> -> memref<32x1024xf32, #tpu.memory_space<hbm>>
    %dma_wait3A_217 = arith.constant 0 : i32
    %dma_wait3A_218 = tpu.memref_slice %arg4[%add3A_203, %dma_wait3A_217] : memref<32768x1024xf32, #tpu.memory_space<hbm>> -> memref<32x1024xf32, #tpu.memory_space<hbm>>
    tpu.wait_dma2 semaphore(%arg14 : memref<!tpu.dma_semaphore, #tpu.memory_space<semaphore_mem>>) src(%arg8 : memref<32x1024xf32, #tpu.memory_space<vmem>>) dst(%dma_wait3A_218 : memref<32x1024xf32, #tpu.memory_space<hbm>>)
    %dma_start3A_219 = arith.constant 7 : i32
    %dma_start3A_220 = arith.constant 0 : i32
    %dma_start3A_221 = tpu.memref_slice %arg6[%dma_start3A_219, %dma_start3A_220] : memref<32x32xi32, #tpu.memory_space<vmem>> -> memref<1x32xi32, #tpu.memory_space<vmem>>
    %dma_start3A_222 = tpu.memref_squeeze %dma_start3A_221 : memref<1x32xi32, #tpu.memory_space<vmem>> -> memref<32xi32, #tpu.memory_space<vmem>>
    %dma_start3A_223 = arith.constant 0 : i32
    %dma_start3A_224 = arith.constant 0 : i32
    %dma_start3A_225 = tpu.memref_slice %arg3[%dma_start3A_223, %dma_start3A_224] : memref<8194x1024xf32, #tpu.memory_space<hbm>> -> memref<8194x1024xf32, #tpu.memory_space<hbm>>
    tpu.enqueue_indirect_dma source(%dma_start3A_225 : memref<8194x1024xf32, #tpu.memory_space<hbm>>) target(%arg8 : memref<32x1024xf32, #tpu.memory_space<vmem>>) offsets(%dma_start3A_222 : memref<32xi32, #tpu.memory_space<vmem>>) semaphore(%arg11 : memref<!tpu.dma_semaphore, #tpu.memory_space<semaphore_mem>>)
    %add3A_226 = arith.constant 160 : i32
    %add3A_227 = arith.addi %mul3A_34, %add3A_226 : i32
    %dma_start3A_228 = arith.constant 0 : i32
    %dma_start3A_229 = tpu.memref_slice %arg4[%add3A_227, %dma_start3A_228] : memref<32768x1024xf32, #tpu.memory_space<hbm>> -> memref<32x1024xf32, #tpu.memory_space<hbm>>
    %dma_start3A_230 = arith.constant 0 : i32
    %dma_start3A_231 = tpu.memref_slice %arg4[%add3A_227, %dma_start3A_230] : memref<32768x1024xf32, #tpu.memory_space<hbm>> -> memref<32x1024xf32, #tpu.memory_space<hbm>>
    tpu.enqueue_dma source(%arg9 : memref<32x1024xf32, #tpu.memory_space<vmem>>) target(%dma_start3A_231 : memref<32x1024xf32, #tpu.memory_space<hbm>>) target_semaphore(%arg15 : memref<!tpu.dma_semaphore, #tpu.memory_space<semaphore_mem>>)
    %dma_wait3A_232 = arith.constant 6 : i32
    %dma_wait3A_233 = arith.constant 0 : i32
    %dma_wait3A_234 = tpu.memref_slice %arg6[%dma_wait3A_232, %dma_wait3A_233] : memref<32x32xi32, #tpu.memory_space<vmem>> -> memref<1x32xi32, #tpu.memory_space<vmem>>
    %dma_wait3A_235 = tpu.memref_squeeze %dma_wait3A_234 : memref<1x32xi32, #tpu.memory_space<vmem>> -> memref<32xi32, #tpu.memory_space<vmem>>
    %dma_wait3A_236 = arith.constant 0 : i32
    %dma_wait3A_237 = arith.constant 0 : i32
    %dma_wait3A_238 = tpu.memref_slice %arg3[%dma_wait3A_236, %dma_wait3A_237] : memref<8194x1024xf32, #tpu.memory_space<hbm>> -> memref<8194x1024xf32, #tpu.memory_space<hbm>>
    tpu.wait_indirect_dma semaphore(%arg10 : memref<!tpu.dma_semaphore, #tpu.memory_space<semaphore_mem>>) src(%dma_wait3A_238 : memref<8194x1024xf32, #tpu.memory_space<hbm>>) dst(%arg7 : memref<32x1024xf32, #tpu.memory_space<vmem>>)
    %dma_wait3A_239 = arith.constant 0 : i32
    %dma_wait3A_240 = tpu.memref_slice %arg4[%add3A_227, %dma_wait3A_239] : memref<32768x1024xf32, #tpu.memory_space<hbm>> -> memref<32x1024xf32, #tpu.memory_space<hbm>>
    %dma_wait3A_241 = arith.constant 0 : i32
    %dma_wait3A_242 = tpu.memref_slice %arg4[%add3A_227, %dma_wait3A_241] : memref<32768x1024xf32, #tpu.memory_space<hbm>> -> memref<32x1024xf32, #tpu.memory_space<hbm>>
    tpu.wait_dma2 semaphore(%arg15 : memref<!tpu.dma_semaphore, #tpu.memory_space<semaphore_mem>>) src(%arg9 : memref<32x1024xf32, #tpu.memory_space<vmem>>) dst(%dma_wait3A_242 : memref<32x1024xf32, #tpu.memory_space<hbm>>)
    %dma_start3A_243 = arith.constant 8 : i32
    %dma_start3A_244 = arith.constant 0 : i32
    %dma_start3A_245 = tpu.memref_slice %arg6[%dma_start3A_243, %dma_start3A_244] : memref<32x32xi32, #tpu.memory_space<vmem>> -> memref<1x32xi32, #tpu.memory_space<vmem>>
    %dma_start3A_246 = tpu.memref_squeeze %dma_start3A_245 : memref<1x32xi32, #tpu.memory_space<vmem>> -> memref<32xi32, #tpu.memory_space<vmem>>
    %dma_start3A_247 = arith.constant 0 : i32
    %dma_start3A_248 = arith.constant 0 : i32
    %dma_start3A_249 = tpu.memref_slice %arg3[%dma_start3A_247, %dma_start3A_248] : memref<8194x1024xf32, #tpu.memory_space<hbm>> -> memref<8194x1024xf32, #tpu.memory_space<hbm>>
    tpu.enqueue_indirect_dma source(%dma_start3A_249 : memref<8194x1024xf32, #tpu.memory_space<hbm>>) target(%arg9 : memref<32x1024xf32, #tpu.memory_space<vmem>>) offsets(%dma_start3A_246 : memref<32xi32, #tpu.memory_space<vmem>>) semaphore(%arg12 : memref<!tpu.dma_semaphore, #tpu.memory_space<semaphore_mem>>)
    %add3A_250 = arith.constant 192 : i32
    %add3A_251 = arith.addi %mul3A_34, %add3A_250 : i32
    %dma_start3A_252 = arith.constant 0 : i32
    %dma_start3A_253 = tpu.memref_slice %arg4[%add3A_251, %dma_start3A_252] : memref<32768x1024xf32, #tpu.memory_space<hbm>> -> memref<32x1024xf32, #tpu.memory_space<hbm>>
    %dma_start3A_254 = arith.constant 0 : i32
    %dma_start3A_255 = tpu.memref_slice %arg4[%add3A_251, %dma_start3A_254] : memref<32768x1024xf32, #tpu.memory_space<hbm>> -> memref<32x1024xf32, #tpu.memory_space<hbm>>
    tpu.enqueue_dma source(%arg7 : memref<32x1024xf32, #tpu.memory_space<vmem>>) target(%dma_start3A_255 : memref<32x1024xf32, #tpu.memory_space<hbm>>) target_semaphore(%arg13 : memref<!tpu.dma_semaphore, #tpu.memory_space<semaphore_mem>>)
    %dma_wait3A_256 = arith.constant 7 : i32
    %dma_wait3A_257 = arith.constant 0 : i32
    %dma_wait3A_258 = tpu.memref_slice %arg6[%dma_wait3A_256, %dma_wait3A_257] : memref<32x32xi32, #tpu.memory_space<vmem>> -> memref<1x32xi32, #tpu.memory_space<vmem>>
    %dma_wait3A_259 = tpu.memref_squeeze %dma_wait3A_258 : memref<1x32xi32, #tpu.memory_space<vmem>> -> memref<32xi32, #tpu.memory_space<vmem>>
    %dma_wait3A_260 = arith.constant 0 : i32
    %dma_wait3A_261 = arith.constant 0 : i32
    %dma_wait3A_262 = tpu.memref_slice %arg3[%dma_wait3A_260, %dma_wait3A_261] : memref<8194x1024xf32, #tpu.memory_space<hbm>> -> memref<8194x1024xf32, #tpu.memory_space<hbm>>
    tpu.wait_indirect_dma semaphore(%arg11 : memref<!tpu.dma_semaphore, #tpu.memory_space<semaphore_mem>>) src(%dma_wait3A_262 : memref<8194x1024xf32, #tpu.memory_space<hbm>>) dst(%arg8 : memref<32x1024xf32, #tpu.memory_space<vmem>>)
    %dma_wait3A_263 = arith.constant 0 : i32
    %dma_wait3A_264 = tpu.memref_slice %arg4[%add3A_251, %dma_wait3A_263] : memref<32768x1024xf32, #tpu.memory_space<hbm>> -> memref<32x1024xf32, #tpu.memory_space<hbm>>
    %dma_wait3A_265 = arith.constant 0 : i32
    %dma_wait3A_266 = tpu.memref_slice %arg4[%add3A_251, %dma_wait3A_265] : memref<32768x1024xf32, #tpu.memory_space<hbm>> -> memref<32x1024xf32, #tpu.memory_space<hbm>>
    tpu.wait_dma2 semaphore(%arg13 : memref<!tpu.dma_semaphore, #tpu.memory_space<semaphore_mem>>) src(%arg7 : memref<32x1024xf32, #tpu.memory_space<vmem>>) dst(%dma_wait3A_266 : memref<32x1024xf32, #tpu.memory_space<hbm>>)
    %dma_start3A_267 = arith.constant 9 : i32
    %dma_start3A_268 = arith.constant 0 : i32
    %dma_start3A_269 = tpu.memref_slice %arg6[%dma_start3A_267, %dma_start3A_268] : memref<32x32xi32, #tpu.memory_space<vmem>> -> memref<1x32xi32, #tpu.memory_space<vmem>>
    %dma_start3A_270 = tpu.memref_squeeze %dma_start3A_269 : memref<1x32xi32, #tpu.memory_space<vmem>> -> memref<32xi32, #tpu.memory_space<vmem>>
    %dma_start3A_271 = arith.constant 0 : i32
    %dma_start3A_272 = arith.constant 0 : i32
    %dma_start3A_273 = tpu.memref_slice %arg3[%dma_start3A_271, %dma_start3A_272] : memref<8194x1024xf32, #tpu.memory_space<hbm>> -> memref<8194x1024xf32, #tpu.memory_space<hbm>>
    tpu.enqueue_indirect_dma source(%dma_start3A_273 : memref<8194x1024xf32, #tpu.memory_space<hbm>>) target(%arg7 : memref<32x1024xf32, #tpu.memory_space<vmem>>) offsets(%dma_start3A_270 : memref<32xi32, #tpu.memory_space<vmem>>) semaphore(%arg10 : memref<!tpu.dma_semaphore, #tpu.memory_space<semaphore_mem>>)
    %add3A_274 = arith.constant 224 : i32
    %add3A_275 = arith.addi %mul3A_34, %add3A_274 : i32
    %dma_start3A_276 = arith.constant 0 : i32
    %dma_start3A_277 = tpu.memref_slice %arg4[%add3A_275, %dma_start3A_276] : memref<32768x1024xf32, #tpu.memory_space<hbm>> -> memref<32x1024xf32, #tpu.memory_space<hbm>>
    %dma_start3A_278 = arith.constant 0 : i32
    %dma_start3A_279 = tpu.memref_slice %arg4[%add3A_275, %dma_start3A_278] : memref<32768x1024xf32, #tpu.memory_space<hbm>> -> memref<32x1024xf32, #tpu.memory_space<hbm>>
    tpu.enqueue_dma source(%arg8 : memref<32x1024xf32, #tpu.memory_space<vmem>>) target(%dma_start3A_279 : memref<32x1024xf32, #tpu.memory_space<hbm>>) target_semaphore(%arg14 : memref<!tpu.dma_semaphore, #tpu.memory_space<semaphore_mem>>)
    %dma_wait3A_280 = arith.constant 8 : i32
    %dma_wait3A_281 = arith.constant 0 : i32
    %dma_wait3A_282 = tpu.memref_slice %arg6[%dma_wait3A_280, %dma_wait3A_281] : memref<32x32xi32, #tpu.memory_space<vmem>> -> memref<1x32xi32, #tpu.memory_space<vmem>>
    %dma_wait3A_283 = tpu.memref_squeeze %dma_wait3A_282 : memref<1x32xi32, #tpu.memory_space<vmem>> -> memref<32xi32, #tpu.memory_space<vmem>>
    %dma_wait3A_284 = arith.constant 0 : i32
    %dma_wait3A_285 = arith.constant 0 : i32
    %dma_wait3A_286 = tpu.memref_slice %arg3[%dma_wait3A_284, %dma_wait3A_285] : memref<8194x1024xf32, #tpu.memory_space<hbm>> -> memref<8194x1024xf32, #tpu.memory_space<hbm>>
    tpu.wait_indirect_dma semaphore(%arg12 : memref<!tpu.dma_semaphore, #tpu.memory_space<semaphore_mem>>) src(%dma_wait3A_286 : memref<8194x1024xf32, #tpu.memory_space<hbm>>) dst(%arg9 : memref<32x1024xf32, #tpu.memory_space<vmem>>)
    %dma_wait3A_287 = arith.constant 0 : i32
    %dma_wait3A_288 = tpu.memref_slice %arg4[%add3A_275, %dma_wait3A_287] : memref<32768x1024xf32, #tpu.memory_space<hbm>> -> memref<32x1024xf32, #tpu.memory_space<hbm>>
    %dma_wait3A_289 = arith.constant 0 : i32
    %dma_wait3A_290 = tpu.memref_slice %arg4[%add3A_275, %dma_wait3A_289] : memref<32768x1024xf32, #tpu.memory_space<hbm>> -> memref<32x1024xf32, #tpu.memory_space<hbm>>
    tpu.wait_dma2 semaphore(%arg14 : memref<!tpu.dma_semaphore, #tpu.memory_space<semaphore_mem>>) src(%arg8 : memref<32x1024xf32, #tpu.memory_space<vmem>>) dst(%dma_wait3A_290 : memref<32x1024xf32, #tpu.memory_space<hbm>>)
    %dma_start3A_291 = arith.constant 10 : i32
    %dma_start3A_292 = arith.constant 0 : i32
    %dma_start3A_293 = tpu.memref_slice %arg6[%dma_start3A_291, %dma_start3A_292] : memref<32x32xi32, #tpu.memory_space<vmem>> -> memref<1x32xi32, #tpu.memory_space<vmem>>
    %dma_start3A_294 = tpu.memref_squeeze %dma_start3A_293 : memref<1x32xi32, #tpu.memory_space<vmem>> -> memref<32xi32, #tpu.memory_space<vmem>>
    %dma_start3A_295 = arith.constant 0 : i32
    %dma_start3A_296 = arith.constant 0 : i32
    %dma_start3A_297 = tpu.memref_slice %arg3[%dma_start3A_295, %dma_start3A_296] : memref<8194x1024xf32, #tpu.memory_space<hbm>> -> memref<8194x1024xf32, #tpu.memory_space<hbm>>
    tpu.enqueue_indirect_dma source(%dma_start3A_297 : memref<8194x1024xf32, #tpu.memory_space<hbm>>) target(%arg8 : memref<32x1024xf32, #tpu.memory_space<vmem>>) offsets(%dma_start3A_294 : memref<32xi32, #tpu.memory_space<vmem>>) semaphore(%arg11 : memref<!tpu.dma_semaphore, #tpu.memory_space<semaphore_mem>>)
    %add3A_298 = arith.constant 256 : i32
    %add3A_299 = arith.addi %mul3A_34, %add3A_298 : i32
    %dma_start3A_300 = arith.constant 0 : i32
    %dma_start3A_301 = tpu.memref_slice %arg4[%add3A_299, %dma_start3A_300] : memref<32768x1024xf32, #tpu.memory_space<hbm>> -> memref<32x1024xf32, #tpu.memory_space<hbm>>
    %dma_start3A_302 = arith.constant 0 : i32
    %dma_start3A_303 = tpu.memref_slice %arg4[%add3A_299, %dma_start3A_302] : memref<32768x1024xf32, #tpu.memory_space<hbm>> -> memref<32x1024xf32, #tpu.memory_space<hbm>>
    tpu.enqueue_dma source(%arg9 : memref<32x1024xf32, #tpu.memory_space<vmem>>) target(%dma_start3A_303 : memref<32x1024xf32, #tpu.memory_space<hbm>>) target_semaphore(%arg15 : memref<!tpu.dma_semaphore, #tpu.memory_space<semaphore_mem>>)
    %dma_wait3A_304 = arith.constant 9 : i32
    %dma_wait3A_305 = arith.constant 0 : i32
    %dma_wait3A_306 = tpu.memref_slice %arg6[%dma_wait3A_304, %dma_wait3A_305] : memref<32x32xi32, #tpu.memory_space<vmem>> -> memref<1x32xi32, #tpu.memory_space<vmem>>
    %dma_wait3A_307 = tpu.memref_squeeze %dma_wait3A_306 : memref<1x32xi32, #tpu.memory_space<vmem>> -> memref<32xi32, #tpu.memory_space<vmem>>
    %dma_wait3A_308 = arith.constant 0 : i32
    %dma_wait3A_309 = arith.constant 0 : i32
    %dma_wait3A_310 = tpu.memref_slice %arg3[%dma_wait3A_308, %dma_wait3A_309] : memref<8194x1024xf32, #tpu.memory_space<hbm>> -> memref<8194x1024xf32, #tpu.memory_space<hbm>>
    tpu.wait_indirect_dma semaphore(%arg10 : memref<!tpu.dma_semaphore, #tpu.memory_space<semaphore_mem>>) src(%dma_wait3A_310 : memref<8194x1024xf32, #tpu.memory_space<hbm>>) dst(%arg7 : memref<32x1024xf32, #tpu.memory_space<vmem>>)
    %dma_wait3A_311 = arith.constant 0 : i32
    %dma_wait3A_312 = tpu.memref_slice %arg4[%add3A_299, %dma_wait3A_311] : memref<32768x1024xf32, #tpu.memory_space<hbm>> -> memref<32x1024xf32, #tpu.memory_space<hbm>>
    %dma_wait3A_313 = arith.constant 0 : i32
    %dma_wait3A_314 = tpu.memref_slice %arg4[%add3A_299, %dma_wait3A_313] : memref<32768x1024xf32, #tpu.memory_space<hbm>> -> memref<32x1024xf32, #tpu.memory_space<hbm>>
    tpu.wait_dma2 semaphore(%arg15 : memref<!tpu.dma_semaphore, #tpu.memory_space<semaphore_mem>>) src(%arg9 : memref<32x1024xf32, #tpu.memory_space<vmem>>) dst(%dma_wait3A_314 : memref<32x1024xf32, #tpu.memory_space<hbm>>)
    %dma_start3A_315 = arith.constant 11 : i32
    %dma_start3A_316 = arith.constant 0 : i32
    %dma_start3A_317 = tpu.memref_slice %arg6[%dma_start3A_315, %dma_start3A_316] : memref<32x32xi32, #tpu.memory_space<vmem>> -> memref<1x32xi32, #tpu.memory_space<vmem>>
    %dma_start3A_318 = tpu.memref_squeeze %dma_start3A_317 : memref<1x32xi32, #tpu.memory_space<vmem>> -> memref<32xi32, #tpu.memory_space<vmem>>
    %dma_start3A_319 = arith.constant 0 : i32
    %dma_start3A_320 = arith.constant 0 : i32
    %dma_start3A_321 = tpu.memref_slice %arg3[%dma_start3A_319, %dma_start3A_320] : memref<8194x1024xf32, #tpu.memory_space<hbm>> -> memref<8194x1024xf32, #tpu.memory_space<hbm>>
    tpu.enqueue_indirect_dma source(%dma_start3A_321 : memref<8194x1024xf32, #tpu.memory_space<hbm>>) target(%arg9 : memref<32x1024xf32, #tpu.memory_space<vmem>>) offsets(%dma_start3A_318 : memref<32xi32, #tpu.memory_space<vmem>>) semaphore(%arg12 : memref<!tpu.dma_semaphore, #tpu.memory_space<semaphore_mem>>)
    %add3A_322 = arith.constant 288 : i32
    %add3A_323 = arith.addi %mul3A_34, %add3A_322 : i32
    %dma_start3A_324 = arith.constant 0 : i32
    %dma_start3A_325 = tpu.memref_slice %arg4[%add3A_323, %dma_start3A_324] : memref<32768x1024xf32, #tpu.memory_space<hbm>> -> memref<32x1024xf32, #tpu.memory_space<hbm>>
    %dma_start3A_326 = arith.constant 0 : i32
    %dma_start3A_327 = tpu.memref_slice %arg4[%add3A_323, %dma_start3A_326] : memref<32768x1024xf32, #tpu.memory_space<hbm>> -> memref<32x1024xf32, #tpu.memory_space<hbm>>
    tpu.enqueue_dma source(%arg7 : memref<32x1024xf32, #tpu.memory_space<vmem>>) target(%dma_start3A_327 : memref<32x1024xf32, #tpu.memory_space<hbm>>) target_semaphore(%arg13 : memref<!tpu.dma_semaphore, #tpu.memory_space<semaphore_mem>>)
    %dma_wait3A_328 = arith.constant 10 : i32
    %dma_wait3A_329 = arith.constant 0 : i32
    %dma_wait3A_330 = tpu.memref_slice %arg6[%dma_wait3A_328, %dma_wait3A_329] : memref<32x32xi32, #tpu.memory_space<vmem>> -> memref<1x32xi32, #tpu.memory_space<vmem>>
    %dma_wait3A_331 = tpu.memref_squeeze %dma_wait3A_330 : memref<1x32xi32, #tpu.memory_space<vmem>> -> memref<32xi32, #tpu.memory_space<vmem>>
    %dma_wait3A_332 = arith.constant 0 : i32
    %dma_wait3A_333 = arith.constant 0 : i32
    %dma_wait3A_334 = tpu.memref_slice %arg3[%dma_wait3A_332, %dma_wait3A_333] : memref<8194x1024xf32, #tpu.memory_space<hbm>> -> memref<8194x1024xf32, #tpu.memory_space<hbm>>
    tpu.wait_indirect_dma semaphore(%arg11 : memref<!tpu.dma_semaphore, #tpu.memory_space<semaphore_mem>>) src(%dma_wait3A_334 : memref<8194x1024xf32, #tpu.memory_space<hbm>>) dst(%arg8 : memref<32x1024xf32, #tpu.memory_space<vmem>>)
    %dma_wait3A_335 = arith.constant 0 : i32
    %dma_wait3A_336 = tpu.memref_slice %arg4[%add3A_323, %dma_wait3A_335] : memref<32768x1024xf32, #tpu.memory_space<hbm>> -> memref<32x1024xf32, #tpu.memory_space<hbm>>
    %dma_wait3A_337 = arith.constant 0 : i32
    %dma_wait3A_338 = tpu.memref_slice %arg4[%add3A_323, %dma_wait3A_337] : memref<32768x1024xf32, #tpu.memory_space<hbm>> -> memref<32x1024xf32, #tpu.memory_space<hbm>>
    tpu.wait_dma2 semaphore(%arg13 : memref<!tpu.dma_semaphore, #tpu.memory_space<semaphore_mem>>) src(%arg7 : memref<32x1024xf32, #tpu.memory_space<vmem>>) dst(%dma_wait3A_338 : memref<32x1024xf32, #tpu.memory_space<hbm>>)
    %dma_start3A_339 = arith.constant 12 : i32
    %dma_start3A_340 = arith.constant 0 : i32
    %dma_start3A_341 = tpu.memref_slice %arg6[%dma_start3A_339, %dma_start3A_340] : memref<32x32xi32, #tpu.memory_space<vmem>> -> memref<1x32xi32, #tpu.memory_space<vmem>>
    %dma_start3A_342 = tpu.memref_squeeze %dma_start3A_341 : memref<1x32xi32, #tpu.memory_space<vmem>> -> memref<32xi32, #tpu.memory_space<vmem>>
    %dma_start3A_343 = arith.constant 0 : i32
    %dma_start3A_344 = arith.constant 0 : i32
    %dma_start3A_345 = tpu.memref_slice %arg3[%dma_start3A_343, %dma_start3A_344] : memref<8194x1024xf32, #tpu.memory_space<hbm>> -> memref<8194x1024xf32, #tpu.memory_space<hbm>>
    tpu.enqueue_indirect_dma source(%dma_start3A_345 : memref<8194x1024xf32, #tpu.memory_space<hbm>>) target(%arg7 : memref<32x1024xf32, #tpu.memory_space<vmem>>) offsets(%dma_start3A_342 : memref<32xi32, #tpu.memory_space<vmem>>) semaphore(%arg10 : memref<!tpu.dma_semaphore, #tpu.memory_space<semaphore_mem>>)
    %add3A_346 = arith.constant 320 : i32
    %add3A_347 = arith.addi %mul3A_34, %add3A_346 : i32
    %dma_start3A_348 = arith.constant 0 : i32
    %dma_start3A_349 = tpu.memref_slice %arg4[%add3A_347, %dma_start3A_348] : memref<32768x1024xf32, #tpu.memory_space<hbm>> -> memref<32x1024xf32, #tpu.memory_space<hbm>>
    %dma_start3A_350 = arith.constant 0 : i32
    %dma_start3A_351 = tpu.memref_slice %arg4[%add3A_347, %dma_start3A_350] : memref<32768x1024xf32, #tpu.memory_space<hbm>> -> memref<32x1024xf32, #tpu.memory_space<hbm>>
    tpu.enqueue_dma source(%arg8 : memref<32x1024xf32, #tpu.memory_space<vmem>>) target(%dma_start3A_351 : memref<32x1024xf32, #tpu.memory_space<hbm>>) target_semaphore(%arg14 : memref<!tpu.dma_semaphore, #tpu.memory_space<semaphore_mem>>)
    %dma_wait3A_352 = arith.constant 11 : i32
    %dma_wait3A_353 = arith.constant 0 : i32
    %dma_wait3A_354 = tpu.memref_slice %arg6[%dma_wait3A_352, %dma_wait3A_353] : memref<32x32xi32, #tpu.memory_space<vmem>> -> memref<1x32xi32, #tpu.memory_space<vmem>>
    %dma_wait3A_355 = tpu.memref_squeeze %dma_wait3A_354 : memref<1x32xi32, #tpu.memory_space<vmem>> -> memref<32xi32, #tpu.memory_space<vmem>>
    %dma_wait3A_356 = arith.constant 0 : i32
    %dma_wait3A_357 = arith.constant 0 : i32
    %dma_wait3A_358 = tpu.memref_slice %arg3[%dma_wait3A_356, %dma_wait3A_357] : memref<8194x1024xf32, #tpu.memory_space<hbm>> -> memref<8194x1024xf32, #tpu.memory_space<hbm>>
    tpu.wait_indirect_dma semaphore(%arg12 : memref<!tpu.dma_semaphore, #tpu.memory_space<semaphore_mem>>) src(%dma_wait3A_358 : memref<8194x1024xf32, #tpu.memory_space<hbm>>) dst(%arg9 : memref<32x1024xf32, #tpu.memory_space<vmem>>)
    %dma_wait3A_359 = arith.constant 0 : i32
    %dma_wait3A_360 = tpu.memref_slice %arg4[%add3A_347, %dma_wait3A_359] : memref<32768x1024xf32, #tpu.memory_space<hbm>> -> memref<32x1024xf32, #tpu.memory_space<hbm>>
    %dma_wait3A_361 = arith.constant 0 : i32
    %dma_wait3A_362 = tpu.memref_slice %arg4[%add3A_347, %dma_wait3A_361] : memref<32768x1024xf32, #tpu.memory_space<hbm>> -> memref<32x1024xf32, #tpu.memory_space<hbm>>
    tpu.wait_dma2 semaphore(%arg14 : memref<!tpu.dma_semaphore, #tpu.memory_space<semaphore_mem>>) src(%arg8 : memref<32x1024xf32, #tpu.memory_space<vmem>>) dst(%dma_wait3A_362 : memref<32x1024xf32, #tpu.memory_space<hbm>>)
    %dma_start3A_363 = arith.constant 13 : i32
    %dma_start3A_364 = arith.constant 0 : i32
    %dma_start3A_365 = tpu.memref_slice %arg6[%dma_start3A_363, %dma_start3A_364] : memref<32x32xi32, #tpu.memory_space<vmem>> -> memref<1x32xi32, #tpu.memory_space<vmem>>
    %dma_start3A_366 = tpu.memref_squeeze %dma_start3A_365 : memref<1x32xi32, #tpu.memory_space<vmem>> -> memref<32xi32, #tpu.memory_space<vmem>>
    %dma_start3A_367 = arith.constant 0 : i32
    %dma_start3A_368 = arith.constant 0 : i32
    %dma_start3A_369 = tpu.memref_slice %arg3[%dma_start3A_367, %dma_start3A_368] : memref<8194x1024xf32, #tpu.memory_space<hbm>> -> memref<8194x1024xf32, #tpu.memory_space<hbm>>
    tpu.enqueue_indirect_dma source(%dma_start3A_369 : memref<8194x1024xf32, #tpu.memory_space<hbm>>) target(%arg8 : memref<32x1024xf32, #tpu.memory_space<vmem>>) offsets(%dma_start3A_366 : memref<32xi32, #tpu.memory_space<vmem>>) semaphore(%arg11 : memref<!tpu.dma_semaphore, #tpu.memory_space<semaphore_mem>>)
    %add3A_370 = arith.constant 352 : i32
    %add3A_371 = arith.addi %mul3A_34, %add3A_370 : i32
    %dma_start3A_372 = arith.constant 0 : i32
    %dma_start3A_373 = tpu.memref_slice %arg4[%add3A_371, %dma_start3A_372] : memref<32768x1024xf32, #tpu.memory_space<hbm>> -> memref<32x1024xf32, #tpu.memory_space<hbm>>
    %dma_start3A_374 = arith.constant 0 : i32
    %dma_start3A_375 = tpu.memref_slice %arg4[%add3A_371, %dma_start3A_374] : memref<32768x1024xf32, #tpu.memory_space<hbm>> -> memref<32x1024xf32, #tpu.memory_space<hbm>>
    tpu.enqueue_dma source(%arg9 : memref<32x1024xf32, #tpu.memory_space<vmem>>) target(%dma_start3A_375 : memref<32x1024xf32, #tpu.memory_space<hbm>>) target_semaphore(%arg15 : memref<!tpu.dma_semaphore, #tpu.memory_space<semaphore_mem>>)
    %dma_wait3A_376 = arith.constant 12 : i32
    %dma_wait3A_377 = arith.constant 0 : i32
    %dma_wait3A_378 = tpu.memref_slice %arg6[%dma_wait3A_376, %dma_wait3A_377] : memref<32x32xi32, #tpu.memory_space<vmem>> -> memref<1x32xi32, #tpu.memory_space<vmem>>
    %dma_wait3A_379 = tpu.memref_squeeze %dma_wait3A_378 : memref<1x32xi32, #tpu.memory_space<vmem>> -> memref<32xi32, #tpu.memory_space<vmem>>
    %dma_wait3A_380 = arith.constant 0 : i32
    %dma_wait3A_381 = arith.constant 0 : i32
    %dma_wait3A_382 = tpu.memref_slice %arg3[%dma_wait3A_380, %dma_wait3A_381] : memref<8194x1024xf32, #tpu.memory_space<hbm>> -> memref<8194x1024xf32, #tpu.memory_space<hbm>>
    tpu.wait_indirect_dma semaphore(%arg10 : memref<!tpu.dma_semaphore, #tpu.memory_space<semaphore_mem>>) src(%dma_wait3A_382 : memref<8194x1024xf32, #tpu.memory_space<hbm>>) dst(%arg7 : memref<32x1024xf32, #tpu.memory_space<vmem>>)
    %dma_wait3A_383 = arith.constant 0 : i32
    %dma_wait3A_384 = tpu.memref_slice %arg4[%add3A_371, %dma_wait3A_383] : memref<32768x1024xf32, #tpu.memory_space<hbm>> -> memref<32x1024xf32, #tpu.memory_space<hbm>>
    %dma_wait3A_385 = arith.constant 0 : i32
    %dma_wait3A_386 = tpu.memref_slice %arg4[%add3A_371, %dma_wait3A_385] : memref<32768x1024xf32, #tpu.memory_space<hbm>> -> memref<32x1024xf32, #tpu.memory_space<hbm>>
    tpu.wait_dma2 semaphore(%arg15 : memref<!tpu.dma_semaphore, #tpu.memory_space<semaphore_mem>>) src(%arg9 : memref<32x1024xf32, #tpu.memory_space<vmem>>) dst(%dma_wait3A_386 : memref<32x1024xf32, #tpu.memory_space<hbm>>)
    %dma_start3A_387 = arith.constant 14 : i32
    %dma_start3A_388 = arith.constant 0 : i32
    %dma_start3A_389 = tpu.memref_slice %arg6[%dma_start3A_387, %dma_start3A_388] : memref<32x32xi32, #tpu.memory_space<vmem>> -> memref<1x32xi32, #tpu.memory_space<vmem>>
    %dma_start3A_390 = tpu.memref_squeeze %dma_start3A_389 : memref<1x32xi32, #tpu.memory_space<vmem>> -> memref<32xi32, #tpu.memory_space<vmem>>
    %dma_start3A_391 = arith.constant 0 : i32
    %dma_start3A_392 = arith.constant 0 : i32
    %dma_start3A_393 = tpu.memref_slice %arg3[%dma_start3A_391, %dma_start3A_392] : memref<8194x1024xf32, #tpu.memory_space<hbm>> -> memref<8194x1024xf32, #tpu.memory_space<hbm>>
    tpu.enqueue_indirect_dma source(%dma_start3A_393 : memref<8194x1024xf32, #tpu.memory_space<hbm>>) target(%arg9 : memref<32x1024xf32, #tpu.memory_space<vmem>>) offsets(%dma_start3A_390 : memref<32xi32, #tpu.memory_space<vmem>>) semaphore(%arg12 : memref<!tpu.dma_semaphore, #tpu.memory_space<semaphore_mem>>)
    %add3A_394 = arith.constant 384 : i32
    %add3A_395 = arith.addi %mul3A_34, %add3A_394 : i32
    %dma_start3A_396 = arith.constant 0 : i32
    %dma_start3A_397 = tpu.memref_slice %arg4[%add3A_395, %dma_start3A_396] : memref<32768x1024xf32, #tpu.memory_space<hbm>> -> memref<32x1024xf32, #tpu.memory_space<hbm>>
    %dma_start3A_398 = arith.constant 0 : i32
    %dma_start3A_399 = tpu.memref_slice %arg4[%add3A_395, %dma_start3A_398] : memref<32768x1024xf32, #tpu.memory_space<hbm>> -> memref<32x1024xf32, #tpu.memory_space<hbm>>
    tpu.enqueue_dma source(%arg7 : memref<32x1024xf32, #tpu.memory_space<vmem>>) target(%dma_start3A_399 : memref<32x1024xf32, #tpu.memory_space<hbm>>) target_semaphore(%arg13 : memref<!tpu.dma_semaphore, #tpu.memory_space<semaphore_mem>>)
    %dma_wait3A_400 = arith.constant 13 : i32
    %dma_wait3A_401 = arith.constant 0 : i32
    %dma_wait3A_402 = tpu.memref_slice %arg6[%dma_wait3A_400, %dma_wait3A_401] : memref<32x32xi32, #tpu.memory_space<vmem>> -> memref<1x32xi32, #tpu.memory_space<vmem>>
    %dma_wait3A_403 = tpu.memref_squeeze %dma_wait3A_402 : memref<1x32xi32, #tpu.memory_space<vmem>> -> memref<32xi32, #tpu.memory_space<vmem>>
    %dma_wait3A_404 = arith.constant 0 : i32
    %dma_wait3A_405 = arith.constant 0 : i32
    %dma_wait3A_406 = tpu.memref_slice %arg3[%dma_wait3A_404, %dma_wait3A_405] : memref<8194x1024xf32, #tpu.memory_space<hbm>> -> memref<8194x1024xf32, #tpu.memory_space<hbm>>
    tpu.wait_indirect_dma semaphore(%arg11 : memref<!tpu.dma_semaphore, #tpu.memory_space<semaphore_mem>>) src(%dma_wait3A_406 : memref<8194x1024xf32, #tpu.memory_space<hbm>>) dst(%arg8 : memref<32x1024xf32, #tpu.memory_space<vmem>>)
    %dma_wait3A_407 = arith.constant 0 : i32
    %dma_wait3A_408 = tpu.memref_slice %arg4[%add3A_395, %dma_wait3A_407] : memref<32768x1024xf32, #tpu.memory_space<hbm>> -> memref<32x1024xf32, #tpu.memory_space<hbm>>
    %dma_wait3A_409 = arith.constant 0 : i32
    %dma_wait3A_410 = tpu.memref_slice %arg4[%add3A_395, %dma_wait3A_409] : memref<32768x1024xf32, #tpu.memory_space<hbm>> -> memref<32x1024xf32, #tpu.memory_space<hbm>>
    tpu.wait_dma2 semaphore(%arg13 : memref<!tpu.dma_semaphore, #tpu.memory_space<semaphore_mem>>) src(%arg7 : memref<32x1024xf32, #tpu.memory_space<vmem>>) dst(%dma_wait3A_410 : memref<32x1024xf32, #tpu.memory_space<hbm>>)
    %dma_start3A_411 = arith.constant 15 : i32
    %dma_start3A_412 = arith.constant 0 : i32
    %dma_start3A_413 = tpu.memref_slice %arg6[%dma_start3A_411, %dma_start3A_412] : memref<32x32xi32, #tpu.memory_space<vmem>> -> memref<1x32xi32, #tpu.memory_space<vmem>>
    %dma_start3A_414 = tpu.memref_squeeze %dma_start3A_413 : memref<1x32xi32, #tpu.memory_space<vmem>> -> memref<32xi32, #tpu.memory_space<vmem>>
    %dma_start3A_415 = arith.constant 0 : i32
    %dma_start3A_416 = arith.constant 0 : i32
    %dma_start3A_417 = tpu.memref_slice %arg3[%dma_start3A_415, %dma_start3A_416] : memref<8194x1024xf32, #tpu.memory_space<hbm>> -> memref<8194x1024xf32, #tpu.memory_space<hbm>>
    tpu.enqueue_indirect_dma source(%dma_start3A_417 : memref<8194x1024xf32, #tpu.memory_space<hbm>>) target(%arg7 : memref<32x1024xf32, #tpu.memory_space<vmem>>) offsets(%dma_start3A_414 : memref<32xi32, #tpu.memory_space<vmem>>) semaphore(%arg10 : memref<!tpu.dma_semaphore, #tpu.memory_space<semaphore_mem>>)
    %add3A_418 = arith.constant 416 : i32
    %add3A_419 = arith.addi %mul3A_34, %add3A_418 : i32
    %dma_start3A_420 = arith.constant 0 : i32
    %dma_start3A_421 = tpu.memref_slice %arg4[%add3A_419, %dma_start3A_420] : memref<32768x1024xf32, #tpu.memory_space<hbm>> -> memref<32x1024xf32, #tpu.memory_space<hbm>>
    %dma_start3A_422 = arith.constant 0 : i32
    %dma_start3A_423 = tpu.memref_slice %arg4[%add3A_419, %dma_start3A_422] : memref<32768x1024xf32, #tpu.memory_space<hbm>> -> memref<32x1024xf32, #tpu.memory_space<hbm>>
    tpu.enqueue_dma source(%arg8 : memref<32x1024xf32, #tpu.memory_space<vmem>>) target(%dma_start3A_423 : memref<32x1024xf32, #tpu.memory_space<hbm>>) target_semaphore(%arg14 : memref<!tpu.dma_semaphore, #tpu.memory_space<semaphore_mem>>)
    %dma_wait3A_424 = arith.constant 14 : i32
    %dma_wait3A_425 = arith.constant 0 : i32
    %dma_wait3A_426 = tpu.memref_slice %arg6[%dma_wait3A_424, %dma_wait3A_425] : memref<32x32xi32, #tpu.memory_space<vmem>> -> memref<1x32xi32, #tpu.memory_space<vmem>>
    %dma_wait3A_427 = tpu.memref_squeeze %dma_wait3A_426 : memref<1x32xi32, #tpu.memory_space<vmem>> -> memref<32xi32, #tpu.memory_space<vmem>>
    %dma_wait3A_428 = arith.constant 0 : i32
    %dma_wait3A_429 = arith.constant 0 : i32
    %dma_wait3A_430 = tpu.memref_slice %arg3[%dma_wait3A_428, %dma_wait3A_429] : memref<8194x1024xf32, #tpu.memory_space<hbm>> -> memref<8194x1024xf32, #tpu.memory_space<hbm>>
    tpu.wait_indirect_dma semaphore(%arg12 : memref<!tpu.dma_semaphore, #tpu.memory_space<semaphore_mem>>) src(%dma_wait3A_430 : memref<8194x1024xf32, #tpu.memory_space<hbm>>) dst(%arg9 : memref<32x1024xf32, #tpu.memory_space<vmem>>)
    %dma_wait3A_431 = arith.constant 0 : i32
    %dma_wait3A_432 = tpu.memref_slice %arg4[%add3A_419, %dma_wait3A_431] : memref<32768x1024xf32, #tpu.memory_space<hbm>> -> memref<32x1024xf32, #tpu.memory_space<hbm>>
    %dma_wait3A_433 = arith.constant 0 : i32
    %dma_wait3A_434 = tpu.memref_slice %arg4[%add3A_419, %dma_wait3A_433] : memref<32768x1024xf32, #tpu.memory_space<hbm>> -> memref<32x1024xf32, #tpu.memory_space<hbm>>
    tpu.wait_dma2 semaphore(%arg14 : memref<!tpu.dma_semaphore, #tpu.memory_space<semaphore_mem>>) src(%arg8 : memref<32x1024xf32, #tpu.memory_space<vmem>>) dst(%dma_wait3A_434 : memref<32x1024xf32, #tpu.memory_space<hbm>>)
    %dma_start3A_435 = arith.constant 16 : i32
    %dma_start3A_436 = arith.constant 0 : i32
    %dma_start3A_437 = tpu.memref_slice %arg6[%dma_start3A_435, %dma_start3A_436] : memref<32x32xi32, #tpu.memory_space<vmem>> -> memref<1x32xi32, #tpu.memory_space<vmem>>
    %dma_start3A_438 = tpu.memref_squeeze %dma_start3A_437 : memref<1x32xi32, #tpu.memory_space<vmem>> -> memref<32xi32, #tpu.memory_space<vmem>>
    %dma_start3A_439 = arith.constant 0 : i32
    %dma_start3A_440 = arith.constant 0 : i32
    %dma_start3A_441 = tpu.memref_slice %arg3[%dma_start3A_439, %dma_start3A_440] : memref<8194x1024xf32, #tpu.memory_space<hbm>> -> memref<8194x1024xf32, #tpu.memory_space<hbm>>
    tpu.enqueue_indirect_dma source(%dma_start3A_441 : memref<8194x1024xf32, #tpu.memory_space<hbm>>) target(%arg8 : memref<32x1024xf32, #tpu.memory_space<vmem>>) offsets(%dma_start3A_438 : memref<32xi32, #tpu.memory_space<vmem>>) semaphore(%arg11 : memref<!tpu.dma_semaphore, #tpu.memory_space<semaphore_mem>>)
    %add3A_442 = arith.constant 448 : i32
    %add3A_443 = arith.addi %mul3A_34, %add3A_442 : i32
    %dma_start3A_444 = arith.constant 0 : i32
    %dma_start3A_445 = tpu.memref_slice %arg4[%add3A_443, %dma_start3A_444] : memref<32768x1024xf32, #tpu.memory_space<hbm>> -> memref<32x1024xf32, #tpu.memory_space<hbm>>
    %dma_start3A_446 = arith.constant 0 : i32
    %dma_start3A_447 = tpu.memref_slice %arg4[%add3A_443, %dma_start3A_446] : memref<32768x1024xf32, #tpu.memory_space<hbm>> -> memref<32x1024xf32, #tpu.memory_space<hbm>>
    tpu.enqueue_dma source(%arg9 : memref<32x1024xf32, #tpu.memory_space<vmem>>) target(%dma_start3A_447 : memref<32x1024xf32, #tpu.memory_space<hbm>>) target_semaphore(%arg15 : memref<!tpu.dma_semaphore, #tpu.memory_space<semaphore_mem>>)
    %dma_wait3A_448 = arith.constant 15 : i32
    %dma_wait3A_449 = arith.constant 0 : i32
    %dma_wait3A_450 = tpu.memref_slice %arg6[%dma_wait3A_448, %dma_wait3A_449] : memref<32x32xi32, #tpu.memory_space<vmem>> -> memref<1x32xi32, #tpu.memory_space<vmem>>
    %dma_wait3A_451 = tpu.memref_squeeze %dma_wait3A_450 : memref<1x32xi32, #tpu.memory_space<vmem>> -> memref<32xi32, #tpu.memory_space<vmem>>
    %dma_wait3A_452 = arith.constant 0 : i32
    %dma_wait3A_453 = arith.constant 0 : i32
    %dma_wait3A_454 = tpu.memref_slice %arg3[%dma_wait3A_452, %dma_wait3A_453] : memref<8194x1024xf32, #tpu.memory_space<hbm>> -> memref<8194x1024xf32, #tpu.memory_space<hbm>>
    tpu.wait_indirect_dma semaphore(%arg10 : memref<!tpu.dma_semaphore, #tpu.memory_space<semaphore_mem>>) src(%dma_wait3A_454 : memref<8194x1024xf32, #tpu.memory_space<hbm>>) dst(%arg7 : memref<32x1024xf32, #tpu.memory_space<vmem>>)
    %dma_wait3A_455 = arith.constant 0 : i32
    %dma_wait3A_456 = tpu.memref_slice %arg4[%add3A_443, %dma_wait3A_455] : memref<32768x1024xf32, #tpu.memory_space<hbm>> -> memref<32x1024xf32, #tpu.memory_space<hbm>>
    %dma_wait3A_457 = arith.constant 0 : i32
    %dma_wait3A_458 = tpu.memref_slice %arg4[%add3A_443, %dma_wait3A_457] : memref<32768x1024xf32, #tpu.memory_space<hbm>> -> memref<32x1024xf32, #tpu.memory_space<hbm>>
    tpu.wait_dma2 semaphore(%arg15 : memref<!tpu.dma_semaphore, #tpu.memory_space<semaphore_mem>>) src(%arg9 : memref<32x1024xf32, #tpu.memory_space<vmem>>) dst(%dma_wait3A_458 : memref<32x1024xf32, #tpu.memory_space<hbm>>)
    %dma_start3A_459 = arith.constant 17 : i32
    %dma_start3A_460 = arith.constant 0 : i32
    %dma_start3A_461 = tpu.memref_slice %arg6[%dma_start3A_459, %dma_start3A_460] : memref<32x32xi32, #tpu.memory_space<vmem>> -> memref<1x32xi32, #tpu.memory_space<vmem>>
    %dma_start3A_462 = tpu.memref_squeeze %dma_start3A_461 : memref<1x32xi32, #tpu.memory_space<vmem>> -> memref<32xi32, #tpu.memory_space<vmem>>
    %dma_start3A_463 = arith.constant 0 : i32
    %dma_start3A_464 = arith.constant 0 : i32
    %dma_start3A_465 = tpu.memref_slice %arg3[%dma_start3A_463, %dma_start3A_464] : memref<8194x1024xf32, #tpu.memory_space<hbm>> -> memref<8194x1024xf32, #tpu.memory_space<hbm>>
    tpu.enqueue_indirect_dma source(%dma_start3A_465 : memref<8194x1024xf32, #tpu.memory_space<hbm>>) target(%arg9 : memref<32x1024xf32, #tpu.memory_space<vmem>>) offsets(%dma_start3A_462 : memref<32xi32, #tpu.memory_space<vmem>>) semaphore(%arg12 : memref<!tpu.dma_semaphore, #tpu.memory_space<semaphore_mem>>)
    %add3A_466 = arith.constant 480 : i32
    %add3A_467 = arith.addi %mul3A_34, %add3A_466 : i32
    %dma_start3A_468 = arith.constant 0 : i32
    %dma_start3A_469 = tpu.memref_slice %arg4[%add3A_467, %dma_start3A_468] : memref<32768x1024xf32, #tpu.memory_space<hbm>> -> memref<32x1024xf32, #tpu.memory_space<hbm>>
    %dma_start3A_470 = arith.constant 0 : i32
    %dma_start3A_471 = tpu.memref_slice %arg4[%add3A_467, %dma_start3A_470] : memref<32768x1024xf32, #tpu.memory_space<hbm>> -> memref<32x1024xf32, #tpu.memory_space<hbm>>
    tpu.enqueue_dma source(%arg7 : memref<32x1024xf32, #tpu.memory_space<vmem>>) target(%dma_start3A_471 : memref<32x1024xf32, #tpu.memory_space<hbm>>) target_semaphore(%arg13 : memref<!tpu.dma_semaphore, #tpu.memory_space<semaphore_mem>>)
    %dma_wait3A_472 = arith.constant 16 : i32
    %dma_wait3A_473 = arith.constant 0 : i32
    %dma_wait3A_474 = tpu.memref_slice %arg6[%dma_wait3A_472, %dma_wait3A_473] : memref<32x32xi32, #tpu.memory_space<vmem>> -> memref<1x32xi32, #tpu.memory_space<vmem>>
    %dma_wait3A_475 = tpu.memref_squeeze %dma_wait3A_474 : memref<1x32xi32, #tpu.memory_space<vmem>> -> memref<32xi32, #tpu.memory_space<vmem>>
    %dma_wait3A_476 = arith.constant 0 : i32
    %dma_wait3A_477 = arith.constant 0 : i32
    %dma_wait3A_478 = tpu.memref_slice %arg3[%dma_wait3A_476, %dma_wait3A_477] : memref<8194x1024xf32, #tpu.memory_space<hbm>> -> memref<8194x1024xf32, #tpu.memory_space<hbm>>
    tpu.wait_indirect_dma semaphore(%arg11 : memref<!tpu.dma_semaphore, #tpu.memory_space<semaphore_mem>>) src(%dma_wait3A_478 : memref<8194x1024xf32, #tpu.memory_space<hbm>>) dst(%arg8 : memref<32x1024xf32, #tpu.memory_space<vmem>>)
    %dma_wait3A_479 = arith.constant 0 : i32
    %dma_wait3A_480 = tpu.memref_slice %arg4[%add3A_467, %dma_wait3A_479] : memref<32768x1024xf32, #tpu.memory_space<hbm>> -> memref<32x1024xf32, #tpu.memory_space<hbm>>
    %dma_wait3A_481 = arith.constant 0 : i32
    %dma_wait3A_482 = tpu.memref_slice %arg4[%add3A_467, %dma_wait3A_481] : memref<32768x1024xf32, #tpu.memory_space<hbm>> -> memref<32x1024xf32, #tpu.memory_space<hbm>>
    tpu.wait_dma2 semaphore(%arg13 : memref<!tpu.dma_semaphore, #tpu.memory_space<semaphore_mem>>) src(%arg7 : memref<32x1024xf32, #tpu.memory_space<vmem>>) dst(%dma_wait3A_482 : memref<32x1024xf32, #tpu.memory_space<hbm>>)
    %dma_start3A_483 = arith.constant 18 : i32
    %dma_start3A_484 = arith.constant 0 : i32
    %dma_start3A_485 = tpu.memref_slice %arg6[%dma_start3A_483, %dma_start3A_484] : memref<32x32xi32, #tpu.memory_space<vmem>> -> memref<1x32xi32, #tpu.memory_space<vmem>>
    %dma_start3A_486 = tpu.memref_squeeze %dma_start3A_485 : memref<1x32xi32, #tpu.memory_space<vmem>> -> memref<32xi32, #tpu.memory_space<vmem>>
    %dma_start3A_487 = arith.constant 0 : i32
    %dma_start3A_488 = arith.constant 0 : i32
    %dma_start3A_489 = tpu.memref_slice %arg3[%dma_start3A_487, %dma_start3A_488] : memref<8194x1024xf32, #tpu.memory_space<hbm>> -> memref<8194x1024xf32, #tpu.memory_space<hbm>>
    tpu.enqueue_indirect_dma source(%dma_start3A_489 : memref<8194x1024xf32, #tpu.memory_space<hbm>>) target(%arg7 : memref<32x1024xf32, #tpu.memory_space<vmem>>) offsets(%dma_start3A_486 : memref<32xi32, #tpu.memory_space<vmem>>) semaphore(%arg10 : memref<!tpu.dma_semaphore, #tpu.memory_space<semaphore_mem>>)
    %add3A_490 = arith.constant 512 : i32
    %add3A_491 = arith.addi %mul3A_34, %add3A_490 : i32
    %dma_start3A_492 = arith.constant 0 : i32
    %dma_start3A_493 = tpu.memref_slice %arg4[%add3A_491, %dma_start3A_492] : memref<32768x1024xf32, #tpu.memory_space<hbm>> -> memref<32x1024xf32, #tpu.memory_space<hbm>>
    %dma_start3A_494 = arith.constant 0 : i32
    %dma_start3A_495 = tpu.memref_slice %arg4[%add3A_491, %dma_start3A_494] : memref<32768x1024xf32, #tpu.memory_space<hbm>> -> memref<32x1024xf32, #tpu.memory_space<hbm>>
    tpu.enqueue_dma source(%arg8 : memref<32x1024xf32, #tpu.memory_space<vmem>>) target(%dma_start3A_495 : memref<32x1024xf32, #tpu.memory_space<hbm>>) target_semaphore(%arg14 : memref<!tpu.dma_semaphore, #tpu.memory_space<semaphore_mem>>)
    %dma_wait3A_496 = arith.constant 17 : i32
    %dma_wait3A_497 = arith.constant 0 : i32
    %dma_wait3A_498 = tpu.memref_slice %arg6[%dma_wait3A_496, %dma_wait3A_497] : memref<32x32xi32, #tpu.memory_space<vmem>> -> memref<1x32xi32, #tpu.memory_space<vmem>>
    %dma_wait3A_499 = tpu.memref_squeeze %dma_wait3A_498 : memref<1x32xi32, #tpu.memory_space<vmem>> -> memref<32xi32, #tpu.memory_space<vmem>>
    %dma_wait3A_500 = arith.constant 0 : i32
    %dma_wait3A_501 = arith.constant 0 : i32
    %dma_wait3A_502 = tpu.memref_slice %arg3[%dma_wait3A_500, %dma_wait3A_501] : memref<8194x1024xf32, #tpu.memory_space<hbm>> -> memref<8194x1024xf32, #tpu.memory_space<hbm>>
    tpu.wait_indirect_dma semaphore(%arg12 : memref<!tpu.dma_semaphore, #tpu.memory_space<semaphore_mem>>) src(%dma_wait3A_502 : memref<8194x1024xf32, #tpu.memory_space<hbm>>) dst(%arg9 : memref<32x1024xf32, #tpu.memory_space<vmem>>)
    %dma_wait3A_503 = arith.constant 0 : i32
    %dma_wait3A_504 = tpu.memref_slice %arg4[%add3A_491, %dma_wait3A_503] : memref<32768x1024xf32, #tpu.memory_space<hbm>> -> memref<32x1024xf32, #tpu.memory_space<hbm>>
    %dma_wait3A_505 = arith.constant 0 : i32
    %dma_wait3A_506 = tpu.memref_slice %arg4[%add3A_491, %dma_wait3A_505] : memref<32768x1024xf32, #tpu.memory_space<hbm>> -> memref<32x1024xf32, #tpu.memory_space<hbm>>
    tpu.wait_dma2 semaphore(%arg14 : memref<!tpu.dma_semaphore, #tpu.memory_space<semaphore_mem>>) src(%arg8 : memref<32x1024xf32, #tpu.memory_space<vmem>>) dst(%dma_wait3A_506 : memref<32x1024xf32, #tpu.memory_space<hbm>>)
    %dma_start3A_507 = arith.constant 19 : i32
    %dma_start3A_508 = arith.constant 0 : i32
    %dma_start3A_509 = tpu.memref_slice %arg6[%dma_start3A_507, %dma_start3A_508] : memref<32x32xi32, #tpu.memory_space<vmem>> -> memref<1x32xi32, #tpu.memory_space<vmem>>
    %dma_start3A_510 = tpu.memref_squeeze %dma_start3A_509 : memref<1x32xi32, #tpu.memory_space<vmem>> -> memref<32xi32, #tpu.memory_space<vmem>>
    %dma_start3A_511 = arith.constant 0 : i32
    %dma_start3A_512 = arith.constant 0 : i32
    %dma_start3A_513 = tpu.memref_slice %arg3[%dma_start3A_511, %dma_start3A_512] : memref<8194x1024xf32, #tpu.memory_space<hbm>> -> memref<8194x1024xf32, #tpu.memory_space<hbm>>
    tpu.enqueue_indirect_dma source(%dma_start3A_513 : memref<8194x1024xf32, #tpu.memory_space<hbm>>) target(%arg8 : memref<32x1024xf32, #tpu.memory_space<vmem>>) offsets(%dma_start3A_510 : memref<32xi32, #tpu.memory_space<vmem>>) semaphore(%arg11 : memref<!tpu.dma_semaphore, #tpu.memory_space<semaphore_mem>>)
    %add3A_514 = arith.constant 544 : i32
    %add3A_515 = arith.addi %mul3A_34, %add3A_514 : i32
    %dma_start3A_516 = arith.constant 0 : i32
    %dma_start3A_517 = tpu.memref_slice %arg4[%add3A_515, %dma_start3A_516] : memref<32768x1024xf32, #tpu.memory_space<hbm>> -> memref<32x1024xf32, #tpu.memory_space<hbm>>
    %dma_start3A_518 = arith.constant 0 : i32
    %dma_start3A_519 = tpu.memref_slice %arg4[%add3A_515, %dma_start3A_518] : memref<32768x1024xf32, #tpu.memory_space<hbm>> -> memref<32x1024xf32, #tpu.memory_space<hbm>>
    tpu.enqueue_dma source(%arg9 : memref<32x1024xf32, #tpu.memory_space<vmem>>) target(%dma_start3A_519 : memref<32x1024xf32, #tpu.memory_space<hbm>>) target_semaphore(%arg15 : memref<!tpu.dma_semaphore, #tpu.memory_space<semaphore_mem>>)
    %dma_wait3A_520 = arith.constant 18 : i32
    %dma_wait3A_521 = arith.constant 0 : i32
    %dma_wait3A_522 = tpu.memref_slice %arg6[%dma_wait3A_520, %dma_wait3A_521] : memref<32x32xi32, #tpu.memory_space<vmem>> -> memref<1x32xi32, #tpu.memory_space<vmem>>
    %dma_wait3A_523 = tpu.memref_squeeze %dma_wait3A_522 : memref<1x32xi32, #tpu.memory_space<vmem>> -> memref<32xi32, #tpu.memory_space<vmem>>
    %dma_wait3A_524 = arith.constant 0 : i32
    %dma_wait3A_525 = arith.constant 0 : i32
    %dma_wait3A_526 = tpu.memref_slice %arg3[%dma_wait3A_524, %dma_wait3A_525] : memref<8194x1024xf32, #tpu.memory_space<hbm>> -> memref<8194x1024xf32, #tpu.memory_space<hbm>>
    tpu.wait_indirect_dma semaphore(%arg10 : memref<!tpu.dma_semaphore, #tpu.memory_space<semaphore_mem>>) src(%dma_wait3A_526 : memref<8194x1024xf32, #tpu.memory_space<hbm>>) dst(%arg7 : memref<32x1024xf32, #tpu.memory_space<vmem>>)
    %dma_wait3A_527 = arith.constant 0 : i32
    %dma_wait3A_528 = tpu.memref_slice %arg4[%add3A_515, %dma_wait3A_527] : memref<32768x1024xf32, #tpu.memory_space<hbm>> -> memref<32x1024xf32, #tpu.memory_space<hbm>>
    %dma_wait3A_529 = arith.constant 0 : i32
    %dma_wait3A_530 = tpu.memref_slice %arg4[%add3A_515, %dma_wait3A_529] : memref<32768x1024xf32, #tpu.memory_space<hbm>> -> memref<32x1024xf32, #tpu.memory_space<hbm>>
    tpu.wait_dma2 semaphore(%arg15 : memref<!tpu.dma_semaphore, #tpu.memory_space<semaphore_mem>>) src(%arg9 : memref<32x1024xf32, #tpu.memory_space<vmem>>) dst(%dma_wait3A_530 : memref<32x1024xf32, #tpu.memory_space<hbm>>)
    %dma_start3A_531 = arith.constant 20 : i32
    %dma_start3A_532 = arith.constant 0 : i32
    %dma_start3A_533 = tpu.memref_slice %arg6[%dma_start3A_531, %dma_start3A_532] : memref<32x32xi32, #tpu.memory_space<vmem>> -> memref<1x32xi32, #tpu.memory_space<vmem>>
    %dma_start3A_534 = tpu.memref_squeeze %dma_start3A_533 : memref<1x32xi32, #tpu.memory_space<vmem>> -> memref<32xi32, #tpu.memory_space<vmem>>
    %dma_start3A_535 = arith.constant 0 : i32
    %dma_start3A_536 = arith.constant 0 : i32
    %dma_start3A_537 = tpu.memref_slice %arg3[%dma_start3A_535, %dma_start3A_536] : memref<8194x1024xf32, #tpu.memory_space<hbm>> -> memref<8194x1024xf32, #tpu.memory_space<hbm>>
    tpu.enqueue_indirect_dma source(%dma_start3A_537 : memref<8194x1024xf32, #tpu.memory_space<hbm>>) target(%arg9 : memref<32x1024xf32, #tpu.memory_space<vmem>>) offsets(%dma_start3A_534 : memref<32xi32, #tpu.memory_space<vmem>>) semaphore(%arg12 : memref<!tpu.dma_semaphore, #tpu.memory_space<semaphore_mem>>)
    %add3A_538 = arith.constant 576 : i32
    %add3A_539 = arith.addi %mul3A_34, %add3A_538 : i32
    %dma_start3A_540 = arith.constant 0 : i32
    %dma_start3A_541 = tpu.memref_slice %arg4[%add3A_539, %dma_start3A_540] : memref<32768x1024xf32, #tpu.memory_space<hbm>> -> memref<32x1024xf32, #tpu.memory_space<hbm>>
    %dma_start3A_542 = arith.constant 0 : i32
    %dma_start3A_543 = tpu.memref_slice %arg4[%add3A_539, %dma_start3A_542] : memref<32768x1024xf32, #tpu.memory_space<hbm>> -> memref<32x1024xf32, #tpu.memory_space<hbm>>
    tpu.enqueue_dma source(%arg7 : memref<32x1024xf32, #tpu.memory_space<vmem>>) target(%dma_start3A_543 : memref<32x1024xf32, #tpu.memory_space<hbm>>) target_semaphore(%arg13 : memref<!tpu.dma_semaphore, #tpu.memory_space<semaphore_mem>>)
    %dma_wait3A_544 = arith.constant 19 : i32
    %dma_wait3A_545 = arith.constant 0 : i32
    %dma_wait3A_546 = tpu.memref_slice %arg6[%dma_wait3A_544, %dma_wait3A_545] : memref<32x32xi32, #tpu.memory_space<vmem>> -> memref<1x32xi32, #tpu.memory_space<vmem>>
    %dma_wait3A_547 = tpu.memref_squeeze %dma_wait3A_546 : memref<1x32xi32, #tpu.memory_space<vmem>> -> memref<32xi32, #tpu.memory_space<vmem>>
    %dma_wait3A_548 = arith.constant 0 : i32
    %dma_wait3A_549 = arith.constant 0 : i32
    %dma_wait3A_550 = tpu.memref_slice %arg3[%dma_wait3A_548, %dma_wait3A_549] : memref<8194x1024xf32, #tpu.memory_space<hbm>> -> memref<8194x1024xf32, #tpu.memory_space<hbm>>
    tpu.wait_indirect_dma semaphore(%arg11 : memref<!tpu.dma_semaphore, #tpu.memory_space<semaphore_mem>>) src(%dma_wait3A_550 : memref<8194x1024xf32, #tpu.memory_space<hbm>>) dst(%arg8 : memref<32x1024xf32, #tpu.memory_space<vmem>>)
    %dma_wait3A_551 = arith.constant 0 : i32
    %dma_wait3A_552 = tpu.memref_slice %arg4[%add3A_539, %dma_wait3A_551] : memref<32768x1024xf32, #tpu.memory_space<hbm>> -> memref<32x1024xf32, #tpu.memory_space<hbm>>
    %dma_wait3A_553 = arith.constant 0 : i32
    %dma_wait3A_554 = tpu.memref_slice %arg4[%add3A_539, %dma_wait3A_553] : memref<32768x1024xf32, #tpu.memory_space<hbm>> -> memref<32x1024xf32, #tpu.memory_space<hbm>>
    tpu.wait_dma2 semaphore(%arg13 : memref<!tpu.dma_semaphore, #tpu.memory_space<semaphore_mem>>) src(%arg7 : memref<32x1024xf32, #tpu.memory_space<vmem>>) dst(%dma_wait3A_554 : memref<32x1024xf32, #tpu.memory_space<hbm>>)
    %dma_start3A_555 = arith.constant 21 : i32
    %dma_start3A_556 = arith.constant 0 : i32
    %dma_start3A_557 = tpu.memref_slice %arg6[%dma_start3A_555, %dma_start3A_556] : memref<32x32xi32, #tpu.memory_space<vmem>> -> memref<1x32xi32, #tpu.memory_space<vmem>>
    %dma_start3A_558 = tpu.memref_squeeze %dma_start3A_557 : memref<1x32xi32, #tpu.memory_space<vmem>> -> memref<32xi32, #tpu.memory_space<vmem>>
    %dma_start3A_559 = arith.constant 0 : i32
    %dma_start3A_560 = arith.constant 0 : i32
    %dma_start3A_561 = tpu.memref_slice %arg3[%dma_start3A_559, %dma_start3A_560] : memref<8194x1024xf32, #tpu.memory_space<hbm>> -> memref<8194x1024xf32, #tpu.memory_space<hbm>>
    tpu.enqueue_indirect_dma source(%dma_start3A_561 : memref<8194x1024xf32, #tpu.memory_space<hbm>>) target(%arg7 : memref<32x1024xf32, #tpu.memory_space<vmem>>) offsets(%dma_start3A_558 : memref<32xi32, #tpu.memory_space<vmem>>) semaphore(%arg10 : memref<!tpu.dma_semaphore, #tpu.memory_space<semaphore_mem>>)
    %add3A_562 = arith.constant 608 : i32
    %add3A_563 = arith.addi %mul3A_34, %add3A_562 : i32
    %dma_start3A_564 = arith.constant 0 : i32
    %dma_start3A_565 = tpu.memref_slice %arg4[%add3A_563, %dma_start3A_564] : memref<32768x1024xf32, #tpu.memory_space<hbm>> -> memref<32x1024xf32, #tpu.memory_space<hbm>>
    %dma_start3A_566 = arith.constant 0 : i32
    %dma_start3A_567 = tpu.memref_slice %arg4[%add3A_563, %dma_start3A_566] : memref<32768x1024xf32, #tpu.memory_space<hbm>> -> memref<32x1024xf32, #tpu.memory_space<hbm>>
    tpu.enqueue_dma source(%arg8 : memref<32x1024xf32, #tpu.memory_space<vmem>>) target(%dma_start3A_567 : memref<32x1024xf32, #tpu.memory_space<hbm>>) target_semaphore(%arg14 : memref<!tpu.dma_semaphore, #tpu.memory_space<semaphore_mem>>)
    %dma_wait3A_568 = arith.constant 20 : i32
    %dma_wait3A_569 = arith.constant 0 : i32
    %dma_wait3A_570 = tpu.memref_slice %arg6[%dma_wait3A_568, %dma_wait3A_569] : memref<32x32xi32, #tpu.memory_space<vmem>> -> memref<1x32xi32, #tpu.memory_space<vmem>>
    %dma_wait3A_571 = tpu.memref_squeeze %dma_wait3A_570 : memref<1x32xi32, #tpu.memory_space<vmem>> -> memref<32xi32, #tpu.memory_space<vmem>>
    %dma_wait3A_572 = arith.constant 0 : i32
    %dma_wait3A_573 = arith.constant 0 : i32
    %dma_wait3A_574 = tpu.memref_slice %arg3[%dma_wait3A_572, %dma_wait3A_573] : memref<8194x1024xf32, #tpu.memory_space<hbm>> -> memref<8194x1024xf32, #tpu.memory_space<hbm>>
    tpu.wait_indirect_dma semaphore(%arg12 : memref<!tpu.dma_semaphore, #tpu.memory_space<semaphore_mem>>) src(%dma_wait3A_574 : memref<8194x1024xf32, #tpu.memory_space<hbm>>) dst(%arg9 : memref<32x1024xf32, #tpu.memory_space<vmem>>)
    %dma_wait3A_575 = arith.constant 0 : i32
    %dma_wait3A_576 = tpu.memref_slice %arg4[%add3A_563, %dma_wait3A_575] : memref<32768x1024xf32, #tpu.memory_space<hbm>> -> memref<32x1024xf32, #tpu.memory_space<hbm>>
    %dma_wait3A_577 = arith.constant 0 : i32
    %dma_wait3A_578 = tpu.memref_slice %arg4[%add3A_563, %dma_wait3A_577] : memref<32768x1024xf32, #tpu.memory_space<hbm>> -> memref<32x1024xf32, #tpu.memory_space<hbm>>
    tpu.wait_dma2 semaphore(%arg14 : memref<!tpu.dma_semaphore, #tpu.memory_space<semaphore_mem>>) src(%arg8 : memref<32x1024xf32, #tpu.memory_space<vmem>>) dst(%dma_wait3A_578 : memref<32x1024xf32, #tpu.memory_space<hbm>>)
    %dma_start3A_579 = arith.constant 22 : i32
    %dma_start3A_580 = arith.constant 0 : i32
    %dma_start3A_581 = tpu.memref_slice %arg6[%dma_start3A_579, %dma_start3A_580] : memref<32x32xi32, #tpu.memory_space<vmem>> -> memref<1x32xi32, #tpu.memory_space<vmem>>
    %dma_start3A_582 = tpu.memref_squeeze %dma_start3A_581 : memref<1x32xi32, #tpu.memory_space<vmem>> -> memref<32xi32, #tpu.memory_space<vmem>>
    %dma_start3A_583 = arith.constant 0 : i32
    %dma_start3A_584 = arith.constant 0 : i32
    %dma_start3A_585 = tpu.memref_slice %arg3[%dma_start3A_583, %dma_start3A_584] : memref<8194x1024xf32, #tpu.memory_space<hbm>> -> memref<8194x1024xf32, #tpu.memory_space<hbm>>
    tpu.enqueue_indirect_dma source(%dma_start3A_585 : memref<8194x1024xf32, #tpu.memory_space<hbm>>) target(%arg8 : memref<32x1024xf32, #tpu.memory_space<vmem>>) offsets(%dma_start3A_582 : memref<32xi32, #tpu.memory_space<vmem>>) semaphore(%arg11 : memref<!tpu.dma_semaphore, #tpu.memory_space<semaphore_mem>>)
    %add3A_586 = arith.constant 640 : i32
    %add3A_587 = arith.addi %mul3A_34, %add3A_586 : i32
    %dma_start3A_588 = arith.constant 0 : i32
    %dma_start3A_589 = tpu.memref_slice %arg4[%add3A_587, %dma_start3A_588] : memref<32768x1024xf32, #tpu.memory_space<hbm>> -> memref<32x1024xf32, #tpu.memory_space<hbm>>
    %dma_start3A_590 = arith.constant 0 : i32
    %dma_start3A_591 = tpu.memref_slice %arg4[%add3A_587, %dma_start3A_590] : memref<32768x1024xf32, #tpu.memory_space<hbm>> -> memref<32x1024xf32, #tpu.memory_space<hbm>>
    tpu.enqueue_dma source(%arg9 : memref<32x1024xf32, #tpu.memory_space<vmem>>) target(%dma_start3A_591 : memref<32x1024xf32, #tpu.memory_space<hbm>>) target_semaphore(%arg15 : memref<!tpu.dma_semaphore, #tpu.memory_space<semaphore_mem>>)
    %dma_wait3A_592 = arith.constant 21 : i32
    %dma_wait3A_593 = arith.constant 0 : i32
    %dma_wait3A_594 = tpu.memref_slice %arg6[%dma_wait3A_592, %dma_wait3A_593] : memref<32x32xi32, #tpu.memory_space<vmem>> -> memref<1x32xi32, #tpu.memory_space<vmem>>
    %dma_wait3A_595 = tpu.memref_squeeze %dma_wait3A_594 : memref<1x32xi32, #tpu.memory_space<vmem>> -> memref<32xi32, #tpu.memory_space<vmem>>
    %dma_wait3A_596 = arith.constant 0 : i32
    %dma_wait3A_597 = arith.constant 0 : i32
    %dma_wait3A_598 = tpu.memref_slice %arg3[%dma_wait3A_596, %dma_wait3A_597] : memref<8194x1024xf32, #tpu.memory_space<hbm>> -> memref<8194x1024xf32, #tpu.memory_space<hbm>>
    tpu.wait_indirect_dma semaphore(%arg10 : memref<!tpu.dma_semaphore, #tpu.memory_space<semaphore_mem>>) src(%dma_wait3A_598 : memref<8194x1024xf32, #tpu.memory_space<hbm>>) dst(%arg7 : memref<32x1024xf32, #tpu.memory_space<vmem>>)
    %dma_wait3A_599 = arith.constant 0 : i32
    %dma_wait3A_600 = tpu.memref_slice %arg4[%add3A_587, %dma_wait3A_599] : memref<32768x1024xf32, #tpu.memory_space<hbm>> -> memref<32x1024xf32, #tpu.memory_space<hbm>>
    %dma_wait3A_601 = arith.constant 0 : i32
    %dma_wait3A_602 = tpu.memref_slice %arg4[%add3A_587, %dma_wait3A_601] : memref<32768x1024xf32, #tpu.memory_space<hbm>> -> memref<32x1024xf32, #tpu.memory_space<hbm>>
    tpu.wait_dma2 semaphore(%arg15 : memref<!tpu.dma_semaphore, #tpu.memory_space<semaphore_mem>>) src(%arg9 : memref<32x1024xf32, #tpu.memory_space<vmem>>) dst(%dma_wait3A_602 : memref<32x1024xf32, #tpu.memory_space<hbm>>)
    %dma_start3A_603 = arith.constant 23 : i32
    %dma_start3A_604 = arith.constant 0 : i32
    %dma_start3A_605 = tpu.memref_slice %arg6[%dma_start3A_603, %dma_start3A_604] : memref<32x32xi32, #tpu.memory_space<vmem>> -> memref<1x32xi32, #tpu.memory_space<vmem>>
    %dma_start3A_606 = tpu.memref_squeeze %dma_start3A_605 : memref<1x32xi32, #tpu.memory_space<vmem>> -> memref<32xi32, #tpu.memory_space<vmem>>
    %dma_start3A_607 = arith.constant 0 : i32
    %dma_start3A_608 = arith.constant 0 : i32
    %dma_start3A_609 = tpu.memref_slice %arg3[%dma_start3A_607, %dma_start3A_608] : memref<8194x1024xf32, #tpu.memory_space<hbm>> -> memref<8194x1024xf32, #tpu.memory_space<hbm>>
    tpu.enqueue_indirect_dma source(%dma_start3A_609 : memref<8194x1024xf32, #tpu.memory_space<hbm>>) target(%arg9 : memref<32x1024xf32, #tpu.memory_space<vmem>>) offsets(%dma_start3A_606 : memref<32xi32, #tpu.memory_space<vmem>>) semaphore(%arg12 : memref<!tpu.dma_semaphore, #tpu.memory_space<semaphore_mem>>)
    %add3A_610 = arith.constant 672 : i32
    %add3A_611 = arith.addi %mul3A_34, %add3A_610 : i32
    %dma_start3A_612 = arith.constant 0 : i32
    %dma_start3A_613 = tpu.memref_slice %arg4[%add3A_611, %dma_start3A_612] : memref<32768x1024xf32, #tpu.memory_space<hbm>> -> memref<32x1024xf32, #tpu.memory_space<hbm>>
    %dma_start3A_614 = arith.constant 0 : i32
    %dma_start3A_615 = tpu.memref_slice %arg4[%add3A_611, %dma_start3A_614] : memref<32768x1024xf32, #tpu.memory_space<hbm>> -> memref<32x1024xf32, #tpu.memory_space<hbm>>
    tpu.enqueue_dma source(%arg7 : memref<32x1024xf32, #tpu.memory_space<vmem>>) target(%dma_start3A_615 : memref<32x1024xf32, #tpu.memory_space<hbm>>) target_semaphore(%arg13 : memref<!tpu.dma_semaphore, #tpu.memory_space<semaphore_mem>>)
    %dma_wait3A_616 = arith.constant 22 : i32
    %dma_wait3A_617 = arith.constant 0 : i32
    %dma_wait3A_618 = tpu.memref_slice %arg6[%dma_wait3A_616, %dma_wait3A_617] : memref<32x32xi32, #tpu.memory_space<vmem>> -> memref<1x32xi32, #tpu.memory_space<vmem>>
    %dma_wait3A_619 = tpu.memref_squeeze %dma_wait3A_618 : memref<1x32xi32, #tpu.memory_space<vmem>> -> memref<32xi32, #tpu.memory_space<vmem>>
    %dma_wait3A_620 = arith.constant 0 : i32
    %dma_wait3A_621 = arith.constant 0 : i32
    %dma_wait3A_622 = tpu.memref_slice %arg3[%dma_wait3A_620, %dma_wait3A_621] : memref<8194x1024xf32, #tpu.memory_space<hbm>> -> memref<8194x1024xf32, #tpu.memory_space<hbm>>
    tpu.wait_indirect_dma semaphore(%arg11 : memref<!tpu.dma_semaphore, #tpu.memory_space<semaphore_mem>>) src(%dma_wait3A_622 : memref<8194x1024xf32, #tpu.memory_space<hbm>>) dst(%arg8 : memref<32x1024xf32, #tpu.memory_space<vmem>>)
    %dma_wait3A_623 = arith.constant 0 : i32
    %dma_wait3A_624 = tpu.memref_slice %arg4[%add3A_611, %dma_wait3A_623] : memref<32768x1024xf32, #tpu.memory_space<hbm>> -> memref<32x1024xf32, #tpu.memory_space<hbm>>
    %dma_wait3A_625 = arith.constant 0 : i32
    %dma_wait3A_626 = tpu.memref_slice %arg4[%add3A_611, %dma_wait3A_625] : memref<32768x1024xf32, #tpu.memory_space<hbm>> -> memref<32x1024xf32, #tpu.memory_space<hbm>>
    tpu.wait_dma2 semaphore(%arg13 : memref<!tpu.dma_semaphore, #tpu.memory_space<semaphore_mem>>) src(%arg7 : memref<32x1024xf32, #tpu.memory_space<vmem>>) dst(%dma_wait3A_626 : memref<32x1024xf32, #tpu.memory_space<hbm>>)
    %dma_start3A_627 = arith.constant 24 : i32
    %dma_start3A_628 = arith.constant 0 : i32
    %dma_start3A_629 = tpu.memref_slice %arg6[%dma_start3A_627, %dma_start3A_628] : memref<32x32xi32, #tpu.memory_space<vmem>> -> memref<1x32xi32, #tpu.memory_space<vmem>>
    %dma_start3A_630 = tpu.memref_squeeze %dma_start3A_629 : memref<1x32xi32, #tpu.memory_space<vmem>> -> memref<32xi32, #tpu.memory_space<vmem>>
    %dma_start3A_631 = arith.constant 0 : i32
    %dma_start3A_632 = arith.constant 0 : i32
    %dma_start3A_633 = tpu.memref_slice %arg3[%dma_start3A_631, %dma_start3A_632] : memref<8194x1024xf32, #tpu.memory_space<hbm>> -> memref<8194x1024xf32, #tpu.memory_space<hbm>>
    tpu.enqueue_indirect_dma source(%dma_start3A_633 : memref<8194x1024xf32, #tpu.memory_space<hbm>>) target(%arg7 : memref<32x1024xf32, #tpu.memory_space<vmem>>) offsets(%dma_start3A_630 : memref<32xi32, #tpu.memory_space<vmem>>) semaphore(%arg10 : memref<!tpu.dma_semaphore, #tpu.memory_space<semaphore_mem>>)
    %add3A_634 = arith.constant 704 : i32
    %add3A_635 = arith.addi %mul3A_34, %add3A_634 : i32
    %dma_start3A_636 = arith.constant 0 : i32
    %dma_start3A_637 = tpu.memref_slice %arg4[%add3A_635, %dma_start3A_636] : memref<32768x1024xf32, #tpu.memory_space<hbm>> -> memref<32x1024xf32, #tpu.memory_space<hbm>>
    %dma_start3A_638 = arith.constant 0 : i32
    %dma_start3A_639 = tpu.memref_slice %arg4[%add3A_635, %dma_start3A_638] : memref<32768x1024xf32, #tpu.memory_space<hbm>> -> memref<32x1024xf32, #tpu.memory_space<hbm>>
    tpu.enqueue_dma source(%arg8 : memref<32x1024xf32, #tpu.memory_space<vmem>>) target(%dma_start3A_639 : memref<32x1024xf32, #tpu.memory_space<hbm>>) target_semaphore(%arg14 : memref<!tpu.dma_semaphore, #tpu.memory_space<semaphore_mem>>)
    %dma_wait3A_640 = arith.constant 23 : i32
    %dma_wait3A_641 = arith.constant 0 : i32
    %dma_wait3A_642 = tpu.memref_slice %arg6[%dma_wait3A_640, %dma_wait3A_641] : memref<32x32xi32, #tpu.memory_space<vmem>> -> memref<1x32xi32, #tpu.memory_space<vmem>>
    %dma_wait3A_643 = tpu.memref_squeeze %dma_wait3A_642 : memref<1x32xi32, #tpu.memory_space<vmem>> -> memref<32xi32, #tpu.memory_space<vmem>>
    %dma_wait3A_644 = arith.constant 0 : i32
    %dma_wait3A_645 = arith.constant 0 : i32
    %dma_wait3A_646 = tpu.memref_slice %arg3[%dma_wait3A_644, %dma_wait3A_645] : memref<8194x1024xf32, #tpu.memory_space<hbm>> -> memref<8194x1024xf32, #tpu.memory_space<hbm>>
    tpu.wait_indirect_dma semaphore(%arg12 : memref<!tpu.dma_semaphore, #tpu.memory_space<semaphore_mem>>) src(%dma_wait3A_646 : memref<8194x1024xf32, #tpu.memory_space<hbm>>) dst(%arg9 : memref<32x1024xf32, #tpu.memory_space<vmem>>)
    %dma_wait3A_647 = arith.constant 0 : i32
    %dma_wait3A_648 = tpu.memref_slice %arg4[%add3A_635, %dma_wait3A_647] : memref<32768x1024xf32, #tpu.memory_space<hbm>> -> memref<32x1024xf32, #tpu.memory_space<hbm>>
    %dma_wait3A_649 = arith.constant 0 : i32
    %dma_wait3A_650 = tpu.memref_slice %arg4[%add3A_635, %dma_wait3A_649] : memref<32768x1024xf32, #tpu.memory_space<hbm>> -> memref<32x1024xf32, #tpu.memory_space<hbm>>
    tpu.wait_dma2 semaphore(%arg14 : memref<!tpu.dma_semaphore, #tpu.memory_space<semaphore_mem>>) src(%arg8 : memref<32x1024xf32, #tpu.memory_space<vmem>>) dst(%dma_wait3A_650 : memref<32x1024xf32, #tpu.memory_space<hbm>>)
    %dma_start3A_651 = arith.constant 25 : i32
    %dma_start3A_652 = arith.constant 0 : i32
    %dma_start3A_653 = tpu.memref_slice %arg6[%dma_start3A_651, %dma_start3A_652] : memref<32x32xi32, #tpu.memory_space<vmem>> -> memref<1x32xi32, #tpu.memory_space<vmem>>
    %dma_start3A_654 = tpu.memref_squeeze %dma_start3A_653 : memref<1x32xi32, #tpu.memory_space<vmem>> -> memref<32xi32, #tpu.memory_space<vmem>>
    %dma_start3A_655 = arith.constant 0 : i32
    %dma_start3A_656 = arith.constant 0 : i32
    %dma_start3A_657 = tpu.memref_slice %arg3[%dma_start3A_655, %dma_start3A_656] : memref<8194x1024xf32, #tpu.memory_space<hbm>> -> memref<8194x1024xf32, #tpu.memory_space<hbm>>
    tpu.enqueue_indirect_dma source(%dma_start3A_657 : memref<8194x1024xf32, #tpu.memory_space<hbm>>) target(%arg8 : memref<32x1024xf32, #tpu.memory_space<vmem>>) offsets(%dma_start3A_654 : memref<32xi32, #tpu.memory_space<vmem>>) semaphore(%arg11 : memref<!tpu.dma_semaphore, #tpu.memory_space<semaphore_mem>>)
    %add3A_658 = arith.constant 736 : i32
    %add3A_659 = arith.addi %mul3A_34, %add3A_658 : i32
    %dma_start3A_660 = arith.constant 0 : i32
    %dma_start3A_661 = tpu.memref_slice %arg4[%add3A_659, %dma_start3A_660] : memref<32768x1024xf32, #tpu.memory_space<hbm>> -> memref<32x1024xf32, #tpu.memory_space<hbm>>
    %dma_start3A_662 = arith.constant 0 : i32
    %dma_start3A_663 = tpu.memref_slice %arg4[%add3A_659, %dma_start3A_662] : memref<32768x1024xf32, #tpu.memory_space<hbm>> -> memref<32x1024xf32, #tpu.memory_space<hbm>>
    tpu.enqueue_dma source(%arg9 : memref<32x1024xf32, #tpu.memory_space<vmem>>) target(%dma_start3A_663 : memref<32x1024xf32, #tpu.memory_space<hbm>>) target_semaphore(%arg15 : memref<!tpu.dma_semaphore, #tpu.memory_space<semaphore_mem>>)
    %dma_wait3A_664 = arith.constant 24 : i32
    %dma_wait3A_665 = arith.constant 0 : i32
    %dma_wait3A_666 = tpu.memref_slice %arg6[%dma_wait3A_664, %dma_wait3A_665] : memref<32x32xi32, #tpu.memory_space<vmem>> -> memref<1x32xi32, #tpu.memory_space<vmem>>
    %dma_wait3A_667 = tpu.memref_squeeze %dma_wait3A_666 : memref<1x32xi32, #tpu.memory_space<vmem>> -> memref<32xi32, #tpu.memory_space<vmem>>
    %dma_wait3A_668 = arith.constant 0 : i32
    %dma_wait3A_669 = arith.constant 0 : i32
    %dma_wait3A_670 = tpu.memref_slice %arg3[%dma_wait3A_668, %dma_wait3A_669] : memref<8194x1024xf32, #tpu.memory_space<hbm>> -> memref<8194x1024xf32, #tpu.memory_space<hbm>>
    tpu.wait_indirect_dma semaphore(%arg10 : memref<!tpu.dma_semaphore, #tpu.memory_space<semaphore_mem>>) src(%dma_wait3A_670 : memref<8194x1024xf32, #tpu.memory_space<hbm>>) dst(%arg7 : memref<32x1024xf32, #tpu.memory_space<vmem>>)
    %dma_wait3A_671 = arith.constant 0 : i32
    %dma_wait3A_672 = tpu.memref_slice %arg4[%add3A_659, %dma_wait3A_671] : memref<32768x1024xf32, #tpu.memory_space<hbm>> -> memref<32x1024xf32, #tpu.memory_space<hbm>>
    %dma_wait3A_673 = arith.constant 0 : i32
    %dma_wait3A_674 = tpu.memref_slice %arg4[%add3A_659, %dma_wait3A_673] : memref<32768x1024xf32, #tpu.memory_space<hbm>> -> memref<32x1024xf32, #tpu.memory_space<hbm>>
    tpu.wait_dma2 semaphore(%arg15 : memref<!tpu.dma_semaphore, #tpu.memory_space<semaphore_mem>>) src(%arg9 : memref<32x1024xf32, #tpu.memory_space<vmem>>) dst(%dma_wait3A_674 : memref<32x1024xf32, #tpu.memory_space<hbm>>)
    %dma_start3A_675 = arith.constant 26 : i32
    %dma_start3A_676 = arith.constant 0 : i32
    %dma_start3A_677 = tpu.memref_slice %arg6[%dma_start3A_675, %dma_start3A_676] : memref<32x32xi32, #tpu.memory_space<vmem>> -> memref<1x32xi32, #tpu.memory_space<vmem>>
    %dma_start3A_678 = tpu.memref_squeeze %dma_start3A_677 : memref<1x32xi32, #tpu.memory_space<vmem>> -> memref<32xi32, #tpu.memory_space<vmem>>
    %dma_start3A_679 = arith.constant 0 : i32
    %dma_start3A_680 = arith.constant 0 : i32
    %dma_start3A_681 = tpu.memref_slice %arg3[%dma_start3A_679, %dma_start3A_680] : memref<8194x1024xf32, #tpu.memory_space<hbm>> -> memref<8194x1024xf32, #tpu.memory_space<hbm>>
    tpu.enqueue_indirect_dma source(%dma_start3A_681 : memref<8194x1024xf32, #tpu.memory_space<hbm>>) target(%arg9 : memref<32x1024xf32, #tpu.memory_space<vmem>>) offsets(%dma_start3A_678 : memref<32xi32, #tpu.memory_space<vmem>>) semaphore(%arg12 : memref<!tpu.dma_semaphore, #tpu.memory_space<semaphore_mem>>)
    %add3A_682 = arith.constant 768 : i32
    %add3A_683 = arith.addi %mul3A_34, %add3A_682 : i32
    %dma_start3A_684 = arith.constant 0 : i32
    %dma_start3A_685 = tpu.memref_slice %arg4[%add3A_683, %dma_start3A_684] : memref<32768x1024xf32, #tpu.memory_space<hbm>> -> memref<32x1024xf32, #tpu.memory_space<hbm>>
    %dma_start3A_686 = arith.constant 0 : i32
    %dma_start3A_687 = tpu.memref_slice %arg4[%add3A_683, %dma_start3A_686] : memref<32768x1024xf32, #tpu.memory_space<hbm>> -> memref<32x1024xf32, #tpu.memory_space<hbm>>
    tpu.enqueue_dma source(%arg7 : memref<32x1024xf32, #tpu.memory_space<vmem>>) target(%dma_start3A_687 : memref<32x1024xf32, #tpu.memory_space<hbm>>) target_semaphore(%arg13 : memref<!tpu.dma_semaphore, #tpu.memory_space<semaphore_mem>>)
    %dma_wait3A_688 = arith.constant 25 : i32
    %dma_wait3A_689 = arith.constant 0 : i32
    %dma_wait3A_690 = tpu.memref_slice %arg6[%dma_wait3A_688, %dma_wait3A_689] : memref<32x32xi32, #tpu.memory_space<vmem>> -> memref<1x32xi32, #tpu.memory_space<vmem>>
    %dma_wait3A_691 = tpu.memref_squeeze %dma_wait3A_690 : memref<1x32xi32, #tpu.memory_space<vmem>> -> memref<32xi32, #tpu.memory_space<vmem>>
    %dma_wait3A_692 = arith.constant 0 : i32
    %dma_wait3A_693 = arith.constant 0 : i32
    %dma_wait3A_694 = tpu.memref_slice %arg3[%dma_wait3A_692, %dma_wait3A_693] : memref<8194x1024xf32, #tpu.memory_space<hbm>> -> memref<8194x1024xf32, #tpu.memory_space<hbm>>
    tpu.wait_indirect_dma semaphore(%arg11 : memref<!tpu.dma_semaphore, #tpu.memory_space<semaphore_mem>>) src(%dma_wait3A_694 : memref<8194x1024xf32, #tpu.memory_space<hbm>>) dst(%arg8 : memref<32x1024xf32, #tpu.memory_space<vmem>>)
    %dma_wait3A_695 = arith.constant 0 : i32
    %dma_wait3A_696 = tpu.memref_slice %arg4[%add3A_683, %dma_wait3A_695] : memref<32768x1024xf32, #tpu.memory_space<hbm>> -> memref<32x1024xf32, #tpu.memory_space<hbm>>
    %dma_wait3A_697 = arith.constant 0 : i32
    %dma_wait3A_698 = tpu.memref_slice %arg4[%add3A_683, %dma_wait3A_697] : memref<32768x1024xf32, #tpu.memory_space<hbm>> -> memref<32x1024xf32, #tpu.memory_space<hbm>>
    tpu.wait_dma2 semaphore(%arg13 : memref<!tpu.dma_semaphore, #tpu.memory_space<semaphore_mem>>) src(%arg7 : memref<32x1024xf32, #tpu.memory_space<vmem>>) dst(%dma_wait3A_698 : memref<32x1024xf32, #tpu.memory_space<hbm>>)
    %dma_start3A_699 = arith.constant 27 : i32
    %dma_start3A_700 = arith.constant 0 : i32
    %dma_start3A_701 = tpu.memref_slice %arg6[%dma_start3A_699, %dma_start3A_700] : memref<32x32xi32, #tpu.memory_space<vmem>> -> memref<1x32xi32, #tpu.memory_space<vmem>>
    %dma_start3A_702 = tpu.memref_squeeze %dma_start3A_701 : memref<1x32xi32, #tpu.memory_space<vmem>> -> memref<32xi32, #tpu.memory_space<vmem>>
    %dma_start3A_703 = arith.constant 0 : i32
    %dma_start3A_704 = arith.constant 0 : i32
    %dma_start3A_705 = tpu.memref_slice %arg3[%dma_start3A_703, %dma_start3A_704] : memref<8194x1024xf32, #tpu.memory_space<hbm>> -> memref<8194x1024xf32, #tpu.memory_space<hbm>>
    tpu.enqueue_indirect_dma source(%dma_start3A_705 : memref<8194x1024xf32, #tpu.memory_space<hbm>>) target(%arg7 : memref<32x1024xf32, #tpu.memory_space<vmem>>) offsets(%dma_start3A_702 : memref<32xi32, #tpu.memory_space<vmem>>) semaphore(%arg10 : memref<!tpu.dma_semaphore, #tpu.memory_space<semaphore_mem>>)
    %add3A_706 = arith.constant 800 : i32
    %add3A_707 = arith.addi %mul3A_34, %add3A_706 : i32
    %dma_start3A_708 = arith.constant 0 : i32
    %dma_start3A_709 = tpu.memref_slice %arg4[%add3A_707, %dma_start3A_708] : memref<32768x1024xf32, #tpu.memory_space<hbm>> -> memref<32x1024xf32, #tpu.memory_space<hbm>>
    %dma_start3A_710 = arith.constant 0 : i32
    %dma_start3A_711 = tpu.memref_slice %arg4[%add3A_707, %dma_start3A_710] : memref<32768x1024xf32, #tpu.memory_space<hbm>> -> memref<32x1024xf32, #tpu.memory_space<hbm>>
    tpu.enqueue_dma source(%arg8 : memref<32x1024xf32, #tpu.memory_space<vmem>>) target(%dma_start3A_711 : memref<32x1024xf32, #tpu.memory_space<hbm>>) target_semaphore(%arg14 : memref<!tpu.dma_semaphore, #tpu.memory_space<semaphore_mem>>)
    %dma_wait3A_712 = arith.constant 26 : i32
    %dma_wait3A_713 = arith.constant 0 : i32
    %dma_wait3A_714 = tpu.memref_slice %arg6[%dma_wait3A_712, %dma_wait3A_713] : memref<32x32xi32, #tpu.memory_space<vmem>> -> memref<1x32xi32, #tpu.memory_space<vmem>>
    %dma_wait3A_715 = tpu.memref_squeeze %dma_wait3A_714 : memref<1x32xi32, #tpu.memory_space<vmem>> -> memref<32xi32, #tpu.memory_space<vmem>>
    %dma_wait3A_716 = arith.constant 0 : i32
    %dma_wait3A_717 = arith.constant 0 : i32
    %dma_wait3A_718 = tpu.memref_slice %arg3[%dma_wait3A_716, %dma_wait3A_717] : memref<8194x1024xf32, #tpu.memory_space<hbm>> -> memref<8194x1024xf32, #tpu.memory_space<hbm>>
    tpu.wait_indirect_dma semaphore(%arg12 : memref<!tpu.dma_semaphore, #tpu.memory_space<semaphore_mem>>) src(%dma_wait3A_718 : memref<8194x1024xf32, #tpu.memory_space<hbm>>) dst(%arg9 : memref<32x1024xf32, #tpu.memory_space<vmem>>)
    %dma_wait3A_719 = arith.constant 0 : i32
    %dma_wait3A_720 = tpu.memref_slice %arg4[%add3A_707, %dma_wait3A_719] : memref<32768x1024xf32, #tpu.memory_space<hbm>> -> memref<32x1024xf32, #tpu.memory_space<hbm>>
    %dma_wait3A_721 = arith.constant 0 : i32
    %dma_wait3A_722 = tpu.memref_slice %arg4[%add3A_707, %dma_wait3A_721] : memref<32768x1024xf32, #tpu.memory_space<hbm>> -> memref<32x1024xf32, #tpu.memory_space<hbm>>
    tpu.wait_dma2 semaphore(%arg14 : memref<!tpu.dma_semaphore, #tpu.memory_space<semaphore_mem>>) src(%arg8 : memref<32x1024xf32, #tpu.memory_space<vmem>>) dst(%dma_wait3A_722 : memref<32x1024xf32, #tpu.memory_space<hbm>>)
    %dma_start3A_723 = arith.constant 28 : i32
    %dma_start3A_724 = arith.constant 0 : i32
    %dma_start3A_725 = tpu.memref_slice %arg6[%dma_start3A_723, %dma_start3A_724] : memref<32x32xi32, #tpu.memory_space<vmem>> -> memref<1x32xi32, #tpu.memory_space<vmem>>
    %dma_start3A_726 = tpu.memref_squeeze %dma_start3A_725 : memref<1x32xi32, #tpu.memory_space<vmem>> -> memref<32xi32, #tpu.memory_space<vmem>>
    %dma_start3A_727 = arith.constant 0 : i32
    %dma_start3A_728 = arith.constant 0 : i32
    %dma_start3A_729 = tpu.memref_slice %arg3[%dma_start3A_727, %dma_start3A_728] : memref<8194x1024xf32, #tpu.memory_space<hbm>> -> memref<8194x1024xf32, #tpu.memory_space<hbm>>
    tpu.enqueue_indirect_dma source(%dma_start3A_729 : memref<8194x1024xf32, #tpu.memory_space<hbm>>) target(%arg8 : memref<32x1024xf32, #tpu.memory_space<vmem>>) offsets(%dma_start3A_726 : memref<32xi32, #tpu.memory_space<vmem>>) semaphore(%arg11 : memref<!tpu.dma_semaphore, #tpu.memory_space<semaphore_mem>>)
    %add3A_730 = arith.constant 832 : i32
    %add3A_731 = arith.addi %mul3A_34, %add3A_730 : i32
    %dma_start3A_732 = arith.constant 0 : i32
    %dma_start3A_733 = tpu.memref_slice %arg4[%add3A_731, %dma_start3A_732] : memref<32768x1024xf32, #tpu.memory_space<hbm>> -> memref<32x1024xf32, #tpu.memory_space<hbm>>
    %dma_start3A_734 = arith.constant 0 : i32
    %dma_start3A_735 = tpu.memref_slice %arg4[%add3A_731, %dma_start3A_734] : memref<32768x1024xf32, #tpu.memory_space<hbm>> -> memref<32x1024xf32, #tpu.memory_space<hbm>>
    tpu.enqueue_dma source(%arg9 : memref<32x1024xf32, #tpu.memory_space<vmem>>) target(%dma_start3A_735 : memref<32x1024xf32, #tpu.memory_space<hbm>>) target_semaphore(%arg15 : memref<!tpu.dma_semaphore, #tpu.memory_space<semaphore_mem>>)
    %dma_wait3A_736 = arith.constant 27 : i32
    %dma_wait3A_737 = arith.constant 0 : i32
    %dma_wait3A_738 = tpu.memref_slice %arg6[%dma_wait3A_736, %dma_wait3A_737] : memref<32x32xi32, #tpu.memory_space<vmem>> -> memref<1x32xi32, #tpu.memory_space<vmem>>
    %dma_wait3A_739 = tpu.memref_squeeze %dma_wait3A_738 : memref<1x32xi32, #tpu.memory_space<vmem>> -> memref<32xi32, #tpu.memory_space<vmem>>
    %dma_wait3A_740 = arith.constant 0 : i32
    %dma_wait3A_741 = arith.constant 0 : i32
    %dma_wait3A_742 = tpu.memref_slice %arg3[%dma_wait3A_740, %dma_wait3A_741] : memref<8194x1024xf32, #tpu.memory_space<hbm>> -> memref<8194x1024xf32, #tpu.memory_space<hbm>>
    tpu.wait_indirect_dma semaphore(%arg10 : memref<!tpu.dma_semaphore, #tpu.memory_space<semaphore_mem>>) src(%dma_wait3A_742 : memref<8194x1024xf32, #tpu.memory_space<hbm>>) dst(%arg7 : memref<32x1024xf32, #tpu.memory_space<vmem>>)
    %dma_wait3A_743 = arith.constant 0 : i32
    %dma_wait3A_744 = tpu.memref_slice %arg4[%add3A_731, %dma_wait3A_743] : memref<32768x1024xf32, #tpu.memory_space<hbm>> -> memref<32x1024xf32, #tpu.memory_space<hbm>>
    %dma_wait3A_745 = arith.constant 0 : i32
    %dma_wait3A_746 = tpu.memref_slice %arg4[%add3A_731, %dma_wait3A_745] : memref<32768x1024xf32, #tpu.memory_space<hbm>> -> memref<32x1024xf32, #tpu.memory_space<hbm>>
    tpu.wait_dma2 semaphore(%arg15 : memref<!tpu.dma_semaphore, #tpu.memory_space<semaphore_mem>>) src(%arg9 : memref<32x1024xf32, #tpu.memory_space<vmem>>) dst(%dma_wait3A_746 : memref<32x1024xf32, #tpu.memory_space<hbm>>)
    %dma_start3A_747 = arith.constant 29 : i32
    %dma_start3A_748 = arith.constant 0 : i32
    %dma_start3A_749 = tpu.memref_slice %arg6[%dma_start3A_747, %dma_start3A_748] : memref<32x32xi32, #tpu.memory_space<vmem>> -> memref<1x32xi32, #tpu.memory_space<vmem>>
    %dma_start3A_750 = tpu.memref_squeeze %dma_start3A_749 : memref<1x32xi32, #tpu.memory_space<vmem>> -> memref<32xi32, #tpu.memory_space<vmem>>
    %dma_start3A_751 = arith.constant 0 : i32
    %dma_start3A_752 = arith.constant 0 : i32
    %dma_start3A_753 = tpu.memref_slice %arg3[%dma_start3A_751, %dma_start3A_752] : memref<8194x1024xf32, #tpu.memory_space<hbm>> -> memref<8194x1024xf32, #tpu.memory_space<hbm>>
    tpu.enqueue_indirect_dma source(%dma_start3A_753 : memref<8194x1024xf32, #tpu.memory_space<hbm>>) target(%arg9 : memref<32x1024xf32, #tpu.memory_space<vmem>>) offsets(%dma_start3A_750 : memref<32xi32, #tpu.memory_space<vmem>>) semaphore(%arg12 : memref<!tpu.dma_semaphore, #tpu.memory_space<semaphore_mem>>)
    %add3A_754 = arith.constant 864 : i32
    %add3A_755 = arith.addi %mul3A_34, %add3A_754 : i32
    %dma_start3A_756 = arith.constant 0 : i32
    %dma_start3A_757 = tpu.memref_slice %arg4[%add3A_755, %dma_start3A_756] : memref<32768x1024xf32, #tpu.memory_space<hbm>> -> memref<32x1024xf32, #tpu.memory_space<hbm>>
    %dma_start3A_758 = arith.constant 0 : i32
    %dma_start3A_759 = tpu.memref_slice %arg4[%add3A_755, %dma_start3A_758] : memref<32768x1024xf32, #tpu.memory_space<hbm>> -> memref<32x1024xf32, #tpu.memory_space<hbm>>
    tpu.enqueue_dma source(%arg7 : memref<32x1024xf32, #tpu.memory_space<vmem>>) target(%dma_start3A_759 : memref<32x1024xf32, #tpu.memory_space<hbm>>) target_semaphore(%arg13 : memref<!tpu.dma_semaphore, #tpu.memory_space<semaphore_mem>>)
    %dma_wait3A_760 = arith.constant 28 : i32
    %dma_wait3A_761 = arith.constant 0 : i32
    %dma_wait3A_762 = tpu.memref_slice %arg6[%dma_wait3A_760, %dma_wait3A_761] : memref<32x32xi32, #tpu.memory_space<vmem>> -> memref<1x32xi32, #tpu.memory_space<vmem>>
    %dma_wait3A_763 = tpu.memref_squeeze %dma_wait3A_762 : memref<1x32xi32, #tpu.memory_space<vmem>> -> memref<32xi32, #tpu.memory_space<vmem>>
    %dma_wait3A_764 = arith.constant 0 : i32
    %dma_wait3A_765 = arith.constant 0 : i32
    %dma_wait3A_766 = tpu.memref_slice %arg3[%dma_wait3A_764, %dma_wait3A_765] : memref<8194x1024xf32, #tpu.memory_space<hbm>> -> memref<8194x1024xf32, #tpu.memory_space<hbm>>
    tpu.wait_indirect_dma semaphore(%arg11 : memref<!tpu.dma_semaphore, #tpu.memory_space<semaphore_mem>>) src(%dma_wait3A_766 : memref<8194x1024xf32, #tpu.memory_space<hbm>>) dst(%arg8 : memref<32x1024xf32, #tpu.memory_space<vmem>>)
    %dma_wait3A_767 = arith.constant 0 : i32
    %dma_wait3A_768 = tpu.memref_slice %arg4[%add3A_755, %dma_wait3A_767] : memref<32768x1024xf32, #tpu.memory_space<hbm>> -> memref<32x1024xf32, #tpu.memory_space<hbm>>
    %dma_wait3A_769 = arith.constant 0 : i32
    %dma_wait3A_770 = tpu.memref_slice %arg4[%add3A_755, %dma_wait3A_769] : memref<32768x1024xf32, #tpu.memory_space<hbm>> -> memref<32x1024xf32, #tpu.memory_space<hbm>>
    tpu.wait_dma2 semaphore(%arg13 : memref<!tpu.dma_semaphore, #tpu.memory_space<semaphore_mem>>) src(%arg7 : memref<32x1024xf32, #tpu.memory_space<vmem>>) dst(%dma_wait3A_770 : memref<32x1024xf32, #tpu.memory_space<hbm>>)
    %dma_start3A_771 = arith.constant 30 : i32
    %dma_start3A_772 = arith.constant 0 : i32
    %dma_start3A_773 = tpu.memref_slice %arg6[%dma_start3A_771, %dma_start3A_772] : memref<32x32xi32, #tpu.memory_space<vmem>> -> memref<1x32xi32, #tpu.memory_space<vmem>>
    %dma_start3A_774 = tpu.memref_squeeze %dma_start3A_773 : memref<1x32xi32, #tpu.memory_space<vmem>> -> memref<32xi32, #tpu.memory_space<vmem>>
    %dma_start3A_775 = arith.constant 0 : i32
    %dma_start3A_776 = arith.constant 0 : i32
    %dma_start3A_777 = tpu.memref_slice %arg3[%dma_start3A_775, %dma_start3A_776] : memref<8194x1024xf32, #tpu.memory_space<hbm>> -> memref<8194x1024xf32, #tpu.memory_space<hbm>>
    tpu.enqueue_indirect_dma source(%dma_start3A_777 : memref<8194x1024xf32, #tpu.memory_space<hbm>>) target(%arg7 : memref<32x1024xf32, #tpu.memory_space<vmem>>) offsets(%dma_start3A_774 : memref<32xi32, #tpu.memory_space<vmem>>) semaphore(%arg10 : memref<!tpu.dma_semaphore, #tpu.memory_space<semaphore_mem>>)
    %add3A_778 = arith.constant 896 : i32
    %add3A_779 = arith.addi %mul3A_34, %add3A_778 : i32
    %dma_start3A_780 = arith.constant 0 : i32
    %dma_start3A_781 = tpu.memref_slice %arg4[%add3A_779, %dma_start3A_780] : memref<32768x1024xf32, #tpu.memory_space<hbm>> -> memref<32x1024xf32, #tpu.memory_space<hbm>>
    %dma_start3A_782 = arith.constant 0 : i32
    %dma_start3A_783 = tpu.memref_slice %arg4[%add3A_779, %dma_start3A_782] : memref<32768x1024xf32, #tpu.memory_space<hbm>> -> memref<32x1024xf32, #tpu.memory_space<hbm>>
    tpu.enqueue_dma source(%arg8 : memref<32x1024xf32, #tpu.memory_space<vmem>>) target(%dma_start3A_783 : memref<32x1024xf32, #tpu.memory_space<hbm>>) target_semaphore(%arg14 : memref<!tpu.dma_semaphore, #tpu.memory_space<semaphore_mem>>)
    %dma_wait3A_784 = arith.constant 29 : i32
    %dma_wait3A_785 = arith.constant 0 : i32
    %dma_wait3A_786 = tpu.memref_slice %arg6[%dma_wait3A_784, %dma_wait3A_785] : memref<32x32xi32, #tpu.memory_space<vmem>> -> memref<1x32xi32, #tpu.memory_space<vmem>>
    %dma_wait3A_787 = tpu.memref_squeeze %dma_wait3A_786 : memref<1x32xi32, #tpu.memory_space<vmem>> -> memref<32xi32, #tpu.memory_space<vmem>>
    %dma_wait3A_788 = arith.constant 0 : i32
    %dma_wait3A_789 = arith.constant 0 : i32
    %dma_wait3A_790 = tpu.memref_slice %arg3[%dma_wait3A_788, %dma_wait3A_789] : memref<8194x1024xf32, #tpu.memory_space<hbm>> -> memref<8194x1024xf32, #tpu.memory_space<hbm>>
    tpu.wait_indirect_dma semaphore(%arg12 : memref<!tpu.dma_semaphore, #tpu.memory_space<semaphore_mem>>) src(%dma_wait3A_790 : memref<8194x1024xf32, #tpu.memory_space<hbm>>) dst(%arg9 : memref<32x1024xf32, #tpu.memory_space<vmem>>)
    %dma_wait3A_791 = arith.constant 0 : i32
    %dma_wait3A_792 = tpu.memref_slice %arg4[%add3A_779, %dma_wait3A_791] : memref<32768x1024xf32, #tpu.memory_space<hbm>> -> memref<32x1024xf32, #tpu.memory_space<hbm>>
    %dma_wait3A_793 = arith.constant 0 : i32
    %dma_wait3A_794 = tpu.memref_slice %arg4[%add3A_779, %dma_wait3A_793] : memref<32768x1024xf32, #tpu.memory_space<hbm>> -> memref<32x1024xf32, #tpu.memory_space<hbm>>
    tpu.wait_dma2 semaphore(%arg14 : memref<!tpu.dma_semaphore, #tpu.memory_space<semaphore_mem>>) src(%arg8 : memref<32x1024xf32, #tpu.memory_space<vmem>>) dst(%dma_wait3A_794 : memref<32x1024xf32, #tpu.memory_space<hbm>>)
    %dma_start3A_795 = arith.constant 31 : i32
    %dma_start3A_796 = arith.constant 0 : i32
    %dma_start3A_797 = tpu.memref_slice %arg6[%dma_start3A_795, %dma_start3A_796] : memref<32x32xi32, #tpu.memory_space<vmem>> -> memref<1x32xi32, #tpu.memory_space<vmem>>
    %dma_start3A_798 = tpu.memref_squeeze %dma_start3A_797 : memref<1x32xi32, #tpu.memory_space<vmem>> -> memref<32xi32, #tpu.memory_space<vmem>>
    %dma_start3A_799 = arith.constant 0 : i32
    %dma_start3A_800 = arith.constant 0 : i32
    %dma_start3A_801 = tpu.memref_slice %arg3[%dma_start3A_799, %dma_start3A_800] : memref<8194x1024xf32, #tpu.memory_space<hbm>> -> memref<8194x1024xf32, #tpu.memory_space<hbm>>
    tpu.enqueue_indirect_dma source(%dma_start3A_801 : memref<8194x1024xf32, #tpu.memory_space<hbm>>) target(%arg8 : memref<32x1024xf32, #tpu.memory_space<vmem>>) offsets(%dma_start3A_798 : memref<32xi32, #tpu.memory_space<vmem>>) semaphore(%arg11 : memref<!tpu.dma_semaphore, #tpu.memory_space<semaphore_mem>>)
    %add3A_802 = arith.constant 928 : i32
    %add3A_803 = arith.addi %mul3A_34, %add3A_802 : i32
    %dma_start3A_804 = arith.constant 0 : i32
    %dma_start3A_805 = tpu.memref_slice %arg4[%add3A_803, %dma_start3A_804] : memref<32768x1024xf32, #tpu.memory_space<hbm>> -> memref<32x1024xf32, #tpu.memory_space<hbm>>
    %dma_start3A_806 = arith.constant 0 : i32
    %dma_start3A_807 = tpu.memref_slice %arg4[%add3A_803, %dma_start3A_806] : memref<32768x1024xf32, #tpu.memory_space<hbm>> -> memref<32x1024xf32, #tpu.memory_space<hbm>>
    tpu.enqueue_dma source(%arg9 : memref<32x1024xf32, #tpu.memory_space<vmem>>) target(%dma_start3A_807 : memref<32x1024xf32, #tpu.memory_space<hbm>>) target_semaphore(%arg15 : memref<!tpu.dma_semaphore, #tpu.memory_space<semaphore_mem>>)
    %dma_wait3A_808 = arith.constant 30 : i32
    %dma_wait3A_809 = arith.constant 0 : i32
    %dma_wait3A_810 = tpu.memref_slice %arg6[%dma_wait3A_808, %dma_wait3A_809] : memref<32x32xi32, #tpu.memory_space<vmem>> -> memref<1x32xi32, #tpu.memory_space<vmem>>
    %dma_wait3A_811 = tpu.memref_squeeze %dma_wait3A_810 : memref<1x32xi32, #tpu.memory_space<vmem>> -> memref<32xi32, #tpu.memory_space<vmem>>
    %dma_wait3A_812 = arith.constant 0 : i32
    %dma_wait3A_813 = arith.constant 0 : i32
    %dma_wait3A_814 = tpu.memref_slice %arg3[%dma_wait3A_812, %dma_wait3A_813] : memref<8194x1024xf32, #tpu.memory_space<hbm>> -> memref<8194x1024xf32, #tpu.memory_space<hbm>>
    tpu.wait_indirect_dma semaphore(%arg10 : memref<!tpu.dma_semaphore, #tpu.memory_space<semaphore_mem>>) src(%dma_wait3A_814 : memref<8194x1024xf32, #tpu.memory_space<hbm>>) dst(%arg7 : memref<32x1024xf32, #tpu.memory_space<vmem>>)
    %add3A_815 = arith.constant 960 : i32
    %add3A_816 = arith.addi %mul3A_34, %add3A_815 : i32
    %dma_start3A_817 = arith.constant 0 : i32
    %dma_start3A_818 = tpu.memref_slice %arg4[%add3A_816, %dma_start3A_817] : memref<32768x1024xf32, #tpu.memory_space<hbm>> -> memref<32x1024xf32, #tpu.memory_space<hbm>>
    %dma_start3A_819 = arith.constant 0 : i32
    %dma_start3A_820 = tpu.memref_slice %arg4[%add3A_816, %dma_start3A_819] : memref<32768x1024xf32, #tpu.memory_space<hbm>> -> memref<32x1024xf32, #tpu.memory_space<hbm>>
    tpu.enqueue_dma source(%arg7 : memref<32x1024xf32, #tpu.memory_space<vmem>>) target(%dma_start3A_820 : memref<32x1024xf32, #tpu.memory_space<hbm>>) target_semaphore(%arg13 : memref<!tpu.dma_semaphore, #tpu.memory_space<semaphore_mem>>)
    %dma_wait3A_821 = arith.constant 31 : i32
    %dma_wait3A_822 = arith.constant 0 : i32
    %dma_wait3A_823 = tpu.memref_slice %arg6[%dma_wait3A_821, %dma_wait3A_822] : memref<32x32xi32, #tpu.memory_space<vmem>> -> memref<1x32xi32, #tpu.memory_space<vmem>>
    %dma_wait3A_824 = tpu.memref_squeeze %dma_wait3A_823 : memref<1x32xi32, #tpu.memory_space<vmem>> -> memref<32xi32, #tpu.memory_space<vmem>>
    %dma_wait3A_825 = arith.constant 0 : i32
    %dma_wait3A_826 = arith.constant 0 : i32
    %dma_wait3A_827 = tpu.memref_slice %arg3[%dma_wait3A_825, %dma_wait3A_826] : memref<8194x1024xf32, #tpu.memory_space<hbm>> -> memref<8194x1024xf32, #tpu.memory_space<hbm>>
    tpu.wait_indirect_dma semaphore(%arg11 : memref<!tpu.dma_semaphore, #tpu.memory_space<semaphore_mem>>) src(%dma_wait3A_827 : memref<8194x1024xf32, #tpu.memory_space<hbm>>) dst(%arg8 : memref<32x1024xf32, #tpu.memory_space<vmem>>)
    %add3A_828 = arith.constant 992 : i32
    %add3A_829 = arith.addi %mul3A_34, %add3A_828 : i32
    %dma_start3A_830 = arith.constant 0 : i32
    %dma_start3A_831 = tpu.memref_slice %arg4[%add3A_829, %dma_start3A_830] : memref<32768x1024xf32, #tpu.memory_space<hbm>> -> memref<32x1024xf32, #tpu.memory_space<hbm>>
    %dma_start3A_832 = arith.constant 0 : i32
    %dma_start3A_833 = tpu.memref_slice %arg4[%add3A_829, %dma_start3A_832] : memref<32768x1024xf32, #tpu.memory_space<hbm>> -> memref<32x1024xf32, #tpu.memory_space<hbm>>
    tpu.enqueue_dma source(%arg8 : memref<32x1024xf32, #tpu.memory_space<vmem>>) target(%dma_start3A_833 : memref<32x1024xf32, #tpu.memory_space<hbm>>) target_semaphore(%arg14 : memref<!tpu.dma_semaphore, #tpu.memory_space<semaphore_mem>>)
    %dma_wait3A_834 = arith.constant 0 : i32
    %dma_wait3A_835 = tpu.memref_slice %arg4[%add3A_803, %dma_wait3A_834] : memref<32768x1024xf32, #tpu.memory_space<hbm>> -> memref<32x1024xf32, #tpu.memory_space<hbm>>
    %dma_wait3A_836 = arith.constant 0 : i32
    %dma_wait3A_837 = tpu.memref_slice %arg4[%add3A_803, %dma_wait3A_836] : memref<32768x1024xf32, #tpu.memory_space<hbm>> -> memref<32x1024xf32, #tpu.memory_space<hbm>>
    tpu.wait_dma2 semaphore(%arg15 : memref<!tpu.dma_semaphore, #tpu.memory_space<semaphore_mem>>) src(%arg9 : memref<32x1024xf32, #tpu.memory_space<vmem>>) dst(%dma_wait3A_837 : memref<32x1024xf32, #tpu.memory_space<hbm>>)
    %dma_wait3A_838 = arith.constant 0 : i32
    %dma_wait3A_839 = tpu.memref_slice %arg4[%add3A_816, %dma_wait3A_838] : memref<32768x1024xf32, #tpu.memory_space<hbm>> -> memref<32x1024xf32, #tpu.memory_space<hbm>>
    %dma_wait3A_840 = arith.constant 0 : i32
    %dma_wait3A_841 = tpu.memref_slice %arg4[%add3A_816, %dma_wait3A_840] : memref<32768x1024xf32, #tpu.memory_space<hbm>> -> memref<32x1024xf32, #tpu.memory_space<hbm>>
    tpu.wait_dma2 semaphore(%arg13 : memref<!tpu.dma_semaphore, #tpu.memory_space<semaphore_mem>>) src(%arg7 : memref<32x1024xf32, #tpu.memory_space<vmem>>) dst(%dma_wait3A_841 : memref<32x1024xf32, #tpu.memory_space<hbm>>)
    %dma_wait3A_842 = arith.constant 0 : i32
    %dma_wait3A_843 = tpu.memref_slice %arg4[%add3A_829, %dma_wait3A_842] : memref<32768x1024xf32, #tpu.memory_space<hbm>> -> memref<32x1024xf32, #tpu.memory_space<hbm>>
    %dma_wait3A_844 = arith.constant 0 : i32
    %dma_wait3A_845 = tpu.memref_slice %arg4[%add3A_829, %dma_wait3A_844] : memref<32768x1024xf32, #tpu.memory_space<hbm>> -> memref<32x1024xf32, #tpu.memory_space<hbm>>
    tpu.wait_dma2 semaphore(%arg14 : memref<!tpu.dma_semaphore, #tpu.memory_space<semaphore_mem>>) src(%arg8 : memref<32x1024xf32, #tpu.memory_space<vmem>>) dst(%dma_wait3A_845 : memref<32x1024xf32, #tpu.memory_space<hbm>>)
    return
  }
}

</mosaic_0001>

<sc_bundles>
// kernel: kernel.3.cloned.1.call-start
scs
__scs_entry_jumppad:
0x0: {  	(pc) =	sbr.rel $0x88, $3  }
0x1: {  	(tag) =	ssettag $0x0;
	lr =	simm.s32 $0x1  }
0x2: {  	[smem:$0x3F9F] =	sst lr;
	_ =	strace $0xD0000000  }
0x3: {  	_ = 	snop  }
0x4: {  	_ = 	snop  }
0x5: {  	_ = 	snop  }
0x6: {  	_ = 	snop  }
0x7: {  	_ = 	snop  }
__scs_overlays_trampoline_lowered:
0x8: {  	[smem:$0x3FAE] =	sst s0  }
0x9: {  	[smem:$0x3FAF] =	sst s1  }
0xa: {  	[smem:$0x3FB0] =	sst s2  }
0xb: {  	[smem:$0x3FB1] =	sst s3  }
0xc: {  	[smem:$0x3FB2] =	sst s4  }
0xd: {  	[smem:$0x3FB3] =	sst s5  }
0xe: {  	[smem:$0x3FB4] =	sst s6  }
0xf: {  	[smem:$0x3FB5] =	sst s7  }
0x10: {  	[smem:$0x3FB6] =	sst s8  }
0x11: {  	[smem:$0x3FB7] =	sst s9;
	s0 =	simm.s32 @!p0 $0x0  }
0x12: {  	s1 =	sld [smem:$0x3F9D];
	s0 =	simm.s32 @p0 $0x1  }
0x13: {  	[smem:$0x3FB8] =	sst s0;
	s0 =	simm.s32 @!p1 $0x0  }
0x14: {  	s2 =	sld [smem:$0x3F9C];
	s0 =	simm.s32 @p1 $0x1  }
0x15: {  	[smem:$0x3FB9] =	sst s0;
	s0 =	simm.s32 @!p2 $0x0  }
0x16: {  	s3 =	sld [smem:$0x3FDB];
	s0 =	simm.s32 @p2 $0x1  }
0x17: {  	s4 =	simm.s32 $0x1BF5;
	[smem:$0x3FBB] =	sst s0  }
0x18: {  	s0 =	sld [smem:$0x3F9E];
	_ =	swait.ge [sflag:s4], $0x0  }
0x19: {  	s7 =	sld [smem:$0x3F9F]  }
0x1a: {  	s8 =	sadd.s32 $0xFFFFE003, lr  }
0x1b: {  	s9 =	sadd.s32 $0xFFFFFEF7, lr;
	s5 =	simm.s32 $0xFFFFFFFF;
	p2 =	slt.u32 s8, $0xFFFFF086  }
0x1c: {  	p1 =	slt.u32 s9, $0xF7A;
	s5 =	simm.s32 @!p2 $0x0  }
0x1d: {  	s5 =	simm.s32 @p1 $0x1;
	p0 =	seq.s32 s7, s2  }
0x1e: {  	s7 =	smul.u32 @!p0 $0xF7A, s2;
	p2 =	seq.s32 @!p0 s5, $0x0  }
0x1f: {  	s9 =	smul.u32 $0xF7A, s1;
	s8 =	simm.s32 @!p0 $0x1BF5;
	p2 =	por !p2, p0  }
0x20: {  	[sflag:s8] =	ssyncset.s32 @!p0 $0xFFFFF086;
	s6 =	sadd.s32 @!p0 s3, s7;
	s7 =	simm.s32 @!p0 $0x108  }
0x21: {  	s3 =	sadd.s32 s3, s9;
	s6 =	sadd.s32 @!p0 $0x88, s6;
	s7 =	simm.s32 @p2 $0x1082  }
0x22: {  	[simem:s7], [sflag:s8] =	dma.local @!p0 [hbm:s6], $0xF7A  }
0x23: {  	s9 =	sor.u32 $0xD0000000, s2;
	s6 =	simm.s32 $0x108;
	_ =	swait.ge @!p0 [sflag:s8], $0x0  }
0x24: {  	s3 =	sadd.s32 $0x88, s3;
	s6 =	simm.s32 @!p1 $0x1082;
	[sflag:s4] =	ssyncset.s32 $0xFFFFF086  }
0x25: {  	[simem:s6], [sflag:s4] =	dma.local [hbm:s3], $0xF7A  }
0x26: {  	[smem:$0x3F9F] =	sst s1;
	(tag) =	ssettag s2;
	_ =	strace s9  }
0x27: {  	s1 =	sld [smem:$0x3FAF]  }
0x28: {  	s2 =	sld [smem:$0x3FB0]  }
0x29: {  	s4 =	sld [smem:$0x3FB2]  }
0x2a: {  	p0 =	seq.s32 s5, $0x0;
	s5 =	sld [smem:$0x3FB3]  }
0x2b: {  	s6 =	sld [smem:$0x3FB4]  }
0x2c: {  	s7 =	sld [smem:$0x3FB5]  }
0x2d: {  	s3 =	simm.s32 $0x108;
	s8 =	sld [smem:$0x3FB6]  }
0x2e: {  	s3 =	simm.s32 @!p0 $0x1082;
	s9 =	sld [smem:$0x3FB7]  }
0x2f: {  	lr =	sadd.s32 s0, s3;
	s0 =	sld [smem:$0x3FAE]  }
0x30: {  	s3 =	sld [smem:$0x3FB1]  }
0x31: {  	[smem:$0x3FBA] =	sst s10  }
0x32: {  	s10 =	sld [smem:$0x3FB8];
	_ =	sdelay $0x3  }
0x33: {  	p0 =	seq.s32 s10, $0x1;
	s10 =	sld [smem:$0x3FBA];
	_ =	sdelay $0x3  }
0x34: {  	[smem:$0x3FBA] =	sst s10  }
0x35: {  	s10 =	sld [smem:$0x3FB9];
	_ =	sdelay $0x3  }
0x36: {  	p1 =	seq.s32 s10, $0x1;
	s10 =	sld [smem:$0x3FBA];
	_ =	sdelay $0x3  }
0x37: {  	[smem:$0x3FBA] =	sst s10  }
0x38: {  	s10 =	sld [smem:$0x3FBB]  }
0x39: {  	_ = 	snop;
	(pc) =	sbr.ind lr, $3  }
0x3a: {  	_ = 	snop  }
0x3b: {  	_ = 	snop  }
0x3c: {  	p2 =	seq.s32 s10, $0x1;
	s10 =	sld [smem:$0x3FBA]  }
0x3d: {  	_ =	shalt  }
0x3e: {  	_ =	shalt  }
0x3f: {  	_ =	shalt  }
0x40: {  	_ =	shalt  }
0x41: {  	_ =	shalt  }
0x42: {  	_ =	shalt  }
0x43: {  	_ =	shalt  }
0x44: {  	_ =	shalt  }
0x45: {  	_ =	shalt  }
0x46: {  	_ =	shalt  }
0x47: {  	_ =	shalt  }
0x48: {  	_ =	shalt  }
0x49: {  	_ =	shalt  }
0x4a: {  	_ =	shalt  }
0x4b: {  	_ =	shalt  }
0x4c: {  	_ =	shalt  }
0x4d: {  	_ =	shalt  }
0x4e: {  	_ =	shalt  }
0x4f: {  	_ =	shalt  }
0x50: {  	_ =	shalt  }
0x51: {  	_ =	shalt  }
0x52: {  	_ =	shalt  }
0x53: {  	_ =	shalt  }
0x54: {  	_ =	shalt  }
0x55: {  	_ =	shalt  }
0x56: {  	_ =	shalt  }
0x57: {  	_ =	shalt  }
0x58: {  	_ =	shalt  }
0x59: {  	_ =	shalt  }
0x5a: {  	_ =	shalt  }
0x5b: {  	_ =	shalt  }
0x5c: {  	_ =	shalt  }
0x5d: {  	_ =	shalt  }
0x5e: {  	_ =	shalt  }
0x5f: {  	_ =	shalt  }
0x60: {  	_ =	shalt  }
0x61: {  	_ =	shalt  }
0x62: {  	_ =	shalt  }
0x63: {  	_ =	shalt  }
0x64: {  	_ =	shalt  }
0x65: {  	_ =	shalt  }
0x66: {  	_ =	shalt  }
0x67: {  	_ =	shalt  }
0x68: {  	_ =	shalt  }
0x69: {  	_ =	shalt  }
0x6a: {  	_ =	shalt  }
0x6b: {  	_ =	shalt  }
0x6c: {  	_ =	shalt  }
0x6d: {  	_ =	shalt  }
0x6e: {  	_ =	shalt  }
0x6f: {  	_ =	shalt  }
0x70: {  	_ =	shalt  }
0x71: {  	_ =	shalt  }
0x72: {  	_ =	shalt  }
0x73: {  	_ =	shalt  }
0x74: {  	_ =	shalt  }
0x75: {  	_ =	shalt  }
0x76: {  	_ =	shalt  }
0x77: {  	_ =	shalt  }
0x78: {  	_ =	shalt  }
0x79: {  	_ =	shalt  }
0x7a: {  	_ =	shalt  }
0x7b: {  	_ =	shalt  }
0x7c: {  	_ =	shalt  }
0x7d: {  	_ =	shalt  }
0x7e: {  	_ =	shalt  }
0x7f: {  	_ =	shalt  }
0x80: {  	_ =	shalt  }
0x81: {  	_ =	shalt  }
0x82: {  	_ =	shalt  }
0x83: {  	_ =	shalt  }
0x84: {  	_ =	shalt  }
0x85: {  	_ =	shalt  }
0x86: {  	_ =	shalt  }
0x87: {  	_ =	shalt  }
.Lfunc_end0:
.L_simem_size_0:
called_computation_lowered:
.L_overlay_start_0:
0x88: {  	s2 =	sld [smem:$0x3FD9]  }
0x89: {  	s3 =	sld [smem:$0x3FFE];
	_ =	sdelay $0x1  }
0x8a: {  	s1 =	srdreg.scid  }
0x8b: {  	s0 =	sand.u32 $0x1, s1  }
0x8c: {  	s17 =	sshll.u32 s0, $0xA;
	s2 =	sadd.s32 s3, s2  }
0x8d: {  	s2 =	sadd.s32 s2, s17  }
0x8e: {  	[smem:$0x3FC6] =	sst s2  }
0x8f: {  	_ = 	snop  }
0x90: {  	s2 =	sld [smem:$0x3FC8]  }
0x91: {  	s18 =	sld [smem:$0x3FD0];
	(tm) =	ssettm $0x1  }
0x92: {  	s4 =	sld [smem:$0x3FFB];
	_ =	sdelay $0x3  }
0x93: {  	_ =	strace s4  }
0x94: {  	s4 =	sld [smem:$0x3FFC];
	_ =	sdelay $0x3  }
0x95: {  	_ =	strace s4  }
0x96: {  	s4 =	sld [smem:$0x3FFD];
	_ =	sdelay $0x3  }
0x97: {  	_ =	strace s4  }
0x98: {  	_ =	strace $0x8FFFFFFF  }
0x99: {  	s19 =	sld [smem:$0x3FDB];
	_ =	sdelay $0x1  }
0x9a: {  	s5 =	simm.s32 $_scs_section_size  }
0x9b: {  	s6 =	simm.s32 $_size__tile_overlayer_lowered;
	s7 =	simm.s32 $_tile_overlayer_lowered  }
0x9c: {  	s22 =	simm.s32 $0x1BFF;
	s21 =	sshll.u32 s7, $0x1;
	s4 =	sadd.s32 s5, s19  }
0x9d: {  	s8 =	simm.s32 $0x0;
	s20 =	sshll.u32 s6, $0x1;
	s6 =	sadd.s32 s21, s4  }
0x9e: {  	[timem:s8], [sflag:s22] =	dma.local [hbm:s6], s20  }
0x9f: {  	_ =	swait.ge [sflag:s22], s20  }
0xa0: {  	s5 =	ssub.s32 $0x0, s20;
	[sflag:s22] =	ssyncset.done $0x0  }
0xa1: {  	[sflag:s22] =	ssyncadd.s32 s5;
	_ =	sdelay $0x1  }
0xa2: {  	s23 =	simm.s32 $0x1B8B  }
0xa3: {  	_ =	swait.ge [sflag:s23], $0x1  }
0xa4: {  	[sflag:s23] =	ssyncset.done $0x0  }
0xa5: {  	s25 =	simm.s32 $0x1B8E;
	s24 =	sld [smem:$0x3FFE];
	[sflag:s23] =	ssyncadd.s32 $0xFFFFFFFF  }
0xa6: {  	s26 =	simm.s32 $execute0_lowered;
	[smem:$0x3FD2] =	sst s25  }
0xa7: {  	s6 =	sshll.u32 s26, $0x1;
	_ =	strace $0x80000046;
	[dreg:$0x1] =	wrdreg $0xFFFFFFFF  }
0xa8: {  	s28 =	simm.s32 $_size_execute0_lowered;
	s4 =	sadd.s32 s4, s6;
	[dreg:$0x0] =	wrdreg $0x0  }
0xa9: {  	s6 =	sshll.u32 s28, $0x1;
	[dreg:$0x2] =	wrdreg s4  }
0xaa: {  	[dreg:$0x3] =	wrdreg s6  }
0xab: {  	[dreg:$0x4] =	wrdreg $0xC0  }
0xac: {  	_ =	task [dreg:s8], $0x5FFFF  }
0xad: {  	[dreg:$0x1] =	wrdreg $0xFFFFFFFF  }
0xae: {  	[dreg:$0x0] =	wrdreg $0x60  }
0xaf: {  	[dreg:$0x2] =	wrdreg s24  }
0xb0: {  	[dreg:$0x3] =	wrdreg s2  }
0xb1: {  	[dreg:$0x4] =	wrdreg s18  }
0xb2: {  	[dreg:$0x5] =	wrdreg $0x9  }
0xb3: {  	_ =	task.clear_ibuf [dreg:s8], $0x6FFFF;
	_ =	strace $0x90000046  }
0xb4: {  	s29 =	simm.s32 $0x9;
	_ =	strace $0x80000048  }
0xb5: {  	_ =	swait.ge [sflag:s29], $0x1  }
0xb6: {  	[sflag:s29] =	ssyncadd.s32 $0xFFFFFFFF  }
0xb7: {  	_ =	strace $0x90000048  }
0xb8: {  	_ =	sfence  }
0xb9: {  	s30 =	sld [smem:$0x0];
	_ =	sdelay $0x2  }
0xba: {  	s31 =	sshll.u32 s1, $0xD;
	s1 =	sshrl.u32 s1, $0x2  }
0xbb: {  	s3 =	sand.u32 $0x4000, s31;
	s1 =	sadd.s32 s1, s30  }
0xbc: {  	s0 =	sor.u32 s3, s0;
	s1 =	sshll.u32 s1, $0x11  }
0xbd: {  	s0 =	sor.u32 s1, s0  }
0xbe: {  	s0 =	sadd.s32 $0x8F2B, s0  }
0xbf: {  	[sflag:s0] =	ssyncadd.remote.s32 $0x1  }
0xc0: {  	_ =	sfence.sel $0xFFFF  }
0xc1: {  	[dreg:$0x0] =	wrdreg $0xFFFFFFFF;
	(pc) =	sbr.abs _section_cstart, $3  }
0xc2: {  	[dreg:$0x1] =	wrdreg $0xFFFFFFFF  }
0xc3: {  	_ =	task.clear_ibuf [dreg:s8], $0x2FFFF;
	_ =	strace $0x9FFFFFFF  }
0xc4: {  	(tm) =	ssettm $0x7FFFFFFF  }
0xc5: {  	_ =	shalt  }
tec
execute0_lowered:
.L_overlay_start_1:
0x0: {  	(tag) =	ssettag $0x1  }
0x1: {  	s5 =	rddreg [dreg:$0x0]  }
0x2: {  	s0 =	srdreg.scid;
	s2 =	rddreg [dreg:$0x1]  }
0x3: {  	s10 =	stileid.u32;
	s7 =	rddreg [dreg:$0x2];
	s3 =	simm.s32 $0x0  }
0x4: {  	s0 =	sand.u32 $0x1, s0;
	s6 =	sand.u32 $0x7, s10;
	[smem:$0x7FF] =	sst s3  }
0x5: {  	s1 =	sshll.u32 s0, $0x4;
	s0 =	ssub.s32 $0x2, s0;
	_ =	strace $0x80000047  }
0x6: {  	s21 =	sshll.u32 s6, $0x4;
	s1 =	sor.u32 s10, s1;
	s9 =	sshrl.u32 s0, $0x1  }
0x7: {  	[dreg:$0x5] =	wrdreg s21;
	p0 =	seq.s32 s1, $0x0;
	s0 =	ssub.s32 s0, s9  }
0x8: {  	s8 =	sshrl.u32 s1, $0x3;
	s1 =	sshll.u32 s1, $0x11;
	s0 =	smax.u32 s0, $0x1  }
0x9: {  	s1 =	sadd.s32 s7, s1;
	[dreg:$0x14] =	wrdreg s0  }
0xa: {  	s7 =	sadd.s32 $0x1000, s1;
	[dreg:$0x6] =	wrdreg s1  }
0xb: {  	s22 =	sadd.s32 $0x2000, s1;
	[dreg:$0x7] =	wrdreg s7  }
0xc: {  	s23 =	sadd.s32 $0x3000, s1;
	[dreg:$0x8] =	wrdreg s22  }
0xd: {  	s24 =	sadd.s32 $0x4000, s1;
	[dreg:$0x9] =	wrdreg s23  }
0xe: {  	s25 =	sadd.s32 $0x5000, s1;
	[dreg:$0xa] =	wrdreg s24  }
0xf: {  	s26 =	sadd.s32 $0x6000, s1;
	[dreg:$0xb] =	wrdreg s25  }
0x10: {  	s28 =	sadd.s32 $0x7000, s1;
	[dreg:$0xc] =	wrdreg s26  }
0x11: {  	s29 =	sadd.s32 $0x8000, s1;
	[dreg:$0xd] =	wrdreg s28  }
0x12: {  	s30 =	sadd.s32 $0x9000, s1;
	[dreg:$0xe] =	wrdreg s29  }
0x13: {  	s31 =	sadd.s32 $0xA000, s1;
	[dreg:$0xf] =	wrdreg s30  }
0x14: {  	s9 =	sadd.s32 $0xC000, s1;
	[dreg:$0x10] =	wrdreg s31  }
0x15: {  	s12 =	sadd.s32 $0xD000, s1;
	[dreg:$0x12] =	wrdreg s9  }
0x16: {  	s13 =	sadd.s32 $0xE000, s1;
	[dreg:$0x13] =	wrdreg s12  }
0x17: {  	s14 =	sadd.s32 $0xF000, s1;
	[dreg:$0x15] =	wrdreg s13  }
0x18: {  	s15 =	sadd.s32 $0x10000, s1;
	[dreg:$0x16] =	wrdreg s14  }
0x19: {  	s16 =	sadd.s32 $0x11000, s1;
	[dreg:$0x17] =	wrdreg s15  }
0x1a: {  	s4 =	simm.s32 $0x1;
	s17 =	sadd.s32 $0x12000, s1;
	[dreg:$0x18] =	wrdreg s16  }
0x1b: {  	s11 =	sadd.s32 $0x300, s2;
	s18 =	sadd.s32 $0x13000, s1;
	[dreg:$0x19] =	wrdreg s17  }
0x1c: {  	p1 =	sne.s32 s6, $0x0;
	s19 =	sadd.s32 $0x14000, s1;
	[dreg:$0x1a] =	wrdreg s18  }
0x1d: {  	p0 =	por !p1, !p0;
	s21 =	sadd.s32 $0x16000, s1;
	[dreg:$0x1b] =	wrdreg s19  }
0x1e: {  	p0 =	por !p0, !p0;
	[dreg:$0x1d] =	wrdreg s21;
	s22 =	sadd.s32 $0x17000, s1  }
0x1f: {  	s4 =	simm.s32 @!p0 $0x0;
	s23 =	sadd.s32 $0x18000, s1;
	[dreg:$0x1e] =	wrdreg s22  }
0x20: {  	p0 =	seq.s32 s6, $0x0;
	s24 =	sadd.s32 $0x19000, s1;
	[dreg:$0x1f] =	wrdreg s23  }
0x21: {  	s25 =	sadd.s32 $0x1A000, s1;
	s26 =	sadd.s32 $0x1B000, s1;
	[smem:$0x7F7] =	sst s24  }
0x22: {  	s28 =	sadd.s32 $0x1C000, s1;
	s29 =	sadd.s32 $0x1D000, s1;
	[smem:$0x7F8] =	sst s25  }
0x23: {  	s30 =	sadd.s32 $0x1E000, s1;
	s31 =	sadd.s32 $0x1F000, s1;
	[smem:$0x7F9] =	sst s26  }
0x24: {  	s6 =	simm.s32 $0x1;
	s4 =	ssub.s32 s8, s4;
	[smem:$0x7FA] =	sst s28  }
0x25: {  	s12 =	simm.s32 $0x2;
	[smem:$0x7FB] =	sst s29;
	s4 =	sshll.u32 s4, $0xA  }
0x26: {  	s14 =	simm.s32 $0x4;
	[smem:$0x7FC] =	sst s30;
	s20 =	sand.u32 $0x1FFFFC00, s4  }
0x27: {  	[smem:$0x7FD] =	sst s31;
	s4 =	sadd.s32 $0xB000, s1;
	s8 =	sadd.s32 s20, s5  }
0x28: {  	v2 =	vlaneseq.u32;
	s5 =	sshll.u32 s10, $0xA;
	[dreg:$0x11] =	wrdreg s4;
	s20 =	sadd.s32 $0x15000, s1  }
0x29: {  	vm0 =	vmmov $0xffff;
	v1 =	vshrl.u32 v2, $0x3;
	s10 =	sadd.s32 $0x200, s2;
	s8 =	sadd.s32 $0x400, s8;
	[dreg:$0x1c] =	wrdreg s20  }
0x2a: {  	v0 =	vand.u32 $0x7, v2;
	v2 =	vor.u32 $0x8, v2;
	v1 =	vmul.u32 $0x8, v1;
	s1 =	simm.s32 $0x0;
	[dreg:$0x4] =	wrdreg s8;
	s8 =	sadd.s32 $0x100, s2  }
.LBB2_1:
.Ltmp0:
0x2b: {  	s7 =	rddreg [dreg:$0x4];
	s31 =	simm.s32 $0x7;
	(pc) =	sbr.rel @p0 .LBB2_8-.Ltmp0, $4  }
0x2c: {  	[tilespmem:s3], [sflag:$0x7] =	stream.linear.gather [hbm4b:s7+s3], $0x2000, $0x38;
	[tilespmem:$0x1B000] =	vst v63  }
0x2d: {  	_ =	swait.ge [sflag:s31], $0x2000  }
0x2e: {  	[sflag:s31] =	ssyncset.done $0x0  }
0x2f: {  	s18 =	simm.s32 $0x20;
	v3 =	vimm.s32 $0x0;
	[sflag:s31] =	ssyncadd.s32 $0xFFFFE000  }
0x30: {  	s7 =	rddreg [dreg:$0x5]  }
0x31: {  	p2 =	sne.s32 s7, $0x1  }
.Ltmp1:
0x32: {  	_ = 	snop;
	(pc) =	sbr.rel @!p2 .LBB2_3-.Ltmp1, $4  }
0x33: {  	_ = 	snop  }
0x34: {  	v4 =	vld [tilespmem:s18+$0x10]  }
0x35: {  	v5 =	vld [tilespmem:s18+$0x0]  }
0x36: {  	v6 =	vld [tilespmem:s18+$0xFFFFFFE0];
	p1 =	por $0x0, $0x0;
	s7 =	sadd.s32 $0xFFFFFFFF, s7  }
0x37: {  	_ = 	snop  }
0x38: {  	v8 =	vld [tilespmem:s18+$0xFFFFFFF0];
	_ =	sdelay $0x1  }
0x39: {  	p2 =	sne.s32 s7, $0x1  }
.Ltmp2:
0x3a: {  	v6 =	vadd.s32 $0xFFFFFFFF, v6;
	(pc) =	sbr.rel @!p2 .LBB2_5-.Ltmp2, $4  }
0x3b: {  	s18 =	sadd.s32 $0x40, s18;
	v10 =	vadd.s32 $0xFFFFFFFF, v4;
	v7 =	vadd.s32 $0xFFFFFFFF, v5;
	v5 =	vsub.s32 $0x0, v6  }
0x3c: {  	v4 =	vld [tilespmem:s18+$0x10];
	v13 =	vsub.s32 $0x0, v10;
	v8 =	vadd.s32 $0xFFFFFFFF, v8;
	v9 =	vmin.u32 v6, v5  }
0x3d: {  	v11 =	vsub.s32 $0x0, v7;
	v5 =	vld [tilespmem:s18+$0x0];
	v12 =	vsub.s32 $0x0, v8;
	vm1 =	vlt.s32 v9, $0x1  }
0x3e: {  	s7 =	sadd.s32 $0xFFFFFFFF, s7;
	p1 =	por $0x1, $0x1;
	v6 =	vld [tilespmem:s18+$0xFFFFFFE0];
	v12 =	vmin.u32 v8, v12;
	v8 =	vmin.u32 v10, v13;
	v10 =	vimm.s32 $0x0  }
.LBB2_6:
0x3f: {  	p2 =	sne.s32 s7, $0x1;
	v13 =	vld [tilespmem:s18+$0xFFFFFFF0];
	v9 =	vnsel vm1, $0x1, v9;
	vm1 =	vlt.s32 v12, $0x1;
	v7 =	vmin.u32 v7, v11  }
0x40: {  	v9 =	vadd.s32 v10, v9;
	v10 =	vnsel vm1, $0x1, v12;
	vm1 =	vlt.s32 v7, $0x1  }
0x41: {  	v9 =	vadd.s32 v10, v9;
	v7 =	vnsel vm1, $0x1, v7;
	vm1 =	vlt.s32 v8, $0x1  }
.Ltmp3:
0x42: {  	v14 =	vadd.s32 $0xFFFFFFFF, v4;
	v4 =	vadd.s32 v7, v9;
	v8 =	vnsel vm1, $0x1, v8;
	(pc) =	sbr.rel @p2 .LBB2_6-.Ltmp3, $4  }
0x43: {  	s18 =	sadd.s32 $0x40, s18;
	v7 =	vadd.s32 $0xFFFFFFFF, v5;
	v6 =	vadd.s32 $0xFFFFFFFF, v6;
	v10 =	vadd.s32 v8, v4  }
0x44: {  	v4 =	vld [tilespmem:s18+$0x10];
	v8 =	vsub.s32 $0x0, v6;
	v12 =	vadd.s32 $0xFFFFFFFF, v13;
	v13 =	vsub.s32 $0x0, v14  }
0x45: {  	v11 =	vsub.s32 $0x0, v7;
	v5 =	vld [tilespmem:s18+$0x0];
	v9 =	vmin.u32 v6, v8;
	v8 =	vsub.s32 $0x0, v12  }
0x46: {  	s7 =	sadd.s32 $0xFFFFFFFF, s7;
	v6 =	vld [tilespmem:s18+$0xFFFFFFE0];
	vm1 =	vlt.s32 v9, $0x1;
	v12 =	vmin.u32 v12, v8;
	v8 =	vmin.u32 v14, v13  }
.LBB2_7:
0x47: {  	v9 =	vnsel @p1 vm1, $0x1, v9;
	vm1 =	vlt.s32 @p1 v12, $0x1  }
0x48: {  	v13 =	vld [tilespmem:s18+$0xFFFFFFF0];
	v7 =	vmin.u32 @p1 v7, v11;
	v9 =	vadd.s32 @p1 v10, v9;
	v10 =	vnsel @p1 vm1, $0x1, v12  }
0x49: {  	vm1 =	vlt.s32 @p1 v7, $0x1;
	v9 =	vadd.s32 @p1 v10, v9  }
0x4a: {  	v7 =	vnsel @p1 vm1, $0x1, v7;
	vm1 =	vlt.s32 @p1 v8, $0x1;
	v4 =	vadd.s32 $0xFFFFFFFF, v4  }
0x4b: {  	v7 =	vadd.s32 @p1 v7, v9;
	v8 =	vnsel @p1 vm1, $0x1, v8;
	v5 =	vadd.s32 $0xFFFFFFFF, v5  }
0x4c: {  	v60 =	vsub.s32 $0x0, v4;
	v6 =	vadd.s32 $0xFFFFFFFF, v6;
	v7 =	vadd.s32 @p1 v8, v7  }
0x4d: {  	v62 =	vsub.s32 $0x0, v5;
	v58 =	vsub.s32 $0x0, v6;
	v59 =	vadd.s32 $0xFFFFFFFF, v13  }
0x4e: {  	v4 =	vmin.u32 v4, v60;
	v6 =	vmin.u32 v6, v58;
	v61 =	vsub.s32 $0x0, v59  }
0x4f: {  	v3 =	vpsel p1, v7, v3;
	vm1 =	vlt.s32 v6, $0x1;
	v8 =	vmin.u32 v59, v61  }
0x50: {  	v5 =	vmin.u32 v5, v62;
	v6 =	vnsel vm1, $0x1, v6;
	vm1 =	vlt.s32 v8, $0x1  }
0x51: {  	v3 =	vadd.s32 v3, v6;
	v63 =	vnsel vm1, $0x1, v8;
	vm1 =	vlt.s32 v5, $0x1  }
0x52: {  	v3 =	vadd.s32 v63, v3;
	v5 =	vnsel vm1, $0x1, v5;
	vm1 =	vlt.s32 v4, $0x1  }
0x53: {  	v3 =	vadd.s32 v5, v3;
	v4 =	vnsel vm1, $0x1, v4  }
0x54: {  	v3 =	vadd.s32 v4, v3  }
.LBB2_8:
0x55: {  	(xrf0) =	vadd.scan.msk.s32 $0xffff, v3;
	_ =	sdelay $0x2  }
0x56: {  	s7 =	simm.s32 $0x0;
	s18 =	sadd.s32 $0x0, s5  }
0x57: {  	s18 =	sand.u32 $0x1F80, s18;
	s7 =	sand.u32 $0x60, s7  }
0x58: {  	s7 =	sor.u32 s7, s18  }
0x59: {  	v4 =	vld [tilespmem:s7+$0x0];
	v3, _, _ =	vpop (xrf0)  }
0x5a: {  	(v2sf) =	vpush v3, $0xF;
	_ =	sdelay $0x3  }
0x5b: {  	v3 =	vadd.s32 $0xFFFFFFFF, v4  }
0x5c: {  	v4 =	vsub.s32 $0x0, v3  }
0x5d: {  	v3 =	vmin.u32 v3, v4  }
0x5e: {  	vm1 =	vlt.s32 v3, $0x1  }
0x5f: {  	v3 =	vnsel vm1, $0x1, v3  }
0x60: {  	(xrf0) =	vadd.scan.msk.s32 $0xffff, v3;
	_ =	sdelay $0x5  }
0x61: {  	v4, _, _ =	vpop (xrf0);
	s19 =	spop (v2sf)  }
0x62: {  	v5 =	vadd.s32 s19, v4  }
0x63: {  	v3 =	vmul.u32 v3, v5;
	_ =	sdelay $0x1  }
0x64: {  	v3 =	vadd.s32 $0x1, v3  }
0x65: {  	vm1 =	vgt.s32 v3, $0x0  }
0x66: {  	v3 =	vnsel vm1, $0x0, v3  }
0x67: {  	s18 =	simm.s32 $0x2010;
	v3 =	vmin.u32 v3, $0x2001  }
0x68: {  	[tilespmem:s18+$0xFFFFFFF0] =	vst v3  }
0x69: {  	(v2sf) =	vpush v4, $0xF;
	v3 =	vld [tilespmem:s7+$0x10];
	_ =	sdelay $0x4  }
0x6a: {  	v3 =	vadd.s32 $0xFFFFFFFF, v3  }
0x6b: {  	v4 =	vsub.s32 $0x0, v3  }
0x6c: {  	v3 =	vmin.u32 v3, v4  }
0x6d: {  	vm1 =	vlt.s32 v3, $0x1  }
0x6e: {  	v3 =	vnsel vm1, $0x1, v3  }
0x6f: {  	(xrf0) =	vadd.scan.msk.s32 $0xffff, v3;
	_ =	sdelay $0x4  }
0x70: {  	s30 =	spop (v2sf)  }
0x71: {  	s7 =	sadd.s32 s19, s30;
	v4, _, _ =	vpop (xrf0)  }
0x72: {  	v5 =	vadd.s32 s7, v4;
	(v2sf) =	vpush v4, $0xF  }
0x73: {  	v3 =	vmul.u32 v3, v5;
	_ =	sdelay $0x1  }
0x74: {  	v3 =	vadd.s32 $0x1, v3  }
0x75: {  	vm1 =	vgt.s32 v3, $0x0  }
0x76: {  	s31 =	simm.s32 $0x20;
	s20 =	sadd.s32 $0x20, s5;
	v3 =	vnsel vm1, $0x0, v3  }
0x77: {  	s20 =	sand.u32 $0x1F80, s20;
	s19 =	sand.u32 $0x60, s31;
	v3 =	vmin.u32 v3, $0x2001  }
0x78: {  	s20 =	sor.u32 s19, s20;
	[tilespmem:s18+$0x0] =	vst v3  }
0x79: {  	v3 =	vld [tilespmem:s20+$0x0];
	_ =	sdelay $0x4  }
0x7a: {  	v3 =	vadd.s32 $0xFFFFFFFF, v3  }
0x7b: {  	v4 =	vsub.s32 $0x0, v3  }
0x7c: {  	[smem:$0x7F6] =	sst s1;
	s19 =	simm.s32 $0x40;
	v3 =	vmin.u32 v3, v4;
	s21 =	spop (v2sf)  }
.LBB2_9:
0x7d: {  	s7 =	sadd.s32 s7, s21  }
0x7e: {  	vm1 =	vlt.s32 v3, $0x1;
	s18 =	sadd.s32 $0x80, s18;
	s21 =	smov.u32 s19;
	s22 =	sadd.s32 $0x20, s19  }
0x7f: {  	p1 =	sne.s32 s19, $0x3E0;
	v3 =	vnsel vm1, $0x1, v3  }
0x80: {  	(xrf0) =	vadd.scan.msk.s32 $0xffff, v3;
	_ =	sdelay $0x5  }
0x81: {  	v4, _, _ =	vpop (xrf0)  }
0x82: {  	v5 =	vadd.s32 s7, v4;
	(v2sf) =	vpush v4, $0xF  }
0x83: {  	v3 =	vmul.u32 v3, v5;
	_ =	sdelay $0x1  }
0x84: {  	v3 =	vadd.s32 $0x1, v3  }
0x85: {  	vm1 =	vgt.s32 v3, $0x0  }
0x86: {  	v3 =	vnsel vm1, $0x0, v3  }
0x87: {  	v3 =	vmin.u32 v3, $0x2001  }
0x88: {  	[tilespmem:s18+$0xFFFFFFF0] =	vst v3  }
0x89: {  	v3 =	vld [tilespmem:s20+$0x10];
	_ =	sdelay $0x4  }
0x8a: {  	v3 =	vadd.s32 $0xFFFFFFFF, v3  }
0x8b: {  	v4 =	vsub.s32 $0x0, v3  }
0x8c: {  	v3 =	vmin.u32 v3, v4;
	s19 =	spop (v2sf)  }
0x8d: {  	vm1 =	vlt.s32 v3, $0x1  }
0x8e: {  	v3 =	vnsel vm1, $0x1, v3  }
0x8f: {  	(xrf0) =	vadd.scan.msk.s32 $0xffff, v3;
	_ =	sdelay $0x5  }
0x90: {  	s7 =	sadd.s32 s7, s19;
	v4, _, _ =	vpop (xrf0)  }
0x91: {  	v5 =	vadd.s32 s7, v4;
	(v2sf) =	vpush v4, $0xF  }
0x92: {  	v3 =	vmul.u32 v3, v5;
	_ =	sdelay $0x1  }
0x93: {  	v3 =	vadd.s32 $0x1, v3  }
0x94: {  	vm1 =	vgt.s32 v3, $0x0  }
0x95: {  	s19 =	sadd.s32 s21, s5;
	v3 =	vnsel vm1, $0x0, v3  }
0x96: {  	s20 =	sand.u32 $0x60, s21;
	s19 =	sand.u32 $0x1F80, s19;
	v3 =	vmin.u32 v3, $0x2001  }
0x97: {  	s20 =	sor.u32 s20, s19;
	[tilespmem:s18+$0x0] =	vst v3  }
0x98: {  	v3 =	vld [tilespmem:s20+$0x0];
	_ =	sdelay $0x2  }
.Ltmp4:
0x99: {  	(pc) =	sbr.rel @p1 .LBB2_9-.Ltmp4, $4  }
0x9a: {  	_ = 	snop  }
0x9b: {  	v3 =	vadd.s32 $0xFFFFFFFF, v3  }
0x9c: {  	v4 =	vsub.s32 $0x0, v3  }
0x9d: {  	s19 =	smov.u32 s22;
	v3 =	vmin.u32 v3, v4;
	s21 =	spop (v2sf)  }
0x9e: {  	vm1 =	vlt.s32 v3, $0x1  }
0x9f: {  	v3 =	vnsel vm1, $0x1, v3  }
0xa0: {  	(xrf0) =	vadd.scan.msk.s32 $0xffff, v3;
	_ =	sdelay $0x5  }
0xa1: {  	s7 =	sadd.s32 s7, s21;
	v4, _, _ =	vpop (xrf0)  }
0xa2: {  	v5 =	vadd.s32 s7, v4  }
0xa3: {  	v3 =	vmul.u32 v3, v5;
	_ =	sdelay $0x1  }
0xa4: {  	v3 =	vadd.s32 $0x1, v3  }
0xa5: {  	vm1 =	vgt.s32 v3, $0x0  }
0xa6: {  	v3 =	vnsel vm1, $0x0, v3  }
0xa7: {  	s18 =	sadd.s32 $0x80, s18;
	v3 =	vmin.u32 v3, $0x2001  }
0xa8: {  	[tilespmem:s18+$0xFFFFFFF0] =	vst v3  }
0xa9: {  	(v2sf) =	vpush v4, $0xF;
	v3 =	vld [tilespmem:s20+$0x10];
	_ =	sdelay $0x4  }
0xaa: {  	v3 =	vadd.s32 $0xFFFFFFFF, v3  }
0xab: {  	v53 =	vsub.s32 $0x0, v3  }
0xac: {  	v3 =	vmin.u32 v3, v53  }
0xad: {  	vm1 =	vlt.s32 v3, $0x1  }
0xae: {  	v3 =	vnsel vm1, $0x1, v3  }
0xaf: {  	(xrf0) =	vadd.scan.msk.s32 $0xffff, v3;
	_ =	sdelay $0x4  }
0xb0: {  	s19 =	spop (v2sf)  }
0xb1: {  	s7 =	sadd.s32 s7, s19;
	v54, _, _ =	vpop (xrf0)  }
0xb2: {  	v55 =	vadd.s32 s7, v54  }
0xb3: {  	v3 =	vmul.u32 v3, v55;
	_ =	sdelay $0x1  }
0xb4: {  	v3 =	vadd.s32 $0x1, v3  }
0xb5: {  	vm1 =	vgt.s32 v3, $0x0  }
0xb6: {  	v3 =	vnsel vm1, $0x0, v3  }
0xb7: {  	v3 =	vmin.u32 v3, $0x2001  }
0xb8: {  	[tilespmem:s18+$0x0] =	vst v3  }
0xb9: {  	v3 =	vld [tilespmem:$0x2000];
	_ =	sdelay $0x4  }
0xba: {  	v56 =	vshll.u32 v3, $0x3  }
0xbb: {  	v3 =	vand.u32 $0x7, v3;
	v5 =	vand.u32 $0xFFFFFFC0, v56  }
0xbc: {  	v3 =	vor.u32 v3, v5  }
0xbd: {  	v5 =	vperm.xlane v3, v0;
	_ =	sdelay $0x1  }
0xbe: {  	v5 =	vadd.s32 v1, v5;
	_ =	sdelay $0x3  }
0xbf: {  	s0 =	simm.s32 $0x3000  }
0xc0: {  	[tilespmem:s0], [sflag:$0x1] =	stream.indirect_vreg.gather [hbm4b:s2+s3], $0x80, v5, vm0, $0xb8;
	[tilespmem:$0x1B000] =	vst v63  }
0xc1: {  	s18 =	simm.s32 $0x3800;
	v3 =	vperm.xlane v3, v2  }
0xc2: {  	[tilespmem:s18], [sflag:$0x1] =	stream.indirect_vreg.gather [hbm4b:s8+s3], $0x80, v5, vm0, $0xb8;
	[tilespmem:$0x1B000] =	vst v63  }
0xc3: {  	s19 =	simm.s32 $0x4000;
	v3 =	vadd.s32 v1, v3  }
0xc4: {  	[tilespmem:s19], [sflag:$0x1] =	stream.indirect_vreg.gather [hbm4b:s10+s3], $0x80, v5, vm0, $0xb8;
	[tilespmem:$0x1B000] =	vst v63  }
0xc5: {  	s20 =	simm.s32 $0x4800  }
0xc6: {  	[tilespmem:s20], [sflag:$0x1] =	stream.indirect_vreg.gather [hbm4b:s11+s3], $0x80, v5, vm0, $0xb8;
	[tilespmem:$0x1B000] =	vst v63  }
0xc7: {  	s21 =	simm.s32 $0x5000  }
0xc8: {  	[tilespmem:s21], [sflag:$0x1] =	stream.indirect_vreg.gather [hbm4b:s2+s3], $0x80, v3, vm0, $0xb8;
	[tilespmem:$0x1B000] =	vst v63  }
0xc9: {  	s22 =	simm.s32 $0x5800  }
0xca: {  	[tilespmem:s22], [sflag:$0x1] =	stream.indirect_vreg.gather [hbm4b:s8+s3], $0x80, v3, vm0, $0xb8;
	[tilespmem:$0x1B000] =	vst v63  }
0xcb: {  	s23 =	simm.s32 $0x6000  }
0xcc: {  	[tilespmem:s23], [sflag:$0x1] =	stream.indirect_vreg.gather [hbm4b:s10+s3], $0x80, v3, vm0, $0xb8;
	[tilespmem:$0x1B000] =	vst v63  }
0xcd: {  	s26 =	simm.s32 $0x6800  }
0xce: {  	[tilespmem:s26], [sflag:$0x1] =	stream.indirect_vreg.gather [hbm4b:s11+s3], $0x80, v3, vm0, $0xb8;
	[tilespmem:$0x1B000] =	vst v63  }
0xcf: {  	v3 =	vld [tilespmem:$0x2010];
	_ =	sdelay $0x4  }
0xd0: {  	v57 =	vshll.u32 v3, $0x3  }
0xd1: {  	v3 =	vand.u32 $0x7, v3;
	v5 =	vand.u32 $0xFFFFFFC0, v57  }
0xd2: {  	v3 =	vor.u32 v3, v5  }
0xd3: {  	v5 =	vperm.xlane v3, v0;
	_ =	sdelay $0x1  }
0xd4: {  	v5 =	vadd.s32 v1, v5;
	_ =	sdelay $0x3  }
0xd5: {  	s28 =	simm.s32 $0x7000  }
0xd6: {  	[tilespmem:s28], [sflag:$0x1] =	stream.indirect_vreg.gather [hbm4b:s2+s3], $0x80, v5, vm0, $0xb8;
	[tilespmem:$0x1B000] =	vst v63  }
0xd7: {  	s31 =	simm.s32 $0x7800;
	v3 =	vperm.xlane v3, v2  }
0xd8: {  	[tilespmem:s31], [sflag:$0x1] =	stream.indirect_vreg.gather [hbm4b:s8+s3], $0x80, v5, vm0, $0xb8;
	[tilespmem:$0x1B000] =	vst v63  }
0xd9: {  	s1 =	simm.s32 $0x8000;
	v3 =	vadd.s32 v1, v3  }
0xda: {  	[tilespmem:s1], [sflag:$0x1] =	stream.indirect_vreg.gather [hbm4b:s10+s3], $0x80, v5, vm0, $0xb8;
	[tilespmem:$0x1B000] =	vst v63  }
0xdb: {  	s4 =	simm.s32 $0x8800  }
0xdc: {  	[tilespmem:s4], [sflag:$0x1] =	stream.indirect_vreg.gather [hbm4b:s11+s3], $0x80, v5, vm0, $0xb8;
	[tilespmem:$0x1B000] =	vst v63  }
0xdd: {  	s7 =	simm.s32 $0x9000  }
0xde: {  	[tilespmem:s7], [sflag:$0x1] =	stream.indirect_vreg.gather [hbm4b:s2+s3], $0x80, v3, vm0, $0xb8;
	[tilespmem:$0x1B000] =	vst v63  }
0xdf: {  	s13 =	simm.s32 $0x9800  }
0xe0: {  	[tilespmem:s13], [sflag:$0x1] =	stream.indirect_vreg.gather [hbm4b:s8+s3], $0x80, v3, vm0, $0xb8;
	[tilespmem:$0x1B000] =	vst v63  }
0xe1: {  	s17 =	simm.s32 $0xA000  }
0xe2: {  	[tilespmem:s17], [sflag:$0x1] =	stream.indirect_vreg.gather [hbm4b:s10+s3], $0x80, v3, vm0, $0xb8;
	[tilespmem:$0x1B000] =	vst v63  }
0xe3: {  	s18 =	simm.s32 $0xA800  }
0xe4: {  	[tilespmem:s18], [sflag:$0x1] =	stream.indirect_vreg.gather [hbm4b:s11+s3], $0x80, v3, vm0, $0xb8;
	[tilespmem:$0x1B000] =	vst v63  }
0xe5: {  	v3 =	vld [tilespmem:$0x2080];
	_ =	sdelay $0x4  }
0xe6: {  	v58 =	vshll.u32 v3, $0x3  }
0xe7: {  	v3 =	vand.u32 $0x7, v3;
	v5 =	vand.u32 $0xFFFFFFC0, v58  }
0xe8: {  	v3 =	vor.u32 v3, v5  }
0xe9: {  	v5 =	vperm.xlane v3, v0;
	_ =	sdelay $0x1  }
0xea: {  	v5 =	vadd.s32 v1, v5;
	_ =	sdelay $0x3  }
0xeb: {  	s19 =	simm.s32 $0xB000  }
0xec: {  	[tilespmem:s19], [sflag:$0x2] =	stream.indirect_vreg.gather [hbm4b:s2+s3], $0x80, v5, vm0, $0xb8;
	[tilespmem:$0x1B000] =	vst v63  }
0xed: {  	s1 =	simm.s32 $0xB800;
	v3 =	vperm.xlane v3, v2  }
0xee: {  	[tilespmem:s1], [sflag:$0x2] =	stream.indirect_vreg.gather [hbm4b:s8+s3], $0x80, v5, vm0, $0xb8;
	[tilespmem:$0x1B000] =	vst v63  }
0xef: {  	s21 =	simm.s32 $0xC000;
	v3 =	vadd.s32 v1, v3  }
0xf0: {  	[tilespmem:s21], [sflag:$0x2] =	stream.indirect_vreg.gather [hbm4b:s10+s3], $0x80, v5, vm0, $0xb8;
	[tilespmem:$0x1B000] =	vst v63  }
0xf1: {  	s22 =	simm.s32 $0xC800  }
0xf2: {  	[tilespmem:s22], [sflag:$0x2] =	stream.indirect_vreg.gather [hbm4b:s11+s3], $0x80, v5, vm0, $0xb8;
	[tilespmem:$0x1B000] =	vst v63  }
0xf3: {  	s23 =	simm.s32 $0xD000  }
0xf4: {  	[tilespmem:s23], [sflag:$0x2] =	stream.indirect_vreg.gather [hbm4b:s2+s3], $0x80, v3, vm0, $0xb8;
	[tilespmem:$0x1B000] =	vst v63  }
0xf5: {  	s26 =	simm.s32 $0xD800  }
0xf6: {  	[tilespmem:s26], [sflag:$0x2] =	stream.indirect_vreg.gather [hbm4b:s8+s3], $0x80, v3, vm0, $0xb8;
	[tilespmem:$0x1B000] =	vst v63  }
0xf7: {  	s28 =	simm.s32 $0xE000  }
0xf8: {  	[tilespmem:s28], [sflag:$0x2] =	stream.indirect_vreg.gather [hbm4b:s10+s3], $0x80, v3, vm0, $0xb8;
	[tilespmem:$0x1B000] =	vst v63  }
0xf9: {  	s0 =	simm.s32 $0xE800  }
0xfa: {  	[tilespmem:s0], [sflag:$0x2] =	stream.indirect_vreg.gather [hbm4b:s11+s3], $0x80, v3, vm0, $0xb8;
	[tilespmem:$0x1B000] =	vst v63  }
0xfb: {  	v3 =	vld [tilespmem:$0x2090];
	_ =	sdelay $0x4  }
0xfc: {  	v59 =	vshll.u32 v3, $0x3  }
0xfd: {  	v3 =	vand.u32 $0x7, v3;
	v5 =	vand.u32 $0xFFFFFFC0, v59  }
0xfe: {  	v3 =	vor.u32 v3, v5  }
0xff: {  	v5 =	vperm.xlane v3, v0;
	_ =	sdelay $0x1  }
0x100: {  	v5 =	vadd.s32 v1, v5;
	_ =	sdelay $0x2  }
0x101: {  	(v2sf) =	vpush v54, $0xF  }
0x102: {  	s1 =	simm.s32 $0xF000  }
0x103: {  	[tilespmem:s1], [sflag:$0x2] =	stream.indirect_vreg.gather [hbm4b:s2+s3], $0x80, v5, vm0, $0xb8;
	[tilespmem:$0x1B000] =	vst v63  }
0x104: {  	s7 =	simm.s32 $0xF800;
	v3 =	vperm.xlane v3, v2  }
0x105: {  	[tilespmem:s7], [sflag:$0x2] =	stream.indirect_vreg.gather [hbm4b:s8+s3], $0x80, v5, vm0, $0xb8;
	[tilespmem:$0x1B000] =	vst v63  }
0x106: {  	s13 =	simm.s32 $0x10000;
	v3 =	vadd.s32 v1, v3  }
0x107: {  	[tilespmem:s13], [sflag:$0x2] =	stream.indirect_vreg.gather [hbm4b:s10+s3], $0x80, v5, vm0, $0xb8;
	[tilespmem:$0x1B000] =	vst v63  }
0x108: {  	s17 =	simm.s32 $0x10800  }
0x109: {  	[tilespmem:s17], [sflag:$0x2] =	stream.indirect_vreg.gather [hbm4b:s11+s3], $0x80, v5, vm0, $0xb8;
	[tilespmem:$0x1B000] =	vst v63  }
0x10a: {  	s21 =	simm.s32 $0x11000  }
0x10b: {  	[tilespmem:s21], [sflag:$0x2] =	stream.indirect_vreg.gather [hbm4b:s2+s3], $0x80, v3, vm0, $0xb8;
	[tilespmem:$0x1B000] =	vst v63  }
0x10c: {  	s22 =	simm.s32 $0x11800  }
0x10d: {  	[tilespmem:s22], [sflag:$0x2] =	stream.indirect_vreg.gather [hbm4b:s8+s3], $0x80, v3, vm0, $0xb8;
	[tilespmem:$0x1B000] =	vst v63  }
0x10e: {  	s23 =	simm.s32 $0x12000  }
0x10f: {  	[tilespmem:s23], [sflag:$0x2] =	stream.indirect_vreg.gather [hbm4b:s10+s3], $0x80, v3, vm0, $0xb8;
	[tilespmem:$0x1B000] =	vst v63  }
0x110: {  	s0 =	spop (v2sf);
	s1 =	simm.s32 $0x12800  }
0x111: {  	[tilespmem:s1], [sflag:$0x2] =	stream.indirect_vreg.gather [hbm4b:s11+s3], $0x80, v3, vm0, $0xb8;
	[tilespmem:$0x1B000] =	vst v63  }
0x112: {  	_ =	swait.ge [sflag:s6], $0x8000  }
0x113: {  	[sflag:s6] =	ssyncset.done $0x0  }
0x114: {  	[sflag:s6] =	ssyncadd.s32 $0xFFFF8000  }
0x115: {  	v3 =	vld [tilespmem:$0x2100];
	_ =	sdelay $0x4  }
0x116: {  	v60 =	vshll.u32 v3, $0x3  }
0x117: {  	v3 =	vand.u32 $0x7, v3;
	v4 =	vand.u32 $0xFFFFFFC0, v60  }
0x118: {  	v3 =	vor.u32 v3, v4  }
0x119: {  	v4 =	vperm.xlane v3, v0;
	_ =	sdelay $0x1  }
0x11a: {  	v4 =	vadd.s32 v1, v4;
	_ =	sdelay $0x3  }
0x11b: {  	s7 =	simm.s32 $0x13000  }
0x11c: {  	[tilespmem:s7], [sflag:$0x3] =	stream.indirect_vreg.gather [hbm4b:s2+s3], $0x80, v4, vm0, $0xb8;
	[tilespmem:$0x1B000] =	vst v63  }
0x11d: {  	s13 =	simm.s32 $0x13800;
	v3 =	vperm.xlane v3, v2  }
0x11e: {  	[tilespmem:s13], [sflag:$0x3] =	stream.indirect_vreg.gather [hbm4b:s8+s3], $0x80, v4, vm0, $0xb8;
	[tilespmem:$0x1B000] =	vst v63  }
0x11f: {  	s17 =	simm.s32 $0x14000;
	v3 =	vadd.s32 v1, v3  }
0x120: {  	[tilespmem:s17], [sflag:$0x3] =	stream.indirect_vreg.gather [hbm4b:s10+s3], $0x80, v4, vm0, $0xb8;
	[tilespmem:$0x1B000] =	vst v63  }
0x121: {  	s22 =	simm.s32 $0x14800  }
0x122: {  	[tilespmem:s22], [sflag:$0x3] =	stream.indirect_vreg.gather [hbm4b:s11+s3], $0x80, v4, vm0, $0xb8;
	[tilespmem:$0x1B000] =	vst v63  }
0x123: {  	s23 =	simm.s32 $0x15000  }
0x124: {  	[tilespmem:s23], [sflag:$0x3] =	stream.indirect_vreg.gather [hbm4b:s2+s3], $0x80, v3, vm0, $0xb8;
	[tilespmem:$0x1B000] =	vst v63  }
0x125: {  	s7 =	simm.s32 $0x15800  }
0x126: {  	[tilespmem:s7], [sflag:$0x3] =	stream.indirect_vreg.gather [hbm4b:s8+s3], $0x80, v3, vm0, $0xb8;
	[tilespmem:$0x1B000] =	vst v63  }
0x127: {  	s13 =	simm.s32 $0x16000  }
0x128: {  	[tilespmem:s13], [sflag:$0x3] =	stream.indirect_vreg.gather [hbm4b:s10+s3], $0x80, v3, vm0, $0xb8;
	[tilespmem:$0x1B000] =	vst v63  }
0x129: {  	s17 =	simm.s32 $0x16800  }
0x12a: {  	[tilespmem:s17], [sflag:$0x3] =	stream.indirect_vreg.gather [hbm4b:s11+s3], $0x80, v3, vm0, $0xb8;
	[tilespmem:$0x1B000] =	vst v63  }
0x12b: {  	v3 =	vld [tilespmem:$0x2110];
	_ =	sdelay $0x4  }
0x12c: {  	v61 =	vshll.u32 v3, $0x3  }
0x12d: {  	v3 =	vand.u32 $0x7, v3;
	v4 =	vand.u32 $0xFFFFFFC0, v61  }
0x12e: {  	v3 =	vor.u32 v3, v4  }
0x12f: {  	v4 =	vperm.xlane v3, v0;
	_ =	sdelay $0x1  }
0x130: {  	v4 =	vadd.s32 v1, v4;
	_ =	sdelay $0x3  }
0x131: {  	s22 =	simm.s32 $0x17000  }
0x132: {  	[tilespmem:s22], [sflag:$0x3] =	stream.indirect_vreg.gather [hbm4b:s2+s3], $0x80, v4, vm0, $0xb8;
	[tilespmem:$0x1B000] =	vst v63  }
0x133: {  	s23 =	simm.s32 $0x17800;
	v3 =	vperm.xlane v3, v2  }
0x134: {  	[tilespmem:s23], [sflag:$0x3] =	stream.indirect_vreg.gather [hbm4b:s8+s3], $0x80, v4, vm0, $0xb8;
	[tilespmem:$0x1B000] =	vst v63  }
0x135: {  	s7 =	simm.s32 $0x18000;
	v3 =	vadd.s32 v1, v3  }
0x136: {  	[tilespmem:s7], [sflag:$0x3] =	stream.indirect_vreg.gather [hbm4b:s10+s3], $0x80, v4, vm0, $0xb8;
	[tilespmem:$0x1B000] =	vst v63  }
0x137: {  	s13 =	simm.s32 $0x18800  }
0x138: {  	[tilespmem:s13], [sflag:$0x3] =	stream.indirect_vreg.gather [hbm4b:s11+s3], $0x80, v4, vm0, $0xb8;
	[tilespmem:$0x1B000] =	vst v63  }
0x139: {  	s17 =	simm.s32 $0x19000  }
0x13a: {  	[tilespmem:s17], [sflag:$0x3] =	stream.indirect_vreg.gather [hbm4b:s2+s3], $0x80, v3, vm0, $0xb8;
	[tilespmem:$0x1B000] =	vst v63  }
0x13b: {  	s22 =	simm.s32 $0x19800  }
0x13c: {  	[tilespmem:s22], [sflag:$0x3] =	stream.indirect_vreg.gather [hbm4b:s8+s3], $0x80, v3, vm0, $0xb8;
	[tilespmem:$0x1B000] =	vst v63  }
0x13d: {  	s23 =	simm.s32 $0x1A000  }
0x13e: {  	[tilespmem:s23], [sflag:$0x3] =	stream.indirect_vreg.gather [hbm4b:s10+s3], $0x80, v3, vm0, $0xb8;
	[tilespmem:$0x1B000] =	vst v63  }
0x13f: {  	s7 =	simm.s32 $0x1A800  }
0x140: {  	[tilespmem:s7], [sflag:$0x3] =	stream.indirect_vreg.gather [hbm4b:s11+s3], $0x80, v3, vm0, $0xb8;
	[tilespmem:$0x1B000] =	vst v63  }
0x141: {  	s13 =	simm.s32 $0x3000;
	s7 =	rddreg [dreg:$0x6]  }
0x142: {  	[hbm4b:s7+s3] =	stream.linear.scatter [tilespmem:s13], [sflag:$0x4], $0x8000, $0x38;
	[tilespmem:$0x1B000] =	vst v63  }
0x143: {  	_ =	swait.ge [sflag:s12], $0x8000  }
0x144: {  	[sflag:s12] =	ssyncset.done $0x0  }
0x145: {  	[sflag:s12] =	ssyncadd.s32 $0xFFFF8000  }
0x146: {  	_ =	swait.ge [sflag:s14], $0x8000  }
0x147: {  	[sflag:s14] =	ssyncset.done $0x0  }
0x148: {  	[sflag:s14] =	ssyncadd.s32 $0xFFFF8000  }
0x149: {  	v3 =	vld [tilespmem:$0x2180];
	_ =	sdelay $0x4  }
0x14a: {  	v62 =	vshll.u32 v3, $0x3  }
0x14b: {  	v3 =	vand.u32 $0x7, v3;
	v4 =	vand.u32 $0xFFFFFFC0, v62  }
0x14c: {  	v3 =	vor.u32 v3, v4  }
0x14d: {  	v4 =	vperm.xlane v3, v0;
	_ =	sdelay $0x1  }
0x14e: {  	v4 =	vadd.s32 v1, v4;
	_ =	sdelay $0x4  }
0x14f: {  	[tilespmem:s13], [sflag:$0x1] =	stream.indirect_vreg.gather [hbm4b:s2+s3], $0x80, v4, vm0, $0xb8;
	[tilespmem:$0x1B000] =	vst v63  }
0x150: {  	v3 =	vperm.xlane v3, v2;
	s13 =	simm.s32 $0x3800  }
0x151: {  	[tilespmem:s13], [sflag:$0x1] =	stream.indirect_vreg.gather [hbm4b:s8+s3], $0x80, v4, vm0, $0xb8;
	[tilespmem:$0x1B000] =	vst v63  }
0x152: {  	s16 =	simm.s32 $0x4000;
	v3 =	vadd.s32 v1, v3  }
0x153: {  	[tilespmem:s16], [sflag:$0x1] =	stream.indirect_vreg.gather [hbm4b:s10+s3], $0x80, v4, vm0, $0xb8;
	[tilespmem:$0x1B000] =	vst v63  }
0x154: {  	s24 =	simm.s32 $0x4800  }
0x155: {  	[tilespmem:s24], [sflag:$0x1] =	stream.indirect_vreg.gather [hbm4b:s11+s3], $0x80, v4, vm0, $0xb8;
	[tilespmem:$0x1B000] =	vst v63  }
0x156: {  	s25 =	simm.s32 $0x5000  }
0x157: {  	[tilespmem:s25], [sflag:$0x1] =	stream.indirect_vreg.gather [hbm4b:s2+s3], $0x80, v3, vm0, $0xb8;
	[tilespmem:$0x1B000] =	vst v63  }
0x158: {  	s29 =	simm.s32 $0x5800  }
0x159: {  	[tilespmem:s29], [sflag:$0x1] =	stream.indirect_vreg.gather [hbm4b:s8+s3], $0x80, v3, vm0, $0xb8;
	[tilespmem:$0x1B000] =	vst v63  }
0x15a: {  	s30 =	simm.s32 $0x6000  }
0x15b: {  	[tilespmem:s30], [sflag:$0x1] =	stream.indirect_vreg.gather [hbm4b:s10+s3], $0x80, v3, vm0, $0xb8;
	[tilespmem:$0x1B000] =	vst v63  }
0x15c: {  	s23 =	simm.s32 $0x6800  }
0x15d: {  	[tilespmem:s23], [sflag:$0x1] =	stream.indirect_vreg.gather [hbm4b:s11+s3], $0x80, v3, vm0, $0xb8;
	[tilespmem:$0x1B000] =	vst v63  }
0x15e: {  	v3 =	vld [tilespmem:$0x2190];
	_ =	sdelay $0x4  }
0x15f: {  	v63 =	vshll.u32 v3, $0x3  }
0x160: {  	v3 =	vand.u32 $0x7, v3;
	v4 =	vand.u32 $0xFFFFFFC0, v63  }
0x161: {  	v3 =	vor.u32 v3, v4  }
0x162: {  	v4 =	vperm.xlane v3, v0;
	_ =	sdelay $0x1  }
0x163: {  	v4 =	vadd.s32 v1, v4;
	_ =	sdelay $0x3  }
0x164: {  	s17 =	simm.s32 $0x7000  }
0x165: {  	[tilespmem:s17], [sflag:$0x1] =	stream.indirect_vreg.gather [hbm4b:s2+s3], $0x80, v4, vm0, $0xb8;
	[tilespmem:$0x1B000] =	vst v63  }
0x166: {  	s15 =	simm.s32 $0x7800;
	v3 =	vperm.xlane v3, v2  }
0x167: {  	[tilespmem:s15], [sflag:$0x1] =	stream.indirect_vreg.gather [hbm4b:s8+s3], $0x80, v4, vm0, $0xb8;
	[tilespmem:$0x1B000] =	vst v63  }
0x168: {  	s31 =	simm.s32 $0x8000;
	v3 =	vadd.s32 v1, v3  }
0x169: {  	[tilespmem:s31], [sflag:$0x1] =	stream.indirect_vreg.gather [hbm4b:s10+s3], $0x80, v4, vm0, $0xb8;
	[tilespmem:$0x1B000] =	vst v63  }
0x16a: {  	s9 =	simm.s32 $0x8800  }
0x16b: {  	[tilespmem:s9], [sflag:$0x1] =	stream.indirect_vreg.gather [hbm4b:s11+s3], $0x80, v4, vm0, $0xb8;
	[tilespmem:$0x1B000] =	vst v63  }
0x16c: {  	s4 =	simm.s32 $0x9000  }
0x16d: {  	[tilespmem:s4], [sflag:$0x1] =	stream.indirect_vreg.gather [hbm4b:s2+s3], $0x80, v3, vm0, $0xb8;
	[tilespmem:$0x1B000] =	vst v63  }
0x16e: {  	s20 =	simm.s32 $0x9800  }
0x16f: {  	[tilespmem:s20], [sflag:$0x1] =	stream.indirect_vreg.gather [hbm4b:s8+s3], $0x80, v3, vm0, $0xb8;
	[tilespmem:$0x1B000] =	vst v63  }
0x170: {  	s20 =	simm.s32 $0xA000  }
0x171: {  	[tilespmem:s20], [sflag:$0x1] =	stream.indirect_vreg.gather [hbm4b:s10+s3], $0x80, v3, vm0, $0xb8;
	[tilespmem:$0x1B000] =	vst v63  }
0x172: {  	s18 =	simm.s32 $0xA800  }
0x173: {  	[tilespmem:s18], [sflag:$0x1] =	stream.indirect_vreg.gather [hbm4b:s11+s3], $0x80, v3, vm0, $0xb8;
	[tilespmem:$0x1B000] =	vst v63  }
0x174: {  	s16 =	rddreg [dreg:$0x7];
	s15 =	simm.s32 $0x3;
	s18 =	simm.s32 $0xB000  }
0x175: {  	[hbm4b:s16+s3] =	stream.linear.scatter [tilespmem:s18], [sflag:$0x5], $0x8000, $0x38;
	[tilespmem:$0x1B000] =	vst v63  }
0x176: {  	_ =	swait.ge [sflag:s15], $0x8000  }
0x177: {  	[sflag:s15] =	ssyncset.done $0x0  }
0x178: {  	s4 =	simm.s32 $0x5;
	[sflag:s15] =	ssyncadd.s32 $0xFFFF8000  }
0x179: {  	_ =	swait.ge [sflag:s4], $0x8000  }
0x17a: {  	[sflag:s4] =	ssyncset.done $0x0  }
0x17b: {  	[sflag:s4] =	ssyncadd.s32 $0xFFFF8000  }
0x17c: {  	v3 =	vld [tilespmem:$0x2200];
	_ =	sdelay $0x4  }
0x17d: {  	v8 =	vshll.u32 v3, $0x3  }
0x17e: {  	v3 =	vand.u32 $0x7, v3;
	v4 =	vand.u32 $0xFFFFFFC0, v8  }
0x17f: {  	v3 =	vor.u32 v3, v4  }
0x180: {  	v4 =	vperm.xlane v3, v0;
	_ =	sdelay $0x1  }
0x181: {  	v4 =	vadd.s32 v1, v4;
	_ =	sdelay $0x4  }
0x182: {  	[tilespmem:s18], [sflag:$0x2] =	stream.indirect_vreg.gather [hbm4b:s2+s3], $0x80, v4, vm0, $0xb8;
	[tilespmem:$0x1B000] =	vst v63  }
0x183: {  	s19 =	simm.s32 $0xB800;
	v3 =	vperm.xlane v3, v2  }
0x184: {  	[tilespmem:s19], [sflag:$0x2] =	stream.indirect_vreg.gather [hbm4b:s8+s3], $0x80, v4, vm0, $0xb8;
	[tilespmem:$0x1B000] =	vst v63  }
0x185: {  	v3 =	vadd.s32 v1, v3;
	s18 =	simm.s32 $0xC000  }
0x186: {  	[tilespmem:s18], [sflag:$0x2] =	stream.indirect_vreg.gather [hbm4b:s10+s3], $0x80, v4, vm0, $0xb8;
	[tilespmem:$0x1B000] =	vst v63  }
0x187: {  	s22 =	simm.s32 $0xC800  }
0x188: {  	[tilespmem:s22], [sflag:$0x2] =	stream.indirect_vreg.gather [hbm4b:s11+s3], $0x80, v4, vm0, $0xb8;
	[tilespmem:$0x1B000] =	vst v63  }
0x189: {  	s9 =	simm.s32 $0xD000  }
0x18a: {  	[tilespmem:s9], [sflag:$0x2] =	stream.indirect_vreg.gather [hbm4b:s2+s3], $0x80, v3, vm0, $0xb8;
	[tilespmem:$0x1B000] =	vst v63  }
0x18b: {  	s16 =	simm.s32 $0xD800  }
0x18c: {  	[tilespmem:s16], [sflag:$0x2] =	stream.indirect_vreg.gather [hbm4b:s8+s3], $0x80, v3, vm0, $0xb8;
	[tilespmem:$0x1B000] =	vst v63  }
0x18d: {  	s24 =	simm.s32 $0xE000  }
0x18e: {  	[tilespmem:s24], [sflag:$0x2] =	stream.indirect_vreg.gather [hbm4b:s10+s3], $0x80, v3, vm0, $0xb8;
	[tilespmem:$0x1B000] =	vst v63  }
0x18f: {  	s25 =	simm.s32 $0xE800  }
0x190: {  	[tilespmem:s25], [sflag:$0x2] =	stream.indirect_vreg.gather [hbm4b:s11+s3], $0x80, v3, vm0, $0xb8;
	[tilespmem:$0x1B000] =	vst v63  }
0x191: {  	v3 =	vld [tilespmem:$0x2210];
	_ =	sdelay $0x4  }
0x192: {  	v9 =	vshll.u32 v3, $0x3  }
0x193: {  	v3 =	vand.u32 $0x7, v3;
	v4 =	vand.u32 $0xFFFFFFC0, v9  }
0x194: {  	v3 =	vor.u32 v3, v4  }
0x195: {  	v4 =	vperm.xlane v3, v0;
	_ =	sdelay $0x1  }
0x196: {  	v4 =	vadd.s32 v1, v4;
	_ =	sdelay $0x3  }
0x197: {  	s26 =	simm.s32 $0xF000  }
0x198: {  	[tilespmem:s26], [sflag:$0x2] =	stream.indirect_vreg.gather [hbm4b:s2+s3], $0x80, v4, vm0, $0xb8;
	[tilespmem:$0x1B000] =	vst v63  }
0x199: {  	s28 =	simm.s32 $0xF800;
	v3 =	vperm.xlane v3, v2  }
0x19a: {  	[tilespmem:s28], [sflag:$0x2] =	stream.indirect_vreg.gather [hbm4b:s8+s3], $0x80, v4, vm0, $0xb8;
	[tilespmem:$0x1B000] =	vst v63  }
0x19b: {  	v3 =	vadd.s32 v1, v3;
	s26 =	simm.s32 $0x10000  }
0x19c: {  	[tilespmem:s26], [sflag:$0x2] =	stream.indirect_vreg.gather [hbm4b:s10+s3], $0x80, v4, vm0, $0xb8;
	[tilespmem:$0x1B000] =	vst v63  }
0x19d: {  	s28 =	simm.s32 $0x10800  }
0x19e: {  	[tilespmem:s28], [sflag:$0x2] =	stream.indirect_vreg.gather [hbm4b:s11+s3], $0x80, v4, vm0, $0xb8;
	[tilespmem:$0x1B000] =	vst v63  }
0x19f: {  	s29 =	simm.s32 $0x11000  }
0x1a0: {  	[tilespmem:s29], [sflag:$0x2] =	stream.indirect_vreg.gather [hbm4b:s2+s3], $0x80, v3, vm0, $0xb8;
	[tilespmem:$0x1B000] =	vst v63  }
0x1a1: {  	s30 =	simm.s32 $0x11800  }
0x1a2: {  	[tilespmem:s30], [sflag:$0x2] =	stream.indirect_vreg.gather [hbm4b:s8+s3], $0x80, v3, vm0, $0xb8;
	[tilespmem:$0x1B000] =	vst v63  }
0x1a3: {  	s31 =	simm.s32 $0x12000  }
0x1a4: {  	[tilespmem:s31], [sflag:$0x2] =	stream.indirect_vreg.gather [hbm4b:s10+s3], $0x80, v3, vm0, $0xb8;
	[tilespmem:$0x1B000] =	vst v63  }
0x1a5: {  	s1 =	simm.s32 $0x12800  }
0x1a6: {  	[tilespmem:s1], [sflag:$0x2] =	stream.indirect_vreg.gather [hbm4b:s11+s3], $0x80, v3, vm0, $0xb8;
	[tilespmem:$0x1B000] =	vst v63  }
0x1a7: {  	s0 =	simm.s32 $0x13000;
	s19 =	rddreg [dreg:$0x8]  }
0x1a8: {  	[hbm4b:s19+s3] =	stream.linear.scatter [tilespmem:s0], [sflag:$0x6], $0x8000, $0x38;
	[tilespmem:$0x1B000] =	vst v63  }
0x1a9: {  	_ =	swait.ge [sflag:s6], $0x8000  }
0x1aa: {  	[sflag:s6] =	ssyncset.done $0x0  }
0x1ab: {  	s1 =	simm.s32 $0x6;
	[sflag:s6] =	ssyncadd.s32 $0xFFFF8000  }
0x1ac: {  	_ =	swait.ge [sflag:s1], $0x8000  }
0x1ad: {  	[sflag:s1] =	ssyncset.done $0x0  }
0x1ae: {  	[sflag:s1] =	ssyncadd.s32 $0xFFFF8000  }
0x1af: {  	v3 =	vld [tilespmem:$0x2280];
	_ =	sdelay $0x4  }
0x1b0: {  	v10 =	vshll.u32 v3, $0x3  }
0x1b1: {  	v3 =	vand.u32 $0x7, v3;
	v4 =	vand.u32 $0xFFFFFFC0, v10  }
0x1b2: {  	v3 =	vor.u32 v3, v4  }
0x1b3: {  	v4 =	vperm.xlane v3, v0;
	_ =	sdelay $0x1  }
0x1b4: {  	v4 =	vadd.s32 v1, v4;
	_ =	sdelay $0x4  }
0x1b5: {  	[tilespmem:s0], [sflag:$0x3] =	stream.indirect_vreg.gather [hbm4b:s2+s3], $0x80, v4, vm0, $0xb8;
	[tilespmem:$0x1B000] =	vst v63  }
0x1b6: {  	s21 =	simm.s32 $0x13800;
	v3 =	vperm.xlane v3, v2  }
0x1b7: {  	[tilespmem:s21], [sflag:$0x3] =	stream.indirect_vreg.gather [hbm4b:s8+s3], $0x80, v4, vm0, $0xb8;
	[tilespmem:$0x1B000] =	vst v63  }
0x1b8: {  	s19 =	simm.s32 $0x14000;
	v3 =	vadd.s32 v1, v3  }
0x1b9: {  	[tilespmem:s19], [sflag:$0x3] =	stream.indirect_vreg.gather [hbm4b:s10+s3], $0x80, v4, vm0, $0xb8;
	[tilespmem:$0x1B000] =	vst v63  }
0x1ba: {  	s21 =	simm.s32 $0x14800  }
0x1bb: {  	[tilespmem:s21], [sflag:$0x3] =	stream.indirect_vreg.gather [hbm4b:s11+s3], $0x80, v4, vm0, $0xb8;
	[tilespmem:$0x1B000] =	vst v63  }
0x1bc: {  	s7 =	simm.s32 $0x15000  }
0x1bd: {  	[tilespmem:s7], [sflag:$0x3] =	stream.indirect_vreg.gather [hbm4b:s2+s3], $0x80, v3, vm0, $0xb8;
	[tilespmem:$0x1B000] =	vst v63  }
0x1be: {  	s7 =	simm.s32 $0x15800  }
0x1bf: {  	[tilespmem:s7], [sflag:$0x3] =	stream.indirect_vreg.gather [hbm4b:s8+s3], $0x80, v3, vm0, $0xb8;
	[tilespmem:$0x1B000] =	vst v63  }
0x1c0: {  	s7 =	simm.s32 $0x16000  }
0x1c1: {  	[tilespmem:s7], [sflag:$0x3] =	stream.indirect_vreg.gather [hbm4b:s10+s3], $0x80, v3, vm0, $0xb8;
	[tilespmem:$0x1B000] =	vst v63  }
0x1c2: {  	s7 =	simm.s32 $0x16800  }
0x1c3: {  	[tilespmem:s7], [sflag:$0x3] =	stream.indirect_vreg.gather [hbm4b:s11+s3], $0x80, v3, vm0, $0xb8;
	[tilespmem:$0x1B000] =	vst v63  }
0x1c4: {  	v3 =	vld [tilespmem:$0x2290];
	_ =	sdelay $0x4  }
0x1c5: {  	v11 =	vshll.u32 v3, $0x3  }
0x1c6: {  	v3 =	vand.u32 $0x7, v3;
	v4 =	vand.u32 $0xFFFFFFC0, v11  }
0x1c7: {  	v3 =	vor.u32 v3, v4  }
0x1c8: {  	v4 =	vperm.xlane v3, v0;
	_ =	sdelay $0x1  }
0x1c9: {  	v4 =	vadd.s32 v1, v4;
	_ =	sdelay $0x3  }
0x1ca: {  	s7 =	simm.s32 $0x17000  }
0x1cb: {  	[tilespmem:s7], [sflag:$0x3] =	stream.indirect_vreg.gather [hbm4b:s2+s3], $0x80, v4, vm0, $0xb8;
	[tilespmem:$0x1B000] =	vst v63  }
0x1cc: {  	v3 =	vperm.xlane v3, v2;
	s7 =	simm.s32 $0x17800  }
0x1cd: {  	[tilespmem:s7], [sflag:$0x3] =	stream.indirect_vreg.gather [hbm4b:s8+s3], $0x80, v4, vm0, $0xb8;
	[tilespmem:$0x1B000] =	vst v63  }
0x1ce: {  	v3 =	vadd.s32 v1, v3;
	s7 =	simm.s32 $0x18000  }
0x1cf: {  	[tilespmem:s7], [sflag:$0x3] =	stream.indirect_vreg.gather [hbm4b:s10+s3], $0x80, v4, vm0, $0xb8;
	[tilespmem:$0x1B000] =	vst v63  }
0x1d0: {  	s7 =	simm.s32 $0x18800  }
0x1d1: {  	[tilespmem:s7], [sflag:$0x3] =	stream.indirect_vreg.gather [hbm4b:s11+s3], $0x80, v4, vm0, $0xb8;
	[tilespmem:$0x1B000] =	vst v63  }
0x1d2: {  	s7 =	simm.s32 $0x19000  }
0x1d3: {  	[tilespmem:s7], [sflag:$0x3] =	stream.indirect_vreg.gather [hbm4b:s2+s3], $0x80, v3, vm0, $0xb8;
	[tilespmem:$0x1B000] =	vst v63  }
0x1d4: {  	s7 =	simm.s32 $0x19800  }
0x1d5: {  	[tilespmem:s7], [sflag:$0x3] =	stream.indirect_vreg.gather [hbm4b:s8+s3], $0x80, v3, vm0, $0xb8;
	[tilespmem:$0x1B000] =	vst v63  }
0x1d6: {  	s7 =	simm.s32 $0x1A000  }
0x1d7: {  	[tilespmem:s7], [sflag:$0x3] =	stream.indirect_vreg.gather [hbm4b:s10+s3], $0x80, v3, vm0, $0xb8;
	[tilespmem:$0x1B000] =	vst v63  }
0x1d8: {  	s7 =	simm.s32 $0x1A800  }
0x1d9: {  	[tilespmem:s7], [sflag:$0x3] =	stream.indirect_vreg.gather [hbm4b:s11+s3], $0x80, v3, vm0, $0xb8;
	[tilespmem:$0x1B000] =	vst v63  }
0x1da: {  	s0 =	simm.s32 $0x3000;
	s7 =	rddreg [dreg:$0x9]  }
0x1db: {  	[hbm4b:s7+s3] =	stream.linear.scatter [tilespmem:s0], [sflag:$0x4], $0x8000, $0x38;
	[tilespmem:$0x1B000] =	vst v63  }
0x1dc: {  	_ =	swait.ge [sflag:s12], $0x8000  }
0x1dd: {  	[sflag:s12] =	ssyncset.done $0x0  }
0x1de: {  	[sflag:s12] =	ssyncadd.s32 $0xFFFF8000  }
0x1df: {  	_ =	swait.ge [sflag:s14], $0x8000  }
0x1e0: {  	[sflag:s14] =	ssyncset.done $0x0  }
0x1e1: {  	[sflag:s14] =	ssyncadd.s32 $0xFFFF8000  }
0x1e2: {  	v3 =	vld [tilespmem:$0x2300];
	_ =	sdelay $0x4  }
0x1e3: {  	v12 =	vshll.u32 v3, $0x3  }
0x1e4: {  	v3 =	vand.u32 $0x7, v3;
	v4 =	vand.u32 $0xFFFFFFC0, v12  }
0x1e5: {  	v3 =	vor.u32 v3, v4  }
0x1e6: {  	v4 =	vperm.xlane v3, v0;
	_ =	sdelay $0x1  }
0x1e7: {  	v4 =	vadd.s32 v1, v4;
	_ =	sdelay $0x4  }
0x1e8: {  	[tilespmem:s0], [sflag:$0x1] =	stream.indirect_vreg.gather [hbm4b:s2+s3], $0x80, v4, vm0, $0xb8;
	[tilespmem:$0x1B000] =	vst v63  }
0x1e9: {  	v3 =	vperm.xlane v3, v2  }
0x1ea: {  	[tilespmem:s13], [sflag:$0x1] =	stream.indirect_vreg.gather [hbm4b:s8+s3], $0x80, v4, vm0, $0xb8;
	[tilespmem:$0x1B000] =	vst v63  }
0x1eb: {  	v3 =	vadd.s32 v1, v3;
	s13 =	simm.s32 $0x4000  }
0x1ec: {  	[tilespmem:s13], [sflag:$0x1] =	stream.indirect_vreg.gather [hbm4b:s10+s3], $0x80, v4, vm0, $0xb8;
	[tilespmem:$0x1B000] =	vst v63  }
0x1ed: {  	s7 =	simm.s32 $0x4800  }
0x1ee: {  	[tilespmem:s7], [sflag:$0x1] =	stream.indirect_vreg.gather [hbm4b:s11+s3], $0x80, v4, vm0, $0xb8;
	[tilespmem:$0x1B000] =	vst v63  }
0x1ef: {  	s13 =	simm.s32 $0x5000  }
0x1f0: {  	[tilespmem:s13], [sflag:$0x1] =	stream.indirect_vreg.gather [hbm4b:s2+s3], $0x80, v3, vm0, $0xb8;
	[tilespmem:$0x1B000] =	vst v63  }
0x1f1: {  	s7 =	simm.s32 $0x5800  }
0x1f2: {  	[tilespmem:s7], [sflag:$0x1] =	stream.indirect_vreg.gather [hbm4b:s8+s3], $0x80, v3, vm0, $0xb8;
	[tilespmem:$0x1B000] =	vst v63  }
0x1f3: {  	s13 =	simm.s32 $0x6000  }
0x1f4: {  	[tilespmem:s13], [sflag:$0x1] =	stream.indirect_vreg.gather [hbm4b:s10+s3], $0x80, v3, vm0, $0xb8;
	[tilespmem:$0x1B000] =	vst v63  }
0x1f5: {  	_ = 	snop  }
0x1f6: {  	[tilespmem:s23], [sflag:$0x1] =	stream.indirect_vreg.gather [hbm4b:s11+s3], $0x80, v3, vm0, $0xb8;
	[tilespmem:$0x1B000] =	vst v63  }
0x1f7: {  	v3 =	vld [tilespmem:$0x2310];
	_ =	sdelay $0x4  }
0x1f8: {  	v13 =	vshll.u32 v3, $0x3  }
0x1f9: {  	v3 =	vand.u32 $0x7, v3;
	v4 =	vand.u32 $0xFFFFFFC0, v13  }
0x1fa: {  	v3 =	vor.u32 v3, v4  }
0x1fb: {  	v4 =	vperm.xlane v3, v0;
	_ =	sdelay $0x1  }
0x1fc: {  	v4 =	vadd.s32 v1, v4;
	_ =	sdelay $0x4  }
0x1fd: {  	[tilespmem:s17], [sflag:$0x1] =	stream.indirect_vreg.gather [hbm4b:s2+s3], $0x80, v4, vm0, $0xb8;
	[tilespmem:$0x1B000] =	vst v63  }
0x1fe: {  	s23 =	simm.s32 $0x7800;
	v3 =	vperm.xlane v3, v2  }
0x1ff: {  	[tilespmem:s23], [sflag:$0x1] =	stream.indirect_vreg.gather [hbm4b:s8+s3], $0x80, v4, vm0, $0xb8;
	[tilespmem:$0x1B000] =	vst v63  }
0x200: {  	s7 =	simm.s32 $0x8000;
	v3 =	vadd.s32 v1, v3  }
0x201: {  	[tilespmem:s7], [sflag:$0x1] =	stream.indirect_vreg.gather [hbm4b:s10+s3], $0x80, v4, vm0, $0xb8;
	[tilespmem:$0x1B000] =	vst v63  }
0x202: {  	s13 =	simm.s32 $0x8800  }
0x203: {  	[tilespmem:s13], [sflag:$0x1] =	stream.indirect_vreg.gather [hbm4b:s11+s3], $0x80, v4, vm0, $0xb8;
	[tilespmem:$0x1B000] =	vst v63  }
0x204: {  	s17 =	simm.s32 $0x9000  }
0x205: {  	[tilespmem:s17], [sflag:$0x1] =	stream.indirect_vreg.gather [hbm4b:s2+s3], $0x80, v3, vm0, $0xb8;
	[tilespmem:$0x1B000] =	vst v63  }
0x206: {  	s23 =	simm.s32 $0x9800  }
0x207: {  	[tilespmem:s23], [sflag:$0x1] =	stream.indirect_vreg.gather [hbm4b:s8+s3], $0x80, v3, vm0, $0xb8;
	[tilespmem:$0x1B000] =	vst v63  }
0x208: {  	_ = 	snop  }
0x209: {  	[tilespmem:s20], [sflag:$0x1] =	stream.indirect_vreg.gather [hbm4b:s10+s3], $0x80, v3, vm0, $0xb8;
	[tilespmem:$0x1B000] =	vst v63  }
0x20a: {  	s7 =	simm.s32 $0xA800  }
0x20b: {  	[tilespmem:s7], [sflag:$0x1] =	stream.indirect_vreg.gather [hbm4b:s11+s3], $0x80, v3, vm0, $0xb8;
	[tilespmem:$0x1B000] =	vst v63  }
0x20c: {  	s13 =	rddreg [dreg:$0xa];
	s17 =	simm.s32 $0xB000  }
0x20d: {  	[hbm4b:s13+s3] =	stream.linear.scatter [tilespmem:s17], [sflag:$0x5], $0x8000, $0x38;
	[tilespmem:$0x1B000] =	vst v63  }
0x20e: {  	_ =	swait.ge [sflag:s15], $0x8000  }
0x20f: {  	[sflag:s15] =	ssyncset.done $0x0  }
0x210: {  	[sflag:s15] =	ssyncadd.s32 $0xFFFF8000  }
0x211: {  	_ =	swait.ge [sflag:s4], $0x8000  }
0x212: {  	[sflag:s4] =	ssyncset.done $0x0  }
0x213: {  	[sflag:s4] =	ssyncadd.s32 $0xFFFF8000  }
0x214: {  	v3 =	vld [tilespmem:$0x2380];
	_ =	sdelay $0x4  }
0x215: {  	v14 =	vshll.u32 v3, $0x3  }
0x216: {  	v3 =	vand.u32 $0x7, v3;
	v4 =	vand.u32 $0xFFFFFFC0, v14  }
0x217: {  	v3 =	vor.u32 v3, v4  }
0x218: {  	v4 =	vperm.xlane v3, v0;
	_ =	sdelay $0x1  }
0x219: {  	v4 =	vadd.s32 v1, v4;
	_ =	sdelay $0x4  }
0x21a: {  	[tilespmem:s17], [sflag:$0x2] =	stream.indirect_vreg.gather [hbm4b:s2+s3], $0x80, v4, vm0, $0xb8;
	[tilespmem:$0x1B000] =	vst v63  }
0x21b: {  	s0 =	simm.s32 $0xB800;
	v3 =	vperm.xlane v3, v2  }
0x21c: {  	[tilespmem:s0], [sflag:$0x2] =	stream.indirect_vreg.gather [hbm4b:s8+s3], $0x80, v4, vm0, $0xb8;
	[tilespmem:$0x1B000] =	vst v63  }
0x21d: {  	v3 =	vadd.s32 v1, v3  }
0x21e: {  	[tilespmem:s18], [sflag:$0x2] =	stream.indirect_vreg.gather [hbm4b:s10+s3], $0x80, v4, vm0, $0xb8;
	[tilespmem:$0x1B000] =	vst v63  }
0x21f: {  	_ = 	snop  }
0x220: {  	[tilespmem:s22], [sflag:$0x2] =	stream.indirect_vreg.gather [hbm4b:s11+s3], $0x80, v4, vm0, $0xb8;
	[tilespmem:$0x1B000] =	vst v63  }
0x221: {  	_ = 	snop  }
0x222: {  	[tilespmem:s9], [sflag:$0x2] =	stream.indirect_vreg.gather [hbm4b:s2+s3], $0x80, v3, vm0, $0xb8;
	[tilespmem:$0x1B000] =	vst v63  }
0x223: {  	_ = 	snop  }
0x224: {  	[tilespmem:s16], [sflag:$0x2] =	stream.indirect_vreg.gather [hbm4b:s8+s3], $0x80, v3, vm0, $0xb8;
	[tilespmem:$0x1B000] =	vst v63  }
0x225: {  	_ = 	snop  }
0x226: {  	[tilespmem:s24], [sflag:$0x2] =	stream.indirect_vreg.gather [hbm4b:s10+s3], $0x80, v3, vm0, $0xb8;
	[tilespmem:$0x1B000] =	vst v63  }
0x227: {  	_ = 	snop  }
0x228: {  	[tilespmem:s25], [sflag:$0x2] =	stream.indirect_vreg.gather [hbm4b:s11+s3], $0x80, v3, vm0, $0xb8;
	[tilespmem:$0x1B000] =	vst v63  }
0x229: {  	v3 =	vld [tilespmem:$0x2390];
	_ =	sdelay $0x4  }
0x22a: {  	v15 =	vshll.u32 v3, $0x3  }
0x22b: {  	v3 =	vand.u32 $0x7, v3;
	v4 =	vand.u32 $0xFFFFFFC0, v15  }
0x22c: {  	v3 =	vor.u32 v3, v4  }
0x22d: {  	v4 =	vperm.xlane v3, v0;
	_ =	sdelay $0x1  }
0x22e: {  	v4 =	vadd.s32 v1, v4;
	_ =	sdelay $0x3  }
0x22f: {  	s18 =	simm.s32 $0xF000  }
0x230: {  	[tilespmem:s18], [sflag:$0x2] =	stream.indirect_vreg.gather [hbm4b:s2+s3], $0x80, v4, vm0, $0xb8;
	[tilespmem:$0x1B000] =	vst v63  }
0x231: {  	s24 =	simm.s32 $0xF800;
	v3 =	vperm.xlane v3, v2  }
0x232: {  	[tilespmem:s24], [sflag:$0x2] =	stream.indirect_vreg.gather [hbm4b:s8+s3], $0x80, v4, vm0, $0xb8;
	[tilespmem:$0x1B000] =	vst v63  }
0x233: {  	v3 =	vadd.s32 v1, v3  }
0x234: {  	[tilespmem:s26], [sflag:$0x2] =	stream.indirect_vreg.gather [hbm4b:s10+s3], $0x80, v4, vm0, $0xb8;
	[tilespmem:$0x1B000] =	vst v63  }
0x235: {  	_ = 	snop  }
0x236: {  	[tilespmem:s28], [sflag:$0x2] =	stream.indirect_vreg.gather [hbm4b:s11+s3], $0x80, v4, vm0, $0xb8;
	[tilespmem:$0x1B000] =	vst v63  }
0x237: {  	_ = 	snop  }
0x238: {  	[tilespmem:s29], [sflag:$0x2] =	stream.indirect_vreg.gather [hbm4b:s2+s3], $0x80, v3, vm0, $0xb8;
	[tilespmem:$0x1B000] =	vst v63  }
0x239: {  	_ = 	snop  }
0x23a: {  	[tilespmem:s30], [sflag:$0x2] =	stream.indirect_vreg.gather [hbm4b:s8+s3], $0x80, v3, vm0, $0xb8;
	[tilespmem:$0x1B000] =	vst v63  }
0x23b: {  	_ = 	snop  }
0x23c: {  	[tilespmem:s31], [sflag:$0x2] =	stream.indirect_vreg.gather [hbm4b:s10+s3], $0x80, v3, vm0, $0xb8;
	[tilespmem:$0x1B000] =	vst v63  }
0x23d: {  	s20 =	simm.s32 $0x12800  }
0x23e: {  	[tilespmem:s20], [sflag:$0x2] =	stream.indirect_vreg.gather [hbm4b:s11+s3], $0x80, v3, vm0, $0xb8;
	[tilespmem:$0x1B000] =	vst v63  }
0x23f: {  	s23 =	simm.s32 $0x13000;
	s22 =	rddreg [dreg:$0xb]  }
0x240: {  	[hbm4b:s22+s3] =	stream.linear.scatter [tilespmem:s23], [sflag:$0x6], $0x8000, $0x38;
	[tilespmem:$0x1B000] =	vst v63  }
0x241: {  	_ =	swait.ge [sflag:s6], $0x8000  }
0x242: {  	[sflag:s6] =	ssyncset.done $0x0  }
0x243: {  	[sflag:s6] =	ssyncadd.s32 $0xFFFF8000  }
0x244: {  	_ =	swait.ge [sflag:s1], $0x8000  }
0x245: {  	[sflag:s1] =	ssyncset.done $0x0  }
0x246: {  	[sflag:s1] =	ssyncadd.s32 $0xFFFF8000  }
0x247: {  	v3 =	vld [tilespmem:$0x2400];
	_ =	sdelay $0x4  }
0x248: {  	v16 =	vshll.u32 v3, $0x3  }
0x249: {  	v3 =	vand.u32 $0x7, v3;
	v4 =	vand.u32 $0xFFFFFFC0, v16  }
0x24a: {  	v3 =	vor.u32 v3, v4  }
0x24b: {  	v4 =	vperm.xlane v3, v0;
	_ =	sdelay $0x1  }
0x24c: {  	v4 =	vadd.s32 v1, v4;
	_ =	sdelay $0x4  }
0x24d: {  	[tilespmem:s23], [sflag:$0x3] =	stream.indirect_vreg.gather [hbm4b:s2+s3], $0x80, v4, vm0, $0xb8;
	[tilespmem:$0x1B000] =	vst v63  }
0x24e: {  	s25 =	simm.s32 $0x13800;
	v3 =	vperm.xlane v3, v2  }
0x24f: {  	[tilespmem:s25], [sflag:$0x3] =	stream.indirect_vreg.gather [hbm4b:s8+s3], $0x80, v4, vm0, $0xb8;
	[tilespmem:$0x1B000] =	vst v63  }
0x250: {  	v3 =	vadd.s32 v1, v3  }
0x251: {  	[tilespmem:s19], [sflag:$0x3] =	stream.indirect_vreg.gather [hbm4b:s10+s3], $0x80, v4, vm0, $0xb8;
	[tilespmem:$0x1B000] =	vst v63  }
0x252: {  	_ = 	snop  }
0x253: {  	[tilespmem:s21], [sflag:$0x3] =	stream.indirect_vreg.gather [hbm4b:s11+s3], $0x80, v4, vm0, $0xb8;
	[tilespmem:$0x1B000] =	vst v63  }
0x254: {  	s21 =	simm.s32 $0x15000  }
0x255: {  	[tilespmem:s21], [sflag:$0x3] =	stream.indirect_vreg.gather [hbm4b:s2+s3], $0x80, v3, vm0, $0xb8;
	[tilespmem:$0x1B000] =	vst v63  }
0x256: {  	s9 =	simm.s32 $0x15800  }
0x257: {  	[tilespmem:s9], [sflag:$0x3] =	stream.indirect_vreg.gather [hbm4b:s8+s3], $0x80, v3, vm0, $0xb8;
	[tilespmem:$0x1B000] =	vst v63  }
0x258: {  	s13 =	simm.s32 $0x16000  }
0x259: {  	[tilespmem:s13], [sflag:$0x3] =	stream.indirect_vreg.gather [hbm4b:s10+s3], $0x80, v3, vm0, $0xb8;
	[tilespmem:$0x1B000] =	vst v63  }
0x25a: {  	s26 =	simm.s32 $0x16800  }
0x25b: {  	[tilespmem:s26], [sflag:$0x3] =	stream.indirect_vreg.gather [hbm4b:s11+s3], $0x80, v3, vm0, $0xb8;
	[tilespmem:$0x1B000] =	vst v63  }
0x25c: {  	v3 =	vld [tilespmem:$0x2410];
	_ =	sdelay $0x4  }
0x25d: {  	v17 =	vshll.u32 v3, $0x3  }
0x25e: {  	v3 =	vand.u32 $0x7, v3;
	v4 =	vand.u32 $0xFFFFFFC0, v17  }
0x25f: {  	v3 =	vor.u32 v3, v4  }
0x260: {  	v4 =	vperm.xlane v3, v0;
	_ =	sdelay $0x1  }
0x261: {  	v4 =	vadd.s32 v1, v4;
	_ =	sdelay $0x3  }
0x262: {  	s28 =	simm.s32 $0x17000  }
0x263: {  	[tilespmem:s28], [sflag:$0x3] =	stream.indirect_vreg.gather [hbm4b:s2+s3], $0x80, v4, vm0, $0xb8;
	[tilespmem:$0x1B000] =	vst v63  }
0x264: {  	s29 =	simm.s32 $0x17800;
	v3 =	vperm.xlane v3, v2  }
0x265: {  	[tilespmem:s29], [sflag:$0x3] =	stream.indirect_vreg.gather [hbm4b:s8+s3], $0x80, v4, vm0, $0xb8;
	[tilespmem:$0x1B000] =	vst v63  }
0x266: {  	s16 =	simm.s32 $0x18000;
	v3 =	vadd.s32 v1, v3  }
0x267: {  	[tilespmem:s16], [sflag:$0x3] =	stream.indirect_vreg.gather [hbm4b:s10+s3], $0x80, v4, vm0, $0xb8;
	[tilespmem:$0x1B000] =	vst v63  }
0x268: {  	s17 =	simm.s32 $0x18800  }
0x269: {  	[tilespmem:s17], [sflag:$0x3] =	stream.indirect_vreg.gather [hbm4b:s11+s3], $0x80, v4, vm0, $0xb8;
	[tilespmem:$0x1B000] =	vst v63  }
0x26a: {  	s19 =	simm.s32 $0x19000  }
0x26b: {  	[tilespmem:s19], [sflag:$0x3] =	stream.indirect_vreg.gather [hbm4b:s2+s3], $0x80, v3, vm0, $0xb8;
	[tilespmem:$0x1B000] =	vst v63  }
0x26c: {  	s20 =	simm.s32 $0x19800  }
0x26d: {  	[tilespmem:s20], [sflag:$0x3] =	stream.indirect_vreg.gather [hbm4b:s8+s3], $0x80, v3, vm0, $0xb8;
	[tilespmem:$0x1B000] =	vst v63  }
0x26e: {  	s22 =	simm.s32 $0x1A000  }
0x26f: {  	[tilespmem:s22], [sflag:$0x3] =	stream.indirect_vreg.gather [hbm4b:s10+s3], $0x80, v3, vm0, $0xb8;
	[tilespmem:$0x1B000] =	vst v63  }
0x270: {  	s23 =	simm.s32 $0x1A800  }
0x271: {  	[tilespmem:s23], [sflag:$0x3] =	stream.indirect_vreg.gather [hbm4b:s11+s3], $0x80, v3, vm0, $0xb8;
	[tilespmem:$0x1B000] =	vst v63  }
0x272: {  	s31 =	simm.s32 $0x3000;
	s30 =	rddreg [dreg:$0xc]  }
0x273: {  	[hbm4b:s30+s3] =	stream.linear.scatter [tilespmem:s31], [sflag:$0x4], $0x8000, $0x38;
	[tilespmem:$0x1B000] =	vst v63  }
0x274: {  	_ =	swait.ge [sflag:s12], $0x8000  }
0x275: {  	[sflag:s12] =	ssyncset.done $0x0  }
0x276: {  	[sflag:s12] =	ssyncadd.s32 $0xFFFF8000  }
0x277: {  	_ =	swait.ge [sflag:s14], $0x8000  }
0x278: {  	[sflag:s14] =	ssyncset.done $0x0  }
0x279: {  	[sflag:s14] =	ssyncadd.s32 $0xFFFF8000  }
0x27a: {  	v3 =	vld [tilespmem:$0x2480];
	_ =	sdelay $0x4  }
0x27b: {  	v18 =	vshll.u32 v3, $0x3  }
0x27c: {  	v3 =	vand.u32 $0x7, v3;
	v4 =	vand.u32 $0xFFFFFFC0, v18  }
0x27d: {  	v3 =	vor.u32 v3, v4  }
0x27e: {  	v4 =	vperm.xlane v3, v0;
	_ =	sdelay $0x1  }
0x27f: {  	v4 =	vadd.s32 v1, v4;
	_ =	sdelay $0x4  }
0x280: {  	[tilespmem:s31], [sflag:$0x1] =	stream.indirect_vreg.gather [hbm4b:s2+s3], $0x80, v4, vm0, $0xb8;
	[tilespmem:$0x1B000] =	vst v63  }
0x281: {  	s26 =	simm.s32 $0x3800;
	v3 =	vperm.xlane v3, v2  }
0x282: {  	[tilespmem:s26], [sflag:$0x1] =	stream.indirect_vreg.gather [hbm4b:s8+s3], $0x80, v4, vm0, $0xb8;
	[tilespmem:$0x1B000] =	vst v63  }
0x283: {  	s28 =	simm.s32 $0x4000;
	v3 =	vadd.s32 v1, v3  }
0x284: {  	[tilespmem:s28], [sflag:$0x1] =	stream.indirect_vreg.gather [hbm4b:s10+s3], $0x80, v4, vm0, $0xb8;
	[tilespmem:$0x1B000] =	vst v63  }
0x285: {  	s29 =	simm.s32 $0x4800  }
0x286: {  	[tilespmem:s29], [sflag:$0x1] =	stream.indirect_vreg.gather [hbm4b:s11+s3], $0x80, v4, vm0, $0xb8;
	[tilespmem:$0x1B000] =	vst v63  }
0x287: {  	s30 =	simm.s32 $0x5000  }
0x288: {  	[tilespmem:s30], [sflag:$0x1] =	stream.indirect_vreg.gather [hbm4b:s2+s3], $0x80, v3, vm0, $0xb8;
	[tilespmem:$0x1B000] =	vst v63  }
0x289: {  	s31 =	simm.s32 $0x5800  }
0x28a: {  	[tilespmem:s31], [sflag:$0x1] =	stream.indirect_vreg.gather [hbm4b:s8+s3], $0x80, v3, vm0, $0xb8;
	[tilespmem:$0x1B000] =	vst v63  }
0x28b: {  	s25 =	simm.s32 $0x6000  }
0x28c: {  	[tilespmem:s25], [sflag:$0x1] =	stream.indirect_vreg.gather [hbm4b:s10+s3], $0x80, v3, vm0, $0xb8;
	[tilespmem:$0x1B000] =	vst v63  }
0x28d: {  	s26 =	simm.s32 $0x6800  }
0x28e: {  	[tilespmem:s26], [sflag:$0x1] =	stream.indirect_vreg.gather [hbm4b:s11+s3], $0x80, v3, vm0, $0xb8;
	[tilespmem:$0x1B000] =	vst v63  }
0x28f: {  	v3 =	vld [tilespmem:$0x2490];
	_ =	sdelay $0x4  }
0x290: {  	v19 =	vshll.u32 v3, $0x3  }
0x291: {  	v3 =	vand.u32 $0x7, v3;
	v4 =	vand.u32 $0xFFFFFFC0, v19  }
0x292: {  	v3 =	vor.u32 v3, v4  }
0x293: {  	v4 =	vperm.xlane v3, v0;
	_ =	sdelay $0x1  }
0x294: {  	v4 =	vadd.s32 v1, v4;
	_ =	sdelay $0x3  }
0x295: {  	s28 =	simm.s32 $0x7000  }
0x296: {  	[tilespmem:s28], [sflag:$0x1] =	stream.indirect_vreg.gather [hbm4b:s2+s3], $0x80, v4, vm0, $0xb8;
	[tilespmem:$0x1B000] =	vst v63  }
0x297: {  	s29 =	simm.s32 $0x7800;
	v3 =	vperm.xlane v3, v2  }
0x298: {  	[tilespmem:s29], [sflag:$0x1] =	stream.indirect_vreg.gather [hbm4b:s8+s3], $0x80, v4, vm0, $0xb8;
	[tilespmem:$0x1B000] =	vst v63  }
0x299: {  	s30 =	simm.s32 $0x8000;
	v3 =	vadd.s32 v1, v3  }
0x29a: {  	[tilespmem:s30], [sflag:$0x1] =	stream.indirect_vreg.gather [hbm4b:s10+s3], $0x80, v4, vm0, $0xb8;
	[tilespmem:$0x1B000] =	vst v63  }
0x29b: {  	s31 =	simm.s32 $0x8800  }
0x29c: {  	[tilespmem:s31], [sflag:$0x1] =	stream.indirect_vreg.gather [hbm4b:s11+s3], $0x80, v4, vm0, $0xb8;
	[tilespmem:$0x1B000] =	vst v63  }
0x29d: {  	s25 =	simm.s32 $0x9000  }
0x29e: {  	[tilespmem:s25], [sflag:$0x1] =	stream.indirect_vreg.gather [hbm4b:s2+s3], $0x80, v3, vm0, $0xb8;
	[tilespmem:$0x1B000] =	vst v63  }
0x29f: {  	s26 =	simm.s32 $0x9800  }
0x2a0: {  	[tilespmem:s26], [sflag:$0x1] =	stream.indirect_vreg.gather [hbm4b:s8+s3], $0x80, v3, vm0, $0xb8;
	[tilespmem:$0x1B000] =	vst v63  }
0x2a1: {  	s28 =	simm.s32 $0xA000  }
0x2a2: {  	[tilespmem:s28], [sflag:$0x1] =	stream.indirect_vreg.gather [hbm4b:s10+s3], $0x80, v3, vm0, $0xb8;
	[tilespmem:$0x1B000] =	vst v63  }
0x2a3: {  	s29 =	simm.s32 $0xA800  }
0x2a4: {  	[tilespmem:s29], [sflag:$0x1] =	stream.indirect_vreg.gather [hbm4b:s11+s3], $0x80, v3, vm0, $0xb8;
	[tilespmem:$0x1B000] =	vst v63  }
0x2a5: {  	s30 =	rddreg [dreg:$0xd];
	s31 =	simm.s32 $0xB000  }
0x2a6: {  	[hbm4b:s30+s3] =	stream.linear.scatter [tilespmem:s31], [sflag:$0x5], $0x8000, $0x38;
	[tilespmem:$0x1B000] =	vst v63  }
0x2a7: {  	_ =	swait.ge [sflag:s15], $0x8000  }
0x2a8: {  	[sflag:s15] =	ssyncset.done $0x0  }
0x2a9: {  	[sflag:s15] =	ssyncadd.s32 $0xFFFF8000  }
0x2aa: {  	_ =	swait.ge [sflag:s4], $0x8000  }
0x2ab: {  	[sflag:s4] =	ssyncset.done $0x0  }
0x2ac: {  	[sflag:s4] =	ssyncadd.s32 $0xFFFF8000  }
0x2ad: {  	v3 =	vld [tilespmem:$0x2500];
	_ =	sdelay $0x4  }
0x2ae: {  	v20 =	vshll.u32 v3, $0x3  }
0x2af: {  	v3 =	vand.u32 $0x7, v3;
	v4 =	vand.u32 $0xFFFFFFC0, v20  }
0x2b0: {  	v3 =	vor.u32 v3, v4  }
0x2b1: {  	v4 =	vperm.xlane v3, v0;
	_ =	sdelay $0x1  }
0x2b2: {  	v4 =	vadd.s32 v1, v4;
	_ =	sdelay $0x4  }
0x2b3: {  	[tilespmem:s31], [sflag:$0x2] =	stream.indirect_vreg.gather [hbm4b:s2+s3], $0x80, v4, vm0, $0xb8;
	[tilespmem:$0x1B000] =	vst v63  }
0x2b4: {  	v3 =	vperm.xlane v3, v2  }
0x2b5: {  	[tilespmem:s0], [sflag:$0x2] =	stream.indirect_vreg.gather [hbm4b:s8+s3], $0x80, v4, vm0, $0xb8;
	[tilespmem:$0x1B000] =	vst v63  }
0x2b6: {  	s25 =	simm.s32 $0xC000;
	v3 =	vadd.s32 v1, v3  }
0x2b7: {  	[tilespmem:s25], [sflag:$0x2] =	stream.indirect_vreg.gather [hbm4b:s10+s3], $0x80, v4, vm0, $0xb8;
	[tilespmem:$0x1B000] =	vst v63  }
0x2b8: {  	s26 =	simm.s32 $0xC800  }
0x2b9: {  	[tilespmem:s26], [sflag:$0x2] =	stream.indirect_vreg.gather [hbm4b:s11+s3], $0x80, v4, vm0, $0xb8;
	[tilespmem:$0x1B000] =	vst v63  }
0x2ba: {  	s28 =	simm.s32 $0xD000  }
0x2bb: {  	[tilespmem:s28], [sflag:$0x2] =	stream.indirect_vreg.gather [hbm4b:s2+s3], $0x80, v3, vm0, $0xb8;
	[tilespmem:$0x1B000] =	vst v63  }
0x2bc: {  	s29 =	simm.s32 $0xD800  }
0x2bd: {  	[tilespmem:s29], [sflag:$0x2] =	stream.indirect_vreg.gather [hbm4b:s8+s3], $0x80, v3, vm0, $0xb8;
	[tilespmem:$0x1B000] =	vst v63  }
0x2be: {  	s30 =	simm.s32 $0xE000  }
0x2bf: {  	[tilespmem:s30], [sflag:$0x2] =	stream.indirect_vreg.gather [hbm4b:s10+s3], $0x80, v3, vm0, $0xb8;
	[tilespmem:$0x1B000] =	vst v63  }
0x2c0: {  	s31 =	simm.s32 $0xE800  }
0x2c1: {  	[tilespmem:s31], [sflag:$0x2] =	stream.indirect_vreg.gather [hbm4b:s11+s3], $0x80, v3, vm0, $0xb8;
	[tilespmem:$0x1B000] =	vst v63  }
0x2c2: {  	v3 =	vld [tilespmem:$0x2510];
	_ =	sdelay $0x4  }
0x2c3: {  	v21 =	vshll.u32 v3, $0x3  }
0x2c4: {  	v3 =	vand.u32 $0x7, v3;
	v4 =	vand.u32 $0xFFFFFFC0, v21  }
0x2c5: {  	v3 =	vor.u32 v3, v4  }
0x2c6: {  	v4 =	vperm.xlane v3, v0;
	_ =	sdelay $0x1  }
0x2c7: {  	v4 =	vadd.s32 v1, v4;
	_ =	sdelay $0x4  }
0x2c8: {  	[tilespmem:s18], [sflag:$0x2] =	stream.indirect_vreg.gather [hbm4b:s2+s3], $0x80, v4, vm0, $0xb8;
	[tilespmem:$0x1B000] =	vst v63  }
0x2c9: {  	v3 =	vperm.xlane v3, v2  }
0x2ca: {  	[tilespmem:s24], [sflag:$0x2] =	stream.indirect_vreg.gather [hbm4b:s8+s3], $0x80, v4, vm0, $0xb8;
	[tilespmem:$0x1B000] =	vst v63  }
0x2cb: {  	v3 =	vadd.s32 v1, v3;
	s18 =	simm.s32 $0x10000  }
0x2cc: {  	[tilespmem:s18], [sflag:$0x2] =	stream.indirect_vreg.gather [hbm4b:s10+s3], $0x80, v4, vm0, $0xb8;
	[tilespmem:$0x1B000] =	vst v63  }
0x2cd: {  	s24 =	simm.s32 $0x10800  }
0x2ce: {  	[tilespmem:s24], [sflag:$0x2] =	stream.indirect_vreg.gather [hbm4b:s11+s3], $0x80, v4, vm0, $0xb8;
	[tilespmem:$0x1B000] =	vst v63  }
0x2cf: {  	s7 =	simm.s32 $0x11000  }
0x2d0: {  	[tilespmem:s7], [sflag:$0x2] =	stream.indirect_vreg.gather [hbm4b:s2+s3], $0x80, v3, vm0, $0xb8;
	[tilespmem:$0x1B000] =	vst v63  }
0x2d1: {  	s7 =	simm.s32 $0x11800  }
0x2d2: {  	[tilespmem:s7], [sflag:$0x2] =	stream.indirect_vreg.gather [hbm4b:s8+s3], $0x80, v3, vm0, $0xb8;
	[tilespmem:$0x1B000] =	vst v63  }
0x2d3: {  	s7 =	simm.s32 $0x12000  }
0x2d4: {  	[tilespmem:s7], [sflag:$0x2] =	stream.indirect_vreg.gather [hbm4b:s10+s3], $0x80, v3, vm0, $0xb8;
	[tilespmem:$0x1B000] =	vst v63  }
0x2d5: {  	s7 =	simm.s32 $0x12800  }
0x2d6: {  	[tilespmem:s7], [sflag:$0x2] =	stream.indirect_vreg.gather [hbm4b:s11+s3], $0x80, v3, vm0, $0xb8;
	[tilespmem:$0x1B000] =	vst v63  }
0x2d7: {  	s0 =	simm.s32 $0x13000;
	s7 =	rddreg [dreg:$0xe]  }
0x2d8: {  	[hbm4b:s7+s3] =	stream.linear.scatter [tilespmem:s0], [sflag:$0x6], $0x8000, $0x38;
	[tilespmem:$0x1B000] =	vst v63  }
0x2d9: {  	_ =	swait.ge [sflag:s6], $0x8000  }
0x2da: {  	[sflag:s6] =	ssyncset.done $0x0  }
0x2db: {  	[sflag:s6] =	ssyncadd.s32 $0xFFFF8000  }
0x2dc: {  	_ =	swait.ge [sflag:s1], $0x8000  }
0x2dd: {  	[sflag:s1] =	ssyncset.done $0x0  }
0x2de: {  	[sflag:s1] =	ssyncadd.s32 $0xFFFF8000  }
0x2df: {  	v3 =	vld [tilespmem:$0x2580];
	_ =	sdelay $0x4  }
0x2e0: {  	v22 =	vshll.u32 v3, $0x3  }
0x2e1: {  	v3 =	vand.u32 $0x7, v3;
	v4 =	vand.u32 $0xFFFFFFC0, v22  }
0x2e2: {  	v3 =	vor.u32 v3, v4  }
0x2e3: {  	v4 =	vperm.xlane v3, v0;
	_ =	sdelay $0x1  }
0x2e4: {  	v4 =	vadd.s32 v1, v4;
	_ =	sdelay $0x4  }
0x2e5: {  	[tilespmem:s0], [sflag:$0x3] =	stream.indirect_vreg.gather [hbm4b:s2+s3], $0x80, v4, vm0, $0xb8;
	[tilespmem:$0x1B000] =	vst v63  }
0x2e6: {  	s7 =	simm.s32 $0x13800;
	v3 =	vperm.xlane v3, v2  }
0x2e7: {  	[tilespmem:s7], [sflag:$0x3] =	stream.indirect_vreg.gather [hbm4b:s8+s3], $0x80, v4, vm0, $0xb8;
	[tilespmem:$0x1B000] =	vst v63  }
0x2e8: {  	v3 =	vadd.s32 v1, v3;
	s7 =	simm.s32 $0x14000  }
0x2e9: {  	[tilespmem:s7], [sflag:$0x3] =	stream.indirect_vreg.gather [hbm4b:s10+s3], $0x80, v4, vm0, $0xb8;
	[tilespmem:$0x1B000] =	vst v63  }
0x2ea: {  	s7 =	simm.s32 $0x14800  }
0x2eb: {  	[tilespmem:s7], [sflag:$0x3] =	stream.indirect_vreg.gather [hbm4b:s11+s3], $0x80, v4, vm0, $0xb8;
	[tilespmem:$0x1B000] =	vst v63  }
0x2ec: {  	_ = 	snop  }
0x2ed: {  	[tilespmem:s21], [sflag:$0x3] =	stream.indirect_vreg.gather [hbm4b:s2+s3], $0x80, v3, vm0, $0xb8;
	[tilespmem:$0x1B000] =	vst v63  }
0x2ee: {  	_ = 	snop  }
0x2ef: {  	[tilespmem:s9], [sflag:$0x3] =	stream.indirect_vreg.gather [hbm4b:s8+s3], $0x80, v3, vm0, $0xb8;
	[tilespmem:$0x1B000] =	vst v63  }
0x2f0: {  	_ = 	snop  }
0x2f1: {  	[tilespmem:s13], [sflag:$0x3] =	stream.indirect_vreg.gather [hbm4b:s10+s3], $0x80, v3, vm0, $0xb8;
	[tilespmem:$0x1B000] =	vst v63  }
0x2f2: {  	s9 =	simm.s32 $0x16800  }
0x2f3: {  	[tilespmem:s9], [sflag:$0x3] =	stream.indirect_vreg.gather [hbm4b:s11+s3], $0x80, v3, vm0, $0xb8;
	[tilespmem:$0x1B000] =	vst v63  }
0x2f4: {  	v3 =	vld [tilespmem:$0x2590];
	_ =	sdelay $0x4  }
0x2f5: {  	v23 =	vshll.u32 v3, $0x3  }
0x2f6: {  	v3 =	vand.u32 $0x7, v3;
	v4 =	vand.u32 $0xFFFFFFC0, v23  }
0x2f7: {  	v3 =	vor.u32 v3, v4  }
0x2f8: {  	v4 =	vperm.xlane v3, v0;
	_ =	sdelay $0x1  }
0x2f9: {  	v4 =	vadd.s32 v1, v4;
	_ =	sdelay $0x3  }
0x2fa: {  	s13 =	simm.s32 $0x17000  }
0x2fb: {  	[tilespmem:s13], [sflag:$0x3] =	stream.indirect_vreg.gather [hbm4b:s2+s3], $0x80, v4, vm0, $0xb8;
	[tilespmem:$0x1B000] =	vst v63  }
0x2fc: {  	s21 =	simm.s32 $0x17800;
	v3 =	vperm.xlane v3, v2  }
0x2fd: {  	[tilespmem:s21], [sflag:$0x3] =	stream.indirect_vreg.gather [hbm4b:s8+s3], $0x80, v4, vm0, $0xb8;
	[tilespmem:$0x1B000] =	vst v63  }
0x2fe: {  	v3 =	vadd.s32 v1, v3  }
0x2ff: {  	[tilespmem:s16], [sflag:$0x3] =	stream.indirect_vreg.gather [hbm4b:s10+s3], $0x80, v4, vm0, $0xb8;
	[tilespmem:$0x1B000] =	vst v63  }
0x300: {  	_ = 	snop  }
0x301: {  	[tilespmem:s17], [sflag:$0x3] =	stream.indirect_vreg.gather [hbm4b:s11+s3], $0x80, v4, vm0, $0xb8;
	[tilespmem:$0x1B000] =	vst v63  }
0x302: {  	_ = 	snop  }
0x303: {  	[tilespmem:s19], [sflag:$0x3] =	stream.indirect_vreg.gather [hbm4b:s2+s3], $0x80, v3, vm0, $0xb8;
	[tilespmem:$0x1B000] =	vst v63  }
0x304: {  	_ = 	snop  }
0x305: {  	[tilespmem:s20], [sflag:$0x3] =	stream.indirect_vreg.gather [hbm4b:s8+s3], $0x80, v3, vm0, $0xb8;
	[tilespmem:$0x1B000] =	vst v63  }
0x306: {  	_ = 	snop  }
0x307: {  	[tilespmem:s22], [sflag:$0x3] =	stream.indirect_vreg.gather [hbm4b:s10+s3], $0x80, v3, vm0, $0xb8;
	[tilespmem:$0x1B000] =	vst v63  }
0x308: {  	_ = 	snop  }
0x309: {  	[tilespmem:s23], [sflag:$0x3] =	stream.indirect_vreg.gather [hbm4b:s11+s3], $0x80, v3, vm0, $0xb8;
	[tilespmem:$0x1B000] =	vst v63  }
0x30a: {  	s22 =	rddreg [dreg:$0xf];
	s23 =	simm.s32 $0x3000  }
0x30b: {  	[hbm4b:s22+s3] =	stream.linear.scatter [tilespmem:s23], [sflag:$0x4], $0x8000, $0x38;
	[tilespmem:$0x1B000] =	vst v63  }
0x30c: {  	_ =	swait.ge [sflag:s12], $0x8000  }
0x30d: {  	[sflag:s12] =	ssyncset.done $0x0  }
0x30e: {  	[sflag:s12] =	ssyncadd.s32 $0xFFFF8000  }
0x30f: {  	_ =	swait.ge [sflag:s14], $0x8000  }
0x310: {  	[sflag:s14] =	ssyncset.done $0x0  }
0x311: {  	[sflag:s14] =	ssyncadd.s32 $0xFFFF8000  }
0x312: {  	v3 =	vld [tilespmem:$0x2600];
	_ =	sdelay $0x4  }
0x313: {  	v24 =	vshll.u32 v3, $0x3  }
0x314: {  	v3 =	vand.u32 $0x7, v3;
	v4 =	vand.u32 $0xFFFFFFC0, v24  }
0x315: {  	v3 =	vor.u32 v3, v4  }
0x316: {  	v4 =	vperm.xlane v3, v0;
	_ =	sdelay $0x1  }
0x317: {  	v4 =	vadd.s32 v1, v4;
	_ =	sdelay $0x4  }
0x318: {  	[tilespmem:s23], [sflag:$0x1] =	stream.indirect_vreg.gather [hbm4b:s2+s3], $0x80, v4, vm0, $0xb8;
	[tilespmem:$0x1B000] =	vst v63  }
0x319: {  	s13 =	simm.s32 $0x3800;
	v3 =	vperm.xlane v3, v2  }
0x31a: {  	[tilespmem:s13], [sflag:$0x1] =	stream.indirect_vreg.gather [hbm4b:s8+s3], $0x80, v4, vm0, $0xb8;
	[tilespmem:$0x1B000] =	vst v63  }
0x31b: {  	v3 =	vadd.s32 v1, v3;
	s23 =	simm.s32 $0x4000  }
0x31c: {  	[tilespmem:s23], [sflag:$0x1] =	stream.indirect_vreg.gather [hbm4b:s10+s3], $0x80, v4, vm0, $0xb8;
	[tilespmem:$0x1B000] =	vst v63  }
0x31d: {  	s7 =	simm.s32 $0x4800  }
0x31e: {  	[tilespmem:s7], [sflag:$0x1] =	stream.indirect_vreg.gather [hbm4b:s11+s3], $0x80, v4, vm0, $0xb8;
	[tilespmem:$0x1B000] =	vst v63  }
0x31f: {  	s16 =	simm.s32 $0x5000  }
0x320: {  	[tilespmem:s16], [sflag:$0x1] =	stream.indirect_vreg.gather [hbm4b:s2+s3], $0x80, v3, vm0, $0xb8;
	[tilespmem:$0x1B000] =	vst v63  }
0x321: {  	s17 =	simm.s32 $0x5800  }
0x322: {  	[tilespmem:s17], [sflag:$0x1] =	stream.indirect_vreg.gather [hbm4b:s8+s3], $0x80, v3, vm0, $0xb8;
	[tilespmem:$0x1B000] =	vst v63  }
0x323: {  	s19 =	simm.s32 $0x6000  }
0x324: {  	[tilespmem:s19], [sflag:$0x1] =	stream.indirect_vreg.gather [hbm4b:s10+s3], $0x80, v3, vm0, $0xb8;
	[tilespmem:$0x1B000] =	vst v63  }
0x325: {  	s16 =	simm.s32 $0x6800  }
0x326: {  	[tilespmem:s16], [sflag:$0x1] =	stream.indirect_vreg.gather [hbm4b:s11+s3], $0x80, v3, vm0, $0xb8;
	[tilespmem:$0x1B000] =	vst v63  }
0x327: {  	v3 =	vld [tilespmem:$0x2610];
	_ =	sdelay $0x4  }
0x328: {  	v25 =	vshll.u32 v3, $0x3  }
0x329: {  	v3 =	vand.u32 $0x7, v3;
	v4 =	vand.u32 $0xFFFFFFC0, v25  }
0x32a: {  	v3 =	vor.u32 v3, v4  }
0x32b: {  	v4 =	vperm.xlane v3, v0;
	_ =	sdelay $0x1  }
0x32c: {  	v4 =	vadd.s32 v1, v4;
	_ =	sdelay $0x3  }
0x32d: {  	s17 =	simm.s32 $0x7000  }
0x32e: {  	[tilespmem:s17], [sflag:$0x1] =	stream.indirect_vreg.gather [hbm4b:s2+s3], $0x80, v4, vm0, $0xb8;
	[tilespmem:$0x1B000] =	vst v63  }
0x32f: {  	s20 =	simm.s32 $0x7800;
	v3 =	vperm.xlane v3, v2  }
0x330: {  	[tilespmem:s20], [sflag:$0x1] =	stream.indirect_vreg.gather [hbm4b:s8+s3], $0x80, v4, vm0, $0xb8;
	[tilespmem:$0x1B000] =	vst v63  }
0x331: {  	s21 =	simm.s32 $0x8000;
	v3 =	vadd.s32 v1, v3  }
0x332: {  	[tilespmem:s21], [sflag:$0x1] =	stream.indirect_vreg.gather [hbm4b:s10+s3], $0x80, v4, vm0, $0xb8;
	[tilespmem:$0x1B000] =	vst v63  }
0x333: {  	s22 =	simm.s32 $0x8800  }
0x334: {  	[tilespmem:s22], [sflag:$0x1] =	stream.indirect_vreg.gather [hbm4b:s11+s3], $0x80, v4, vm0, $0xb8;
	[tilespmem:$0x1B000] =	vst v63  }
0x335: {  	s7 =	simm.s32 $0x9000  }
0x336: {  	[tilespmem:s7], [sflag:$0x1] =	stream.indirect_vreg.gather [hbm4b:s2+s3], $0x80, v3, vm0, $0xb8;
	[tilespmem:$0x1B000] =	vst v63  }
0x337: {  	s19 =	simm.s32 $0x9800  }
0x338: {  	[tilespmem:s19], [sflag:$0x1] =	stream.indirect_vreg.gather [hbm4b:s8+s3], $0x80, v3, vm0, $0xb8;
	[tilespmem:$0x1B000] =	vst v63  }
0x339: {  	s20 =	simm.s32 $0xA000  }
0x33a: {  	[tilespmem:s20], [sflag:$0x1] =	stream.indirect_vreg.gather [hbm4b:s10+s3], $0x80, v3, vm0, $0xb8;
	[tilespmem:$0x1B000] =	vst v63  }
0x33b: {  	s0 =	simm.s32 $0xA800  }
0x33c: {  	[tilespmem:s0], [sflag:$0x1] =	stream.indirect_vreg.gather [hbm4b:s11+s3], $0x80, v3, vm0, $0xb8;
	[tilespmem:$0x1B000] =	vst v63  }
0x33d: {  	s21 =	rddreg [dreg:$0x10];
	s22 =	simm.s32 $0xB000  }
0x33e: {  	[hbm4b:s21+s3] =	stream.linear.scatter [tilespmem:s22], [sflag:$0x5], $0x8000, $0x38;
	[tilespmem:$0x1B000] =	vst v63  }
0x33f: {  	_ =	swait.ge [sflag:s15], $0x8000  }
0x340: {  	[sflag:s15] =	ssyncset.done $0x0  }
0x341: {  	[sflag:s15] =	ssyncadd.s32 $0xFFFF8000  }
0x342: {  	_ =	swait.ge [sflag:s4], $0x8000  }
0x343: {  	[sflag:s4] =	ssyncset.done $0x0  }
0x344: {  	[sflag:s4] =	ssyncadd.s32 $0xFFFF8000  }
0x345: {  	v3 =	vld [tilespmem:$0x2680];
	_ =	sdelay $0x4  }
0x346: {  	v26 =	vshll.u32 v3, $0x3  }
0x347: {  	v3 =	vand.u32 $0x7, v3;
	v4 =	vand.u32 $0xFFFFFFC0, v26  }
0x348: {  	v3 =	vor.u32 v3, v4  }
0x349: {  	v4 =	vperm.xlane v3, v0;
	_ =	sdelay $0x1  }
0x34a: {  	v4 =	vadd.s32 v1, v4;
	_ =	sdelay $0x4  }
0x34b: {  	[tilespmem:s22], [sflag:$0x2] =	stream.indirect_vreg.gather [hbm4b:s2+s3], $0x80, v4, vm0, $0xb8;
	[tilespmem:$0x1B000] =	vst v63  }
0x34c: {  	s20 =	simm.s32 $0xB800;
	v3 =	vperm.xlane v3, v2  }
0x34d: {  	[tilespmem:s20], [sflag:$0x2] =	stream.indirect_vreg.gather [hbm4b:s8+s3], $0x80, v4, vm0, $0xb8;
	[tilespmem:$0x1B000] =	vst v63  }
0x34e: {  	v3 =	vadd.s32 v1, v3  }
0x34f: {  	[tilespmem:s25], [sflag:$0x2] =	stream.indirect_vreg.gather [hbm4b:s10+s3], $0x80, v4, vm0, $0xb8;
	[tilespmem:$0x1B000] =	vst v63  }
0x350: {  	_ = 	snop  }
0x351: {  	[tilespmem:s26], [sflag:$0x2] =	stream.indirect_vreg.gather [hbm4b:s11+s3], $0x80, v4, vm0, $0xb8;
	[tilespmem:$0x1B000] =	vst v63  }
0x352: {  	_ = 	snop  }
0x353: {  	[tilespmem:s28], [sflag:$0x2] =	stream.indirect_vreg.gather [hbm4b:s2+s3], $0x80, v3, vm0, $0xb8;
	[tilespmem:$0x1B000] =	vst v63  }
0x354: {  	_ = 	snop  }
0x355: {  	[tilespmem:s29], [sflag:$0x2] =	stream.indirect_vreg.gather [hbm4b:s8+s3], $0x80, v3, vm0, $0xb8;
	[tilespmem:$0x1B000] =	vst v63  }
0x356: {  	_ = 	snop  }
0x357: {  	[tilespmem:s30], [sflag:$0x2] =	stream.indirect_vreg.gather [hbm4b:s10+s3], $0x80, v3, vm0, $0xb8;
	[tilespmem:$0x1B000] =	vst v63  }
0x358: {  	_ = 	snop  }
0x359: {  	[tilespmem:s31], [sflag:$0x2] =	stream.indirect_vreg.gather [hbm4b:s11+s3], $0x80, v3, vm0, $0xb8;
	[tilespmem:$0x1B000] =	vst v63  }
0x35a: {  	v3 =	vld [tilespmem:$0x2690];
	_ =	sdelay $0x4  }
0x35b: {  	v27 =	vshll.u32 v3, $0x3  }
0x35c: {  	v3 =	vand.u32 $0x7, v3;
	v4 =	vand.u32 $0xFFFFFFC0, v27  }
0x35d: {  	v3 =	vor.u32 v3, v4  }
0x35e: {  	v4 =	vperm.xlane v3, v0;
	_ =	sdelay $0x1  }
0x35f: {  	v4 =	vadd.s32 v1, v4;
	_ =	sdelay $0x3  }
0x360: {  	s21 =	simm.s32 $0xF000  }
0x361: {  	[tilespmem:s21], [sflag:$0x2] =	stream.indirect_vreg.gather [hbm4b:s2+s3], $0x80, v4, vm0, $0xb8;
	[tilespmem:$0x1B000] =	vst v63  }
0x362: {  	s22 =	simm.s32 $0xF800;
	v3 =	vperm.xlane v3, v2  }
0x363: {  	[tilespmem:s22], [sflag:$0x2] =	stream.indirect_vreg.gather [hbm4b:s8+s3], $0x80, v4, vm0, $0xb8;
	[tilespmem:$0x1B000] =	vst v63  }
0x364: {  	v3 =	vadd.s32 v1, v3  }
0x365: {  	[tilespmem:s18], [sflag:$0x2] =	stream.indirect_vreg.gather [hbm4b:s10+s3], $0x80, v4, vm0, $0xb8;
	[tilespmem:$0x1B000] =	vst v63  }
0x366: {  	_ = 	snop  }
0x367: {  	[tilespmem:s24], [sflag:$0x2] =	stream.indirect_vreg.gather [hbm4b:s11+s3], $0x80, v4, vm0, $0xb8;
	[tilespmem:$0x1B000] =	vst v63  }
0x368: {  	s31 =	simm.s32 $0x11000  }
0x369: {  	[tilespmem:s31], [sflag:$0x2] =	stream.indirect_vreg.gather [hbm4b:s2+s3], $0x80, v3, vm0, $0xb8;
	[tilespmem:$0x1B000] =	vst v63  }
0x36a: {  	s18 =	simm.s32 $0x11800  }
0x36b: {  	[tilespmem:s18], [sflag:$0x2] =	stream.indirect_vreg.gather [hbm4b:s8+s3], $0x80, v3, vm0, $0xb8;
	[tilespmem:$0x1B000] =	vst v63  }
0x36c: {  	s19 =	simm.s32 $0x12000  }
0x36d: {  	[tilespmem:s19], [sflag:$0x2] =	stream.indirect_vreg.gather [hbm4b:s10+s3], $0x80, v3, vm0, $0xb8;
	[tilespmem:$0x1B000] =	vst v63  }
0x36e: {  	s24 =	simm.s32 $0x12800  }
0x36f: {  	[tilespmem:s24], [sflag:$0x2] =	stream.indirect_vreg.gather [hbm4b:s11+s3], $0x80, v3, vm0, $0xb8;
	[tilespmem:$0x1B000] =	vst v63  }
0x370: {  	s25 =	rddreg [dreg:$0x11];
	s26 =	simm.s32 $0x13000  }
0x371: {  	[hbm4b:s25+s3] =	stream.linear.scatter [tilespmem:s26], [sflag:$0x6], $0x8000, $0x38;
	[tilespmem:$0x1B000] =	vst v63  }
0x372: {  	_ =	swait.ge [sflag:s6], $0x8000  }
0x373: {  	[sflag:s6] =	ssyncset.done $0x0  }
0x374: {  	[sflag:s6] =	ssyncadd.s32 $0xFFFF8000  }
0x375: {  	_ =	swait.ge [sflag:s1], $0x8000  }
0x376: {  	[sflag:s1] =	ssyncset.done $0x0  }
0x377: {  	[sflag:s1] =	ssyncadd.s32 $0xFFFF8000  }
0x378: {  	v3 =	vld [tilespmem:$0x2700];
	_ =	sdelay $0x4  }
0x379: {  	v28 =	vshll.u32 v3, $0x3  }
0x37a: {  	v3 =	vand.u32 $0x7, v3;
	v4 =	vand.u32 $0xFFFFFFC0, v28  }
0x37b: {  	v3 =	vor.u32 v3, v4  }
0x37c: {  	v4 =	vperm.xlane v3, v0;
	_ =	sdelay $0x1  }
0x37d: {  	v4 =	vadd.s32 v1, v4;
	_ =	sdelay $0x4  }
0x37e: {  	[tilespmem:s26], [sflag:$0x3] =	stream.indirect_vreg.gather [hbm4b:s2+s3], $0x80, v4, vm0, $0xb8;
	[tilespmem:$0x1B000] =	vst v63  }
0x37f: {  	s28 =	simm.s32 $0x13800;
	v3 =	vperm.xlane v3, v2  }
0x380: {  	[tilespmem:s28], [sflag:$0x3] =	stream.indirect_vreg.gather [hbm4b:s8+s3], $0x80, v4, vm0, $0xb8;
	[tilespmem:$0x1B000] =	vst v63  }
0x381: {  	s18 =	simm.s32 $0x14000;
	v3 =	vadd.s32 v1, v3  }
0x382: {  	[tilespmem:s18], [sflag:$0x3] =	stream.indirect_vreg.gather [hbm4b:s10+s3], $0x80, v4, vm0, $0xb8;
	[tilespmem:$0x1B000] =	vst v63  }
0x383: {  	s19 =	simm.s32 $0x14800  }
0x384: {  	[tilespmem:s19], [sflag:$0x3] =	stream.indirect_vreg.gather [hbm4b:s11+s3], $0x80, v4, vm0, $0xb8;
	[tilespmem:$0x1B000] =	vst v63  }
0x385: {  	s29 =	simm.s32 $0x15000  }
0x386: {  	[tilespmem:s29], [sflag:$0x3] =	stream.indirect_vreg.gather [hbm4b:s2+s3], $0x80, v3, vm0, $0xb8;
	[tilespmem:$0x1B000] =	vst v63  }
0x387: {  	s24 =	simm.s32 $0x15800  }
0x388: {  	[tilespmem:s24], [sflag:$0x3] =	stream.indirect_vreg.gather [hbm4b:s8+s3], $0x80, v3, vm0, $0xb8;
	[tilespmem:$0x1B000] =	vst v63  }
0x389: {  	s25 =	simm.s32 $0x16000  }
0x38a: {  	[tilespmem:s25], [sflag:$0x3] =	stream.indirect_vreg.gather [hbm4b:s10+s3], $0x80, v3, vm0, $0xb8;
	[tilespmem:$0x1B000] =	vst v63  }
0x38b: {  	_ = 	snop  }
0x38c: {  	[tilespmem:s9], [sflag:$0x3] =	stream.indirect_vreg.gather [hbm4b:s11+s3], $0x80, v3, vm0, $0xb8;
	[tilespmem:$0x1B000] =	vst v63  }
0x38d: {  	v3 =	vld [tilespmem:$0x2710];
	_ =	sdelay $0x4  }
0x38e: {  	v29 =	vshll.u32 v3, $0x3  }
0x38f: {  	v3 =	vand.u32 $0x7, v3;
	v4 =	vand.u32 $0xFFFFFFC0, v29  }
0x390: {  	v3 =	vor.u32 v3, v4  }
0x391: {  	v4 =	vperm.xlane v3, v0;
	_ =	sdelay $0x1  }
0x392: {  	v4 =	vadd.s32 v1, v4;
	_ =	sdelay $0x3  }
0x393: {  	s30 =	simm.s32 $0x17000  }
0x394: {  	[tilespmem:s30], [sflag:$0x3] =	stream.indirect_vreg.gather [hbm4b:s2+s3], $0x80, v4, vm0, $0xb8;
	[tilespmem:$0x1B000] =	vst v63  }
0x395: {  	s31 =	simm.s32 $0x17800;
	v3 =	vperm.xlane v3, v2  }
0x396: {  	[tilespmem:s31], [sflag:$0x3] =	stream.indirect_vreg.gather [hbm4b:s8+s3], $0x80, v4, vm0, $0xb8;
	[tilespmem:$0x1B000] =	vst v63  }
0x397: {  	s26 =	simm.s32 $0x18000;
	v3 =	vadd.s32 v1, v3  }
0x398: {  	[tilespmem:s26], [sflag:$0x3] =	stream.indirect_vreg.gather [hbm4b:s10+s3], $0x80, v4, vm0, $0xb8;
	[tilespmem:$0x1B000] =	vst v63  }
0x399: {  	s28 =	simm.s32 $0x18800  }
0x39a: {  	[tilespmem:s28], [sflag:$0x3] =	stream.indirect_vreg.gather [hbm4b:s11+s3], $0x80, v4, vm0, $0xb8;
	[tilespmem:$0x1B000] =	vst v63  }
0x39b: {  	s29 =	simm.s32 $0x19000  }
0x39c: {  	[tilespmem:s29], [sflag:$0x3] =	stream.indirect_vreg.gather [hbm4b:s2+s3], $0x80, v3, vm0, $0xb8;
	[tilespmem:$0x1B000] =	vst v63  }
0x39d: {  	s30 =	simm.s32 $0x19800  }
0x39e: {  	[tilespmem:s30], [sflag:$0x3] =	stream.indirect_vreg.gather [hbm4b:s8+s3], $0x80, v3, vm0, $0xb8;
	[tilespmem:$0x1B000] =	vst v63  }
0x39f: {  	s31 =	simm.s32 $0x1A000  }
0x3a0: {  	[tilespmem:s31], [sflag:$0x3] =	stream.indirect_vreg.gather [hbm4b:s10+s3], $0x80, v3, vm0, $0xb8;
	[tilespmem:$0x1B000] =	vst v63  }
0x3a1: {  	s9 =	simm.s32 $0x1A800  }
0x3a2: {  	[tilespmem:s9], [sflag:$0x3] =	stream.indirect_vreg.gather [hbm4b:s11+s3], $0x80, v3, vm0, $0xb8;
	[tilespmem:$0x1B000] =	vst v63  }
0x3a3: {  	s7 =	rddreg [dreg:$0x12];
	s9 =	simm.s32 $0x3000  }
0x3a4: {  	[hbm4b:s7+s3] =	stream.linear.scatter [tilespmem:s9], [sflag:$0x4], $0x8000, $0x38;
	[tilespmem:$0x1B000] =	vst v63  }
0x3a5: {  	_ =	swait.ge [sflag:s12], $0x8000  }
0x3a6: {  	[sflag:s12] =	ssyncset.done $0x0  }
0x3a7: {  	[sflag:s12] =	ssyncadd.s32 $0xFFFF8000  }
0x3a8: {  	_ =	swait.ge [sflag:s14], $0x8000  }
0x3a9: {  	[sflag:s14] =	ssyncset.done $0x0  }
0x3aa: {  	[sflag:s14] =	ssyncadd.s32 $0xFFFF8000  }
0x3ab: {  	v3 =	vld [tilespmem:$0x2780];
	_ =	sdelay $0x4  }
0x3ac: {  	v30 =	vshll.u32 v3, $0x3  }
0x3ad: {  	v3 =	vand.u32 $0x7, v3;
	v4 =	vand.u32 $0xFFFFFFC0, v30  }
0x3ae: {  	v3 =	vor.u32 v3, v4  }
0x3af: {  	v4 =	vperm.xlane v3, v0;
	_ =	sdelay $0x1  }
0x3b0: {  	v4 =	vadd.s32 v1, v4;
	_ =	sdelay $0x4  }
0x3b1: {  	[tilespmem:s9], [sflag:$0x1] =	stream.indirect_vreg.gather [hbm4b:s2+s3], $0x80, v4, vm0, $0xb8;
	[tilespmem:$0x1B000] =	vst v63  }
0x3b2: {  	v3 =	vperm.xlane v3, v2  }
0x3b3: {  	[tilespmem:s13], [sflag:$0x1] =	stream.indirect_vreg.gather [hbm4b:s8+s3], $0x80, v4, vm0, $0xb8;
	[tilespmem:$0x1B000] =	vst v63  }
0x3b4: {  	v3 =	vadd.s32 v1, v3  }
0x3b5: {  	[tilespmem:s23], [sflag:$0x1] =	stream.indirect_vreg.gather [hbm4b:s10+s3], $0x80, v4, vm0, $0xb8;
	[tilespmem:$0x1B000] =	vst v63  }
0x3b6: {  	s13 =	simm.s32 $0x4800  }
0x3b7: {  	[tilespmem:s13], [sflag:$0x1] =	stream.indirect_vreg.gather [hbm4b:s11+s3], $0x80, v4, vm0, $0xb8;
	[tilespmem:$0x1B000] =	vst v63  }
0x3b8: {  	s23 =	simm.s32 $0x5000  }
0x3b9: {  	[tilespmem:s23], [sflag:$0x1] =	stream.indirect_vreg.gather [hbm4b:s2+s3], $0x80, v3, vm0, $0xb8;
	[tilespmem:$0x1B000] =	vst v63  }
0x3ba: {  	s9 =	simm.s32 $0x5800  }
0x3bb: {  	[tilespmem:s9], [sflag:$0x1] =	stream.indirect_vreg.gather [hbm4b:s8+s3], $0x80, v3, vm0, $0xb8;
	[tilespmem:$0x1B000] =	vst v63  }
0x3bc: {  	s13 =	simm.s32 $0x6000  }
0x3bd: {  	[tilespmem:s13], [sflag:$0x1] =	stream.indirect_vreg.gather [hbm4b:s10+s3], $0x80, v3, vm0, $0xb8;
	[tilespmem:$0x1B000] =	vst v63  }
0x3be: {  	_ = 	snop  }
0x3bf: {  	[tilespmem:s16], [sflag:$0x1] =	stream.indirect_vreg.gather [hbm4b:s11+s3], $0x80, v3, vm0, $0xb8;
	[tilespmem:$0x1B000] =	vst v63  }
0x3c0: {  	v3 =	vld [tilespmem:$0x2790];
	_ =	sdelay $0x4  }
0x3c1: {  	v31 =	vshll.u32 v3, $0x3  }
0x3c2: {  	v3 =	vand.u32 $0x7, v3;
	v4 =	vand.u32 $0xFFFFFFC0, v31  }
0x3c3: {  	v3 =	vor.u32 v3, v4  }
0x3c4: {  	v4 =	vperm.xlane v3, v0;
	_ =	sdelay $0x1  }
0x3c5: {  	v4 =	vadd.s32 v1, v4;
	_ =	sdelay $0x4  }
0x3c6: {  	[tilespmem:s17], [sflag:$0x1] =	stream.indirect_vreg.gather [hbm4b:s2+s3], $0x80, v4, vm0, $0xb8;
	[tilespmem:$0x1B000] =	vst v63  }
0x3c7: {  	s16 =	simm.s32 $0x7800;
	v3 =	vperm.xlane v3, v2  }
0x3c8: {  	[tilespmem:s16], [sflag:$0x1] =	stream.indirect_vreg.gather [hbm4b:s8+s3], $0x80, v4, vm0, $0xb8;
	[tilespmem:$0x1B000] =	vst v63  }
0x3c9: {  	v3 =	vadd.s32 v1, v3;
	s17 =	simm.s32 $0x8000  }
0x3ca: {  	[tilespmem:s17], [sflag:$0x1] =	stream.indirect_vreg.gather [hbm4b:s10+s3], $0x80, v4, vm0, $0xb8;
	[tilespmem:$0x1B000] =	vst v63  }
0x3cb: {  	s23 =	simm.s32 $0x8800  }
0x3cc: {  	[tilespmem:s23], [sflag:$0x1] =	stream.indirect_vreg.gather [hbm4b:s11+s3], $0x80, v4, vm0, $0xb8;
	[tilespmem:$0x1B000] =	vst v63  }
0x3cd: {  	s9 =	simm.s32 $0x9000  }
0x3ce: {  	[tilespmem:s9], [sflag:$0x1] =	stream.indirect_vreg.gather [hbm4b:s2+s3], $0x80, v3, vm0, $0xb8;
	[tilespmem:$0x1B000] =	vst v63  }
0x3cf: {  	s13 =	simm.s32 $0x9800  }
0x3d0: {  	[tilespmem:s13], [sflag:$0x1] =	stream.indirect_vreg.gather [hbm4b:s8+s3], $0x80, v3, vm0, $0xb8;
	[tilespmem:$0x1B000] =	vst v63  }
0x3d1: {  	s16 =	simm.s32 $0xA000  }
0x3d2: {  	[tilespmem:s16], [sflag:$0x1] =	stream.indirect_vreg.gather [hbm4b:s10+s3], $0x80, v3, vm0, $0xb8;
	[tilespmem:$0x1B000] =	vst v63  }
0x3d3: {  	_ = 	snop  }
0x3d4: {  	[tilespmem:s0], [sflag:$0x1] =	stream.indirect_vreg.gather [hbm4b:s11+s3], $0x80, v3, vm0, $0xb8;
	[tilespmem:$0x1B000] =	vst v63  }
0x3d5: {  	s17 =	rddreg [dreg:$0x13];
	s23 =	simm.s32 $0xB000  }
0x3d6: {  	[hbm4b:s17+s3] =	stream.linear.scatter [tilespmem:s23], [sflag:$0x5], $0x8000, $0x38;
	[tilespmem:$0x1B000] =	vst v63  }
0x3d7: {  	_ =	swait.ge [sflag:s15], $0x8000  }
0x3d8: {  	[sflag:s15] =	ssyncset.done $0x0  }
0x3d9: {  	[sflag:s15] =	ssyncadd.s32 $0xFFFF8000  }
0x3da: {  	_ =	swait.ge [sflag:s4], $0x8000  }
0x3db: {  	[sflag:s4] =	ssyncset.done $0x0  }
0x3dc: {  	[sflag:s4] =	ssyncadd.s32 $0xFFFF8000  }
0x3dd: {  	v3 =	vld [tilespmem:$0x2800];
	_ =	sdelay $0x4  }
0x3de: {  	v32 =	vshll.u32 v3, $0x3  }
0x3df: {  	v3 =	vand.u32 $0x7, v3;
	v4 =	vand.u32 $0xFFFFFFC0, v32  }
0x3e0: {  	v3 =	vor.u32 v3, v4  }
0x3e1: {  	v4 =	vperm.xlane v3, v0;
	_ =	sdelay $0x1  }
0x3e2: {  	v4 =	vadd.s32 v1, v4;
	_ =	sdelay $0x4  }
0x3e3: {  	[tilespmem:s23], [sflag:$0x2] =	stream.indirect_vreg.gather [hbm4b:s2+s3], $0x80, v4, vm0, $0xb8;
	[tilespmem:$0x1B000] =	vst v63  }
0x3e4: {  	v3 =	vperm.xlane v3, v2  }
0x3e5: {  	[tilespmem:s20], [sflag:$0x2] =	stream.indirect_vreg.gather [hbm4b:s8+s3], $0x80, v4, vm0, $0xb8;
	[tilespmem:$0x1B000] =	vst v63  }
0x3e6: {  	s16 =	simm.s32 $0xC000;
	v3 =	vadd.s32 v1, v3  }
0x3e7: {  	[tilespmem:s16], [sflag:$0x2] =	stream.indirect_vreg.gather [hbm4b:s10+s3], $0x80, v4, vm0, $0xb8;
	[tilespmem:$0x1B000] =	vst v63  }
0x3e8: {  	s17 =	simm.s32 $0xC800  }
0x3e9: {  	[tilespmem:s17], [sflag:$0x2] =	stream.indirect_vreg.gather [hbm4b:s11+s3], $0x80, v4, vm0, $0xb8;
	[tilespmem:$0x1B000] =	vst v63  }
0x3ea: {  	s20 =	simm.s32 $0xD000  }
0x3eb: {  	[tilespmem:s20], [sflag:$0x2] =	stream.indirect_vreg.gather [hbm4b:s2+s3], $0x80, v3, vm0, $0xb8;
	[tilespmem:$0x1B000] =	vst v63  }
0x3ec: {  	s23 =	simm.s32 $0xD800  }
0x3ed: {  	[tilespmem:s23], [sflag:$0x2] =	stream.indirect_vreg.gather [hbm4b:s8+s3], $0x80, v3, vm0, $0xb8;
	[tilespmem:$0x1B000] =	vst v63  }
0x3ee: {  	s9 =	simm.s32 $0xE000  }
0x3ef: {  	[tilespmem:s9], [sflag:$0x2] =	stream.indirect_vreg.gather [hbm4b:s10+s3], $0x80, v3, vm0, $0xb8;
	[tilespmem:$0x1B000] =	vst v63  }
0x3f0: {  	s13 =	simm.s32 $0xE800  }
0x3f1: {  	[tilespmem:s13], [sflag:$0x2] =	stream.indirect_vreg.gather [hbm4b:s11+s3], $0x80, v3, vm0, $0xb8;
	[tilespmem:$0x1B000] =	vst v63  }
0x3f2: {  	v3 =	vld [tilespmem:$0x2810];
	_ =	sdelay $0x4  }
0x3f3: {  	v33 =	vshll.u32 v3, $0x3  }
0x3f4: {  	v3 =	vand.u32 $0x7, v3;
	v4 =	vand.u32 $0xFFFFFFC0, v33  }
0x3f5: {  	v3 =	vor.u32 v3, v4  }
0x3f6: {  	v4 =	vperm.xlane v3, v0;
	_ =	sdelay $0x1  }
0x3f7: {  	v4 =	vadd.s32 v1, v4;
	_ =	sdelay $0x4  }
0x3f8: {  	[tilespmem:s21], [sflag:$0x2] =	stream.indirect_vreg.gather [hbm4b:s2+s3], $0x80, v4, vm0, $0xb8;
	[tilespmem:$0x1B000] =	vst v63  }
0x3f9: {  	v3 =	vperm.xlane v3, v2  }
0x3fa: {  	[tilespmem:s22], [sflag:$0x2] =	stream.indirect_vreg.gather [hbm4b:s8+s3], $0x80, v4, vm0, $0xb8;
	[tilespmem:$0x1B000] =	vst v63  }
0x3fb: {  	v3 =	vadd.s32 v1, v3;
	s21 =	simm.s32 $0x10000  }
0x3fc: {  	[tilespmem:s21], [sflag:$0x2] =	stream.indirect_vreg.gather [hbm4b:s10+s3], $0x80, v4, vm0, $0xb8;
	[tilespmem:$0x1B000] =	vst v63  }
0x3fd: {  	s22 =	simm.s32 $0x10800  }
0x3fe: {  	[tilespmem:s22], [sflag:$0x2] =	stream.indirect_vreg.gather [hbm4b:s11+s3], $0x80, v4, vm0, $0xb8;
	[tilespmem:$0x1B000] =	vst v63  }
0x3ff: {  	s7 =	simm.s32 $0x11000  }
0x400: {  	[tilespmem:s7], [sflag:$0x2] =	stream.indirect_vreg.gather [hbm4b:s2+s3], $0x80, v3, vm0, $0xb8;
	[tilespmem:$0x1B000] =	vst v63  }
0x401: {  	s9 =	simm.s32 $0x11800  }
0x402: {  	[tilespmem:s9], [sflag:$0x2] =	stream.indirect_vreg.gather [hbm4b:s8+s3], $0x80, v3, vm0, $0xb8;
	[tilespmem:$0x1B000] =	vst v63  }
0x403: {  	s13 =	simm.s32 $0x12000  }
0x404: {  	[tilespmem:s13], [sflag:$0x2] =	stream.indirect_vreg.gather [hbm4b:s10+s3], $0x80, v3, vm0, $0xb8;
	[tilespmem:$0x1B000] =	vst v63  }
0x405: {  	s9 =	simm.s32 $0x12800  }
0x406: {  	[tilespmem:s9], [sflag:$0x2] =	stream.indirect_vreg.gather [hbm4b:s11+s3], $0x80, v3, vm0, $0xb8;
	[tilespmem:$0x1B000] =	vst v63  }
0x407: {  	s0 =	rddreg [dreg:$0x15];
	s13 =	simm.s32 $0x13000  }
0x408: {  	[hbm4b:s0+s3] =	stream.linear.scatter [tilespmem:s13], [sflag:$0x6], $0x8000, $0x38;
	[tilespmem:$0x1B000] =	vst v63  }
0x409: {  	_ =	swait.ge [sflag:s6], $0x8000  }
0x40a: {  	[sflag:s6] =	ssyncset.done $0x0  }
0x40b: {  	[sflag:s6] =	ssyncadd.s32 $0xFFFF8000  }
0x40c: {  	_ =	swait.ge [sflag:s1], $0x8000  }
0x40d: {  	[sflag:s1] =	ssyncset.done $0x0  }
0x40e: {  	[sflag:s1] =	ssyncadd.s32 $0xFFFF8000  }
0x40f: {  	v3 =	vld [tilespmem:$0x2880];
	_ =	sdelay $0x4  }
0x410: {  	v34 =	vshll.u32 v3, $0x3  }
0x411: {  	v3 =	vand.u32 $0x7, v3;
	v4 =	vand.u32 $0xFFFFFFC0, v34  }
0x412: {  	v3 =	vor.u32 v3, v4  }
0x413: {  	v4 =	vperm.xlane v3, v0;
	_ =	sdelay $0x1  }
0x414: {  	v4 =	vadd.s32 v1, v4;
	_ =	sdelay $0x4  }
0x415: {  	[tilespmem:s13], [sflag:$0x3] =	stream.indirect_vreg.gather [hbm4b:s2+s3], $0x80, v4, vm0, $0xb8;
	[tilespmem:$0x1B000] =	vst v63  }
0x416: {  	v3 =	vperm.xlane v3, v2;
	s13 =	simm.s32 $0x13800  }
0x417: {  	[tilespmem:s13], [sflag:$0x3] =	stream.indirect_vreg.gather [hbm4b:s8+s3], $0x80, v4, vm0, $0xb8;
	[tilespmem:$0x1B000] =	vst v63  }
0x418: {  	v3 =	vadd.s32 v1, v3  }
0x419: {  	[tilespmem:s18], [sflag:$0x3] =	stream.indirect_vreg.gather [hbm4b:s10+s3], $0x80, v4, vm0, $0xb8;
	[tilespmem:$0x1B000] =	vst v63  }
0x41a: {  	_ = 	snop  }
0x41b: {  	[tilespmem:s19], [sflag:$0x3] =	stream.indirect_vreg.gather [hbm4b:s11+s3], $0x80, v4, vm0, $0xb8;
	[tilespmem:$0x1B000] =	vst v63  }
0x41c: {  	s0 =	simm.s32 $0x15000  }
0x41d: {  	[tilespmem:s0], [sflag:$0x3] =	stream.indirect_vreg.gather [hbm4b:s2+s3], $0x80, v3, vm0, $0xb8;
	[tilespmem:$0x1B000] =	vst v63  }
0x41e: {  	_ = 	snop  }
0x41f: {  	[tilespmem:s24], [sflag:$0x3] =	stream.indirect_vreg.gather [hbm4b:s8+s3], $0x80, v3, vm0, $0xb8;
	[tilespmem:$0x1B000] =	vst v63  }
0x420: {  	_ = 	snop  }
0x421: {  	[tilespmem:s25], [sflag:$0x3] =	stream.indirect_vreg.gather [hbm4b:s10+s3], $0x80, v3, vm0, $0xb8;
	[tilespmem:$0x1B000] =	vst v63  }
0x422: {  	s24 =	simm.s32 $0x16800  }
0x423: {  	[tilespmem:s24], [sflag:$0x3] =	stream.indirect_vreg.gather [hbm4b:s11+s3], $0x80, v3, vm0, $0xb8;
	[tilespmem:$0x1B000] =	vst v63  }
0x424: {  	v3 =	vld [tilespmem:$0x2890];
	_ =	sdelay $0x4  }
0x425: {  	v35 =	vshll.u32 v3, $0x3  }
0x426: {  	v3 =	vand.u32 $0x7, v3;
	v4 =	vand.u32 $0xFFFFFFC0, v35  }
0x427: {  	v3 =	vor.u32 v3, v4  }
0x428: {  	v4 =	vperm.xlane v3, v0;
	_ =	sdelay $0x1  }
0x429: {  	v4 =	vadd.s32 v1, v4;
	_ =	sdelay $0x3  }
0x42a: {  	s13 =	simm.s32 $0x17000  }
0x42b: {  	[tilespmem:s13], [sflag:$0x3] =	stream.indirect_vreg.gather [hbm4b:s2+s3], $0x80, v4, vm0, $0xb8;
	[tilespmem:$0x1B000] =	vst v63  }
0x42c: {  	s18 =	simm.s32 $0x17800;
	v3 =	vperm.xlane v3, v2  }
0x42d: {  	[tilespmem:s18], [sflag:$0x3] =	stream.indirect_vreg.gather [hbm4b:s8+s3], $0x80, v4, vm0, $0xb8;
	[tilespmem:$0x1B000] =	vst v63  }
0x42e: {  	v3 =	vadd.s32 v1, v3  }
0x42f: {  	[tilespmem:s26], [sflag:$0x3] =	stream.indirect_vreg.gather [hbm4b:s10+s3], $0x80, v4, vm0, $0xb8;
	[tilespmem:$0x1B000] =	vst v63  }
0x430: {  	_ = 	snop  }
0x431: {  	[tilespmem:s28], [sflag:$0x3] =	stream.indirect_vreg.gather [hbm4b:s11+s3], $0x80, v4, vm0, $0xb8;
	[tilespmem:$0x1B000] =	vst v63  }
0x432: {  	_ = 	snop  }
0x433: {  	[tilespmem:s29], [sflag:$0x3] =	stream.indirect_vreg.gather [hbm4b:s2+s3], $0x80, v3, vm0, $0xb8;
	[tilespmem:$0x1B000] =	vst v63  }
0x434: {  	_ = 	snop  }
0x435: {  	[tilespmem:s30], [sflag:$0x3] =	stream.indirect_vreg.gather [hbm4b:s8+s3], $0x80, v3, vm0, $0xb8;
	[tilespmem:$0x1B000] =	vst v63  }
0x436: {  	_ = 	snop  }
0x437: {  	[tilespmem:s31], [sflag:$0x3] =	stream.indirect_vreg.gather [hbm4b:s10+s3], $0x80, v3, vm0, $0xb8;
	[tilespmem:$0x1B000] =	vst v63  }
0x438: {  	s13 =	simm.s32 $0x1A800  }
0x439: {  	[tilespmem:s13], [sflag:$0x3] =	stream.indirect_vreg.gather [hbm4b:s11+s3], $0x80, v3, vm0, $0xb8;
	[tilespmem:$0x1B000] =	vst v63  }
0x43a: {  	s19 =	rddreg [dreg:$0x16];
	s31 =	simm.s32 $0x3000  }
0x43b: {  	[hbm4b:s19+s3] =	stream.linear.scatter [tilespmem:s31], [sflag:$0x4], $0x8000, $0x38;
	[tilespmem:$0x1B000] =	vst v63  }
0x43c: {  	_ =	swait.ge [sflag:s12], $0x8000  }
0x43d: {  	[sflag:s12] =	ssyncset.done $0x0  }
0x43e: {  	[sflag:s12] =	ssyncadd.s32 $0xFFFF8000  }
0x43f: {  	_ =	swait.ge [sflag:s14], $0x8000  }
0x440: {  	[sflag:s14] =	ssyncset.done $0x0  }
0x441: {  	[sflag:s14] =	ssyncadd.s32 $0xFFFF8000  }
0x442: {  	v3 =	vld [tilespmem:$0x2900];
	_ =	sdelay $0x4  }
0x443: {  	v36 =	vshll.u32 v3, $0x3  }
0x444: {  	v3 =	vand.u32 $0x7, v3;
	v4 =	vand.u32 $0xFFFFFFC0, v36  }
0x445: {  	v3 =	vor.u32 v3, v4  }
0x446: {  	v4 =	vperm.xlane v3, v0;
	_ =	sdelay $0x1  }
0x447: {  	v4 =	vadd.s32 v1, v4;
	_ =	sdelay $0x4  }
0x448: {  	[tilespmem:s31], [sflag:$0x1] =	stream.indirect_vreg.gather [hbm4b:s2+s3], $0x80, v4, vm0, $0xb8;
	[tilespmem:$0x1B000] =	vst v63  }
0x449: {  	s18 =	simm.s32 $0x3800;
	v3 =	vperm.xlane v3, v2  }
0x44a: {  	[tilespmem:s18], [sflag:$0x1] =	stream.indirect_vreg.gather [hbm4b:s8+s3], $0x80, v4, vm0, $0xb8;
	[tilespmem:$0x1B000] =	vst v63  }
0x44b: {  	s19 =	simm.s32 $0x4000;
	v3 =	vadd.s32 v1, v3  }
0x44c: {  	[tilespmem:s19], [sflag:$0x1] =	stream.indirect_vreg.gather [hbm4b:s10+s3], $0x80, v4, vm0, $0xb8;
	[tilespmem:$0x1B000] =	vst v63  }
0x44d: {  	s31 =	simm.s32 $0x4800  }
0x44e: {  	[tilespmem:s31], [sflag:$0x1] =	stream.indirect_vreg.gather [hbm4b:s11+s3], $0x80, v4, vm0, $0xb8;
	[tilespmem:$0x1B000] =	vst v63  }
0x44f: {  	s18 =	simm.s32 $0x5000  }
0x450: {  	[tilespmem:s18], [sflag:$0x1] =	stream.indirect_vreg.gather [hbm4b:s2+s3], $0x80, v3, vm0, $0xb8;
	[tilespmem:$0x1B000] =	vst v63  }
0x451: {  	s19 =	simm.s32 $0x5800  }
0x452: {  	[tilespmem:s19], [sflag:$0x1] =	stream.indirect_vreg.gather [hbm4b:s8+s3], $0x80, v3, vm0, $0xb8;
	[tilespmem:$0x1B000] =	vst v63  }
0x453: {  	s31 =	simm.s32 $0x6000  }
0x454: {  	[tilespmem:s31], [sflag:$0x1] =	stream.indirect_vreg.gather [hbm4b:s10+s3], $0x80, v3, vm0, $0xb8;
	[tilespmem:$0x1B000] =	vst v63  }
0x455: {  	s18 =	simm.s32 $0x6800  }
0x456: {  	[tilespmem:s18], [sflag:$0x1] =	stream.indirect_vreg.gather [hbm4b:s11+s3], $0x80, v3, vm0, $0xb8;
	[tilespmem:$0x1B000] =	vst v63  }
0x457: {  	v3 =	vld [tilespmem:$0x2910];
	_ =	sdelay $0x4  }
0x458: {  	v37 =	vshll.u32 v3, $0x3  }
0x459: {  	v3 =	vand.u32 $0x7, v3;
	v4 =	vand.u32 $0xFFFFFFC0, v37  }
0x45a: {  	v3 =	vor.u32 v3, v4  }
0x45b: {  	v4 =	vperm.xlane v3, v0;
	_ =	sdelay $0x1  }
0x45c: {  	v4 =	vadd.s32 v1, v4;
	_ =	sdelay $0x3  }
0x45d: {  	s19 =	simm.s32 $0x7000  }
0x45e: {  	[tilespmem:s19], [sflag:$0x1] =	stream.indirect_vreg.gather [hbm4b:s2+s3], $0x80, v4, vm0, $0xb8;
	[tilespmem:$0x1B000] =	vst v63  }
0x45f: {  	s31 =	simm.s32 $0x7800;
	v3 =	vperm.xlane v3, v2  }
0x460: {  	[tilespmem:s31], [sflag:$0x1] =	stream.indirect_vreg.gather [hbm4b:s8+s3], $0x80, v4, vm0, $0xb8;
	[tilespmem:$0x1B000] =	vst v63  }
0x461: {  	s18 =	simm.s32 $0x8000;
	v3 =	vadd.s32 v1, v3  }
0x462: {  	[tilespmem:s18], [sflag:$0x1] =	stream.indirect_vreg.gather [hbm4b:s10+s3], $0x80, v4, vm0, $0xb8;
	[tilespmem:$0x1B000] =	vst v63  }
0x463: {  	s19 =	simm.s32 $0x8800  }
0x464: {  	[tilespmem:s19], [sflag:$0x1] =	stream.indirect_vreg.gather [hbm4b:s11+s3], $0x80, v4, vm0, $0xb8;
	[tilespmem:$0x1B000] =	vst v63  }
0x465: {  	s31 =	simm.s32 $0x9000  }
0x466: {  	[tilespmem:s31], [sflag:$0x1] =	stream.indirect_vreg.gather [hbm4b:s2+s3], $0x80, v3, vm0, $0xb8;
	[tilespmem:$0x1B000] =	vst v63  }
0x467: {  	s18 =	simm.s32 $0x9800  }
0x468: {  	[tilespmem:s18], [sflag:$0x1] =	stream.indirect_vreg.gather [hbm4b:s8+s3], $0x80, v3, vm0, $0xb8;
	[tilespmem:$0x1B000] =	vst v63  }
0x469: {  	s19 =	simm.s32 $0xA000  }
0x46a: {  	[tilespmem:s19], [sflag:$0x1] =	stream.indirect_vreg.gather [hbm4b:s10+s3], $0x80, v3, vm0, $0xb8;
	[tilespmem:$0x1B000] =	vst v63  }
0x46b: {  	s31 =	simm.s32 $0xA800  }
0x46c: {  	[tilespmem:s31], [sflag:$0x1] =	stream.indirect_vreg.gather [hbm4b:s11+s3], $0x80, v3, vm0, $0xb8;
	[tilespmem:$0x1B000] =	vst v63  }
0x46d: {  	s18 =	rddreg [dreg:$0x17];
	s19 =	simm.s32 $0xB000  }
0x46e: {  	[hbm4b:s18+s3] =	stream.linear.scatter [tilespmem:s19], [sflag:$0x5], $0x8000, $0x38;
	[tilespmem:$0x1B000] =	vst v63  }
0x46f: {  	_ =	swait.ge [sflag:s15], $0x8000  }
0x470: {  	[sflag:s15] =	ssyncset.done $0x0  }
0x471: {  	[sflag:s15] =	ssyncadd.s32 $0xFFFF8000  }
0x472: {  	_ =	swait.ge [sflag:s4], $0x8000  }
0x473: {  	[sflag:s4] =	ssyncset.done $0x0  }
0x474: {  	[sflag:s4] =	ssyncadd.s32 $0xFFFF8000  }
0x475: {  	v3 =	vld [tilespmem:$0x2980];
	_ =	sdelay $0x4  }
0x476: {  	v38 =	vshll.u32 v3, $0x3  }
0x477: {  	v3 =	vand.u32 $0x7, v3;
	v4 =	vand.u32 $0xFFFFFFC0, v38  }
0x478: {  	v3 =	vor.u32 v3, v4  }
0x479: {  	v4 =	vperm.xlane v3, v0;
	_ =	sdelay $0x1  }
0x47a: {  	v4 =	vadd.s32 v1, v4;
	_ =	sdelay $0x4  }
0x47b: {  	[tilespmem:s19], [sflag:$0x2] =	stream.indirect_vreg.gather [hbm4b:s2+s3], $0x80, v4, vm0, $0xb8;
	[tilespmem:$0x1B000] =	vst v63  }
0x47c: {  	s18 =	simm.s32 $0xB800;
	v3 =	vperm.xlane v3, v2  }
0x47d: {  	[tilespmem:s18], [sflag:$0x2] =	stream.indirect_vreg.gather [hbm4b:s8+s3], $0x80, v4, vm0, $0xb8;
	[tilespmem:$0x1B000] =	vst v63  }
0x47e: {  	v3 =	vadd.s32 v1, v3  }
0x47f: {  	[tilespmem:s16], [sflag:$0x2] =	stream.indirect_vreg.gather [hbm4b:s10+s3], $0x80, v4, vm0, $0xb8;
	[tilespmem:$0x1B000] =	vst v63  }
0x480: {  	_ = 	snop  }
0x481: {  	[tilespmem:s17], [sflag:$0x2] =	stream.indirect_vreg.gather [hbm4b:s11+s3], $0x80, v4, vm0, $0xb8;
	[tilespmem:$0x1B000] =	vst v63  }
0x482: {  	_ = 	snop  }
0x483: {  	[tilespmem:s20], [sflag:$0x2] =	stream.indirect_vreg.gather [hbm4b:s2+s3], $0x80, v3, vm0, $0xb8;
	[tilespmem:$0x1B000] =	vst v63  }
0x484: {  	_ = 	snop  }
0x485: {  	[tilespmem:s23], [sflag:$0x2] =	stream.indirect_vreg.gather [hbm4b:s8+s3], $0x80, v3, vm0, $0xb8;
	[tilespmem:$0x1B000] =	vst v63  }
0x486: {  	s31 =	simm.s32 $0xE000  }
0x487: {  	[tilespmem:s31], [sflag:$0x2] =	stream.indirect_vreg.gather [hbm4b:s10+s3], $0x80, v3, vm0, $0xb8;
	[tilespmem:$0x1B000] =	vst v63  }
0x488: {  	s16 =	simm.s32 $0xE800  }
0x489: {  	[tilespmem:s16], [sflag:$0x2] =	stream.indirect_vreg.gather [hbm4b:s11+s3], $0x80, v3, vm0, $0xb8;
	[tilespmem:$0x1B000] =	vst v63  }
0x48a: {  	v3 =	vld [tilespmem:$0x2990];
	_ =	sdelay $0x4  }
0x48b: {  	v39 =	vshll.u32 v3, $0x3  }
0x48c: {  	v3 =	vand.u32 $0x7, v3;
	v4 =	vand.u32 $0xFFFFFFC0, v39  }
0x48d: {  	v3 =	vor.u32 v3, v4  }
0x48e: {  	v4 =	vperm.xlane v3, v0;
	_ =	sdelay $0x1  }
0x48f: {  	v4 =	vadd.s32 v1, v4;
	_ =	sdelay $0x3  }
0x490: {  	s19 =	simm.s32 $0xF000  }
0x491: {  	[tilespmem:s19], [sflag:$0x2] =	stream.indirect_vreg.gather [hbm4b:s2+s3], $0x80, v4, vm0, $0xb8;
	[tilespmem:$0x1B000] =	vst v63  }
0x492: {  	s23 =	simm.s32 $0xF800;
	v3 =	vperm.xlane v3, v2  }
0x493: {  	[tilespmem:s23], [sflag:$0x2] =	stream.indirect_vreg.gather [hbm4b:s8+s3], $0x80, v4, vm0, $0xb8;
	[tilespmem:$0x1B000] =	vst v63  }
0x494: {  	v3 =	vadd.s32 v1, v3  }
0x495: {  	[tilespmem:s21], [sflag:$0x2] =	stream.indirect_vreg.gather [hbm4b:s10+s3], $0x80, v4, vm0, $0xb8;
	[tilespmem:$0x1B000] =	vst v63  }
0x496: {  	_ = 	snop  }
0x497: {  	[tilespmem:s22], [sflag:$0x2] =	stream.indirect_vreg.gather [hbm4b:s11+s3], $0x80, v4, vm0, $0xb8;
	[tilespmem:$0x1B000] =	vst v63  }
0x498: {  	s17 =	simm.s32 $0x11000  }
0x499: {  	[tilespmem:s17], [sflag:$0x2] =	stream.indirect_vreg.gather [hbm4b:s2+s3], $0x80, v3, vm0, $0xb8;
	[tilespmem:$0x1B000] =	vst v63  }
0x49a: {  	s20 =	simm.s32 $0x11800  }
0x49b: {  	[tilespmem:s20], [sflag:$0x2] =	stream.indirect_vreg.gather [hbm4b:s8+s3], $0x80, v3, vm0, $0xb8;
	[tilespmem:$0x1B000] =	vst v63  }
0x49c: {  	s21 =	simm.s32 $0x12000  }
0x49d: {  	[tilespmem:s21], [sflag:$0x2] =	stream.indirect_vreg.gather [hbm4b:s10+s3], $0x80, v3, vm0, $0xb8;
	[tilespmem:$0x1B000] =	vst v63  }
0x49e: {  	_ = 	snop  }
0x49f: {  	[tilespmem:s9], [sflag:$0x2] =	stream.indirect_vreg.gather [hbm4b:s11+s3], $0x80, v3, vm0, $0xb8;
	[tilespmem:$0x1B000] =	vst v63  }
0x4a0: {  	s31 =	simm.s32 $0x13000;
	s22 =	rddreg [dreg:$0x18]  }
0x4a1: {  	[hbm4b:s22+s3] =	stream.linear.scatter [tilespmem:s31], [sflag:$0x6], $0x8000, $0x38;
	[tilespmem:$0x1B000] =	vst v63  }
0x4a2: {  	_ =	swait.ge [sflag:s6], $0x8000  }
0x4a3: {  	[sflag:s6] =	ssyncset.done $0x0  }
0x4a4: {  	[sflag:s6] =	ssyncadd.s32 $0xFFFF8000  }
0x4a5: {  	_ =	swait.ge [sflag:s1], $0x8000  }
0x4a6: {  	[sflag:s1] =	ssyncset.done $0x0  }
0x4a7: {  	[sflag:s1] =	ssyncadd.s32 $0xFFFF8000  }
0x4a8: {  	v3 =	vld [tilespmem:$0x2A00];
	_ =	sdelay $0x4  }
0x4a9: {  	v40 =	vshll.u32 v3, $0x3  }
0x4aa: {  	v3 =	vand.u32 $0x7, v3;
	v4 =	vand.u32 $0xFFFFFFC0, v40  }
0x4ab: {  	v3 =	vor.u32 v3, v4  }
0x4ac: {  	v4 =	vperm.xlane v3, v0;
	_ =	sdelay $0x1  }
0x4ad: {  	v4 =	vadd.s32 v1, v4;
	_ =	sdelay $0x4  }
0x4ae: {  	[tilespmem:s31], [sflag:$0x3] =	stream.indirect_vreg.gather [hbm4b:s2+s3], $0x80, v4, vm0, $0xb8;
	[tilespmem:$0x1B000] =	vst v63  }
0x4af: {  	s20 =	simm.s32 $0x13800;
	v3 =	vperm.xlane v3, v2  }
0x4b0: {  	[tilespmem:s20], [sflag:$0x3] =	stream.indirect_vreg.gather [hbm4b:s8+s3], $0x80, v4, vm0, $0xb8;
	[tilespmem:$0x1B000] =	vst v63  }
0x4b1: {  	s16 =	simm.s32 $0x14000;
	v3 =	vadd.s32 v1, v3  }
0x4b2: {  	[tilespmem:s16], [sflag:$0x3] =	stream.indirect_vreg.gather [hbm4b:s10+s3], $0x80, v4, vm0, $0xb8;
	[tilespmem:$0x1B000] =	vst v63  }
0x4b3: {  	s17 =	simm.s32 $0x14800  }
0x4b4: {  	[tilespmem:s17], [sflag:$0x3] =	stream.indirect_vreg.gather [hbm4b:s11+s3], $0x80, v4, vm0, $0xb8;
	[tilespmem:$0x1B000] =	vst v63  }
0x4b5: {  	_ = 	snop  }
0x4b6: {  	[tilespmem:s0], [sflag:$0x3] =	stream.indirect_vreg.gather [hbm4b:s2+s3], $0x80, v3, vm0, $0xb8;
	[tilespmem:$0x1B000] =	vst v63  }
0x4b7: {  	s9 =	simm.s32 $0x15800  }
0x4b8: {  	[tilespmem:s9], [sflag:$0x3] =	stream.indirect_vreg.gather [hbm4b:s8+s3], $0x80, v3, vm0, $0xb8;
	[tilespmem:$0x1B000] =	vst v63  }
0x4b9: {  	s25 =	simm.s32 $0x16000  }
0x4ba: {  	[tilespmem:s25], [sflag:$0x3] =	stream.indirect_vreg.gather [hbm4b:s10+s3], $0x80, v3, vm0, $0xb8;
	[tilespmem:$0x1B000] =	vst v63  }
0x4bb: {  	s21 =	simm.s32 $0x16800  }
0x4bc: {  	[tilespmem:s21], [sflag:$0x3] =	stream.indirect_vreg.gather [hbm4b:s11+s3], $0x80, v3, vm0, $0xb8;
	[tilespmem:$0x1B000] =	vst v63  }
0x4bd: {  	v3 =	vld [tilespmem:$0x2A10];
	_ =	sdelay $0x4  }
0x4be: {  	v41 =	vshll.u32 v3, $0x3  }
0x4bf: {  	v3 =	vand.u32 $0x7, v3;
	v4 =	vand.u32 $0xFFFFFFC0, v41  }
0x4c0: {  	v3 =	vor.u32 v3, v4  }
0x4c1: {  	v4 =	vperm.xlane v3, v0;
	_ =	sdelay $0x1  }
0x4c2: {  	v4 =	vadd.s32 v1, v4;
	_ =	sdelay $0x3  }
0x4c3: {  	s22 =	simm.s32 $0x17000  }
0x4c4: {  	[tilespmem:s22], [sflag:$0x3] =	stream.indirect_vreg.gather [hbm4b:s2+s3], $0x80, v4, vm0, $0xb8;
	[tilespmem:$0x1B000] =	vst v63  }
0x4c5: {  	s25 =	simm.s32 $0x17800;
	v3 =	vperm.xlane v3, v2  }
0x4c6: {  	[tilespmem:s25], [sflag:$0x3] =	stream.indirect_vreg.gather [hbm4b:s8+s3], $0x80, v4, vm0, $0xb8;
	[tilespmem:$0x1B000] =	vst v63  }
0x4c7: {  	s26 =	simm.s32 $0x18000;
	v3 =	vadd.s32 v1, v3  }
0x4c8: {  	[tilespmem:s26], [sflag:$0x3] =	stream.indirect_vreg.gather [hbm4b:s10+s3], $0x80, v4, vm0, $0xb8;
	[tilespmem:$0x1B000] =	vst v63  }
0x4c9: {  	s28 =	simm.s32 $0x18800  }
0x4ca: {  	[tilespmem:s28], [sflag:$0x3] =	stream.indirect_vreg.gather [hbm4b:s11+s3], $0x80, v4, vm0, $0xb8;
	[tilespmem:$0x1B000] =	vst v63  }
0x4cb: {  	s29 =	simm.s32 $0x19000  }
0x4cc: {  	[tilespmem:s29], [sflag:$0x3] =	stream.indirect_vreg.gather [hbm4b:s2+s3], $0x80, v3, vm0, $0xb8;
	[tilespmem:$0x1B000] =	vst v63  }
0x4cd: {  	s30 =	simm.s32 $0x19800  }
0x4ce: {  	[tilespmem:s30], [sflag:$0x3] =	stream.indirect_vreg.gather [hbm4b:s8+s3], $0x80, v3, vm0, $0xb8;
	[tilespmem:$0x1B000] =	vst v63  }
0x4cf: {  	s24 =	simm.s32 $0x1A000  }
0x4d0: {  	[tilespmem:s24], [sflag:$0x3] =	stream.indirect_vreg.gather [hbm4b:s10+s3], $0x80, v3, vm0, $0xb8;
	[tilespmem:$0x1B000] =	vst v63  }
0x4d1: {  	_ = 	snop  }
0x4d2: {  	[tilespmem:s13], [sflag:$0x3] =	stream.indirect_vreg.gather [hbm4b:s11+s3], $0x80, v3, vm0, $0xb8;
	[tilespmem:$0x1B000] =	vst v63  }
0x4d3: {  	s28 =	rddreg [dreg:$0x19];
	s29 =	simm.s32 $0x3000  }
0x4d4: {  	[hbm4b:s28+s3] =	stream.linear.scatter [tilespmem:s29], [sflag:$0x4], $0x8000, $0x38;
	[tilespmem:$0x1B000] =	vst v63  }
0x4d5: {  	_ =	swait.ge [sflag:s12], $0x8000  }
0x4d6: {  	[sflag:s12] =	ssyncset.done $0x0  }
0x4d7: {  	[sflag:s12] =	ssyncadd.s32 $0xFFFF8000  }
0x4d8: {  	_ =	swait.ge [sflag:s14], $0x8000  }
0x4d9: {  	[sflag:s14] =	ssyncset.done $0x0  }
0x4da: {  	[sflag:s14] =	ssyncadd.s32 $0xFFFF8000  }
0x4db: {  	v3 =	vld [tilespmem:$0x2A80];
	_ =	sdelay $0x4  }
0x4dc: {  	v42 =	vshll.u32 v3, $0x3  }
0x4dd: {  	v3 =	vand.u32 $0x7, v3;
	v4 =	vand.u32 $0xFFFFFFC0, v42  }
0x4de: {  	v3 =	vor.u32 v3, v4  }
0x4df: {  	v4 =	vperm.xlane v3, v0;
	_ =	sdelay $0x1  }
0x4e0: {  	v4 =	vadd.s32 v1, v4;
	_ =	sdelay $0x4  }
0x4e1: {  	[tilespmem:s29], [sflag:$0x1] =	stream.indirect_vreg.gather [hbm4b:s2+s3], $0x80, v4, vm0, $0xb8;
	[tilespmem:$0x1B000] =	vst v63  }
0x4e2: {  	s30 =	simm.s32 $0x3800;
	v3 =	vperm.xlane v3, v2  }
0x4e3: {  	[tilespmem:s30], [sflag:$0x1] =	stream.indirect_vreg.gather [hbm4b:s8+s3], $0x80, v4, vm0, $0xb8;
	[tilespmem:$0x1B000] =	vst v63  }
0x4e4: {  	s21 =	simm.s32 $0x4000;
	v3 =	vadd.s32 v1, v3  }
0x4e5: {  	[tilespmem:s21], [sflag:$0x1] =	stream.indirect_vreg.gather [hbm4b:s10+s3], $0x80, v4, vm0, $0xb8;
	[tilespmem:$0x1B000] =	vst v63  }
0x4e6: {  	s22 =	simm.s32 $0x4800  }
0x4e7: {  	[tilespmem:s22], [sflag:$0x1] =	stream.indirect_vreg.gather [hbm4b:s11+s3], $0x80, v4, vm0, $0xb8;
	[tilespmem:$0x1B000] =	vst v63  }
0x4e8: {  	s24 =	simm.s32 $0x5000  }
0x4e9: {  	[tilespmem:s24], [sflag:$0x1] =	stream.indirect_vreg.gather [hbm4b:s2+s3], $0x80, v3, vm0, $0xb8;
	[tilespmem:$0x1B000] =	vst v63  }
0x4ea: {  	s25 =	simm.s32 $0x5800  }
0x4eb: {  	[tilespmem:s25], [sflag:$0x1] =	stream.indirect_vreg.gather [hbm4b:s8+s3], $0x80, v3, vm0, $0xb8;
	[tilespmem:$0x1B000] =	vst v63  }
0x4ec: {  	s26 =	simm.s32 $0x6000  }
0x4ed: {  	[tilespmem:s26], [sflag:$0x1] =	stream.indirect_vreg.gather [hbm4b:s10+s3], $0x80, v3, vm0, $0xb8;
	[tilespmem:$0x1B000] =	vst v63  }
0x4ee: {  	s16 =	simm.s32 $0x6800  }
0x4ef: {  	[tilespmem:s16], [sflag:$0x1] =	stream.indirect_vreg.gather [hbm4b:s11+s3], $0x80, v3, vm0, $0xb8;
	[tilespmem:$0x1B000] =	vst v63  }
0x4f0: {  	v3 =	vld [tilespmem:$0x2A90];
	_ =	sdelay $0x4  }
0x4f1: {  	v43 =	vshll.u32 v3, $0x3  }
0x4f2: {  	v3 =	vand.u32 $0x7, v3;
	v4 =	vand.u32 $0xFFFFFFC0, v43  }
0x4f3: {  	v3 =	vor.u32 v3, v4  }
0x4f4: {  	v4 =	vperm.xlane v3, v0;
	_ =	sdelay $0x1  }
0x4f5: {  	v4 =	vadd.s32 v1, v4;
	_ =	sdelay $0x3  }
0x4f6: {  	s17 =	simm.s32 $0x7000  }
0x4f7: {  	[tilespmem:s17], [sflag:$0x1] =	stream.indirect_vreg.gather [hbm4b:s2+s3], $0x80, v4, vm0, $0xb8;
	[tilespmem:$0x1B000] =	vst v63  }
0x4f8: {  	s31 =	simm.s32 $0x7800;
	v3 =	vperm.xlane v3, v2  }
0x4f9: {  	[tilespmem:s31], [sflag:$0x1] =	stream.indirect_vreg.gather [hbm4b:s8+s3], $0x80, v4, vm0, $0xb8;
	[tilespmem:$0x1B000] =	vst v63  }
0x4fa: {  	s28 =	simm.s32 $0x8000;
	v3 =	vadd.s32 v1, v3  }
0x4fb: {  	[tilespmem:s28], [sflag:$0x1] =	stream.indirect_vreg.gather [hbm4b:s10+s3], $0x80, v4, vm0, $0xb8;
	[tilespmem:$0x1B000] =	vst v63  }
0x4fc: {  	s29 =	simm.s32 $0x8800  }
0x4fd: {  	[tilespmem:s29], [sflag:$0x1] =	stream.indirect_vreg.gather [hbm4b:s11+s3], $0x80, v4, vm0, $0xb8;
	[tilespmem:$0x1B000] =	vst v63  }
0x4fe: {  	s30 =	simm.s32 $0x9000  }
0x4ff: {  	[tilespmem:s30], [sflag:$0x1] =	stream.indirect_vreg.gather [hbm4b:s2+s3], $0x80, v3, vm0, $0xb8;
	[tilespmem:$0x1B000] =	vst v63  }
0x500: {  	s31 =	simm.s32 $0x9800  }
0x501: {  	[tilespmem:s31], [sflag:$0x1] =	stream.indirect_vreg.gather [hbm4b:s8+s3], $0x80, v3, vm0, $0xb8;
	[tilespmem:$0x1B000] =	vst v63  }
0x502: {  	s7 =	simm.s32 $0xA000  }
0x503: {  	[tilespmem:s7], [sflag:$0x1] =	stream.indirect_vreg.gather [hbm4b:s10+s3], $0x80, v3, vm0, $0xb8;
	[tilespmem:$0x1B000] =	vst v63  }
0x504: {  	s13 =	simm.s32 $0xA800  }
0x505: {  	[tilespmem:s13], [sflag:$0x1] =	stream.indirect_vreg.gather [hbm4b:s11+s3], $0x80, v3, vm0, $0xb8;
	[tilespmem:$0x1B000] =	vst v63  }
0x506: {  	s0 =	rddreg [dreg:$0x1a];
	s13 =	simm.s32 $0xB000  }
0x507: {  	[hbm4b:s0+s3] =	stream.linear.scatter [tilespmem:s13], [sflag:$0x5], $0x8000, $0x38;
	[tilespmem:$0x1B000] =	vst v63  }
0x508: {  	_ =	swait.ge [sflag:s15], $0x8000  }
0x509: {  	[sflag:s15] =	ssyncset.done $0x0  }
0x50a: {  	[sflag:s15] =	ssyncadd.s32 $0xFFFF8000  }
0x50b: {  	_ =	swait.ge [sflag:s4], $0x8000  }
0x50c: {  	[sflag:s4] =	ssyncset.done $0x0  }
0x50d: {  	[sflag:s4] =	ssyncadd.s32 $0xFFFF8000  }
0x50e: {  	v3 =	vld [tilespmem:$0x2B00];
	_ =	sdelay $0x4  }
0x50f: {  	v44 =	vshll.u32 v3, $0x3  }
0x510: {  	v3 =	vand.u32 $0x7, v3;
	v4 =	vand.u32 $0xFFFFFFC0, v44  }
0x511: {  	v3 =	vor.u32 v3, v4  }
0x512: {  	v4 =	vperm.xlane v3, v0;
	_ =	sdelay $0x1  }
0x513: {  	v4 =	vadd.s32 v1, v4;
	_ =	sdelay $0x4  }
0x514: {  	[tilespmem:s13], [sflag:$0x2] =	stream.indirect_vreg.gather [hbm4b:s2+s3], $0x80, v4, vm0, $0xb8;
	[tilespmem:$0x1B000] =	vst v63  }
0x515: {  	v3 =	vperm.xlane v3, v2  }
0x516: {  	[tilespmem:s18], [sflag:$0x2] =	stream.indirect_vreg.gather [hbm4b:s8+s3], $0x80, v4, vm0, $0xb8;
	[tilespmem:$0x1B000] =	vst v63  }
0x517: {  	v3 =	vadd.s32 v1, v3;
	s18 =	simm.s32 $0xC000  }
0x518: {  	[tilespmem:s18], [sflag:$0x2] =	stream.indirect_vreg.gather [hbm4b:s10+s3], $0x80, v4, vm0, $0xb8;
	[tilespmem:$0x1B000] =	vst v63  }
0x519: {  	s13 =	simm.s32 $0xC800  }
0x51a: {  	[tilespmem:s13], [sflag:$0x2] =	stream.indirect_vreg.gather [hbm4b:s11+s3], $0x80, v4, vm0, $0xb8;
	[tilespmem:$0x1B000] =	vst v63  }
0x51b: {  	s7 =	simm.s32 $0xD000  }
0x51c: {  	[tilespmem:s7], [sflag:$0x2] =	stream.indirect_vreg.gather [hbm4b:s2+s3], $0x80, v3, vm0, $0xb8;
	[tilespmem:$0x1B000] =	vst v63  }
0x51d: {  	s13 =	simm.s32 $0xD800  }
0x51e: {  	[tilespmem:s13], [sflag:$0x2] =	stream.indirect_vreg.gather [hbm4b:s8+s3], $0x80, v3, vm0, $0xb8;
	[tilespmem:$0x1B000] =	vst v63  }
0x51f: {  	s7 =	simm.s32 $0xE000  }
0x520: {  	[tilespmem:s7], [sflag:$0x2] =	stream.indirect_vreg.gather [hbm4b:s10+s3], $0x80, v3, vm0, $0xb8;
	[tilespmem:$0x1B000] =	vst v63  }
0x521: {  	s13 =	simm.s32 $0xE800  }
0x522: {  	[tilespmem:s13], [sflag:$0x2] =	stream.indirect_vreg.gather [hbm4b:s11+s3], $0x80, v3, vm0, $0xb8;
	[tilespmem:$0x1B000] =	vst v63  }
0x523: {  	v3 =	vld [tilespmem:$0x2B10];
	_ =	sdelay $0x4  }
0x524: {  	v45 =	vshll.u32 v3, $0x3  }
0x525: {  	v3 =	vand.u32 $0x7, v3;
	v4 =	vand.u32 $0xFFFFFFC0, v45  }
0x526: {  	v3 =	vor.u32 v3, v4  }
0x527: {  	v4 =	vperm.xlane v3, v0;
	_ =	sdelay $0x1  }
0x528: {  	v4 =	vadd.s32 v1, v4;
	_ =	sdelay $0x4  }
0x529: {  	[tilespmem:s19], [sflag:$0x2] =	stream.indirect_vreg.gather [hbm4b:s2+s3], $0x80, v4, vm0, $0xb8;
	[tilespmem:$0x1B000] =	vst v63  }
0x52a: {  	v3 =	vperm.xlane v3, v2  }
0x52b: {  	[tilespmem:s23], [sflag:$0x2] =	stream.indirect_vreg.gather [hbm4b:s8+s3], $0x80, v4, vm0, $0xb8;
	[tilespmem:$0x1B000] =	vst v63  }
0x52c: {  	v3 =	vadd.s32 v1, v3;
	s19 =	simm.s32 $0x10000  }
0x52d: {  	[tilespmem:s19], [sflag:$0x2] =	stream.indirect_vreg.gather [hbm4b:s10+s3], $0x80, v4, vm0, $0xb8;
	[tilespmem:$0x1B000] =	vst v63  }
0x52e: {  	s23 =	simm.s32 $0x10800  }
0x52f: {  	[tilespmem:s23], [sflag:$0x2] =	stream.indirect_vreg.gather [hbm4b:s11+s3], $0x80, v4, vm0, $0xb8;
	[tilespmem:$0x1B000] =	vst v63  }
0x530: {  	s7 =	simm.s32 $0x11000  }
0x531: {  	[tilespmem:s7], [sflag:$0x2] =	stream.indirect_vreg.gather [hbm4b:s2+s3], $0x80, v3, vm0, $0xb8;
	[tilespmem:$0x1B000] =	vst v63  }
0x532: {  	s13 =	simm.s32 $0x11800  }
0x533: {  	[tilespmem:s13], [sflag:$0x2] =	stream.indirect_vreg.gather [hbm4b:s8+s3], $0x80, v3, vm0, $0xb8;
	[tilespmem:$0x1B000] =	vst v63  }
0x534: {  	s7 =	simm.s32 $0x12000  }
0x535: {  	[tilespmem:s7], [sflag:$0x2] =	stream.indirect_vreg.gather [hbm4b:s10+s3], $0x80, v3, vm0, $0xb8;
	[tilespmem:$0x1B000] =	vst v63  }
0x536: {  	s13 =	simm.s32 $0x12800  }
0x537: {  	[tilespmem:s13], [sflag:$0x2] =	stream.indirect_vreg.gather [hbm4b:s11+s3], $0x80, v3, vm0, $0xb8;
	[tilespmem:$0x1B000] =	vst v63  }
0x538: {  	s0 =	rddreg [dreg:$0x1b];
	s13 =	simm.s32 $0x13000  }
0x539: {  	[hbm4b:s0+s3] =	stream.linear.scatter [tilespmem:s13], [sflag:$0x6], $0x8000, $0x38;
	[tilespmem:$0x1B000] =	vst v63  }
0x53a: {  	_ =	swait.ge [sflag:s6], $0x8000  }
0x53b: {  	[sflag:s6] =	ssyncset.done $0x0  }
0x53c: {  	[sflag:s6] =	ssyncadd.s32 $0xFFFF8000  }
0x53d: {  	_ =	swait.ge [sflag:s1], $0x8000  }
0x53e: {  	[sflag:s1] =	ssyncset.done $0x0  }
0x53f: {  	[sflag:s1] =	ssyncadd.s32 $0xFFFF8000  }
0x540: {  	v3 =	vld [tilespmem:$0x2B80];
	_ =	sdelay $0x4  }
0x541: {  	v46 =	vshll.u32 v3, $0x3  }
0x542: {  	v3 =	vand.u32 $0x7, v3;
	v4 =	vand.u32 $0xFFFFFFC0, v46  }
0x543: {  	v3 =	vor.u32 v3, v4  }
0x544: {  	v4 =	vperm.xlane v3, v0;
	_ =	sdelay $0x1  }
0x545: {  	v4 =	vadd.s32 v1, v4;
	_ =	sdelay $0x4  }
0x546: {  	[tilespmem:s13], [sflag:$0x3] =	stream.indirect_vreg.gather [hbm4b:s2+s3], $0x80, v4, vm0, $0xb8;
	[tilespmem:$0x1B000] =	vst v63  }
0x547: {  	v3 =	vperm.xlane v3, v2  }
0x548: {  	[tilespmem:s20], [sflag:$0x3] =	stream.indirect_vreg.gather [hbm4b:s8+s3], $0x80, v4, vm0, $0xb8;
	[tilespmem:$0x1B000] =	vst v63  }
0x549: {  	v3 =	vadd.s32 v1, v3;
	s20 =	simm.s32 $0x14000  }
0x54a: {  	[tilespmem:s20], [sflag:$0x3] =	stream.indirect_vreg.gather [hbm4b:s10+s3], $0x80, v4, vm0, $0xb8;
	[tilespmem:$0x1B000] =	vst v63  }
0x54b: {  	s7 =	simm.s32 $0x14800  }
0x54c: {  	[tilespmem:s7], [sflag:$0x3] =	stream.indirect_vreg.gather [hbm4b:s11+s3], $0x80, v4, vm0, $0xb8;
	[tilespmem:$0x1B000] =	vst v63  }
0x54d: {  	s13 =	simm.s32 $0x15000  }
0x54e: {  	[tilespmem:s13], [sflag:$0x3] =	stream.indirect_vreg.gather [hbm4b:s2+s3], $0x80, v3, vm0, $0xb8;
	[tilespmem:$0x1B000] =	vst v63  }
0x54f: {  	_ = 	snop  }
0x550: {  	[tilespmem:s9], [sflag:$0x3] =	stream.indirect_vreg.gather [hbm4b:s8+s3], $0x80, v3, vm0, $0xb8;
	[tilespmem:$0x1B000] =	vst v63  }
0x551: {  	s0 =	simm.s32 $0x16000  }
0x552: {  	[tilespmem:s0], [sflag:$0x3] =	stream.indirect_vreg.gather [hbm4b:s10+s3], $0x80, v3, vm0, $0xb8;
	[tilespmem:$0x1B000] =	vst v63  }
0x553: {  	s9 =	simm.s32 $0x16800  }
0x554: {  	[tilespmem:s9], [sflag:$0x3] =	stream.indirect_vreg.gather [hbm4b:s11+s3], $0x80, v3, vm0, $0xb8;
	[tilespmem:$0x1B000] =	vst v63  }
0x555: {  	v3 =	vld [tilespmem:$0x2B90];
	_ =	sdelay $0x4  }
0x556: {  	v47 =	vshll.u32 v3, $0x3  }
0x557: {  	v3 =	vand.u32 $0x7, v3;
	v4 =	vand.u32 $0xFFFFFFC0, v47  }
0x558: {  	v3 =	vor.u32 v3, v4  }
0x559: {  	v4 =	vperm.xlane v3, v0;
	_ =	sdelay $0x1  }
0x55a: {  	v4 =	vadd.s32 v1, v4;
	_ =	sdelay $0x3  }
0x55b: {  	s20 =	simm.s32 $0x17000  }
0x55c: {  	[tilespmem:s20], [sflag:$0x3] =	stream.indirect_vreg.gather [hbm4b:s2+s3], $0x80, v4, vm0, $0xb8;
	[tilespmem:$0x1B000] =	vst v63  }
0x55d: {  	s9 =	simm.s32 $0x17800;
	v3 =	vperm.xlane v3, v2  }
0x55e: {  	[tilespmem:s9], [sflag:$0x3] =	stream.indirect_vreg.gather [hbm4b:s8+s3], $0x80, v4, vm0, $0xb8;
	[tilespmem:$0x1B000] =	vst v63  }
0x55f: {  	v3 =	vadd.s32 v1, v3;
	s20 =	simm.s32 $0x18000  }
0x560: {  	[tilespmem:s20], [sflag:$0x3] =	stream.indirect_vreg.gather [hbm4b:s10+s3], $0x80, v4, vm0, $0xb8;
	[tilespmem:$0x1B000] =	vst v63  }
0x561: {  	s9 =	simm.s32 $0x18800  }
0x562: {  	[tilespmem:s9], [sflag:$0x3] =	stream.indirect_vreg.gather [hbm4b:s11+s3], $0x80, v4, vm0, $0xb8;
	[tilespmem:$0x1B000] =	vst v63  }
0x563: {  	s20 =	simm.s32 $0x19000  }
0x564: {  	[tilespmem:s20], [sflag:$0x3] =	stream.indirect_vreg.gather [hbm4b:s2+s3], $0x80, v3, vm0, $0xb8;
	[tilespmem:$0x1B000] =	vst v63  }
0x565: {  	s9 =	simm.s32 $0x19800  }
0x566: {  	[tilespmem:s9], [sflag:$0x3] =	stream.indirect_vreg.gather [hbm4b:s8+s3], $0x80, v3, vm0, $0xb8;
	[tilespmem:$0x1B000] =	vst v63  }
0x567: {  	s20 =	simm.s32 $0x1A000  }
0x568: {  	[tilespmem:s20], [sflag:$0x3] =	stream.indirect_vreg.gather [hbm4b:s10+s3], $0x80, v3, vm0, $0xb8;
	[tilespmem:$0x1B000] =	vst v63  }
0x569: {  	s20 =	simm.s32 $0x1A800  }
0x56a: {  	[tilespmem:s20], [sflag:$0x3] =	stream.indirect_vreg.gather [hbm4b:s11+s3], $0x80, v3, vm0, $0xb8;
	[tilespmem:$0x1B000] =	vst v63  }
0x56b: {  	s7 =	rddreg [dreg:$0x1c];
	s9 =	simm.s32 $0x3000  }
0x56c: {  	[hbm4b:s7+s3] =	stream.linear.scatter [tilespmem:s9], [sflag:$0x4], $0x8000, $0x38;
	[tilespmem:$0x1B000] =	vst v63  }
0x56d: {  	_ =	swait.ge [sflag:s12], $0x8000  }
0x56e: {  	[sflag:s12] =	ssyncset.done $0x0  }
0x56f: {  	[sflag:s12] =	ssyncadd.s32 $0xFFFF8000  }
0x570: {  	_ =	swait.ge [sflag:s14], $0x8000  }
0x571: {  	[sflag:s14] =	ssyncset.done $0x0  }
0x572: {  	[sflag:s14] =	ssyncadd.s32 $0xFFFF8000  }
0x573: {  	v3 =	vld [tilespmem:$0x2C00];
	_ =	sdelay $0x4  }
0x574: {  	v48 =	vshll.u32 v3, $0x3  }
0x575: {  	v3 =	vand.u32 $0x7, v3;
	v4 =	vand.u32 $0xFFFFFFC0, v48  }
0x576: {  	v3 =	vor.u32 v3, v4  }
0x577: {  	v4 =	vperm.xlane v3, v0;
	_ =	sdelay $0x1  }
0x578: {  	v4 =	vadd.s32 v1, v4;
	_ =	sdelay $0x4  }
0x579: {  	[tilespmem:s9], [sflag:$0x1] =	stream.indirect_vreg.gather [hbm4b:s2+s3], $0x80, v4, vm0, $0xb8;
	[tilespmem:$0x1B000] =	vst v63  }
0x57a: {  	v3 =	vperm.xlane v3, v2;
	s9 =	simm.s32 $0x3800  }
0x57b: {  	[tilespmem:s9], [sflag:$0x1] =	stream.indirect_vreg.gather [hbm4b:s8+s3], $0x80, v4, vm0, $0xb8;
	[tilespmem:$0x1B000] =	vst v63  }
0x57c: {  	v3 =	vadd.s32 v1, v3  }
0x57d: {  	[tilespmem:s21], [sflag:$0x1] =	stream.indirect_vreg.gather [hbm4b:s10+s3], $0x80, v4, vm0, $0xb8;
	[tilespmem:$0x1B000] =	vst v63  }
0x57e: {  	_ = 	snop  }
0x57f: {  	[tilespmem:s22], [sflag:$0x1] =	stream.indirect_vreg.gather [hbm4b:s11+s3], $0x80, v4, vm0, $0xb8;
	[tilespmem:$0x1B000] =	vst v63  }
0x580: {  	_ = 	snop  }
0x581: {  	[tilespmem:s24], [sflag:$0x1] =	stream.indirect_vreg.gather [hbm4b:s2+s3], $0x80, v3, vm0, $0xb8;
	[tilespmem:$0x1B000] =	vst v63  }
0x582: {  	_ = 	snop  }
0x583: {  	[tilespmem:s25], [sflag:$0x1] =	stream.indirect_vreg.gather [hbm4b:s8+s3], $0x80, v3, vm0, $0xb8;
	[tilespmem:$0x1B000] =	vst v63  }
0x584: {  	_ = 	snop  }
0x585: {  	[tilespmem:s26], [sflag:$0x1] =	stream.indirect_vreg.gather [hbm4b:s10+s3], $0x80, v3, vm0, $0xb8;
	[tilespmem:$0x1B000] =	vst v63  }
0x586: {  	_ = 	snop  }
0x587: {  	[tilespmem:s16], [sflag:$0x1] =	stream.indirect_vreg.gather [hbm4b:s11+s3], $0x80, v3, vm0, $0xb8;
	[tilespmem:$0x1B000] =	vst v63  }
0x588: {  	v3 =	vld [tilespmem:$0x2C10];
	_ =	sdelay $0x4  }
0x589: {  	v49 =	vshll.u32 v3, $0x3  }
0x58a: {  	v3 =	vand.u32 $0x7, v3;
	v4 =	vand.u32 $0xFFFFFFC0, v49  }
0x58b: {  	v3 =	vor.u32 v3, v4  }
0x58c: {  	v4 =	vperm.xlane v3, v0;
	_ =	sdelay $0x1  }
0x58d: {  	v4 =	vadd.s32 v1, v4;
	_ =	sdelay $0x4  }
0x58e: {  	[tilespmem:s17], [sflag:$0x1] =	stream.indirect_vreg.gather [hbm4b:s2+s3], $0x80, v4, vm0, $0xb8;
	[tilespmem:$0x1B000] =	vst v63  }
0x58f: {  	s26 =	simm.s32 $0x7800;
	v3 =	vperm.xlane v3, v2  }
0x590: {  	[tilespmem:s26], [sflag:$0x1] =	stream.indirect_vreg.gather [hbm4b:s8+s3], $0x80, v4, vm0, $0xb8;
	[tilespmem:$0x1B000] =	vst v63  }
0x591: {  	v3 =	vadd.s32 v1, v3  }
0x592: {  	[tilespmem:s28], [sflag:$0x1] =	stream.indirect_vreg.gather [hbm4b:s10+s3], $0x80, v4, vm0, $0xb8;
	[tilespmem:$0x1B000] =	vst v63  }
0x593: {  	_ = 	snop  }
0x594: {  	[tilespmem:s29], [sflag:$0x1] =	stream.indirect_vreg.gather [hbm4b:s11+s3], $0x80, v4, vm0, $0xb8;
	[tilespmem:$0x1B000] =	vst v63  }
0x595: {  	_ = 	snop  }
0x596: {  	[tilespmem:s30], [sflag:$0x1] =	stream.indirect_vreg.gather [hbm4b:s2+s3], $0x80, v3, vm0, $0xb8;
	[tilespmem:$0x1B000] =	vst v63  }
0x597: {  	_ = 	snop  }
0x598: {  	[tilespmem:s31], [sflag:$0x1] =	stream.indirect_vreg.gather [hbm4b:s8+s3], $0x80, v3, vm0, $0xb8;
	[tilespmem:$0x1B000] =	vst v63  }
0x599: {  	s31 =	simm.s32 $0xA000  }
0x59a: {  	[tilespmem:s31], [sflag:$0x1] =	stream.indirect_vreg.gather [hbm4b:s10+s3], $0x80, v3, vm0, $0xb8;
	[tilespmem:$0x1B000] =	vst v63  }
0x59b: {  	s9 =	simm.s32 $0xA800  }
0x59c: {  	[tilespmem:s9], [sflag:$0x1] =	stream.indirect_vreg.gather [hbm4b:s11+s3], $0x80, v3, vm0, $0xb8;
	[tilespmem:$0x1B000] =	vst v63  }
0x59d: {  	s16 =	rddreg [dreg:$0x1d];
	s17 =	simm.s32 $0xB000  }
0x59e: {  	[hbm4b:s16+s3] =	stream.linear.scatter [tilespmem:s17], [sflag:$0x5], $0x8000, $0x38;
	[tilespmem:$0x1B000] =	vst v63  }
0x59f: {  	_ =	swait.ge [sflag:s15], $0x8000  }
0x5a0: {  	[sflag:s15] =	ssyncset.done $0x0  }
0x5a1: {  	[sflag:s15] =	ssyncadd.s32 $0xFFFF8000  }
0x5a2: {  	_ =	swait.ge [sflag:s4], $0x8000  }
0x5a3: {  	[sflag:s4] =	ssyncset.done $0x0  }
0x5a4: {  	[sflag:s4] =	ssyncadd.s32 $0xFFFF8000  }
0x5a5: {  	v3 =	vld [tilespmem:$0x2C80];
	_ =	sdelay $0x4  }
0x5a6: {  	v50 =	vshll.u32 v3, $0x3  }
0x5a7: {  	v3 =	vand.u32 $0x7, v3;
	v4 =	vand.u32 $0xFFFFFFC0, v50  }
0x5a8: {  	v3 =	vor.u32 v3, v4  }
0x5a9: {  	v4 =	vperm.xlane v3, v0;
	_ =	sdelay $0x1  }
0x5aa: {  	v4 =	vadd.s32 v1, v4;
	_ =	sdelay $0x4  }
0x5ab: {  	[tilespmem:s17], [sflag:$0x2] =	stream.indirect_vreg.gather [hbm4b:s2+s3], $0x80, v4, vm0, $0xb8;
	[tilespmem:$0x1B000] =	vst v63  }
0x5ac: {  	s9 =	simm.s32 $0xB800;
	v3 =	vperm.xlane v3, v2  }
0x5ad: {  	[tilespmem:s9], [sflag:$0x2] =	stream.indirect_vreg.gather [hbm4b:s8+s3], $0x80, v4, vm0, $0xb8;
	[tilespmem:$0x1B000] =	vst v63  }
0x5ae: {  	v3 =	vadd.s32 v1, v3  }
0x5af: {  	[tilespmem:s18], [sflag:$0x2] =	stream.indirect_vreg.gather [hbm4b:s10+s3], $0x80, v4, vm0, $0xb8;
	[tilespmem:$0x1B000] =	vst v63  }
0x5b0: {  	s18 =	simm.s32 $0xC800  }
0x5b1: {  	[tilespmem:s18], [sflag:$0x2] =	stream.indirect_vreg.gather [hbm4b:s11+s3], $0x80, v4, vm0, $0xb8;
	[tilespmem:$0x1B000] =	vst v63  }
0x5b2: {  	s22 =	simm.s32 $0xD000  }
0x5b3: {  	[tilespmem:s22], [sflag:$0x2] =	stream.indirect_vreg.gather [hbm4b:s2+s3], $0x80, v3, vm0, $0xb8;
	[tilespmem:$0x1B000] =	vst v63  }
0x5b4: {  	s24 =	simm.s32 $0xD800  }
0x5b5: {  	[tilespmem:s24], [sflag:$0x2] =	stream.indirect_vreg.gather [hbm4b:s8+s3], $0x80, v3, vm0, $0xb8;
	[tilespmem:$0x1B000] =	vst v63  }
0x5b6: {  	s25 =	simm.s32 $0xE000  }
0x5b7: {  	[tilespmem:s25], [sflag:$0x2] =	stream.indirect_vreg.gather [hbm4b:s10+s3], $0x80, v3, vm0, $0xb8;
	[tilespmem:$0x1B000] =	vst v63  }
0x5b8: {  	s28 =	simm.s32 $0xE800  }
0x5b9: {  	[tilespmem:s28], [sflag:$0x2] =	stream.indirect_vreg.gather [hbm4b:s11+s3], $0x80, v3, vm0, $0xb8;
	[tilespmem:$0x1B000] =	vst v63  }
0x5ba: {  	v3 =	vld [tilespmem:$0x2C90];
	_ =	sdelay $0x4  }
0x5bb: {  	v51 =	vshll.u32 v3, $0x3  }
0x5bc: {  	v3 =	vand.u32 $0x7, v3;
	v4 =	vand.u32 $0xFFFFFFC0, v51  }
0x5bd: {  	v3 =	vor.u32 v3, v4  }
0x5be: {  	v4 =	vperm.xlane v3, v0;
	_ =	sdelay $0x1  }
0x5bf: {  	v4 =	vadd.s32 v1, v4;
	_ =	sdelay $0x3  }
0x5c0: {  	s16 =	simm.s32 $0xF000  }
0x5c1: {  	[tilespmem:s16], [sflag:$0x2] =	stream.indirect_vreg.gather [hbm4b:s2+s3], $0x80, v4, vm0, $0xb8;
	[tilespmem:$0x1B000] =	vst v63  }
0x5c2: {  	s17 =	simm.s32 $0xF800;
	v3 =	vperm.xlane v3, v2  }
0x5c3: {  	[tilespmem:s17], [sflag:$0x2] =	stream.indirect_vreg.gather [hbm4b:s8+s3], $0x80, v4, vm0, $0xb8;
	[tilespmem:$0x1B000] =	vst v63  }
0x5c4: {  	v3 =	vadd.s32 v1, v3  }
0x5c5: {  	[tilespmem:s19], [sflag:$0x2] =	stream.indirect_vreg.gather [hbm4b:s10+s3], $0x80, v4, vm0, $0xb8;
	[tilespmem:$0x1B000] =	vst v63  }
0x5c6: {  	_ = 	snop  }
0x5c7: {  	[tilespmem:s23], [sflag:$0x2] =	stream.indirect_vreg.gather [hbm4b:s11+s3], $0x80, v4, vm0, $0xb8;
	[tilespmem:$0x1B000] =	vst v63  }
0x5c8: {  	s29 =	simm.s32 $0x11000  }
0x5c9: {  	[tilespmem:s29], [sflag:$0x2] =	stream.indirect_vreg.gather [hbm4b:s2+s3], $0x80, v3, vm0, $0xb8;
	[tilespmem:$0x1B000] =	vst v63  }
0x5ca: {  	s30 =	simm.s32 $0x11800  }
0x5cb: {  	[tilespmem:s30], [sflag:$0x2] =	stream.indirect_vreg.gather [hbm4b:s8+s3], $0x80, v3, vm0, $0xb8;
	[tilespmem:$0x1B000] =	vst v63  }
0x5cc: {  	s31 =	simm.s32 $0x12000  }
0x5cd: {  	[tilespmem:s31], [sflag:$0x2] =	stream.indirect_vreg.gather [hbm4b:s10+s3], $0x80, v3, vm0, $0xb8;
	[tilespmem:$0x1B000] =	vst v63  }
0x5ce: {  	s18 =	simm.s32 $0x12800  }
0x5cf: {  	[tilespmem:s18], [sflag:$0x2] =	stream.indirect_vreg.gather [hbm4b:s11+s3], $0x80, v3, vm0, $0xb8;
	[tilespmem:$0x1B000] =	vst v63  }
0x5d0: {  	s22 =	simm.s32 $0x13000;
	s19 =	rddreg [dreg:$0x1e]  }
0x5d1: {  	[hbm4b:s19+s3] =	stream.linear.scatter [tilespmem:s22], [sflag:$0x6], $0x8000, $0x38;
	[tilespmem:$0x1B000] =	vst v63  }
0x5d2: {  	_ =	swait.ge [sflag:s6], $0x8000  }
0x5d3: {  	[sflag:s6] =	ssyncset.done $0x0  }
0x5d4: {  	[sflag:s6] =	ssyncadd.s32 $0xFFFF8000  }
0x5d5: {  	_ =	swait.ge [sflag:s1], $0x8000  }
0x5d6: {  	[sflag:s1] =	ssyncset.done $0x0  }
0x5d7: {  	[sflag:s1] =	ssyncadd.s32 $0xFFFF8000  }
0x5d8: {  	v3 =	vld [tilespmem:$0x2D00];
	_ =	sdelay $0x4  }
0x5d9: {  	v52 =	vshll.u32 v3, $0x3  }
0x5da: {  	v3 =	vand.u32 $0x7, v3;
	v4 =	vand.u32 $0xFFFFFFC0, v52  }
0x5db: {  	v3 =	vor.u32 v3, v4  }
0x5dc: {  	v4 =	vperm.xlane v3, v0;
	_ =	sdelay $0x1  }
0x5dd: {  	v4 =	vadd.s32 v1, v4;
	_ =	sdelay $0x4  }
0x5de: {  	[tilespmem:s22], [sflag:$0x3] =	stream.indirect_vreg.gather [hbm4b:s2+s3], $0x80, v4, vm0, $0xb8;
	[tilespmem:$0x1B000] =	vst v63  }
0x5df: {  	s23 =	simm.s32 $0x13800;
	v3 =	vperm.xlane v3, v2  }
0x5e0: {  	[tilespmem:s23], [sflag:$0x3] =	stream.indirect_vreg.gather [hbm4b:s8+s3], $0x80, v4, vm0, $0xb8;
	[tilespmem:$0x1B000] =	vst v63  }
0x5e1: {  	s24 =	simm.s32 $0x14000;
	v3 =	vadd.s32 v1, v3  }
0x5e2: {  	[tilespmem:s24], [sflag:$0x3] =	stream.indirect_vreg.gather [hbm4b:s10+s3], $0x80, v4, vm0, $0xb8;
	[tilespmem:$0x1B000] =	vst v63  }
0x5e3: {  	s25 =	simm.s32 $0x14800  }
0x5e4: {  	[tilespmem:s25], [sflag:$0x3] =	stream.indirect_vreg.gather [hbm4b:s11+s3], $0x80, v4, vm0, $0xb8;
	[tilespmem:$0x1B000] =	vst v63  }
0x5e5: {  	_ = 	snop  }
0x5e6: {  	[tilespmem:s13], [sflag:$0x3] =	stream.indirect_vreg.gather [hbm4b:s2+s3], $0x80, v3, vm0, $0xb8;
	[tilespmem:$0x1B000] =	vst v63  }
0x5e7: {  	s28 =	simm.s32 $0x15800  }
0x5e8: {  	[tilespmem:s28], [sflag:$0x3] =	stream.indirect_vreg.gather [hbm4b:s8+s3], $0x80, v3, vm0, $0xb8;
	[tilespmem:$0x1B000] =	vst v63  }
0x5e9: {  	_ = 	snop  }
0x5ea: {  	[tilespmem:s0], [sflag:$0x3] =	stream.indirect_vreg.gather [hbm4b:s10+s3], $0x80, v3, vm0, $0xb8;
	[tilespmem:$0x1B000] =	vst v63  }
0x5eb: {  	s29 =	simm.s32 $0x16800  }
0x5ec: {  	[tilespmem:s29], [sflag:$0x3] =	stream.indirect_vreg.gather [hbm4b:s11+s3], $0x80, v3, vm0, $0xb8;
	[tilespmem:$0x1B000] =	vst v63  }
0x5ed: {  	v3 =	vld [tilespmem:$0x2D10];
	_ =	sdelay $0x4  }
0x5ee: {  	v53 =	vshll.u32 v3, $0x3  }
0x5ef: {  	v3 =	vand.u32 $0x7, v3;
	v4 =	vand.u32 $0xFFFFFFC0, v53  }
0x5f0: {  	v3 =	vor.u32 v3, v4  }
0x5f1: {  	v4 =	vperm.xlane v3, v0;
	_ =	sdelay $0x1  }
0x5f2: {  	v4 =	vadd.s32 v1, v4;
	_ =	sdelay $0x3  }
0x5f3: {  	s30 =	simm.s32 $0x17000  }
0x5f4: {  	[tilespmem:s30], [sflag:$0x3] =	stream.indirect_vreg.gather [hbm4b:s2+s3], $0x80, v4, vm0, $0xb8;
	[tilespmem:$0x1B000] =	vst v63  }
0x5f5: {  	s7 =	simm.s32 $0x17800;
	v3 =	vperm.xlane v3, v2  }
0x5f6: {  	[tilespmem:s7], [sflag:$0x3] =	stream.indirect_vreg.gather [hbm4b:s8+s3], $0x80, v4, vm0, $0xb8;
	[tilespmem:$0x1B000] =	vst v63  }
0x5f7: {  	s13 =	simm.s32 $0x18000;
	v3 =	vadd.s32 v1, v3  }
0x5f8: {  	[tilespmem:s13], [sflag:$0x3] =	stream.indirect_vreg.gather [hbm4b:s10+s3], $0x80, v4, vm0, $0xb8;
	[tilespmem:$0x1B000] =	vst v63  }
0x5f9: {  	s0 =	simm.s32 $0x18800  }
0x5fa: {  	[tilespmem:s0], [sflag:$0x3] =	stream.indirect_vreg.gather [hbm4b:s11+s3], $0x80, v4, vm0, $0xb8;
	[tilespmem:$0x1B000] =	vst v63  }
0x5fb: {  	s18 =	simm.s32 $0x19000  }
0x5fc: {  	[tilespmem:s18], [sflag:$0x3] =	stream.indirect_vreg.gather [hbm4b:s2+s3], $0x80, v3, vm0, $0xb8;
	[tilespmem:$0x1B000] =	vst v63  }
0x5fd: {  	s18 =	simm.s32 $0x19800  }
0x5fe: {  	[tilespmem:s18], [sflag:$0x3] =	stream.indirect_vreg.gather [hbm4b:s8+s3], $0x80, v3, vm0, $0xb8;
	[tilespmem:$0x1B000] =	vst v63  }
0x5ff: {  	s19 =	simm.s32 $0x1A000  }
0x600: {  	[tilespmem:s19], [sflag:$0x3] =	stream.indirect_vreg.gather [hbm4b:s10+s3], $0x80, v3, vm0, $0xb8;
	[tilespmem:$0x1B000] =	vst v63  }
0x601: {  	_ = 	snop  }
0x602: {  	[tilespmem:s20], [sflag:$0x3] =	stream.indirect_vreg.gather [hbm4b:s11+s3], $0x80, v3, vm0, $0xb8;
	[tilespmem:$0x1B000] =	vst v63  }
0x603: {  	s29 =	simm.s32 $0x3000;
	s20 =	rddreg [dreg:$0x1f]  }
0x604: {  	[hbm4b:s20+s3] =	stream.linear.scatter [tilespmem:s29], [sflag:$0x4], $0x8000, $0x38;
	[tilespmem:$0x1B000] =	vst v63  }
0x605: {  	_ =	swait.ge [sflag:s12], $0x8000  }
0x606: {  	[sflag:s12] =	ssyncset.done $0x0  }
0x607: {  	[sflag:s12] =	ssyncadd.s32 $0xFFFF8000  }
0x608: {  	_ =	swait.ge [sflag:s14], $0x8000  }
0x609: {  	[sflag:s14] =	ssyncset.done $0x0  }
0x60a: {  	[sflag:s14] =	ssyncadd.s32 $0xFFFF8000  }
0x60b: {  	v3 =	vld [tilespmem:$0x2D80];
	_ =	sdelay $0x4  }
0x60c: {  	v54 =	vshll.u32 v3, $0x3  }
0x60d: {  	v3 =	vand.u32 $0x7, v3;
	v4 =	vand.u32 $0xFFFFFFC0, v54  }
0x60e: {  	v3 =	vor.u32 v3, v4  }
0x60f: {  	v4 =	vperm.xlane v3, v0;
	_ =	sdelay $0x1  }
0x610: {  	v4 =	vadd.s32 v1, v4;
	_ =	sdelay $0x4  }
0x611: {  	[tilespmem:s29], [sflag:$0x1] =	stream.indirect_vreg.gather [hbm4b:s2+s3], $0x80, v4, vm0, $0xb8;
	[tilespmem:$0x1B000] =	vst v63  }
0x612: {  	s13 =	simm.s32 $0x3800;
	v3 =	vperm.xlane v3, v2  }
0x613: {  	[tilespmem:s13], [sflag:$0x1] =	stream.indirect_vreg.gather [hbm4b:s8+s3], $0x80, v4, vm0, $0xb8;
	[tilespmem:$0x1B000] =	vst v63  }
0x614: {  	s30 =	simm.s32 $0x4000;
	v3 =	vadd.s32 v1, v3  }
0x615: {  	[tilespmem:s30], [sflag:$0x1] =	stream.indirect_vreg.gather [hbm4b:s10+s3], $0x80, v4, vm0, $0xb8;
	[tilespmem:$0x1B000] =	vst v63  }
0x616: {  	s20 =	simm.s32 $0x4800  }
0x617: {  	[tilespmem:s20], [sflag:$0x1] =	stream.indirect_vreg.gather [hbm4b:s11+s3], $0x80, v4, vm0, $0xb8;
	[tilespmem:$0x1B000] =	vst v63  }
0x618: {  	s29 =	simm.s32 $0x5000  }
0x619: {  	[tilespmem:s29], [sflag:$0x1] =	stream.indirect_vreg.gather [hbm4b:s2+s3], $0x80, v3, vm0, $0xb8;
	[tilespmem:$0x1B000] =	vst v63  }
0x61a: {  	s30 =	simm.s32 $0x5800  }
0x61b: {  	[tilespmem:s30], [sflag:$0x1] =	stream.indirect_vreg.gather [hbm4b:s8+s3], $0x80, v3, vm0, $0xb8;
	[tilespmem:$0x1B000] =	vst v63  }
0x61c: {  	s20 =	simm.s32 $0x6000  }
0x61d: {  	[tilespmem:s20], [sflag:$0x1] =	stream.indirect_vreg.gather [hbm4b:s10+s3], $0x80, v3, vm0, $0xb8;
	[tilespmem:$0x1B000] =	vst v63  }
0x61e: {  	s29 =	simm.s32 $0x6800  }
0x61f: {  	[tilespmem:s29], [sflag:$0x1] =	stream.indirect_vreg.gather [hbm4b:s11+s3], $0x80, v3, vm0, $0xb8;
	[tilespmem:$0x1B000] =	vst v63  }
0x620: {  	v3 =	vld [tilespmem:$0x2D90];
	_ =	sdelay $0x4  }
0x621: {  	v55 =	vshll.u32 v3, $0x3  }
0x622: {  	v3 =	vand.u32 $0x7, v3;
	v4 =	vand.u32 $0xFFFFFFC0, v55  }
0x623: {  	v3 =	vor.u32 v3, v4  }
0x624: {  	v4 =	vperm.xlane v3, v0;
	_ =	sdelay $0x1  }
0x625: {  	v4 =	vadd.s32 v1, v4;
	_ =	sdelay $0x3  }
0x626: {  	s30 =	simm.s32 $0x7000  }
0x627: {  	[tilespmem:s30], [sflag:$0x1] =	stream.indirect_vreg.gather [hbm4b:s2+s3], $0x80, v4, vm0, $0xb8;
	[tilespmem:$0x1B000] =	vst v63  }
0x628: {  	s20 =	simm.s32 $0x7800;
	v3 =	vperm.xlane v3, v2  }
0x629: {  	[tilespmem:s20], [sflag:$0x1] =	stream.indirect_vreg.gather [hbm4b:s8+s3], $0x80, v4, vm0, $0xb8;
	[tilespmem:$0x1B000] =	vst v63  }
0x62a: {  	v3 =	vadd.s32 v1, v3;
	s20 =	simm.s32 $0x8000  }
0x62b: {  	[tilespmem:s20], [sflag:$0x1] =	stream.indirect_vreg.gather [hbm4b:s10+s3], $0x80, v4, vm0, $0xb8;
	[tilespmem:$0x1B000] =	vst v63  }
0x62c: {  	s20 =	simm.s32 $0x8800  }
0x62d: {  	[tilespmem:s20], [sflag:$0x1] =	stream.indirect_vreg.gather [hbm4b:s11+s3], $0x80, v4, vm0, $0xb8;
	[tilespmem:$0x1B000] =	vst v63  }
0x62e: {  	s20 =	simm.s32 $0x9000  }
0x62f: {  	[tilespmem:s20], [sflag:$0x1] =	stream.indirect_vreg.gather [hbm4b:s2+s3], $0x80, v3, vm0, $0xb8;
	[tilespmem:$0x1B000] =	vst v63  }
0x630: {  	s20 =	simm.s32 $0x9800  }
0x631: {  	[tilespmem:s20], [sflag:$0x1] =	stream.indirect_vreg.gather [hbm4b:s8+s3], $0x80, v3, vm0, $0xb8;
	[tilespmem:$0x1B000] =	vst v63  }
0x632: {  	s26 =	simm.s32 $0xA000  }
0x633: {  	[tilespmem:s26], [sflag:$0x1] =	stream.indirect_vreg.gather [hbm4b:s10+s3], $0x80, v3, vm0, $0xb8;
	[tilespmem:$0x1B000] =	vst v63  }
0x634: {  	s26 =	simm.s32 $0xA800  }
0x635: {  	[tilespmem:s26], [sflag:$0x1] =	stream.indirect_vreg.gather [hbm4b:s11+s3], $0x80, v3, vm0, $0xb8;
	[tilespmem:$0x1B000] =	vst v63  }
0x636: {  	s26 =	sld [smem:$0x7F7];
	_ =	sdelay $0x1  }
0x637: {  	s21 =	simm.s32 $0xB000  }
0x638: {  	[hbm4b:s26+s3] =	stream.linear.scatter [tilespmem:s21], [sflag:$0x5], $0x8000, $0x38;
	[tilespmem:$0x1B000] =	vst v63  }
0x639: {  	_ =	swait.ge [sflag:s15], $0x8000  }
0x63a: {  	[sflag:s15] =	ssyncset.done $0x0  }
0x63b: {  	[sflag:s15] =	ssyncadd.s32 $0xFFFF8000  }
0x63c: {  	_ =	swait.ge [sflag:s4], $0x8000  }
0x63d: {  	[sflag:s4] =	ssyncset.done $0x0  }
0x63e: {  	[sflag:s4] =	ssyncadd.s32 $0xFFFF8000  }
0x63f: {  	v3 =	vld [tilespmem:$0x2E00];
	_ =	sdelay $0x4  }
0x640: {  	v56 =	vshll.u32 v3, $0x3  }
0x641: {  	v3 =	vand.u32 $0x7, v3;
	v4 =	vand.u32 $0xFFFFFFC0, v56  }
0x642: {  	v3 =	vor.u32 v3, v4  }
0x643: {  	v4 =	vperm.xlane v3, v0;
	_ =	sdelay $0x1  }
0x644: {  	v4 =	vadd.s32 v1, v4;
	_ =	sdelay $0x4  }
0x645: {  	[tilespmem:s21], [sflag:$0x2] =	stream.indirect_vreg.gather [hbm4b:s2+s3], $0x80, v4, vm0, $0xb8;
	[tilespmem:$0x1B000] =	vst v63  }
0x646: {  	v3 =	vperm.xlane v3, v2  }
0x647: {  	[tilespmem:s9], [sflag:$0x2] =	stream.indirect_vreg.gather [hbm4b:s8+s3], $0x80, v4, vm0, $0xb8;
	[tilespmem:$0x1B000] =	vst v63  }
0x648: {  	s26 =	simm.s32 $0xC000;
	v3 =	vadd.s32 v1, v3  }
0x649: {  	[tilespmem:s26], [sflag:$0x2] =	stream.indirect_vreg.gather [hbm4b:s10+s3], $0x80, v4, vm0, $0xb8;
	[tilespmem:$0x1B000] =	vst v63  }
0x64a: {  	s7 =	simm.s32 $0xC800  }
0x64b: {  	[tilespmem:s7], [sflag:$0x2] =	stream.indirect_vreg.gather [hbm4b:s11+s3], $0x80, v4, vm0, $0xb8;
	[tilespmem:$0x1B000] =	vst v63  }
0x64c: {  	s7 =	simm.s32 $0xD000  }
0x64d: {  	[tilespmem:s7], [sflag:$0x2] =	stream.indirect_vreg.gather [hbm4b:s2+s3], $0x80, v3, vm0, $0xb8;
	[tilespmem:$0x1B000] =	vst v63  }
0x64e: {  	s7 =	simm.s32 $0xD800  }
0x64f: {  	[tilespmem:s7], [sflag:$0x2] =	stream.indirect_vreg.gather [hbm4b:s8+s3], $0x80, v3, vm0, $0xb8;
	[tilespmem:$0x1B000] =	vst v63  }
0x650: {  	s7 =	simm.s32 $0xE000  }
0x651: {  	[tilespmem:s7], [sflag:$0x2] =	stream.indirect_vreg.gather [hbm4b:s10+s3], $0x80, v3, vm0, $0xb8;
	[tilespmem:$0x1B000] =	vst v63  }
0x652: {  	s7 =	simm.s32 $0xE800  }
0x653: {  	[tilespmem:s7], [sflag:$0x2] =	stream.indirect_vreg.gather [hbm4b:s11+s3], $0x80, v3, vm0, $0xb8;
	[tilespmem:$0x1B000] =	vst v63  }
0x654: {  	v3 =	vld [tilespmem:$0x2E10];
	_ =	sdelay $0x4  }
0x655: {  	v57 =	vshll.u32 v3, $0x3  }
0x656: {  	v3 =	vand.u32 $0x7, v3;
	v4 =	vand.u32 $0xFFFFFFC0, v57  }
0x657: {  	v3 =	vor.u32 v3, v4  }
0x658: {  	v4 =	vperm.xlane v3, v0;
	_ =	sdelay $0x1  }
0x659: {  	v4 =	vadd.s32 v1, v4;
	_ =	sdelay $0x4  }
0x65a: {  	[tilespmem:s16], [sflag:$0x2] =	stream.indirect_vreg.gather [hbm4b:s2+s3], $0x80, v4, vm0, $0xb8;
	[tilespmem:$0x1B000] =	vst v63  }
0x65b: {  	v3 =	vperm.xlane v3, v2  }
0x65c: {  	[tilespmem:s17], [sflag:$0x2] =	stream.indirect_vreg.gather [hbm4b:s8+s3], $0x80, v4, vm0, $0xb8;
	[tilespmem:$0x1B000] =	vst v63  }
0x65d: {  	s7 =	simm.s32 $0x10000;
	v3 =	vadd.s32 v1, v3  }
0x65e: {  	[tilespmem:s7], [sflag:$0x2] =	stream.indirect_vreg.gather [hbm4b:s10+s3], $0x80, v4, vm0, $0xb8;
	[tilespmem:$0x1B000] =	vst v63  }
0x65f: {  	s7 =	simm.s32 $0x10800  }
0x660: {  	[tilespmem:s7], [sflag:$0x2] =	stream.indirect_vreg.gather [hbm4b:s11+s3], $0x80, v4, vm0, $0xb8;
	[tilespmem:$0x1B000] =	vst v63  }
0x661: {  	s7 =	simm.s32 $0x11000  }
0x662: {  	[tilespmem:s7], [sflag:$0x2] =	stream.indirect_vreg.gather [hbm4b:s2+s3], $0x80, v3, vm0, $0xb8;
	[tilespmem:$0x1B000] =	vst v63  }
0x663: {  	s7 =	simm.s32 $0x11800  }
0x664: {  	[tilespmem:s7], [sflag:$0x2] =	stream.indirect_vreg.gather [hbm4b:s8+s3], $0x80, v3, vm0, $0xb8;
	[tilespmem:$0x1B000] =	vst v63  }
0x665: {  	s7 =	simm.s32 $0x12000  }
0x666: {  	[tilespmem:s7], [sflag:$0x2] =	stream.indirect_vreg.gather [hbm4b:s10+s3], $0x80, v3, vm0, $0xb8;
	[tilespmem:$0x1B000] =	vst v63  }
0x667: {  	s7 =	simm.s32 $0x12800  }
0x668: {  	[tilespmem:s7], [sflag:$0x2] =	stream.indirect_vreg.gather [hbm4b:s11+s3], $0x80, v3, vm0, $0xb8;
	[tilespmem:$0x1B000] =	vst v63  }
0x669: {  	s7 =	sld [smem:$0x7F8];
	_ =	sdelay $0x1  }
0x66a: {  	s22 =	simm.s32 $0x13000  }
0x66b: {  	[hbm4b:s7+s3] =	stream.linear.scatter [tilespmem:s22], [sflag:$0x6], $0x8000, $0x38;
	[tilespmem:$0x1B000] =	vst v63  }
0x66c: {  	_ =	swait.ge [sflag:s6], $0x8000  }
0x66d: {  	[sflag:s6] =	ssyncset.done $0x0  }
0x66e: {  	[sflag:s6] =	ssyncadd.s32 $0xFFFF8000  }
0x66f: {  	_ =	swait.ge [sflag:s1], $0x8000  }
0x670: {  	[sflag:s1] =	ssyncset.done $0x0  }
0x671: {  	[sflag:s1] =	ssyncadd.s32 $0xFFFF8000  }
0x672: {  	v3 =	vld [tilespmem:$0x2E80];
	_ =	sdelay $0x4  }
0x673: {  	v58 =	vshll.u32 v3, $0x3  }
0x674: {  	v3 =	vand.u32 $0x7, v3;
	v4 =	vand.u32 $0xFFFFFFC0, v58  }
0x675: {  	v3 =	vor.u32 v3, v4  }
0x676: {  	v4 =	vperm.xlane v3, v0;
	_ =	sdelay $0x1  }
0x677: {  	v4 =	vadd.s32 v1, v4;
	_ =	sdelay $0x4  }
0x678: {  	[tilespmem:s22], [sflag:$0x3] =	stream.indirect_vreg.gather [hbm4b:s2+s3], $0x80, v4, vm0, $0xb8;
	[tilespmem:$0x1B000] =	vst v63  }
0x679: {  	s31 =	simm.s32 $0x13800;
	v3 =	vperm.xlane v3, v2  }
0x67a: {  	[tilespmem:s31], [sflag:$0x3] =	stream.indirect_vreg.gather [hbm4b:s8+s3], $0x80, v4, vm0, $0xb8;
	[tilespmem:$0x1B000] =	vst v63  }
0x67b: {  	v3 =	vadd.s32 v1, v3;
	s31 =	simm.s32 $0x14000  }
0x67c: {  	[tilespmem:s31], [sflag:$0x3] =	stream.indirect_vreg.gather [hbm4b:s10+s3], $0x80, v4, vm0, $0xb8;
	[tilespmem:$0x1B000] =	vst v63  }
0x67d: {  	s31 =	simm.s32 $0x14800  }
0x67e: {  	[tilespmem:s31], [sflag:$0x3] =	stream.indirect_vreg.gather [hbm4b:s11+s3], $0x80, v4, vm0, $0xb8;
	[tilespmem:$0x1B000] =	vst v63  }
0x67f: {  	s23 =	simm.s32 $0x15000  }
0x680: {  	[tilespmem:s23], [sflag:$0x3] =	stream.indirect_vreg.gather [hbm4b:s2+s3], $0x80, v3, vm0, $0xb8;
	[tilespmem:$0x1B000] =	vst v63  }
0x681: {  	s31 =	simm.s32 $0x15800  }
0x682: {  	[tilespmem:s31], [sflag:$0x3] =	stream.indirect_vreg.gather [hbm4b:s8+s3], $0x80, v3, vm0, $0xb8;
	[tilespmem:$0x1B000] =	vst v63  }
0x683: {  	s24 =	simm.s32 $0x16000  }
0x684: {  	[tilespmem:s24], [sflag:$0x3] =	stream.indirect_vreg.gather [hbm4b:s10+s3], $0x80, v3, vm0, $0xb8;
	[tilespmem:$0x1B000] =	vst v63  }
0x685: {  	s23 =	simm.s32 $0x16800  }
0x686: {  	[tilespmem:s23], [sflag:$0x3] =	stream.indirect_vreg.gather [hbm4b:s11+s3], $0x80, v3, vm0, $0xb8;
	[tilespmem:$0x1B000] =	vst v63  }
0x687: {  	v3 =	vld [tilespmem:$0x2E90];
	_ =	sdelay $0x4  }
0x688: {  	v59 =	vshll.u32 v3, $0x3  }
0x689: {  	v3 =	vand.u32 $0x7, v3;
	v4 =	vand.u32 $0xFFFFFFC0, v59  }
0x68a: {  	v3 =	vor.u32 v3, v4  }
0x68b: {  	v4 =	vperm.xlane v3, v0;
	_ =	sdelay $0x1  }
0x68c: {  	v4 =	vadd.s32 v1, v4;
	_ =	sdelay $0x3  }
0x68d: {  	s24 =	simm.s32 $0x17000  }
0x68e: {  	[tilespmem:s24], [sflag:$0x3] =	stream.indirect_vreg.gather [hbm4b:s2+s3], $0x80, v4, vm0, $0xb8;
	[tilespmem:$0x1B000] =	vst v63  }
0x68f: {  	s31 =	simm.s32 $0x17800;
	v3 =	vperm.xlane v3, v2  }
0x690: {  	[tilespmem:s31], [sflag:$0x3] =	stream.indirect_vreg.gather [hbm4b:s8+s3], $0x80, v4, vm0, $0xb8;
	[tilespmem:$0x1B000] =	vst v63  }
0x691: {  	s25 =	simm.s32 $0x18000;
	v3 =	vadd.s32 v1, v3  }
0x692: {  	[tilespmem:s25], [sflag:$0x3] =	stream.indirect_vreg.gather [hbm4b:s10+s3], $0x80, v4, vm0, $0xb8;
	[tilespmem:$0x1B000] =	vst v63  }
0x693: {  	_ = 	snop  }
0x694: {  	[tilespmem:s0], [sflag:$0x3] =	stream.indirect_vreg.gather [hbm4b:s11+s3], $0x80, v4, vm0, $0xb8;
	[tilespmem:$0x1B000] =	vst v63  }
0x695: {  	s7 =	simm.s32 $0x19000  }
0x696: {  	[tilespmem:s7], [sflag:$0x3] =	stream.indirect_vreg.gather [hbm4b:s2+s3], $0x80, v3, vm0, $0xb8;
	[tilespmem:$0x1B000] =	vst v63  }
0x697: {  	_ = 	snop  }
0x698: {  	[tilespmem:s18], [sflag:$0x3] =	stream.indirect_vreg.gather [hbm4b:s8+s3], $0x80, v3, vm0, $0xb8;
	[tilespmem:$0x1B000] =	vst v63  }
0x699: {  	s28 =	simm.s32 $0x1A000  }
0x69a: {  	[tilespmem:s28], [sflag:$0x3] =	stream.indirect_vreg.gather [hbm4b:s10+s3], $0x80, v3, vm0, $0xb8;
	[tilespmem:$0x1B000] =	vst v63  }
0x69b: {  	s23 =	simm.s32 $0x1A800;
	s24 =	sld [smem:$0x7F9]  }
0x69c: {  	[tilespmem:s23], [sflag:$0x3] =	stream.indirect_vreg.gather [hbm4b:s11+s3], $0x80, v3, vm0, $0xb8;
	[tilespmem:$0x1B000] =	vst v63  }
0x69d: {  	s19 =	simm.s32 $0x3000  }
0x69e: {  	[hbm4b:s24+s3] =	stream.linear.scatter [tilespmem:s19], [sflag:$0x4], $0x8000, $0x38;
	[tilespmem:$0x1B000] =	vst v63  }
0x69f: {  	_ =	swait.ge [sflag:s12], $0x8000  }
0x6a0: {  	[sflag:s12] =	ssyncset.done $0x0  }
0x6a1: {  	[sflag:s12] =	ssyncadd.s32 $0xFFFF8000  }
0x6a2: {  	_ =	swait.ge [sflag:s14], $0x8000  }
0x6a3: {  	[sflag:s14] =	ssyncset.done $0x0  }
0x6a4: {  	[sflag:s14] =	ssyncadd.s32 $0xFFFF8000  }
0x6a5: {  	v3 =	vld [tilespmem:$0x2F00];
	_ =	sdelay $0x4  }
0x6a6: {  	v60 =	vshll.u32 v3, $0x3  }
0x6a7: {  	v3 =	vand.u32 $0x7, v3;
	v4 =	vand.u32 $0xFFFFFFC0, v60  }
0x6a8: {  	v3 =	vor.u32 v3, v4  }
0x6a9: {  	v4 =	vperm.xlane v3, v0;
	_ =	sdelay $0x1  }
0x6aa: {  	v4 =	vadd.s32 v1, v4;
	_ =	sdelay $0x4  }
0x6ab: {  	[tilespmem:s19], [sflag:$0x1] =	stream.indirect_vreg.gather [hbm4b:s2+s3], $0x80, v4, vm0, $0xb8;
	[tilespmem:$0x1B000] =	vst v63  }
0x6ac: {  	v3 =	vperm.xlane v3, v2  }
0x6ad: {  	[tilespmem:s13], [sflag:$0x1] =	stream.indirect_vreg.gather [hbm4b:s8+s3], $0x80, v4, vm0, $0xb8;
	[tilespmem:$0x1B000] =	vst v63  }
0x6ae: {  	s25 =	simm.s32 $0x4000;
	v3 =	vadd.s32 v1, v3  }
0x6af: {  	[tilespmem:s25], [sflag:$0x1] =	stream.indirect_vreg.gather [hbm4b:s10+s3], $0x80, v4, vm0, $0xb8;
	[tilespmem:$0x1B000] =	vst v63  }
0x6b0: {  	s28 =	simm.s32 $0x4800  }
0x6b1: {  	[tilespmem:s28], [sflag:$0x1] =	stream.indirect_vreg.gather [hbm4b:s11+s3], $0x80, v4, vm0, $0xb8;
	[tilespmem:$0x1B000] =	vst v63  }
0x6b2: {  	s31 =	simm.s32 $0x5000  }
0x6b3: {  	[tilespmem:s31], [sflag:$0x1] =	stream.indirect_vreg.gather [hbm4b:s2+s3], $0x80, v3, vm0, $0xb8;
	[tilespmem:$0x1B000] =	vst v63  }
0x6b4: {  	s7 =	simm.s32 $0x5800  }
0x6b5: {  	[tilespmem:s7], [sflag:$0x1] =	stream.indirect_vreg.gather [hbm4b:s8+s3], $0x80, v3, vm0, $0xb8;
	[tilespmem:$0x1B000] =	vst v63  }
0x6b6: {  	s13 =	simm.s32 $0x6000  }
0x6b7: {  	[tilespmem:s13], [sflag:$0x1] =	stream.indirect_vreg.gather [hbm4b:s10+s3], $0x80, v3, vm0, $0xb8;
	[tilespmem:$0x1B000] =	vst v63  }
0x6b8: {  	s29 =	simm.s32 $0x6800  }
0x6b9: {  	[tilespmem:s29], [sflag:$0x1] =	stream.indirect_vreg.gather [hbm4b:s11+s3], $0x80, v3, vm0, $0xb8;
	[tilespmem:$0x1B000] =	vst v63  }
0x6ba: {  	v3 =	vld [tilespmem:$0x2F10];
	_ =	sdelay $0x4  }
0x6bb: {  	v61 =	vshll.u32 v3, $0x3  }
0x6bc: {  	v3 =	vand.u32 $0x7, v3;
	v4 =	vand.u32 $0xFFFFFFC0, v61  }
0x6bd: {  	v3 =	vor.u32 v3, v4  }
0x6be: {  	v4 =	vperm.xlane v3, v0;
	_ =	sdelay $0x1  }
0x6bf: {  	v4 =	vadd.s32 v1, v4;
	_ =	sdelay $0x3  }
0x6c0: {  	s30 =	simm.s32 $0x7000  }
0x6c1: {  	[tilespmem:s30], [sflag:$0x1] =	stream.indirect_vreg.gather [hbm4b:s2+s3], $0x80, v4, vm0, $0xb8;
	[tilespmem:$0x1B000] =	vst v63  }
0x6c2: {  	s18 =	simm.s32 $0x7800;
	v3 =	vperm.xlane v3, v2  }
0x6c3: {  	[tilespmem:s18], [sflag:$0x1] =	stream.indirect_vreg.gather [hbm4b:s8+s3], $0x80, v4, vm0, $0xb8;
	[tilespmem:$0x1B000] =	vst v63  }
0x6c4: {  	s23 =	simm.s32 $0x8000;
	v3 =	vadd.s32 v1, v3  }
0x6c5: {  	[tilespmem:s23], [sflag:$0x1] =	stream.indirect_vreg.gather [hbm4b:s10+s3], $0x80, v4, vm0, $0xb8;
	[tilespmem:$0x1B000] =	vst v63  }
0x6c6: {  	s24 =	simm.s32 $0x8800  }
0x6c7: {  	[tilespmem:s24], [sflag:$0x1] =	stream.indirect_vreg.gather [hbm4b:s11+s3], $0x80, v4, vm0, $0xb8;
	[tilespmem:$0x1B000] =	vst v63  }
0x6c8: {  	s25 =	simm.s32 $0x9000  }
0x6c9: {  	[tilespmem:s25], [sflag:$0x1] =	stream.indirect_vreg.gather [hbm4b:s2+s3], $0x80, v3, vm0, $0xb8;
	[tilespmem:$0x1B000] =	vst v63  }
0x6ca: {  	s28 =	simm.s32 $0x9800  }
0x6cb: {  	[tilespmem:s28], [sflag:$0x1] =	stream.indirect_vreg.gather [hbm4b:s8+s3], $0x80, v3, vm0, $0xb8;
	[tilespmem:$0x1B000] =	vst v63  }
0x6cc: {  	s20 =	simm.s32 $0xA000  }
0x6cd: {  	[tilespmem:s20], [sflag:$0x1] =	stream.indirect_vreg.gather [hbm4b:s10+s3], $0x80, v3, vm0, $0xb8;
	[tilespmem:$0x1B000] =	vst v63  }
0x6ce: {  	s29 =	simm.s32 $0xA800;
	s30 =	sld [smem:$0x7FA]  }
0x6cf: {  	[tilespmem:s29], [sflag:$0x1] =	stream.indirect_vreg.gather [hbm4b:s11+s3], $0x80, v3, vm0, $0xb8;
	[tilespmem:$0x1B000] =	vst v63  }
0x6d0: {  	_ = 	snop  }
0x6d1: {  	[hbm4b:s30+s3] =	stream.linear.scatter [tilespmem:s21], [sflag:$0x5], $0x8000, $0x38;
	[tilespmem:$0x1B000] =	vst v63  }
0x6d2: {  	_ =	swait.ge [sflag:s15], $0x8000  }
0x6d3: {  	[sflag:s15] =	ssyncset.done $0x0  }
0x6d4: {  	[sflag:s15] =	ssyncadd.s32 $0xFFFF8000  }
0x6d5: {  	_ =	swait.ge [sflag:s4], $0x8000  }
0x6d6: {  	[sflag:s4] =	ssyncset.done $0x0  }
0x6d7: {  	[sflag:s4] =	ssyncadd.s32 $0xFFFF8000  }
0x6d8: {  	v3 =	vld [tilespmem:$0x2F80];
	_ =	sdelay $0x4  }
0x6d9: {  	v62 =	vshll.u32 v3, $0x3  }
0x6da: {  	v3 =	vand.u32 $0x7, v3;
	v4 =	vand.u32 $0xFFFFFFC0, v62  }
0x6db: {  	v3 =	vor.u32 v3, v4  }
0x6dc: {  	v4 =	vperm.xlane v3, v0;
	_ =	sdelay $0x1  }
0x6dd: {  	v4 =	vadd.s32 v1, v4;
	_ =	sdelay $0x4  }
0x6de: {  	[tilespmem:s21], [sflag:$0x2] =	stream.indirect_vreg.gather [hbm4b:s2+s3], $0x80, v4, vm0, $0xb8;
	[tilespmem:$0x1B000] =	vst v63  }
0x6df: {  	s9 =	simm.s32 $0xB800;
	v3 =	vperm.xlane v3, v2  }
0x6e0: {  	[tilespmem:s9], [sflag:$0x2] =	stream.indirect_vreg.gather [hbm4b:s8+s3], $0x80, v4, vm0, $0xb8;
	[tilespmem:$0x1B000] =	vst v63  }
0x6e1: {  	s26 =	simm.s32 $0xC000;
	v3 =	vadd.s32 v1, v3  }
0x6e2: {  	[tilespmem:s26], [sflag:$0x2] =	stream.indirect_vreg.gather [hbm4b:s10+s3], $0x80, v4, vm0, $0xb8;
	[tilespmem:$0x1B000] =	vst v63  }
0x6e3: {  	s31 =	simm.s32 $0xC800  }
0x6e4: {  	[tilespmem:s31], [sflag:$0x2] =	stream.indirect_vreg.gather [hbm4b:s11+s3], $0x80, v4, vm0, $0xb8;
	[tilespmem:$0x1B000] =	vst v63  }
0x6e5: {  	s7 =	simm.s32 $0xD000  }
0x6e6: {  	[tilespmem:s7], [sflag:$0x2] =	stream.indirect_vreg.gather [hbm4b:s2+s3], $0x80, v3, vm0, $0xb8;
	[tilespmem:$0x1B000] =	vst v63  }
0x6e7: {  	s9 =	simm.s32 $0xD800  }
0x6e8: {  	[tilespmem:s9], [sflag:$0x2] =	stream.indirect_vreg.gather [hbm4b:s8+s3], $0x80, v3, vm0, $0xb8;
	[tilespmem:$0x1B000] =	vst v63  }
0x6e9: {  	s13 =	simm.s32 $0xE000  }
0x6ea: {  	[tilespmem:s13], [sflag:$0x2] =	stream.indirect_vreg.gather [hbm4b:s10+s3], $0x80, v3, vm0, $0xb8;
	[tilespmem:$0x1B000] =	vst v63  }
0x6eb: {  	s15 =	simm.s32 $0xE800  }
0x6ec: {  	[tilespmem:s15], [sflag:$0x2] =	stream.indirect_vreg.gather [hbm4b:s11+s3], $0x80, v3, vm0, $0xb8;
	[tilespmem:$0x1B000] =	vst v63  }
0x6ed: {  	v3 =	vld [tilespmem:$0x2F90];
	_ =	sdelay $0x4  }
0x6ee: {  	v63 =	vshll.u32 v3, $0x3  }
0x6ef: {  	v3 =	vand.u32 $0x7, v3;
	v4 =	vand.u32 $0xFFFFFFC0, v63  }
0x6f0: {  	v3 =	vor.u32 v3, v4  }
0x6f1: {  	v4 =	vperm.xlane v3, v0;
	_ =	sdelay $0x1  }
0x6f2: {  	v4 =	vadd.s32 v1, v4;
	_ =	sdelay $0x3  }
0x6f3: {  	s16 =	simm.s32 $0xF000  }
0x6f4: {  	[tilespmem:s16], [sflag:$0x2] =	stream.indirect_vreg.gather [hbm4b:s2+s3], $0x80, v4, vm0, $0xb8;
	[tilespmem:$0x1B000] =	vst v63  }
0x6f5: {  	s17 =	simm.s32 $0xF800;
	v3 =	vperm.xlane v3, v2  }
0x6f6: {  	[tilespmem:s17], [sflag:$0x2] =	stream.indirect_vreg.gather [hbm4b:s8+s3], $0x80, v4, vm0, $0xb8;
	[tilespmem:$0x1B000] =	vst v63  }
0x6f7: {  	v3 =	vadd.s32 v1, v3;
	s17 =	simm.s32 $0x10000  }
0x6f8: {  	[tilespmem:s17], [sflag:$0x2] =	stream.indirect_vreg.gather [hbm4b:s10+s3], $0x80, v4, vm0, $0xb8;
	[tilespmem:$0x1B000] =	vst v63  }
0x6f9: {  	s18 =	simm.s32 $0x10800  }
0x6fa: {  	[tilespmem:s18], [sflag:$0x2] =	stream.indirect_vreg.gather [hbm4b:s11+s3], $0x80, v4, vm0, $0xb8;
	[tilespmem:$0x1B000] =	vst v63  }
0x6fb: {  	s20 =	simm.s32 $0x11000  }
0x6fc: {  	[tilespmem:s20], [sflag:$0x2] =	stream.indirect_vreg.gather [hbm4b:s2+s3], $0x80, v3, vm0, $0xb8;
	[tilespmem:$0x1B000] =	vst v63  }
0x6fd: {  	s23 =	simm.s32 $0x11800  }
0x6fe: {  	[tilespmem:s23], [sflag:$0x2] =	stream.indirect_vreg.gather [hbm4b:s8+s3], $0x80, v3, vm0, $0xb8;
	[tilespmem:$0x1B000] =	vst v63  }
0x6ff: {  	s24 =	simm.s32 $0x12000  }
0x700: {  	[tilespmem:s24], [sflag:$0x2] =	stream.indirect_vreg.gather [hbm4b:s10+s3], $0x80, v3, vm0, $0xb8;
	[tilespmem:$0x1B000] =	vst v63  }
0x701: {  	s25 =	simm.s32 $0x12800;
	s26 =	sld [smem:$0x7FB]  }
0x702: {  	[tilespmem:s25], [sflag:$0x2] =	stream.indirect_vreg.gather [hbm4b:s11+s3], $0x80, v3, vm0, $0xb8;
	[tilespmem:$0x1B000] =	vst v63  }
0x703: {  	_ = 	snop  }
0x704: {  	[hbm4b:s26+s3] =	stream.linear.scatter [tilespmem:s22], [sflag:$0x6], $0x8000, $0x38;
	[tilespmem:$0x1B000] =	vst v63  }
0x705: {  	_ =	swait.ge [sflag:s6], $0x8000  }
0x706: {  	s28 =	sld [smem:$0x7FC]  }
0x707: {  	[sflag:s6] =	ssyncset.done $0x0  }
0x708: {  	[sflag:s6] =	ssyncadd.s32 $0xFFFF8000  }
0x709: {  	[hbm4b:s28+s3] =	stream.linear.scatter [tilespmem:s19], [sflag:$0x4], $0x8000, $0x38;
	[tilespmem:$0x1B000] =	vst v63  }
0x70a: {  	_ =	swait.ge [sflag:s12], $0x8000  }
0x70b: {  	s29 =	sld [smem:$0x7FD]  }
0x70c: {  	[sflag:s12] =	ssyncset.done $0x0  }
0x70d: {  	[sflag:s12] =	ssyncadd.s32 $0xFFFF8000  }
0x70e: {  	[hbm4b:s29+s3] =	stream.linear.scatter [tilespmem:s21], [sflag:$0x5], $0x8000, $0x38;
	[tilespmem:$0x1B000] =	vst v63  }
0x70f: {  	_ =	swait.ge [sflag:s1], $0x8000  }
0x710: {  	[sflag:s1] =	ssyncset.done $0x0  }
0x711: {  	[sflag:s1] =	ssyncadd.s32 $0xFFFF8000  }
0x712: {  	_ =	swait.ge [sflag:s14], $0x8000  }
0x713: {  	[sflag:s14] =	ssyncset.done $0x0  }
0x714: {  	[sflag:s14] =	ssyncadd.s32 $0xFFFF8000  }
0x715: {  	_ =	swait.ge [sflag:s4], $0x8000  }
0x716: {  	s30 =	sld [smem:$0x7F6];
	_ =	sdelay $0x2  }
0x717: {  	s31 =	rddreg [dreg:$0x14];
	s1 =	sadd.s32 $0x1, s30  }
0x718: {  	p1 =	sne.s32 s1, s31  }
.Ltmp5:
0x719: {  	_ = 	snop;
	(pc) =	sbr.rel @p1 .LBB2_1-.Ltmp5, $4  }
.Ltmp6:
0x71a: {  	_ = 	snop;
	(pc) =	sbr.rel @!p1 .LBB2_11-.Ltmp6, $4  }
0x71b: {  	_ = 	snop  }
0x71c: {  	[sflag:s4] =	ssyncset.done $0x0  }
0x71d: {  	[sflag:s4] =	ssyncadd.s32 $0xFFFF8000  }
0x71e: {  	_ = 	snop  }
.LBB2_3:
.Ltmp7:
0x71f: {  	(pc) =	sbr.rel .LBB2_7-.Ltmp7, $2  }
0x720: {  	_ =	sdelay $0x2  }
0x721: {  	v10 =	vimm.s32 $0x0  }
.LBB2_5:
.Ltmp8:
0x722: {  	(pc) =	sbr.rel .LBB2_7-.Ltmp8, $2  }
0x723: {  	_ =	sdelay $0x2  }
0x724: {  	v10 =	vimm.s32 $0x0  }
.LBB2_11:
0x725: {  	_ =	sfence.sel $0x180000  }
0x726: {  	[bflag:$0x0] =	sbarrier.arrive $0xFFFF  }
0x727: {  	_ =	strace $0x90000047  }
0x728: {  	s0 =	stileid.u32;
	[bflag:$0x2] =	sbarrier.arrive $0xFFFF  }
0x729: {  	p0 =	sne.s32 s0, $0x0;
	s0 =	rddreg [dreg:$0x3]  }
0x72a: {  	s0 =	sadd.s32 @!p0 $0x100000, s0  }
0x72b: {  	[sflag:s0] =	ssyncadd.tile.s32 @!p0 $0x1;
	_ =	shalt  }
.Lfunc_end2:
_tile_overlayer_lowered:
.L_overlay_start_2:
0x72c: {  	(tag) =	ssettag $0x2  }
0x72d: {  	s0 =	rddreg [dreg:$0x0];
	s2 =	stileid.u32  }
0x72e: {  	s1 =	rddreg [dreg:$0x1];
	p0 =	sne.s32 s2, $0x0  }
0x72f: {  	s3 =	rddreg [dreg:$0x2];
	[bflag:$0x3] =	sbarrier.arrive $0xFFFF;
	s2 =	simm.s32 @!p0 $0x1C07  }
0x730: {  	[timem:s3], [sflag:s2] =	dma.local @!p0 [hbm:s0], s1  }
0x731: {  	s0 =	simm.s32 @!p0 $0x7  }
0x732: {  	_ =	swait.ge @!p0 [sflag:s0], s1  }
0x733: {  	s1 =	ssub.s32 @!p0 $0x0, s1;
	[sflag:s0] =	ssyncset.done @!p0 $0x0  }
0x734: {  	[sflag:s0] =	ssyncadd.s32 @!p0 s1  }
0x735: {  	[bflag:$0x3] =	sbarrier.arrive $0xFFFF  }
0x736: {  	_ =	shalt  }

</sc_bundles>
